<compile_context>
chip_gen: v7x
topology: tpu7x:2x2x1
jax: 0.10.2.dev20260603
libtpu: 0.0.44.dev20260713+nightly
codegen_flags: <defaults>
</compile_context>

<pallas_src>
import functools

import jax
import jax.numpy as jnp
from jax import lax
from jax.experimental import pallas as pl
from jax.experimental.pallas import tpu as pltpu
from jax.experimental.pallas import tpu_sc as plsc

_LANES = 16


def _sc_call(n_total, n_rows, n_bound, width, chunk):
  info = plsc.get_sparse_core_info()
  num_cores, num_subcores = info.num_cores, info.num_subcores
  nw = num_cores * num_subcores
  per_w = n_total // nw
  n_chunks = per_w // chunk
  n_vec = chunk // _LANES
  scale = float(n_bound - 1)
  nbins_pad = ((n_bound + _LANES) // _LANES) * _LANES

  mesh = plsc.VectorSubcoreMesh(
      core_axis_name="c", subcore_axis_name="s", num_cores=num_cores,
      num_subcores=num_subcores)

  @functools.partial(
      pl.kernel,
      out_type=jax.ShapeDtypeStruct((width + 1, n_total), jnp.float32),
      mesh=mesh,
      scratch_types=[
          pltpu.VMEM((nbins_pad,), jnp.float32),
          pltpu.VMEM((per_w,), jnp.float32),
          pltpu.VMEM((per_w,), jnp.float32),
          pltpu.VMEM((per_w,), jnp.int32),
          pltpu.VMEM((per_w,), jnp.int32),
          pltpu.VMEM((width + 1, chunk), jnp.float32),
          pltpu.VMEM((width + 1, chunk), jnp.float32),
          pltpu.VMEM(((n_rows + 1) * (width + 1) + 7,), jnp.float32),
          pltpu.SemaphoreType.DMA,
          pltpu.SemaphoreType.DMA,
          pltpu.SemaphoreType.DMA,
      ],
      compiler_params=pltpu.CompilerParams(
          needs_layout_passes=False, use_tc_tiling_on_sc=False),
  )
  def call(pitch_hbm, vflag_hbm, mask_hbm, bins_hbm, table_hbm, out_hbm,
           bins_v, pitch_v, vflag_v, mask_v, idx_v, cols0_v, cols1_v,
           table_v, sem_t, sem_in, sem_out):
    wid = lax.axis_index("s") * num_cores + lax.axis_index("c")
    span = wid * per_w
    h_table = pltpu.async_copy(table_hbm, table_v, sem_t)
    h_in = [
        pltpu.async_copy(pitch_hbm.at[pl.ds(span, per_w)], pitch_v, sem_in),
        pltpu.async_copy(vflag_hbm.at[pl.ds(span, per_w)], vflag_v, sem_in),
        pltpu.async_copy(mask_hbm.at[pl.ds(span, per_w)], mask_v, sem_in),
    ]
    pltpu.sync_copy(bins_hbm, bins_v.at[pl.ds(0, n_bound)])
    for h in h_in:
      h.wait()

    @plsc.parallel_loop(0, per_w // _LANES, unroll=2)
    def bucketize(i):
      sl = pl.ds(i * _LANES, _LANES)
      p = pitch_v[sl]
      guess = (p * scale).astype(jnp.int32)
      lo = jnp.clip(guess - 1, 0, n_bound - 3)
      b0 = plsc.load_gather(bins_v, [lo])
      b1 = plsc.load_gather(bins_v, [lo + 1])
      b2 = plsc.load_gather(bins_v, [lo + 2])
      cnt = ((b0 < p).astype(jnp.int32) + (b1 < p).astype(jnp.int32)
             + (b2 < p).astype(jnp.int32))
      m = mask_v[sl]
      idx_v[sl] = (jnp.where(m != 0, n_rows, lo + cnt)
                   * (width + 1))
      vflag_v[sl] = jnp.where(m != 0, 0.0, vflag_v[sl])
    h_table.wait()

    bufs = (cols0_v, cols1_v)
    handles = []
    for c in range(n_chunks):
      cols_v = bufs[c % 2]
      if c >= 2:
        handles[c - 2].wait()

      @plsc.parallel_loop(0, n_vec * 16, unroll=2)
      def gather_cols(t):
        i = t >> 4
        fo = (t & 15) * 8
        sl16 = pl.ds(i * _LANES, _LANES)
        ibase = idx_v[pl.ds(c * chunk + i * _LANES, _LANES)] + fo
        for k in range(8):
          cols_v[fo + k, sl16] = plsc.load_gather(table_v, [ibase + k])

      @plsc.parallel_loop(0, n_vec)
      def flag_row(i):
        sl16 = pl.ds(i * _LANES, _LANES)
        cols_v[width, sl16] = vflag_v[pl.ds(c * chunk + i * _LANES, _LANES)]
      handles.append(
          pltpu.async_copy(cols_v,
                           out_hbm.at[:, pl.ds(span + c * chunk, chunk)],
                           sem_out))
    for h in handles[-2:]:
      h.wait()

  return call


def kernel(pitch, v_flag, pitch_mask, pitch_bins, emb_table):
  b, t = pitch.shape
  n_rows, width = emb_table.shape
  n_bound = pitch_bins.shape[0]
  n_total = b * t
  call = _sc_call(n_total, n_rows, n_bound, width, chunk=256)
  table_p = jnp.pad(emb_table, ((0, 1), (0, 1))).reshape(-1)
  table_p = jnp.pad(table_p, (0, 7))

  gb, br, gt, tc = b // 8, 8, t // 128, 128

  def tiled_flat(x):
    return x.reshape(gb, br, gt, tc).transpose(0, 2, 1, 3).reshape(-1)

  out = call(
      tiled_flat(pitch),
      tiled_flat(v_flag),
      tiled_flat(pitch_mask.reshape(b, t).astype(jnp.int32)),
      pitch_bins,
      table_p,
  )
  out = out.reshape(width + 1, gb, gt, br, tc)
  return jnp.transpose(out, (1, 3, 2, 4, 0)).reshape(b, t, width + 1)

# --- scband reference (transcript-rebuilt; emitter-appended) ---
"""Pipeline reference for scband-pitch-encoder-49675591746225 (READ-ONLY COPY).

The authoritative reference and input builder live on the scoring server;
editing this copy changes nothing except your own understanding.
"""

import jax, jax.numpy as jnp
import numpy as np

EMB_SIZE = 128
N_BINS = 256
PITCH_MIN = 0.0
PITCH_MAX = 1.0
B = 16
T = 4096


def setup_inputs(seed: int = 0) -> dict:
    key = jax.random.key(seed)
    k1, k2, k3, k4 = jax.random.split(key, 4)
    pitch = jax.random.uniform(k1, (B, T), dtype=jnp.float32)
    v_flag = jax.random.uniform(k2, (B, T), dtype=jnp.float32)
    pitch_mask = jax.random.randint(k3, (B, T, 1), 0, 2).astype(bool)
    pitch_bins = jnp.linspace(PITCH_MIN, PITCH_MAX, N_BINS - 1).astype(jnp.float32)
    emb_table = jax.random.normal(k4, (N_BINS, EMB_SIZE), dtype=jnp.float32)
    return {
        "pitch": pitch,
        "v_flag": v_flag,
        "pitch_mask": pitch_mask,
        "pitch_bins": pitch_bins,
        "emb_table": emb_table,
    }


def reference(pitch, v_flag, pitch_mask, pitch_bins, emb_table):
    # torch.bucketize(x, boundaries, right=False) == searchsorted(boundaries, x, side='left')
    idx = jnp.searchsorted(pitch_bins, pitch, side='left')  # (B, T) int in [0, N_BINS-1]
    embedding = jnp.take(emb_table, idx, axis=0)  # (B, T, E)
    out = jnp.concatenate([embedding, v_flag[..., None]], axis=-1)  # (B, T, E+1)
    out = jnp.where(pitch_mask, 0.0, out)  # masked_fill(pitch_mask, 0.0)
    return out

if __name__ == "__main__":
    import jax
    _d = setup_inputs()
    print(jax.jit(kernel)(*tuple(_d.values())))

</pallas_src>

<mosaic_0001>
#map = affine_map<(d0, d1) -> (0)>
#map1 = affine_map<(d0, d1) -> (0, 0)>
module attributes {stable_mosaic.version = 14 : i64} {
  func.func @call(%arg0: i32, %arg1: i32, %arg2: memref<65536xf32, #tpu.memory_space<hbm>>, %arg3: memref<65536xf32, #tpu.memory_space<hbm>>, %arg4: memref<65536xi32, #tpu.memory_space<hbm>>, %arg5: memref<255xf32, #tpu.memory_space<hbm>>, %arg6: memref<33160xf32, #tpu.memory_space<hbm>>, %arg7: memref<129x65536xf32, #tpu.memory_space<hbm>>, %arg8: memref<256xf32, #tpu.memory_space<vmem>>, %arg9: memref<2048xf32, #tpu.memory_space<vmem>>, %arg10: memref<2048xf32, #tpu.memory_space<vmem>>, %arg11: memref<2048xi32, #tpu.memory_space<vmem>>, %arg12: memref<2048xi32, #tpu.memory_space<vmem>>, %arg13: memref<129x256xf32, #tpu.memory_space<vmem>>, %arg14: memref<129x256xf32, #tpu.memory_space<vmem>>, %arg15: memref<33160xf32, #tpu.memory_space<vmem>>, %arg16: memref<!tpu.dma_semaphore, #tpu.memory_space<semaphore_mem>>, %arg17: memref<!tpu.dma_semaphore, #tpu.memory_space<semaphore_mem>>, %arg18: memref<!tpu.dma_semaphore, #tpu.memory_space<semaphore_mem>>) attributes {dimension_semantics = [#tpu.dimension_semantics<core_parallel>, #tpu.dimension_semantics<subcore_parallel>], iteration_bounds = array<i64: 2, 16>, scalar_prefetch = 0 : i64, scratch_operands = 11 : i64, tpu.core_type = #tpu.core_type<sc_vector_subcore>, window_params = [{transform_indices = #map}, {transform_indices = #map}, {transform_indices = #map}, {transform_indices = #map}, {transform_indices = #map}, {transform_indices = #map1}]} {
    %mul3A = arith.constant 2 : i32
    %mul3A_0 = arith.muli %arg1, %mul3A : i32
    %add3A = arith.addi %mul3A_0, %arg0 : i32
    %mul3A_1 = arith.constant 2048 : i32
    %mul3A_2 = arith.muli %add3A, %mul3A_1 : i32
    tpu.enqueue_dma source(%arg6 : memref<33160xf32, #tpu.memory_space<hbm>>) target(%arg15 : memref<33160xf32, #tpu.memory_space<vmem>>) target_semaphore(%arg16 : memref<!tpu.dma_semaphore, #tpu.memory_space<semaphore_mem>>)
    %dma_start3A = tpu.memref_slice %arg2[%mul3A_2] : memref<65536xf32, #tpu.memory_space<hbm>> -> memref<2048xf32, #tpu.memory_space<hbm>>
    %dma_start3A_3 = tpu.memref_slice %arg2[%mul3A_2] : memref<65536xf32, #tpu.memory_space<hbm>> -> memref<2048xf32, #tpu.memory_space<hbm>>
    tpu.enqueue_dma source(%dma_start3A_3 : memref<2048xf32, #tpu.memory_space<hbm>>) target(%arg9 : memref<2048xf32, #tpu.memory_space<vmem>>) target_semaphore(%arg17 : memref<!tpu.dma_semaphore, #tpu.memory_space<semaphore_mem>>)
    %dma_start3A_4 = tpu.memref_slice %arg3[%mul3A_2] : memref<65536xf32, #tpu.memory_space<hbm>> -> memref<2048xf32, #tpu.memory_space<hbm>>
    %dma_start3A_5 = tpu.memref_slice %arg3[%mul3A_2] : memref<65536xf32, #tpu.memory_space<hbm>> -> memref<2048xf32, #tpu.memory_space<hbm>>
    tpu.enqueue_dma source(%dma_start3A_5 : memref<2048xf32, #tpu.memory_space<hbm>>) target(%arg10 : memref<2048xf32, #tpu.memory_space<vmem>>) target_semaphore(%arg17 : memref<!tpu.dma_semaphore, #tpu.memory_space<semaphore_mem>>)
    %dma_start3A_6 = tpu.memref_slice %arg4[%mul3A_2] : memref<65536xi32, #tpu.memory_space<hbm>> -> memref<2048xi32, #tpu.memory_space<hbm>>
    %dma_start3A_7 = tpu.memref_slice %arg4[%mul3A_2] : memref<65536xi32, #tpu.memory_space<hbm>> -> memref<2048xi32, #tpu.memory_space<hbm>>
    tpu.enqueue_dma source(%dma_start3A_7 : memref<2048xi32, #tpu.memory_space<hbm>>) target(%arg11 : memref<2048xi32, #tpu.memory_space<vmem>>) target_semaphore(%arg17 : memref<!tpu.dma_semaphore, #tpu.memory_space<semaphore_mem>>)
    "tpu.region"() ({
      %run_scoped3A = tpu.sem_alloc : memref<!tpu.dma_semaphore, #tpu.memory_space<semaphore_mem>>
      %dma_start3A_143 = arith.constant 0 : i32
      %dma_start3A_144 = tpu.memref_slice %arg8[%dma_start3A_143] : memref<256xf32, #tpu.memory_space<vmem>> -> memref<255xf32, #tpu.memory_space<vmem>>
      %dma_start3A_145 = arith.constant 0 : i32
      %dma_start3A_146 = tpu.memref_slice %arg8[%dma_start3A_145] : memref<256xf32, #tpu.memory_space<vmem>> -> memref<255xf32, #tpu.memory_space<vmem>>
      tpu.enqueue_dma source(%arg5 : memref<255xf32, #tpu.memory_space<hbm>>) target(%dma_start3A_146 : memref<255xf32, #tpu.memory_space<vmem>>) target_semaphore(%run_scoped3A : memref<!tpu.dma_semaphore, #tpu.memory_space<semaphore_mem>>)
      %dma_wait3A_147 = arith.constant 0 : i32
      %dma_wait3A_148 = tpu.memref_slice %arg8[%dma_wait3A_147] : memref<256xf32, #tpu.memory_space<vmem>> -> memref<255xf32, #tpu.memory_space<vmem>>
      %dma_wait3A_149 = arith.constant 0 : i32
      %dma_wait3A_150 = tpu.memref_slice %arg8[%dma_wait3A_149] : memref<256xf32, #tpu.memory_space<vmem>> -> memref<255xf32, #tpu.memory_space<vmem>>
      tpu.wait_dma2 semaphore(%run_scoped3A : memref<!tpu.dma_semaphore, #tpu.memory_space<semaphore_mem>>) src(%arg5 : memref<255xf32, #tpu.memory_space<hbm>>) dst(%dma_wait3A_150 : memref<255xf32, #tpu.memory_space<vmem>>)
      tpu.yield
    }) : () -> ()
    %dma_wait3A = tpu.memref_slice %arg2[%mul3A_2] : memref<65536xf32, #tpu.memory_space<hbm>> -> memref<2048xf32, #tpu.memory_space<hbm>>
    %dma_wait3A_8 = tpu.memref_slice %arg2[%mul3A_2] : memref<65536xf32, #tpu.memory_space<hbm>> -> memref<2048xf32, #tpu.memory_space<hbm>>
    tpu.wait_dma2 semaphore(%arg17 : memref<!tpu.dma_semaphore, #tpu.memory_space<semaphore_mem>>) src(%dma_wait3A_8 : memref<2048xf32, #tpu.memory_space<hbm>>) dst(%arg9 : memref<2048xf32, #tpu.memory_space<vmem>>)
    %dma_wait3A_9 = tpu.memref_slice %arg3[%mul3A_2] : memref<65536xf32, #tpu.memory_space<hbm>> -> memref<2048xf32, #tpu.memory_space<hbm>>
    %dma_wait3A_10 = tpu.memref_slice %arg3[%mul3A_2] : memref<65536xf32, #tpu.memory_space<hbm>> -> memref<2048xf32, #tpu.memory_space<hbm>>
    tpu.wait_dma2 semaphore(%arg17 : memref<!tpu.dma_semaphore, #tpu.memory_space<semaphore_mem>>) src(%dma_wait3A_10 : memref<2048xf32, #tpu.memory_space<hbm>>) dst(%arg10 : memref<2048xf32, #tpu.memory_space<vmem>>)
    %dma_wait3A_11 = tpu.memref_slice %arg4[%mul3A_2] : memref<65536xi32, #tpu.memory_space<hbm>> -> memref<2048xi32, #tpu.memory_space<hbm>>
    %dma_wait3A_12 = tpu.memref_slice %arg4[%mul3A_2] : memref<65536xi32, #tpu.memory_space<hbm>> -> memref<2048xi32, #tpu.memory_space<hbm>>
    tpu.wait_dma2 semaphore(%arg17 : memref<!tpu.dma_semaphore, #tpu.memory_space<semaphore_mem>>) src(%dma_wait3A_12 : memref<2048xi32, #tpu.memory_space<hbm>>) dst(%arg11 : memref<2048xi32, #tpu.memory_space<vmem>>)
    %parallel_loop3A = arith.constant 0 : i32
    %parallel_loop3A_13 = arith.constant 128 : i32
    %parallel_loop3A_14 = arith.constant 1 : i32
    scf.for %parallel_loop3A_143 = %parallel_loop3A to %parallel_loop3A_13 step %parallel_loop3A_14  : i32 {
      %parallel_loop3A_144 = arith.constant 16 : i32
      %parallel_loop3A_145 = arith.muli %parallel_loop3A_143, %parallel_loop3A_144 : i32
      %parallel_loop3A_146 = arith.index_cast %parallel_loop3A_145 : i32 to index
      %parallel_loop3A_147 = tpu.vector_load %arg9[%parallel_loop3A_146] {strides = array<i32>} : memref<2048xf32, #tpu.memory_space<vmem>>, vector<16xf32>,
      %parallel_loop3A_148 = arith.constant 2.540000e+02 : f32
      %parallel_loop3A_149 = vector.broadcast %parallel_loop3A_148 : f32 to vector<16xf32>
      %parallel_loop3A_150 = arith.mulf %parallel_loop3A_147, %parallel_loop3A_149 : vector<16xf32>
      %parallel_loop3A_151 = arith.fptosi %parallel_loop3A_150 : vector<16xf32> to vector<16xi32>
      %parallel_loop3A_152 = arith.constant 1 : i32
      %parallel_loop3A_153 = vector.broadcast %parallel_loop3A_152 : i32 to vector<16xi32>
      %parallel_loop3A_154 = arith.subi %parallel_loop3A_151, %parallel_loop3A_153 : vector<16xi32>
      %parallel_loop3A_155 = arith.constant 0 : i32
      %parallel_loop3A_156 = arith.constant 252 : i32
      %parallel_loop3A_157 = vector.broadcast %parallel_loop3A_155 : i32 to vector<16xi32>
      %parallel_loop3A_158 = arith.maxsi %parallel_loop3A_157, %parallel_loop3A_154 : vector<16xi32>
      %parallel_loop3A_159 = vector.broadcast %parallel_loop3A_156 : i32 to vector<16xi32>
      %parallel_loop3A_160 = arith.minsi %parallel_loop3A_159, %parallel_loop3A_158 : vector<16xi32>
      %parallel_loop3A_161 = tpu.vector_load_idx %arg8[%parallel_loop3A_160] : memref<256xf32, #tpu.memory_space<vmem>>[vector<16xi32>], vector<16xf32>,
      %parallel_loop3A_162 = arith.constant 1 : i32
      %parallel_loop3A_163 = vector.broadcast %parallel_loop3A_162 : i32 to vector<16xi32>
      %parallel_loop3A_164 = arith.addi %parallel_loop3A_160, %parallel_loop3A_163 : vector<16xi32>
      %parallel_loop3A_165 = tpu.vector_load_idx %arg8[%parallel_loop3A_164] : memref<256xf32, #tpu.memory_space<vmem>>[vector<16xi32>], vector<16xf32>,
      %parallel_loop3A_166 = arith.constant 2 : i32
      %parallel_loop3A_167 = vector.broadcast %parallel_loop3A_166 : i32 to vector<16xi32>
      %parallel_loop3A_168 = arith.addi %parallel_loop3A_160, %parallel_loop3A_167 : vector<16xi32>
      %parallel_loop3A_169 = tpu.vector_load_idx %arg8[%parallel_loop3A_168] : memref<256xf32, #tpu.memory_space<vmem>>[vector<16xi32>], vector<16xf32>,
      %parallel_loop3A_170 = arith.cmpf olt, %parallel_loop3A_161, %parallel_loop3A_147 : vector<16xf32>
      %parallel_loop3A_171 = arith.extui %parallel_loop3A_170 : vector<16xi1> to vector<16xi32>
      %parallel_loop3A_172 = arith.cmpf olt, %parallel_loop3A_165, %parallel_loop3A_147 : vector<16xf32>
      %parallel_loop3A_173 = arith.extui %parallel_loop3A_172 : vector<16xi1> to vector<16xi32>
      %parallel_loop3A_174 = arith.addi %parallel_loop3A_171, %parallel_loop3A_173 : vector<16xi32>
      %parallel_loop3A_175 = arith.cmpf olt, %parallel_loop3A_169, %parallel_loop3A_147 : vector<16xf32>
      %parallel_loop3A_176 = arith.extui %parallel_loop3A_175 : vector<16xi1> to vector<16xi32>
      %parallel_loop3A_177 = arith.addi %parallel_loop3A_174, %parallel_loop3A_176 : vector<16xi32>
      %parallel_loop3A_178 = arith.index_cast %parallel_loop3A_145 : i32 to index
      %parallel_loop3A_179 = tpu.vector_load %arg11[%parallel_loop3A_178] {strides = array<i32>} : memref<2048xi32, #tpu.memory_space<vmem>>, vector<16xi32>,
      %parallel_loop3A_180 = arith.constant 0 : i32
      %parallel_loop3A_181 = vector.broadcast %parallel_loop3A_180 : i32 to vector<16xi32>
      %parallel_loop3A_182 = arith.cmpi ne, %parallel_loop3A_179, %parallel_loop3A_181 : vector<16xi32>
      %parallel_loop3A_183 = arith.addi %parallel_loop3A_160, %parallel_loop3A_177 : vector<16xi32>
      %parallel_loop3A_184 = arith.constant 256 : i32
      %parallel_loop3A_185 = vector.broadcast %parallel_loop3A_184 : i32 to vector<16xi32>
      %parallel_loop3A_186 = arith.select %parallel_loop3A_182, %parallel_loop3A_185, %parallel_loop3A_183 : vector<16xi1>, vector<16xi32>
      %parallel_loop3A_187 = arith.constant 129 : i32
      %parallel_loop3A_188 = vector.broadcast %parallel_loop3A_187 : i32 to vector<16xi32>
      %parallel_loop3A_189 = arith.muli %parallel_loop3A_186, %parallel_loop3A_188 : vector<16xi32>
      %parallel_loop3A_190 = arith.index_cast %parallel_loop3A_145 : i32 to index
      %parallel_loop3A_191 = tpu.vector_load %arg12[%parallel_loop3A_190] {strides = array<i32>} : memref<2048xi32, #tpu.memory_space<vmem>>, vector<16xi32>,
      tpu.vector_store %arg12[%parallel_loop3A_190], %parallel_loop3A_189 {strides = array<i32>} : memref<2048xi32, #tpu.memory_space<vmem>>, vector<16xi32>,
      %parallel_loop3A_192 = arith.constant 0 : i32
      %parallel_loop3A_193 = vector.broadcast %parallel_loop3A_192 : i32 to vector<16xi32>
      %parallel_loop3A_194 = arith.cmpi ne, %parallel_loop3A_179, %parallel_loop3A_193 : vector<16xi32>
      %parallel_loop3A_195 = arith.index_cast %parallel_loop3A_145 : i32 to index
      %parallel_loop3A_196 = tpu.vector_load %arg10[%parallel_loop3A_195] {strides = array<i32>} : memref<2048xf32, #tpu.memory_space<vmem>>, vector<16xf32>,
      %parallel_loop3A_197 = arith.constant 0.000000e+00 : f32
      %parallel_loop3A_198 = vector.broadcast %parallel_loop3A_197 : f32 to vector<16xf32>
      %parallel_loop3A_199 = arith.select %parallel_loop3A_194, %parallel_loop3A_198, %parallel_loop3A_196 : vector<16xi1>, vector<16xf32>
      %parallel_loop3A_200 = arith.index_cast %parallel_loop3A_145 : i32 to index
      %parallel_loop3A_201 = tpu.vector_load %arg10[%parallel_loop3A_200] {strides = array<i32>} : memref<2048xf32, #tpu.memory_space<vmem>>, vector<16xf32>,
      tpu.vector_store %arg10[%parallel_loop3A_200], %parallel_loop3A_199 {strides = array<i32>} : memref<2048xf32, #tpu.memory_space<vmem>>, vector<16xf32>,
    } {sc.loop_unroll_factor = 2 : i64, sc.parallel_access}
    tpu.wait_dma2 semaphore(%arg16 : memref<!tpu.dma_semaphore, #tpu.memory_space<semaphore_mem>>) src(%arg6 : memref<33160xf32, #tpu.memory_space<hbm>>) dst(%arg15 : memref<33160xf32, #tpu.memory_space<vmem>>)
    %parallel_loop3A_15 = arith.constant 0 : i32
    %parallel_loop3A_16 = arith.constant 256 : i32
    %parallel_loop3A_17 = arith.constant 1 : i32
    scf.for %parallel_loop3A_143 = %parallel_loop3A_15 to %parallel_loop3A_16 step %parallel_loop3A_17  : i32 {
      %parallel_loop3A_144 = arith.constant 4 : i32
      %parallel_loop3A_145 = arith.shrsi %parallel_loop3A_143, %parallel_loop3A_144 : i32
      %parallel_loop3A_146 = arith.constant 15 : i32
      %parallel_loop3A_147 = arith.andi %parallel_loop3A_143, %parallel_loop3A_146 : i32
      %parallel_loop3A_148 = arith.constant 8 : i32
      %parallel_loop3A_149 = arith.muli %parallel_loop3A_147, %parallel_loop3A_148 : i32
      %parallel_loop3A_150 = arith.constant 16 : i32
      %parallel_loop3A_151 = arith.muli %parallel_loop3A_145, %parallel_loop3A_150 : i32
      %parallel_loop3A_152 = arith.constant 16 : i32
      %parallel_loop3A_153 = arith.muli %parallel_loop3A_145, %parallel_loop3A_152 : i32
      %parallel_loop3A_154 = arith.constant 0 : i32
      %parallel_loop3A_155 = arith.addi %parallel_loop3A_154, %parallel_loop3A_153 : i32
      %parallel_loop3A_156 = arith.index_cast %parallel_loop3A_155 : i32 to index
      %parallel_loop3A_157 = tpu.vector_load %arg12[%parallel_loop3A_156] {strides = array<i32>} : memref<2048xi32, #tpu.memory_space<vmem>>, vector<16xi32>,
      %parallel_loop3A_158 = vector.broadcast %parallel_loop3A_149 : i32 to vector<16xi32>
      %parallel_loop3A_159 = arith.addi %parallel_loop3A_157, %parallel_loop3A_158 : vector<16xi32>
      %parallel_loop3A_160 = arith.constant 0 : i32
      %parallel_loop3A_161 = vector.broadcast %parallel_loop3A_160 : i32 to vector<16xi32>
      %parallel_loop3A_162 = arith.addi %parallel_loop3A_159, %parallel_loop3A_161 : vector<16xi32>
      %parallel_loop3A_163 = tpu.vector_load_idx %arg15[%parallel_loop3A_162] : memref<33160xf32, #tpu.memory_space<vmem>>[vector<16xi32>], vector<16xf32>,
      %parallel_loop3A_164 = arith.constant 0 : i32
      %parallel_loop3A_165 = arith.addi %parallel_loop3A_149, %parallel_loop3A_164 : i32
      %parallel_loop3A_166 = arith.index_cast %parallel_loop3A_165 : i32 to index
      %parallel_loop3A_167 = arith.index_cast %parallel_loop3A_151 : i32 to index
      %parallel_loop3A_168 = tpu.vector_load %arg13[%parallel_loop3A_166, %parallel_loop3A_167] {strides = array<i32>} : memref<129x256xf32, #tpu.memory_space<vmem>>, vector<16xf32>,
      tpu.vector_store %arg13[%parallel_loop3A_166, %parallel_loop3A_167], %parallel_loop3A_163 {strides = array<i32>} : memref<129x256xf32, #tpu.memory_space<vmem>>, vector<16xf32>,
      %parallel_loop3A_169 = arith.constant 1 : i32
      %parallel_loop3A_170 = vector.broadcast %parallel_loop3A_169 : i32 to vector<16xi32>
      %parallel_loop3A_171 = arith.addi %parallel_loop3A_159, %parallel_loop3A_170 : vector<16xi32>
      %parallel_loop3A_172 = tpu.vector_load_idx %arg15[%parallel_loop3A_171] : memref<33160xf32, #tpu.memory_space<vmem>>[vector<16xi32>], vector<16xf32>,
      %parallel_loop3A_173 = arith.constant 1 : i32
      %parallel_loop3A_174 = arith.addi %parallel_loop3A_149, %parallel_loop3A_173 : i32
      %parallel_loop3A_175 = arith.index_cast %parallel_loop3A_174 : i32 to index
      %parallel_loop3A_176 = arith.index_cast %parallel_loop3A_151 : i32 to index
      %parallel_loop3A_177 = tpu.vector_load %arg13[%parallel_loop3A_175, %parallel_loop3A_176] {strides = array<i32>} : memref<129x256xf32, #tpu.memory_space<vmem>>, vector<16xf32>,
      tpu.vector_store %arg13[%parallel_loop3A_175, %parallel_loop3A_176], %parallel_loop3A_172 {strides = array<i32>} : memref<129x256xf32, #tpu.memory_space<vmem>>, vector<16xf32>,
      %parallel_loop3A_178 = arith.constant 2 : i32
      %parallel_loop3A_179 = vector.broadcast %parallel_loop3A_178 : i32 to vector<16xi32>
      %parallel_loop3A_180 = arith.addi %parallel_loop3A_159, %parallel_loop3A_179 : vector<16xi32>
      %parallel_loop3A_181 = tpu.vector_load_idx %arg15[%parallel_loop3A_180] : memref<33160xf32, #tpu.memory_space<vmem>>[vector<16xi32>], vector<16xf32>,
      %parallel_loop3A_182 = arith.constant 2 : i32
      %parallel_loop3A_183 = arith.addi %parallel_loop3A_149, %parallel_loop3A_182 : i32
      %parallel_loop3A_184 = arith.index_cast %parallel_loop3A_183 : i32 to index
      %parallel_loop3A_185 = arith.index_cast %parallel_loop3A_151 : i32 to index
      %parallel_loop3A_186 = tpu.vector_load %arg13[%parallel_loop3A_184, %parallel_loop3A_185] {strides = array<i32>} : memref<129x256xf32, #tpu.memory_space<vmem>>, vector<16xf32>,
      tpu.vector_store %arg13[%parallel_loop3A_184, %parallel_loop3A_185], %parallel_loop3A_181 {strides = array<i32>} : memref<129x256xf32, #tpu.memory_space<vmem>>, vector<16xf32>,
      %parallel_loop3A_187 = arith.constant 3 : i32
      %parallel_loop3A_188 = vector.broadcast %parallel_loop3A_187 : i32 to vector<16xi32>
      %parallel_loop3A_189 = arith.addi %parallel_loop3A_159, %parallel_loop3A_188 : vector<16xi32>
      %parallel_loop3A_190 = tpu.vector_load_idx %arg15[%parallel_loop3A_189] : memref<33160xf32, #tpu.memory_space<vmem>>[vector<16xi32>], vector<16xf32>,
      %parallel_loop3A_191 = arith.constant 3 : i32
      %parallel_loop3A_192 = arith.addi %parallel_loop3A_149, %parallel_loop3A_191 : i32
      %parallel_loop3A_193 = arith.index_cast %parallel_loop3A_192 : i32 to index
      %parallel_loop3A_194 = arith.index_cast %parallel_loop3A_151 : i32 to index
      %parallel_loop3A_195 = tpu.vector_load %arg13[%parallel_loop3A_193, %parallel_loop3A_194] {strides = array<i32>} : memref<129x256xf32, #tpu.memory_space<vmem>>, vector<16xf32>,
      tpu.vector_store %arg13[%parallel_loop3A_193, %parallel_loop3A_194], %parallel_loop3A_190 {strides = array<i32>} : memref<129x256xf32, #tpu.memory_space<vmem>>, vector<16xf32>,
      %parallel_loop3A_196 = arith.constant 4 : i32
      %parallel_loop3A_197 = vector.broadcast %parallel_loop3A_196 : i32 to vector<16xi32>
      %parallel_loop3A_198 = arith.addi %parallel_loop3A_159, %parallel_loop3A_197 : vector<16xi32>
      %parallel_loop3A_199 = tpu.vector_load_idx %arg15[%parallel_loop3A_198] : memref<33160xf32, #tpu.memory_space<vmem>>[vector<16xi32>], vector<16xf32>,
      %parallel_loop3A_200 = arith.constant 4 : i32
      %parallel_loop3A_201 = arith.addi %parallel_loop3A_149, %parallel_loop3A_200 : i32
      %parallel_loop3A_202 = arith.index_cast %parallel_loop3A_201 : i32 to index
      %parallel_loop3A_203 = arith.index_cast %parallel_loop3A_151 : i32 to index
      %parallel_loop3A_204 = tpu.vector_load %arg13[%parallel_loop3A_202, %parallel_loop3A_203] {strides = array<i32>} : memref<129x256xf32, #tpu.memory_space<vmem>>, vector<16xf32>,
      tpu.vector_store %arg13[%parallel_loop3A_202, %parallel_loop3A_203], %parallel_loop3A_199 {strides = array<i32>} : memref<129x256xf32, #tpu.memory_space<vmem>>, vector<16xf32>,
      %parallel_loop3A_205 = arith.constant 5 : i32
      %parallel_loop3A_206 = vector.broadcast %parallel_loop3A_205 : i32 to vector<16xi32>
      %parallel_loop3A_207 = arith.addi %parallel_loop3A_159, %parallel_loop3A_206 : vector<16xi32>
      %parallel_loop3A_208 = tpu.vector_load_idx %arg15[%parallel_loop3A_207] : memref<33160xf32, #tpu.memory_space<vmem>>[vector<16xi32>], vector<16xf32>,
      %parallel_loop3A_209 = arith.constant 5 : i32
      %parallel_loop3A_210 = arith.addi %parallel_loop3A_149, %parallel_loop3A_209 : i32
      %parallel_loop3A_211 = arith.index_cast %parallel_loop3A_210 : i32 to index
      %parallel_loop3A_212 = arith.index_cast %parallel_loop3A_151 : i32 to index
      %parallel_loop3A_213 = tpu.vector_load %arg13[%parallel_loop3A_211, %parallel_loop3A_212] {strides = array<i32>} : memref<129x256xf32, #tpu.memory_space<vmem>>, vector<16xf32>,
      tpu.vector_store %arg13[%parallel_loop3A_211, %parallel_loop3A_212], %parallel_loop3A_208 {strides = array<i32>} : memref<129x256xf32, #tpu.memory_space<vmem>>, vector<16xf32>,
      %parallel_loop3A_214 = arith.constant 6 : i32
      %parallel_loop3A_215 = vector.broadcast %parallel_loop3A_214 : i32 to vector<16xi32>
      %parallel_loop3A_216 = arith.addi %parallel_loop3A_159, %parallel_loop3A_215 : vector<16xi32>
      %parallel_loop3A_217 = tpu.vector_load_idx %arg15[%parallel_loop3A_216] : memref<33160xf32, #tpu.memory_space<vmem>>[vector<16xi32>], vector<16xf32>,
      %parallel_loop3A_218 = arith.constant 6 : i32
      %parallel_loop3A_219 = arith.addi %parallel_loop3A_149, %parallel_loop3A_218 : i32
      %parallel_loop3A_220 = arith.index_cast %parallel_loop3A_219 : i32 to index
      %parallel_loop3A_221 = arith.index_cast %parallel_loop3A_151 : i32 to index
      %parallel_loop3A_222 = tpu.vector_load %arg13[%parallel_loop3A_220, %parallel_loop3A_221] {strides = array<i32>} : memref<129x256xf32, #tpu.memory_space<vmem>>, vector<16xf32>,
      tpu.vector_store %arg13[%parallel_loop3A_220, %parallel_loop3A_221], %parallel_loop3A_217 {strides = array<i32>} : memref<129x256xf32, #tpu.memory_space<vmem>>, vector<16xf32>,
      %parallel_loop3A_223 = arith.constant 7 : i32
      %parallel_loop3A_224 = vector.broadcast %parallel_loop3A_223 : i32 to vector<16xi32>
      %parallel_loop3A_225 = arith.addi %parallel_loop3A_159, %parallel_loop3A_224 : vector<16xi32>
      %parallel_loop3A_226 = tpu.vector_load_idx %arg15[%parallel_loop3A_225] : memref<33160xf32, #tpu.memory_space<vmem>>[vector<16xi32>], vector<16xf32>,
      %parallel_loop3A_227 = arith.constant 7 : i32
      %parallel_loop3A_228 = arith.addi %parallel_loop3A_149, %parallel_loop3A_227 : i32
      %parallel_loop3A_229 = arith.index_cast %parallel_loop3A_228 : i32 to index
      %parallel_loop3A_230 = arith.index_cast %parallel_loop3A_151 : i32 to index
      %parallel_loop3A_231 = tpu.vector_load %arg13[%parallel_loop3A_229, %parallel_loop3A_230] {strides = array<i32>} : memref<129x256xf32, #tpu.memory_space<vmem>>, vector<16xf32>,
      tpu.vector_store %arg13[%parallel_loop3A_229, %parallel_loop3A_230], %parallel_loop3A_226 {strides = array<i32>} : memref<129x256xf32, #tpu.memory_space<vmem>>, vector<16xf32>,
    } {sc.loop_unroll_factor = 2 : i64, sc.parallel_access}
    %parallel_loop3A_18 = arith.constant 0 : i32
    %parallel_loop3A_19 = arith.constant 16 : i32
    %parallel_loop3A_20 = arith.constant 1 : i32
    scf.for %parallel_loop3A_143 = %parallel_loop3A_18 to %parallel_loop3A_19 step %parallel_loop3A_20  : i32 {
      %parallel_loop3A_144 = arith.constant 16 : i32
      %parallel_loop3A_145 = arith.muli %parallel_loop3A_143, %parallel_loop3A_144 : i32
      %parallel_loop3A_146 = arith.constant 16 : i32
      %parallel_loop3A_147 = arith.muli %parallel_loop3A_143, %parallel_loop3A_146 : i32
      %parallel_loop3A_148 = arith.constant 0 : i32
      %parallel_loop3A_149 = arith.addi %parallel_loop3A_148, %parallel_loop3A_147 : i32
      %parallel_loop3A_150 = arith.index_cast %parallel_loop3A_149 : i32 to index
      %parallel_loop3A_151 = tpu.vector_load %arg10[%parallel_loop3A_150] {strides = array<i32>} : memref<2048xf32, #tpu.memory_space<vmem>>, vector<16xf32>,
      %parallel_loop3A_152 = arith.constant 128 : i32
      %parallel_loop3A_153 = arith.index_cast %parallel_loop3A_152 : i32 to index
      %parallel_loop3A_154 = arith.index_cast %parallel_loop3A_145 : i32 to index
      %parallel_loop3A_155 = tpu.vector_load %arg13[%parallel_loop3A_153, %parallel_loop3A_154] {strides = array<i32>} : memref<129x256xf32, #tpu.memory_space<vmem>>, vector<16xf32>,
      tpu.vector_store %arg13[%parallel_loop3A_153, %parallel_loop3A_154], %parallel_loop3A_151 {strides = array<i32>} : memref<129x256xf32, #tpu.memory_space<vmem>>, vector<16xf32>,
    } {sc.loop_unroll_factor = 1 : i64, sc.parallel_access}
    %add3A_21 = arith.constant 0 : i32
    %add3A_22 = arith.addi %mul3A_2, %add3A_21 : i32
    %dma_start3A_23 = arith.constant 0 : i32
    %dma_start3A_24 = tpu.memref_slice %arg7[%dma_start3A_23, %add3A_22] : memref<129x65536xf32, #tpu.memory_space<hbm>> -> memref<129x256xf32, #tpu.memory_space<hbm>>
    %dma_start3A_25 = arith.constant 0 : i32
    %dma_start3A_26 = tpu.memref_slice %arg7[%dma_start3A_25, %add3A_22] : memref<129x65536xf32, #tpu.memory_space<hbm>> -> memref<129x256xf32, #tpu.memory_space<hbm>>
    tpu.enqueue_dma source(%arg13 : memref<129x256xf32, #tpu.memory_space<vmem>>) target(%dma_start3A_26 : memref<129x256xf32, #tpu.memory_space<hbm>>) target_semaphore(%arg18 : memref<!tpu.dma_semaphore, #tpu.memory_space<semaphore_mem>>)
    %parallel_loop3A_27 = arith.constant 0 : i32
    %parallel_loop3A_28 = arith.constant 256 : i32
    %parallel_loop3A_29 = arith.constant 1 : i32
    scf.for %parallel_loop3A_143 = %parallel_loop3A_27 to %parallel_loop3A_28 step %parallel_loop3A_29  : i32 {
      %parallel_loop3A_144 = arith.constant 4 : i32
      %parallel_loop3A_145 = arith.shrsi %parallel_loop3A_143, %parallel_loop3A_144 : i32
      %parallel_loop3A_146 = arith.constant 15 : i32
      %parallel_loop3A_147 = arith.andi %parallel_loop3A_143, %parallel_loop3A_146 : i32
      %parallel_loop3A_148 = arith.constant 8 : i32
      %parallel_loop3A_149 = arith.muli %parallel_loop3A_147, %parallel_loop3A_148 : i32
      %parallel_loop3A_150 = arith.constant 16 : i32
      %parallel_loop3A_151 = arith.muli %parallel_loop3A_145, %parallel_loop3A_150 : i32
      %parallel_loop3A_152 = arith.constant 16 : i32
      %parallel_loop3A_153 = arith.muli %parallel_loop3A_145, %parallel_loop3A_152 : i32
      %parallel_loop3A_154 = arith.constant 256 : i32
      %parallel_loop3A_155 = arith.addi %parallel_loop3A_154, %parallel_loop3A_153 : i32
      %parallel_loop3A_156 = arith.index_cast %parallel_loop3A_155 : i32 to index
      %parallel_loop3A_157 = tpu.vector_load %arg12[%parallel_loop3A_156] {strides = array<i32>} : memref<2048xi32, #tpu.memory_space<vmem>>, vector<16xi32>,
      %parallel_loop3A_158 = vector.broadcast %parallel_loop3A_149 : i32 to vector<16xi32>
      %parallel_loop3A_159 = arith.addi %parallel_loop3A_157, %parallel_loop3A_158 : vector<16xi32>
      %parallel_loop3A_160 = arith.constant 0 : i32
      %parallel_loop3A_161 = vector.broadcast %parallel_loop3A_160 : i32 to vector<16xi32>
      %parallel_loop3A_162 = arith.addi %parallel_loop3A_159, %parallel_loop3A_161 : vector<16xi32>
      %parallel_loop3A_163 = tpu.vector_load_idx %arg15[%parallel_loop3A_162] : memref<33160xf32, #tpu.memory_space<vmem>>[vector<16xi32>], vector<16xf32>,
      %parallel_loop3A_164 = arith.constant 0 : i32
      %parallel_loop3A_165 = arith.addi %parallel_loop3A_149, %parallel_loop3A_164 : i32
      %parallel_loop3A_166 = arith.index_cast %parallel_loop3A_165 : i32 to index
      %parallel_loop3A_167 = arith.index_cast %parallel_loop3A_151 : i32 to index
      %parallel_loop3A_168 = tpu.vector_load %arg14[%parallel_loop3A_166, %parallel_loop3A_167] {strides = array<i32>} : memref<129x256xf32, #tpu.memory_space<vmem>>, vector<16xf32>,
      tpu.vector_store %arg14[%parallel_loop3A_166, %parallel_loop3A_167], %parallel_loop3A_163 {strides = array<i32>} : memref<129x256xf32, #tpu.memory_space<vmem>>, vector<16xf32>,
      %parallel_loop3A_169 = arith.constant 1 : i32
      %parallel_loop3A_170 = vector.broadcast %parallel_loop3A_169 : i32 to vector<16xi32>
      %parallel_loop3A_171 = arith.addi %parallel_loop3A_159, %parallel_loop3A_170 : vector<16xi32>
      %parallel_loop3A_172 = tpu.vector_load_idx %arg15[%parallel_loop3A_171] : memref<33160xf32, #tpu.memory_space<vmem>>[vector<16xi32>], vector<16xf32>,
      %parallel_loop3A_173 = arith.constant 1 : i32
      %parallel_loop3A_174 = arith.addi %parallel_loop3A_149, %parallel_loop3A_173 : i32
      %parallel_loop3A_175 = arith.index_cast %parallel_loop3A_174 : i32 to index
      %parallel_loop3A_176 = arith.index_cast %parallel_loop3A_151 : i32 to index
      %parallel_loop3A_177 = tpu.vector_load %arg14[%parallel_loop3A_175, %parallel_loop3A_176] {strides = array<i32>} : memref<129x256xf32, #tpu.memory_space<vmem>>, vector<16xf32>,
      tpu.vector_store %arg14[%parallel_loop3A_175, %parallel_loop3A_176], %parallel_loop3A_172 {strides = array<i32>} : memref<129x256xf32, #tpu.memory_space<vmem>>, vector<16xf32>,
      %parallel_loop3A_178 = arith.constant 2 : i32
      %parallel_loop3A_179 = vector.broadcast %parallel_loop3A_178 : i32 to vector<16xi32>
      %parallel_loop3A_180 = arith.addi %parallel_loop3A_159, %parallel_loop3A_179 : vector<16xi32>
      %parallel_loop3A_181 = tpu.vector_load_idx %arg15[%parallel_loop3A_180] : memref<33160xf32, #tpu.memory_space<vmem>>[vector<16xi32>], vector<16xf32>,
      %parallel_loop3A_182 = arith.constant 2 : i32
      %parallel_loop3A_183 = arith.addi %parallel_loop3A_149, %parallel_loop3A_182 : i32
      %parallel_loop3A_184 = arith.index_cast %parallel_loop3A_183 : i32 to index
      %parallel_loop3A_185 = arith.index_cast %parallel_loop3A_151 : i32 to index
      %parallel_loop3A_186 = tpu.vector_load %arg14[%parallel_loop3A_184, %parallel_loop3A_185] {strides = array<i32>} : memref<129x256xf32, #tpu.memory_space<vmem>>, vector<16xf32>,
      tpu.vector_store %arg14[%parallel_loop3A_184, %parallel_loop3A_185], %parallel_loop3A_181 {strides = array<i32>} : memref<129x256xf32, #tpu.memory_space<vmem>>, vector<16xf32>,
      %parallel_loop3A_187 = arith.constant 3 : i32
      %parallel_loop3A_188 = vector.broadcast %parallel_loop3A_187 : i32 to vector<16xi32>
      %parallel_loop3A_189 = arith.addi %parallel_loop3A_159, %parallel_loop3A_188 : vector<16xi32>
      %parallel_loop3A_190 = tpu.vector_load_idx %arg15[%parallel_loop3A_189] : memref<33160xf32, #tpu.memory_space<vmem>>[vector<16xi32>], vector<16xf32>,
      %parallel_loop3A_191 = arith.constant 3 : i32
      %parallel_loop3A_192 = arith.addi %parallel_loop3A_149, %parallel_loop3A_191 : i32
      %parallel_loop3A_193 = arith.index_cast %parallel_loop3A_192 : i32 to index
      %parallel_loop3A_194 = arith.index_cast %parallel_loop3A_151 : i32 to index
      %parallel_loop3A_195 = tpu.vector_load %arg14[%parallel_loop3A_193, %parallel_loop3A_194] {strides = array<i32>} : memref<129x256xf32, #tpu.memory_space<vmem>>, vector<16xf32>,
      tpu.vector_store %arg14[%parallel_loop3A_193, %parallel_loop3A_194], %parallel_loop3A_190 {strides = array<i32>} : memref<129x256xf32, #tpu.memory_space<vmem>>, vector<16xf32>,
      %parallel_loop3A_196 = arith.constant 4 : i32
      %parallel_loop3A_197 = vector.broadcast %parallel_loop3A_196 : i32 to vector<16xi32>
      %parallel_loop3A_198 = arith.addi %parallel_loop3A_159, %parallel_loop3A_197 : vector<16xi32>
      %parallel_loop3A_199 = tpu.vector_load_idx %arg15[%parallel_loop3A_198] : memref<33160xf32, #tpu.memory_space<vmem>>[vector<16xi32>], vector<16xf32>,
      %parallel_loop3A_200 = arith.constant 4 : i32
      %parallel_loop3A_201 = arith.addi %parallel_loop3A_149, %parallel_loop3A_200 : i32
      %parallel_loop3A_202 = arith.index_cast %parallel_loop3A_201 : i32 to index
      %parallel_loop3A_203 = arith.index_cast %parallel_loop3A_151 : i32 to index
      %parallel_loop3A_204 = tpu.vector_load %arg14[%parallel_loop3A_202, %parallel_loop3A_203] {strides = array<i32>} : memref<129x256xf32, #tpu.memory_space<vmem>>, vector<16xf32>,
      tpu.vector_store %arg14[%parallel_loop3A_202, %parallel_loop3A_203], %parallel_loop3A_199 {strides = array<i32>} : memref<129x256xf32, #tpu.memory_space<vmem>>, vector<16xf32>,
      %parallel_loop3A_205 = arith.constant 5 : i32
      %parallel_loop3A_206 = vector.broadcast %parallel_loop3A_205 : i32 to vector<16xi32>
      %parallel_loop3A_207 = arith.addi %parallel_loop3A_159, %parallel_loop3A_206 : vector<16xi32>
      %parallel_loop3A_208 = tpu.vector_load_idx %arg15[%parallel_loop3A_207] : memref<33160xf32, #tpu.memory_space<vmem>>[vector<16xi32>], vector<16xf32>,
      %parallel_loop3A_209 = arith.constant 5 : i32
      %parallel_loop3A_210 = arith.addi %parallel_loop3A_149, %parallel_loop3A_209 : i32
      %parallel_loop3A_211 = arith.index_cast %parallel_loop3A_210 : i32 to index
      %parallel_loop3A_212 = arith.index_cast %parallel_loop3A_151 : i32 to index
      %parallel_loop3A_213 = tpu.vector_load %arg14[%parallel_loop3A_211, %parallel_loop3A_212] {strides = array<i32>} : memref<129x256xf32, #tpu.memory_space<vmem>>, vector<16xf32>,
      tpu.vector_store %arg14[%parallel_loop3A_211, %parallel_loop3A_212], %parallel_loop3A_208 {strides = array<i32>} : memref<129x256xf32, #tpu.memory_space<vmem>>, vector<16xf32>,
      %parallel_loop3A_214 = arith.constant 6 : i32
      %parallel_loop3A_215 = vector.broadcast %parallel_loop3A_214 : i32 to vector<16xi32>
      %parallel_loop3A_216 = arith.addi %parallel_loop3A_159, %parallel_loop3A_215 : vector<16xi32>
      %parallel_loop3A_217 = tpu.vector_load_idx %arg15[%parallel_loop3A_216] : memref<33160xf32, #tpu.memory_space<vmem>>[vector<16xi32>], vector<16xf32>,
      %parallel_loop3A_218 = arith.constant 6 : i32
      %parallel_loop3A_219 = arith.addi %parallel_loop3A_149, %parallel_loop3A_218 : i32
      %parallel_loop3A_220 = arith.index_cast %parallel_loop3A_219 : i32 to index
      %parallel_loop3A_221 = arith.index_cast %parallel_loop3A_151 : i32 to index
      %parallel_loop3A_222 = tpu.vector_load %arg14[%parallel_loop3A_220, %parallel_loop3A_221] {strides = array<i32>} : memref<129x256xf32, #tpu.memory_space<vmem>>, vector<16xf32>,
      tpu.vector_store %arg14[%parallel_loop3A_220, %parallel_loop3A_221], %parallel_loop3A_217 {strides = array<i32>} : memref<129x256xf32, #tpu.memory_space<vmem>>, vector<16xf32>,
      %parallel_loop3A_223 = arith.constant 7 : i32
      %parallel_loop3A_224 = vector.broadcast %parallel_loop3A_223 : i32 to vector<16xi32>
      %parallel_loop3A_225 = arith.addi %parallel_loop3A_159, %parallel_loop3A_224 : vector<16xi32>
      %parallel_loop3A_226 = tpu.vector_load_idx %arg15[%parallel_loop3A_225] : memref<33160xf32, #tpu.memory_space<vmem>>[vector<16xi32>], vector<16xf32>,
      %parallel_loop3A_227 = arith.constant 7 : i32
      %parallel_loop3A_228 = arith.addi %parallel_loop3A_149, %parallel_loop3A_227 : i32
      %parallel_loop3A_229 = arith.index_cast %parallel_loop3A_228 : i32 to index
      %parallel_loop3A_230 = arith.index_cast %parallel_loop3A_151 : i32 to index
      %parallel_loop3A_231 = tpu.vector_load %arg14[%parallel_loop3A_229, %parallel_loop3A_230] {strides = array<i32>} : memref<129x256xf32, #tpu.memory_space<vmem>>, vector<16xf32>,
      tpu.vector_store %arg14[%parallel_loop3A_229, %parallel_loop3A_230], %parallel_loop3A_226 {strides = array<i32>} : memref<129x256xf32, #tpu.memory_space<vmem>>, vector<16xf32>,
    } {sc.loop_unroll_factor = 2 : i64, sc.parallel_access}
    %parallel_loop3A_30 = arith.constant 0 : i32
    %parallel_loop3A_31 = arith.constant 16 : i32
    %parallel_loop3A_32 = arith.constant 1 : i32
    scf.for %parallel_loop3A_143 = %parallel_loop3A_30 to %parallel_loop3A_31 step %parallel_loop3A_32  : i32 {
      %parallel_loop3A_144 = arith.constant 16 : i32
      %parallel_loop3A_145 = arith.muli %parallel_loop3A_143, %parallel_loop3A_144 : i32
      %parallel_loop3A_146 = arith.constant 16 : i32
      %parallel_loop3A_147 = arith.muli %parallel_loop3A_143, %parallel_loop3A_146 : i32
      %parallel_loop3A_148 = arith.constant 256 : i32
      %parallel_loop3A_149 = arith.addi %parallel_loop3A_148, %parallel_loop3A_147 : i32
      %parallel_loop3A_150 = arith.index_cast %parallel_loop3A_149 : i32 to index
      %parallel_loop3A_151 = tpu.vector_load %arg10[%parallel_loop3A_150] {strides = array<i32>} : memref<2048xf32, #tpu.memory_space<vmem>>, vector<16xf32>,
      %parallel_loop3A_152 = arith.constant 128 : i32
      %parallel_loop3A_153 = arith.index_cast %parallel_loop3A_152 : i32 to index
      %parallel_loop3A_154 = arith.index_cast %parallel_loop3A_145 : i32 to index
      %parallel_loop3A_155 = tpu.vector_load %arg14[%parallel_loop3A_153, %parallel_loop3A_154] {strides = array<i32>} : memref<129x256xf32, #tpu.memory_space<vmem>>, vector<16xf32>,
      tpu.vector_store %arg14[%parallel_loop3A_153, %parallel_loop3A_154], %parallel_loop3A_151 {strides = array<i32>} : memref<129x256xf32, #tpu.memory_space<vmem>>, vector<16xf32>,
    } {sc.loop_unroll_factor = 1 : i64, sc.parallel_access}
    %add3A_33 = arith.constant 256 : i32
    %add3A_34 = arith.addi %mul3A_2, %add3A_33 : i32
    %dma_start3A_35 = arith.constant 0 : i32
    %dma_start3A_36 = tpu.memref_slice %arg7[%dma_start3A_35, %add3A_34] : memref<129x65536xf32, #tpu.memory_space<hbm>> -> memref<129x256xf32, #tpu.memory_space<hbm>>
    %dma_start3A_37 = arith.constant 0 : i32
    %dma_start3A_38 = tpu.memref_slice %arg7[%dma_start3A_37, %add3A_34] : memref<129x65536xf32, #tpu.memory_space<hbm>> -> memref<129x256xf32, #tpu.memory_space<hbm>>
    tpu.enqueue_dma source(%arg14 : memref<129x256xf32, #tpu.memory_space<vmem>>) target(%dma_start3A_38 : memref<129x256xf32, #tpu.memory_space<hbm>>) target_semaphore(%arg18 : memref<!tpu.dma_semaphore, #tpu.memory_space<semaphore_mem>>)
    %dma_wait3A_39 = arith.constant 0 : i32
    %dma_wait3A_40 = tpu.memref_slice %arg7[%dma_wait3A_39, %add3A_22] : memref<129x65536xf32, #tpu.memory_space<hbm>> -> memref<129x256xf32, #tpu.memory_space<hbm>>
    %dma_wait3A_41 = arith.constant 0 : i32
    %dma_wait3A_42 = tpu.memref_slice %arg7[%dma_wait3A_41, %add3A_22] : memref<129x65536xf32, #tpu.memory_space<hbm>> -> memref<129x256xf32, #tpu.memory_space<hbm>>
    tpu.wait_dma2 semaphore(%arg18 : memref<!tpu.dma_semaphore, #tpu.memory_space<semaphore_mem>>) src(%arg13 : memref<129x256xf32, #tpu.memory_space<vmem>>) dst(%dma_wait3A_42 : memref<129x256xf32, #tpu.memory_space<hbm>>)
    %parallel_loop3A_43 = arith.constant 0 : i32
    %parallel_loop3A_44 = arith.constant 256 : i32
    %parallel_loop3A_45 = arith.constant 1 : i32
    scf.for %parallel_loop3A_143 = %parallel_loop3A_43 to %parallel_loop3A_44 step %parallel_loop3A_45  : i32 {
      %parallel_loop3A_144 = arith.constant 4 : i32
      %parallel_loop3A_145 = arith.shrsi %parallel_loop3A_143, %parallel_loop3A_144 : i32
      %parallel_loop3A_146 = arith.constant 15 : i32
      %parallel_loop3A_147 = arith.andi %parallel_loop3A_143, %parallel_loop3A_146 : i32
      %parallel_loop3A_148 = arith.constant 8 : i32
      %parallel_loop3A_149 = arith.muli %parallel_loop3A_147, %parallel_loop3A_148 : i32
      %parallel_loop3A_150 = arith.constant 16 : i32
      %parallel_loop3A_151 = arith.muli %parallel_loop3A_145, %parallel_loop3A_150 : i32
      %parallel_loop3A_152 = arith.constant 16 : i32
      %parallel_loop3A_153 = arith.muli %parallel_loop3A_145, %parallel_loop3A_152 : i32
      %parallel_loop3A_154 = arith.constant 512 : i32
      %parallel_loop3A_155 = arith.addi %parallel_loop3A_154, %parallel_loop3A_153 : i32
      %parallel_loop3A_156 = arith.index_cast %parallel_loop3A_155 : i32 to index
      %parallel_loop3A_157 = tpu.vector_load %arg12[%parallel_loop3A_156] {strides = array<i32>} : memref<2048xi32, #tpu.memory_space<vmem>>, vector<16xi32>,
      %parallel_loop3A_158 = vector.broadcast %parallel_loop3A_149 : i32 to vector<16xi32>
      %parallel_loop3A_159 = arith.addi %parallel_loop3A_157, %parallel_loop3A_158 : vector<16xi32>
      %parallel_loop3A_160 = arith.constant 0 : i32
      %parallel_loop3A_161 = vector.broadcast %parallel_loop3A_160 : i32 to vector<16xi32>
      %parallel_loop3A_162 = arith.addi %parallel_loop3A_159, %parallel_loop3A_161 : vector<16xi32>
      %parallel_loop3A_163 = tpu.vector_load_idx %arg15[%parallel_loop3A_162] : memref<33160xf32, #tpu.memory_space<vmem>>[vector<16xi32>], vector<16xf32>,
      %parallel_loop3A_164 = arith.constant 0 : i32
      %parallel_loop3A_165 = arith.addi %parallel_loop3A_149, %parallel_loop3A_164 : i32
      %parallel_loop3A_166 = arith.index_cast %parallel_loop3A_165 : i32 to index
      %parallel_loop3A_167 = arith.index_cast %parallel_loop3A_151 : i32 to index
      %parallel_loop3A_168 = tpu.vector_load %arg13[%parallel_loop3A_166, %parallel_loop3A_167] {strides = array<i32>} : memref<129x256xf32, #tpu.memory_space<vmem>>, vector<16xf32>,
      tpu.vector_store %arg13[%parallel_loop3A_166, %parallel_loop3A_167], %parallel_loop3A_163 {strides = array<i32>} : memref<129x256xf32, #tpu.memory_space<vmem>>, vector<16xf32>,
      %parallel_loop3A_169 = arith.constant 1 : i32
      %parallel_loop3A_170 = vector.broadcast %parallel_loop3A_169 : i32 to vector<16xi32>
      %parallel_loop3A_171 = arith.addi %parallel_loop3A_159, %parallel_loop3A_170 : vector<16xi32>
      %parallel_loop3A_172 = tpu.vector_load_idx %arg15[%parallel_loop3A_171] : memref<33160xf32, #tpu.memory_space<vmem>>[vector<16xi32>], vector<16xf32>,
      %parallel_loop3A_173 = arith.constant 1 : i32
      %parallel_loop3A_174 = arith.addi %parallel_loop3A_149, %parallel_loop3A_173 : i32
      %parallel_loop3A_175 = arith.index_cast %parallel_loop3A_174 : i32 to index
      %parallel_loop3A_176 = arith.index_cast %parallel_loop3A_151 : i32 to index
      %parallel_loop3A_177 = tpu.vector_load %arg13[%parallel_loop3A_175, %parallel_loop3A_176] {strides = array<i32>} : memref<129x256xf32, #tpu.memory_space<vmem>>, vector<16xf32>,
      tpu.vector_store %arg13[%parallel_loop3A_175, %parallel_loop3A_176], %parallel_loop3A_172 {strides = array<i32>} : memref<129x256xf32, #tpu.memory_space<vmem>>, vector<16xf32>,
      %parallel_loop3A_178 = arith.constant 2 : i32
      %parallel_loop3A_179 = vector.broadcast %parallel_loop3A_178 : i32 to vector<16xi32>
      %parallel_loop3A_180 = arith.addi %parallel_loop3A_159, %parallel_loop3A_179 : vector<16xi32>
      %parallel_loop3A_181 = tpu.vector_load_idx %arg15[%parallel_loop3A_180] : memref<33160xf32, #tpu.memory_space<vmem>>[vector<16xi32>], vector<16xf32>,
      %parallel_loop3A_182 = arith.constant 2 : i32
      %parallel_loop3A_183 = arith.addi %parallel_loop3A_149, %parallel_loop3A_182 : i32
      %parallel_loop3A_184 = arith.index_cast %parallel_loop3A_183 : i32 to index
      %parallel_loop3A_185 = arith.index_cast %parallel_loop3A_151 : i32 to index
      %parallel_loop3A_186 = tpu.vector_load %arg13[%parallel_loop3A_184, %parallel_loop3A_185] {strides = array<i32>} : memref<129x256xf32, #tpu.memory_space<vmem>>, vector<16xf32>,
      tpu.vector_store %arg13[%parallel_loop3A_184, %parallel_loop3A_185], %parallel_loop3A_181 {strides = array<i32>} : memref<129x256xf32, #tpu.memory_space<vmem>>, vector<16xf32>,
      %parallel_loop3A_187 = arith.constant 3 : i32
      %parallel_loop3A_188 = vector.broadcast %parallel_loop3A_187 : i32 to vector<16xi32>
      %parallel_loop3A_189 = arith.addi %parallel_loop3A_159, %parallel_loop3A_188 : vector<16xi32>
      %parallel_loop3A_190 = tpu.vector_load_idx %arg15[%parallel_loop3A_189] : memref<33160xf32, #tpu.memory_space<vmem>>[vector<16xi32>], vector<16xf32>,
      %parallel_loop3A_191 = arith.constant 3 : i32
      %parallel_loop3A_192 = arith.addi %parallel_loop3A_149, %parallel_loop3A_191 : i32
      %parallel_loop3A_193 = arith.index_cast %parallel_loop3A_192 : i32 to index
      %parallel_loop3A_194 = arith.index_cast %parallel_loop3A_151 : i32 to index
      %parallel_loop3A_195 = tpu.vector_load %arg13[%parallel_loop3A_193, %parallel_loop3A_194] {strides = array<i32>} : memref<129x256xf32, #tpu.memory_space<vmem>>, vector<16xf32>,
      tpu.vector_store %arg13[%parallel_loop3A_193, %parallel_loop3A_194], %parallel_loop3A_190 {strides = array<i32>} : memref<129x256xf32, #tpu.memory_space<vmem>>, vector<16xf32>,
      %parallel_loop3A_196 = arith.constant 4 : i32
      %parallel_loop3A_197 = vector.broadcast %parallel_loop3A_196 : i32 to vector<16xi32>
      %parallel_loop3A_198 = arith.addi %parallel_loop3A_159, %parallel_loop3A_197 : vector<16xi32>
      %parallel_loop3A_199 = tpu.vector_load_idx %arg15[%parallel_loop3A_198] : memref<33160xf32, #tpu.memory_space<vmem>>[vector<16xi32>], vector<16xf32>,
      %parallel_loop3A_200 = arith.constant 4 : i32
      %parallel_loop3A_201 = arith.addi %parallel_loop3A_149, %parallel_loop3A_200 : i32
      %parallel_loop3A_202 = arith.index_cast %parallel_loop3A_201 : i32 to index
      %parallel_loop3A_203 = arith.index_cast %parallel_loop3A_151 : i32 to index
      %parallel_loop3A_204 = tpu.vector_load %arg13[%parallel_loop3A_202, %parallel_loop3A_203] {strides = array<i32>} : memref<129x256xf32, #tpu.memory_space<vmem>>, vector<16xf32>,
      tpu.vector_store %arg13[%parallel_loop3A_202, %parallel_loop3A_203], %parallel_loop3A_199 {strides = array<i32>} : memref<129x256xf32, #tpu.memory_space<vmem>>, vector<16xf32>,
      %parallel_loop3A_205 = arith.constant 5 : i32
      %parallel_loop3A_206 = vector.broadcast %parallel_loop3A_205 : i32 to vector<16xi32>
      %parallel_loop3A_207 = arith.addi %parallel_loop3A_159, %parallel_loop3A_206 : vector<16xi32>
      %parallel_loop3A_208 = tpu.vector_load_idx %arg15[%parallel_loop3A_207] : memref<33160xf32, #tpu.memory_space<vmem>>[vector<16xi32>], vector<16xf32>,
      %parallel_loop3A_209 = arith.constant 5 : i32
      %parallel_loop3A_210 = arith.addi %parallel_loop3A_149, %parallel_loop3A_209 : i32
      %parallel_loop3A_211 = arith.index_cast %parallel_loop3A_210 : i32 to index
      %parallel_loop3A_212 = arith.index_cast %parallel_loop3A_151 : i32 to index
      %parallel_loop3A_213 = tpu.vector_load %arg13[%parallel_loop3A_211, %parallel_loop3A_212] {strides = array<i32>} : memref<129x256xf32, #tpu.memory_space<vmem>>, vector<16xf32>,
      tpu.vector_store %arg13[%parallel_loop3A_211, %parallel_loop3A_212], %parallel_loop3A_208 {strides = array<i32>} : memref<129x256xf32, #tpu.memory_space<vmem>>, vector<16xf32>,
      %parallel_loop3A_214 = arith.constant 6 : i32
      %parallel_loop3A_215 = vector.broadcast %parallel_loop3A_214 : i32 to vector<16xi32>
      %parallel_loop3A_216 = arith.addi %parallel_loop3A_159, %parallel_loop3A_215 : vector<16xi32>
      %parallel_loop3A_217 = tpu.vector_load_idx %arg15[%parallel_loop3A_216] : memref<33160xf32, #tpu.memory_space<vmem>>[vector<16xi32>], vector<16xf32>,
      %parallel_loop3A_218 = arith.constant 6 : i32
      %parallel_loop3A_219 = arith.addi %parallel_loop3A_149, %parallel_loop3A_218 : i32
      %parallel_loop3A_220 = arith.index_cast %parallel_loop3A_219 : i32 to index
      %parallel_loop3A_221 = arith.index_cast %parallel_loop3A_151 : i32 to index
      %parallel_loop3A_222 = tpu.vector_load %arg13[%parallel_loop3A_220, %parallel_loop3A_221] {strides = array<i32>} : memref<129x256xf32, #tpu.memory_space<vmem>>, vector<16xf32>,
      tpu.vector_store %arg13[%parallel_loop3A_220, %parallel_loop3A_221], %parallel_loop3A_217 {strides = array<i32>} : memref<129x256xf32, #tpu.memory_space<vmem>>, vector<16xf32>,
      %parallel_loop3A_223 = arith.constant 7 : i32
      %parallel_loop3A_224 = vector.broadcast %parallel_loop3A_223 : i32 to vector<16xi32>
      %parallel_loop3A_225 = arith.addi %parallel_loop3A_159, %parallel_loop3A_224 : vector<16xi32>
      %parallel_loop3A_226 = tpu.vector_load_idx %arg15[%parallel_loop3A_225] : memref<33160xf32, #tpu.memory_space<vmem>>[vector<16xi32>], vector<16xf32>,
      %parallel_loop3A_227 = arith.constant 7 : i32
      %parallel_loop3A_228 = arith.addi %parallel_loop3A_149, %parallel_loop3A_227 : i32
      %parallel_loop3A_229 = arith.index_cast %parallel_loop3A_228 : i32 to index
      %parallel_loop3A_230 = arith.index_cast %parallel_loop3A_151 : i32 to index
      %parallel_loop3A_231 = tpu.vector_load %arg13[%parallel_loop3A_229, %parallel_loop3A_230] {strides = array<i32>} : memref<129x256xf32, #tpu.memory_space<vmem>>, vector<16xf32>,
      tpu.vector_store %arg13[%parallel_loop3A_229, %parallel_loop3A_230], %parallel_loop3A_226 {strides = array<i32>} : memref<129x256xf32, #tpu.memory_space<vmem>>, vector<16xf32>,
    } {sc.loop_unroll_factor = 2 : i64, sc.parallel_access}
    %parallel_loop3A_46 = arith.constant 0 : i32
    %parallel_loop3A_47 = arith.constant 16 : i32
    %parallel_loop3A_48 = arith.constant 1 : i32
    scf.for %parallel_loop3A_143 = %parallel_loop3A_46 to %parallel_loop3A_47 step %parallel_loop3A_48  : i32 {
      %parallel_loop3A_144 = arith.constant 16 : i32
      %parallel_loop3A_145 = arith.muli %parallel_loop3A_143, %parallel_loop3A_144 : i32
      %parallel_loop3A_146 = arith.constant 16 : i32
      %parallel_loop3A_147 = arith.muli %parallel_loop3A_143, %parallel_loop3A_146 : i32
      %parallel_loop3A_148 = arith.constant 512 : i32
      %parallel_loop3A_149 = arith.addi %parallel_loop3A_148, %parallel_loop3A_147 : i32
      %parallel_loop3A_150 = arith.index_cast %parallel_loop3A_149 : i32 to index
      %parallel_loop3A_151 = tpu.vector_load %arg10[%parallel_loop3A_150] {strides = array<i32>} : memref<2048xf32, #tpu.memory_space<vmem>>, vector<16xf32>,
      %parallel_loop3A_152 = arith.constant 128 : i32
      %parallel_loop3A_153 = arith.index_cast %parallel_loop3A_152 : i32 to index
      %parallel_loop3A_154 = arith.index_cast %parallel_loop3A_145 : i32 to index
      %parallel_loop3A_155 = tpu.vector_load %arg13[%parallel_loop3A_153, %parallel_loop3A_154] {strides = array<i32>} : memref<129x256xf32, #tpu.memory_space<vmem>>, vector<16xf32>,
      tpu.vector_store %arg13[%parallel_loop3A_153, %parallel_loop3A_154], %parallel_loop3A_151 {strides = array<i32>} : memref<129x256xf32, #tpu.memory_space<vmem>>, vector<16xf32>,
    } {sc.loop_unroll_factor = 1 : i64, sc.parallel_access}
    %add3A_49 = arith.constant 512 : i32
    %add3A_50 = arith.addi %mul3A_2, %add3A_49 : i32
    %dma_start3A_51 = arith.constant 0 : i32
    %dma_start3A_52 = tpu.memref_slice %arg7[%dma_start3A_51, %add3A_50] : memref<129x65536xf32, #tpu.memory_space<hbm>> -> memref<129x256xf32, #tpu.memory_space<hbm>>
    %dma_start3A_53 = arith.constant 0 : i32
    %dma_start3A_54 = tpu.memref_slice %arg7[%dma_start3A_53, %add3A_50] : memref<129x65536xf32, #tpu.memory_space<hbm>> -> memref<129x256xf32, #tpu.memory_space<hbm>>
    tpu.enqueue_dma source(%arg13 : memref<129x256xf32, #tpu.memory_space<vmem>>) target(%dma_start3A_54 : memref<129x256xf32, #tpu.memory_space<hbm>>) target_semaphore(%arg18 : memref<!tpu.dma_semaphore, #tpu.memory_space<semaphore_mem>>)
    %dma_wait3A_55 = arith.constant 0 : i32
    %dma_wait3A_56 = tpu.memref_slice %arg7[%dma_wait3A_55, %add3A_34] : memref<129x65536xf32, #tpu.memory_space<hbm>> -> memref<129x256xf32, #tpu.memory_space<hbm>>
    %dma_wait3A_57 = arith.constant 0 : i32
    %dma_wait3A_58 = tpu.memref_slice %arg7[%dma_wait3A_57, %add3A_34] : memref<129x65536xf32, #tpu.memory_space<hbm>> -> memref<129x256xf32, #tpu.memory_space<hbm>>
    tpu.wait_dma2 semaphore(%arg18 : memref<!tpu.dma_semaphore, #tpu.memory_space<semaphore_mem>>) src(%arg14 : memref<129x256xf32, #tpu.memory_space<vmem>>) dst(%dma_wait3A_58 : memref<129x256xf32, #tpu.memory_space<hbm>>)
    %parallel_loop3A_59 = arith.constant 0 : i32
    %parallel_loop3A_60 = arith.constant 256 : i32
    %parallel_loop3A_61 = arith.constant 1 : i32
    scf.for %parallel_loop3A_143 = %parallel_loop3A_59 to %parallel_loop3A_60 step %parallel_loop3A_61  : i32 {
      %parallel_loop3A_144 = arith.constant 4 : i32
      %parallel_loop3A_145 = arith.shrsi %parallel_loop3A_143, %parallel_loop3A_144 : i32
      %parallel_loop3A_146 = arith.constant 15 : i32
      %parallel_loop3A_147 = arith.andi %parallel_loop3A_143, %parallel_loop3A_146 : i32
      %parallel_loop3A_148 = arith.constant 8 : i32
      %parallel_loop3A_149 = arith.muli %parallel_loop3A_147, %parallel_loop3A_148 : i32
      %parallel_loop3A_150 = arith.constant 16 : i32
      %parallel_loop3A_151 = arith.muli %parallel_loop3A_145, %parallel_loop3A_150 : i32
      %parallel_loop3A_152 = arith.constant 16 : i32
      %parallel_loop3A_153 = arith.muli %parallel_loop3A_145, %parallel_loop3A_152 : i32
      %parallel_loop3A_154 = arith.constant 768 : i32
      %parallel_loop3A_155 = arith.addi %parallel_loop3A_154, %parallel_loop3A_153 : i32
      %parallel_loop3A_156 = arith.index_cast %parallel_loop3A_155 : i32 to index
      %parallel_loop3A_157 = tpu.vector_load %arg12[%parallel_loop3A_156] {strides = array<i32>} : memref<2048xi32, #tpu.memory_space<vmem>>, vector<16xi32>,
      %parallel_loop3A_158 = vector.broadcast %parallel_loop3A_149 : i32 to vector<16xi32>
      %parallel_loop3A_159 = arith.addi %parallel_loop3A_157, %parallel_loop3A_158 : vector<16xi32>
      %parallel_loop3A_160 = arith.constant 0 : i32
      %parallel_loop3A_161 = vector.broadcast %parallel_loop3A_160 : i32 to vector<16xi32>
      %parallel_loop3A_162 = arith.addi %parallel_loop3A_159, %parallel_loop3A_161 : vector<16xi32>
      %parallel_loop3A_163 = tpu.vector_load_idx %arg15[%parallel_loop3A_162] : memref<33160xf32, #tpu.memory_space<vmem>>[vector<16xi32>], vector<16xf32>,
      %parallel_loop3A_164 = arith.constant 0 : i32
      %parallel_loop3A_165 = arith.addi %parallel_loop3A_149, %parallel_loop3A_164 : i32
      %parallel_loop3A_166 = arith.index_cast %parallel_loop3A_165 : i32 to index
      %parallel_loop3A_167 = arith.index_cast %parallel_loop3A_151 : i32 to index
      %parallel_loop3A_168 = tpu.vector_load %arg14[%parallel_loop3A_166, %parallel_loop3A_167] {strides = array<i32>} : memref<129x256xf32, #tpu.memory_space<vmem>>, vector<16xf32>,
      tpu.vector_store %arg14[%parallel_loop3A_166, %parallel_loop3A_167], %parallel_loop3A_163 {strides = array<i32>} : memref<129x256xf32, #tpu.memory_space<vmem>>, vector<16xf32>,
      %parallel_loop3A_169 = arith.constant 1 : i32
      %parallel_loop3A_170 = vector.broadcast %parallel_loop3A_169 : i32 to vector<16xi32>
      %parallel_loop3A_171 = arith.addi %parallel_loop3A_159, %parallel_loop3A_170 : vector<16xi32>
      %parallel_loop3A_172 = tpu.vector_load_idx %arg15[%parallel_loop3A_171] : memref<33160xf32, #tpu.memory_space<vmem>>[vector<16xi32>], vector<16xf32>,
      %parallel_loop3A_173 = arith.constant 1 : i32
      %parallel_loop3A_174 = arith.addi %parallel_loop3A_149, %parallel_loop3A_173 : i32
      %parallel_loop3A_175 = arith.index_cast %parallel_loop3A_174 : i32 to index
      %parallel_loop3A_176 = arith.index_cast %parallel_loop3A_151 : i32 to index
      %parallel_loop3A_177 = tpu.vector_load %arg14[%parallel_loop3A_175, %parallel_loop3A_176] {strides = array<i32>} : memref<129x256xf32, #tpu.memory_space<vmem>>, vector<16xf32>,
      tpu.vector_store %arg14[%parallel_loop3A_175, %parallel_loop3A_176], %parallel_loop3A_172 {strides = array<i32>} : memref<129x256xf32, #tpu.memory_space<vmem>>, vector<16xf32>,
      %parallel_loop3A_178 = arith.constant 2 : i32
      %parallel_loop3A_179 = vector.broadcast %parallel_loop3A_178 : i32 to vector<16xi32>
      %parallel_loop3A_180 = arith.addi %parallel_loop3A_159, %parallel_loop3A_179 : vector<16xi32>
      %parallel_loop3A_181 = tpu.vector_load_idx %arg15[%parallel_loop3A_180] : memref<33160xf32, #tpu.memory_space<vmem>>[vector<16xi32>], vector<16xf32>,
      %parallel_loop3A_182 = arith.constant 2 : i32
      %parallel_loop3A_183 = arith.addi %parallel_loop3A_149, %parallel_loop3A_182 : i32
      %parallel_loop3A_184 = arith.index_cast %parallel_loop3A_183 : i32 to index
      %parallel_loop3A_185 = arith.index_cast %parallel_loop3A_151 : i32 to index
      %parallel_loop3A_186 = tpu.vector_load %arg14[%parallel_loop3A_184, %parallel_loop3A_185] {strides = array<i32>} : memref<129x256xf32, #tpu.memory_space<vmem>>, vector<16xf32>,
      tpu.vector_store %arg14[%parallel_loop3A_184, %parallel_loop3A_185], %parallel_loop3A_181 {strides = array<i32>} : memref<129x256xf32, #tpu.memory_space<vmem>>, vector<16xf32>,
      %parallel_loop3A_187 = arith.constant 3 : i32
      %parallel_loop3A_188 = vector.broadcast %parallel_loop3A_187 : i32 to vector<16xi32>
      %parallel_loop3A_189 = arith.addi %parallel_loop3A_159, %parallel_loop3A_188 : vector<16xi32>
      %parallel_loop3A_190 = tpu.vector_load_idx %arg15[%parallel_loop3A_189] : memref<33160xf32, #tpu.memory_space<vmem>>[vector<16xi32>], vector<16xf32>,
      %parallel_loop3A_191 = arith.constant 3 : i32
      %parallel_loop3A_192 = arith.addi %parallel_loop3A_149, %parallel_loop3A_191 : i32
      %parallel_loop3A_193 = arith.index_cast %parallel_loop3A_192 : i32 to index
      %parallel_loop3A_194 = arith.index_cast %parallel_loop3A_151 : i32 to index
      %parallel_loop3A_195 = tpu.vector_load %arg14[%parallel_loop3A_193, %parallel_loop3A_194] {strides = array<i32>} : memref<129x256xf32, #tpu.memory_space<vmem>>, vector<16xf32>,
      tpu.vector_store %arg14[%parallel_loop3A_193, %parallel_loop3A_194], %parallel_loop3A_190 {strides = array<i32>} : memref<129x256xf32, #tpu.memory_space<vmem>>, vector<16xf32>,
      %parallel_loop3A_196 = arith.constant 4 : i32
      %parallel_loop3A_197 = vector.broadcast %parallel_loop3A_196 : i32 to vector<16xi32>
      %parallel_loop3A_198 = arith.addi %parallel_loop3A_159, %parallel_loop3A_197 : vector<16xi32>
      %parallel_loop3A_199 = tpu.vector_load_idx %arg15[%parallel_loop3A_198] : memref<33160xf32, #tpu.memory_space<vmem>>[vector<16xi32>], vector<16xf32>,
      %parallel_loop3A_200 = arith.constant 4 : i32
      %parallel_loop3A_201 = arith.addi %parallel_loop3A_149, %parallel_loop3A_200 : i32
      %parallel_loop3A_202 = arith.index_cast %parallel_loop3A_201 : i32 to index
      %parallel_loop3A_203 = arith.index_cast %parallel_loop3A_151 : i32 to index
      %parallel_loop3A_204 = tpu.vector_load %arg14[%parallel_loop3A_202, %parallel_loop3A_203] {strides = array<i32>} : memref<129x256xf32, #tpu.memory_space<vmem>>, vector<16xf32>,
      tpu.vector_store %arg14[%parallel_loop3A_202, %parallel_loop3A_203], %parallel_loop3A_199 {strides = array<i32>} : memref<129x256xf32, #tpu.memory_space<vmem>>, vector<16xf32>,
      %parallel_loop3A_205 = arith.constant 5 : i32
      %parallel_loop3A_206 = vector.broadcast %parallel_loop3A_205 : i32 to vector<16xi32>
      %parallel_loop3A_207 = arith.addi %parallel_loop3A_159, %parallel_loop3A_206 : vector<16xi32>
      %parallel_loop3A_208 = tpu.vector_load_idx %arg15[%parallel_loop3A_207] : memref<33160xf32, #tpu.memory_space<vmem>>[vector<16xi32>], vector<16xf32>,
      %parallel_loop3A_209 = arith.constant 5 : i32
      %parallel_loop3A_210 = arith.addi %parallel_loop3A_149, %parallel_loop3A_209 : i32
      %parallel_loop3A_211 = arith.index_cast %parallel_loop3A_210 : i32 to index
      %parallel_loop3A_212 = arith.index_cast %parallel_loop3A_151 : i32 to index
      %parallel_loop3A_213 = tpu.vector_load %arg14[%parallel_loop3A_211, %parallel_loop3A_212] {strides = array<i32>} : memref<129x256xf32, #tpu.memory_space<vmem>>, vector<16xf32>,
      tpu.vector_store %arg14[%parallel_loop3A_211, %parallel_loop3A_212], %parallel_loop3A_208 {strides = array<i32>} : memref<129x256xf32, #tpu.memory_space<vmem>>, vector<16xf32>,
      %parallel_loop3A_214 = arith.constant 6 : i32
      %parallel_loop3A_215 = vector.broadcast %parallel_loop3A_214 : i32 to vector<16xi32>
      %parallel_loop3A_216 = arith.addi %parallel_loop3A_159, %parallel_loop3A_215 : vector<16xi32>
      %parallel_loop3A_217 = tpu.vector_load_idx %arg15[%parallel_loop3A_216] : memref<33160xf32, #tpu.memory_space<vmem>>[vector<16xi32>], vector<16xf32>,
      %parallel_loop3A_218 = arith.constant 6 : i32
      %parallel_loop3A_219 = arith.addi %parallel_loop3A_149, %parallel_loop3A_218 : i32
      %parallel_loop3A_220 = arith.index_cast %parallel_loop3A_219 : i32 to index
      %parallel_loop3A_221 = arith.index_cast %parallel_loop3A_151 : i32 to index
      %parallel_loop3A_222 = tpu.vector_load %arg14[%parallel_loop3A_220, %parallel_loop3A_221] {strides = array<i32>} : memref<129x256xf32, #tpu.memory_space<vmem>>, vector<16xf32>,
      tpu.vector_store %arg14[%parallel_loop3A_220, %parallel_loop3A_221], %parallel_loop3A_217 {strides = array<i32>} : memref<129x256xf32, #tpu.memory_space<vmem>>, vector<16xf32>,
      %parallel_loop3A_223 = arith.constant 7 : i32
      %parallel_loop3A_224 = vector.broadcast %parallel_loop3A_223 : i32 to vector<16xi32>
      %parallel_loop3A_225 = arith.addi %parallel_loop3A_159, %parallel_loop3A_224 : vector<16xi32>
      %parallel_loop3A_226 = tpu.vector_load_idx %arg15[%parallel_loop3A_225] : memref<33160xf32, #tpu.memory_space<vmem>>[vector<16xi32>], vector<16xf32>,
      %parallel_loop3A_227 = arith.constant 7 : i32
      %parallel_loop3A_228 = arith.addi %parallel_loop3A_149, %parallel_loop3A_227 : i32
      %parallel_loop3A_229 = arith.index_cast %parallel_loop3A_228 : i32 to index
      %parallel_loop3A_230 = arith.index_cast %parallel_loop3A_151 : i32 to index
      %parallel_loop3A_231 = tpu.vector_load %arg14[%parallel_loop3A_229, %parallel_loop3A_230] {strides = array<i32>} : memref<129x256xf32, #tpu.memory_space<vmem>>, vector<16xf32>,
      tpu.vector_store %arg14[%parallel_loop3A_229, %parallel_loop3A_230], %parallel_loop3A_226 {strides = array<i32>} : memref<129x256xf32, #tpu.memory_space<vmem>>, vector<16xf32>,
    } {sc.loop_unroll_factor = 2 : i64, sc.parallel_access}
    %parallel_loop3A_62 = arith.constant 0 : i32
    %parallel_loop3A_63 = arith.constant 16 : i32
    %parallel_loop3A_64 = arith.constant 1 : i32
    scf.for %parallel_loop3A_143 = %parallel_loop3A_62 to %parallel_loop3A_63 step %parallel_loop3A_64  : i32 {
      %parallel_loop3A_144 = arith.constant 16 : i32
      %parallel_loop3A_145 = arith.muli %parallel_loop3A_143, %parallel_loop3A_144 : i32
      %parallel_loop3A_146 = arith.constant 16 : i32
      %parallel_loop3A_147 = arith.muli %parallel_loop3A_143, %parallel_loop3A_146 : i32
      %parallel_loop3A_148 = arith.constant 768 : i32
      %parallel_loop3A_149 = arith.addi %parallel_loop3A_148, %parallel_loop3A_147 : i32
      %parallel_loop3A_150 = arith.index_cast %parallel_loop3A_149 : i32 to index
      %parallel_loop3A_151 = tpu.vector_load %arg10[%parallel_loop3A_150] {strides = array<i32>} : memref<2048xf32, #tpu.memory_space<vmem>>, vector<16xf32>,
      %parallel_loop3A_152 = arith.constant 128 : i32
      %parallel_loop3A_153 = arith.index_cast %parallel_loop3A_152 : i32 to index
      %parallel_loop3A_154 = arith.index_cast %parallel_loop3A_145 : i32 to index
      %parallel_loop3A_155 = tpu.vector_load %arg14[%parallel_loop3A_153, %parallel_loop3A_154] {strides = array<i32>} : memref<129x256xf32, #tpu.memory_space<vmem>>, vector<16xf32>,
      tpu.vector_store %arg14[%parallel_loop3A_153, %parallel_loop3A_154], %parallel_loop3A_151 {strides = array<i32>} : memref<129x256xf32, #tpu.memory_space<vmem>>, vector<16xf32>,
    } {sc.loop_unroll_factor = 1 : i64, sc.parallel_access}
    %add3A_65 = arith.constant 768 : i32
    %add3A_66 = arith.addi %mul3A_2, %add3A_65 : i32
    %dma_start3A_67 = arith.constant 0 : i32
    %dma_start3A_68 = tpu.memref_slice %arg7[%dma_start3A_67, %add3A_66] : memref<129x65536xf32, #tpu.memory_space<hbm>> -> memref<129x256xf32, #tpu.memory_space<hbm>>
    %dma_start3A_69 = arith.constant 0 : i32
    %dma_start3A_70 = tpu.memref_slice %arg7[%dma_start3A_69, %add3A_66] : memref<129x65536xf32, #tpu.memory_space<hbm>> -> memref<129x256xf32, #tpu.memory_space<hbm>>
    tpu.enqueue_dma source(%arg14 : memref<129x256xf32, #tpu.memory_space<vmem>>) target(%dma_start3A_70 : memref<129x256xf32, #tpu.memory_space<hbm>>) target_semaphore(%arg18 : memref<!tpu.dma_semaphore, #tpu.memory_space<semaphore_mem>>)
    %dma_wait3A_71 = arith.constant 0 : i32
    %dma_wait3A_72 = tpu.memref_slice %arg7[%dma_wait3A_71, %add3A_50] : memref<129x65536xf32, #tpu.memory_space<hbm>> -> memref<129x256xf32, #tpu.memory_space<hbm>>
    %dma_wait3A_73 = arith.constant 0 : i32
    %dma_wait3A_74 = tpu.memref_slice %arg7[%dma_wait3A_73, %add3A_50] : memref<129x65536xf32, #tpu.memory_space<hbm>> -> memref<129x256xf32, #tpu.memory_space<hbm>>
    tpu.wait_dma2 semaphore(%arg18 : memref<!tpu.dma_semaphore, #tpu.memory_space<semaphore_mem>>) src(%arg13 : memref<129x256xf32, #tpu.memory_space<vmem>>) dst(%dma_wait3A_74 : memref<129x256xf32, #tpu.memory_space<hbm>>)
    %parallel_loop3A_75 = arith.constant 0 : i32
    %parallel_loop3A_76 = arith.constant 256 : i32
    %parallel_loop3A_77 = arith.constant 1 : i32
    scf.for %parallel_loop3A_143 = %parallel_loop3A_75 to %parallel_loop3A_76 step %parallel_loop3A_77  : i32 {
      %parallel_loop3A_144 = arith.constant 4 : i32
      %parallel_loop3A_145 = arith.shrsi %parallel_loop3A_143, %parallel_loop3A_144 : i32
      %parallel_loop3A_146 = arith.constant 15 : i32
      %parallel_loop3A_147 = arith.andi %parallel_loop3A_143, %parallel_loop3A_146 : i32
      %parallel_loop3A_148 = arith.constant 8 : i32
      %parallel_loop3A_149 = arith.muli %parallel_loop3A_147, %parallel_loop3A_148 : i32
      %parallel_loop3A_150 = arith.constant 16 : i32
      %parallel_loop3A_151 = arith.muli %parallel_loop3A_145, %parallel_loop3A_150 : i32
      %parallel_loop3A_152 = arith.constant 16 : i32
      %parallel_loop3A_153 = arith.muli %parallel_loop3A_145, %parallel_loop3A_152 : i32
      %parallel_loop3A_154 = arith.constant 1024 : i32
      %parallel_loop3A_155 = arith.addi %parallel_loop3A_154, %parallel_loop3A_153 : i32
      %parallel_loop3A_156 = arith.index_cast %parallel_loop3A_155 : i32 to index
      %parallel_loop3A_157 = tpu.vector_load %arg12[%parallel_loop3A_156] {strides = array<i32>} : memref<2048xi32, #tpu.memory_space<vmem>>, vector<16xi32>,
      %parallel_loop3A_158 = vector.broadcast %parallel_loop3A_149 : i32 to vector<16xi32>
      %parallel_loop3A_159 = arith.addi %parallel_loop3A_157, %parallel_loop3A_158 : vector<16xi32>
      %parallel_loop3A_160 = arith.constant 0 : i32
      %parallel_loop3A_161 = vector.broadcast %parallel_loop3A_160 : i32 to vector<16xi32>
      %parallel_loop3A_162 = arith.addi %parallel_loop3A_159, %parallel_loop3A_161 : vector<16xi32>
      %parallel_loop3A_163 = tpu.vector_load_idx %arg15[%parallel_loop3A_162] : memref<33160xf32, #tpu.memory_space<vmem>>[vector<16xi32>], vector<16xf32>,
      %parallel_loop3A_164 = arith.constant 0 : i32
      %parallel_loop3A_165 = arith.addi %parallel_loop3A_149, %parallel_loop3A_164 : i32
      %parallel_loop3A_166 = arith.index_cast %parallel_loop3A_165 : i32 to index
      %parallel_loop3A_167 = arith.index_cast %parallel_loop3A_151 : i32 to index
      %parallel_loop3A_168 = tpu.vector_load %arg13[%parallel_loop3A_166, %parallel_loop3A_167] {strides = array<i32>} : memref<129x256xf32, #tpu.memory_space<vmem>>, vector<16xf32>,
      tpu.vector_store %arg13[%parallel_loop3A_166, %parallel_loop3A_167], %parallel_loop3A_163 {strides = array<i32>} : memref<129x256xf32, #tpu.memory_space<vmem>>, vector<16xf32>,
      %parallel_loop3A_169 = arith.constant 1 : i32
      %parallel_loop3A_170 = vector.broadcast %parallel_loop3A_169 : i32 to vector<16xi32>
      %parallel_loop3A_171 = arith.addi %parallel_loop3A_159, %parallel_loop3A_170 : vector<16xi32>
      %parallel_loop3A_172 = tpu.vector_load_idx %arg15[%parallel_loop3A_171] : memref<33160xf32, #tpu.memory_space<vmem>>[vector<16xi32>], vector<16xf32>,
      %parallel_loop3A_173 = arith.constant 1 : i32
      %parallel_loop3A_174 = arith.addi %parallel_loop3A_149, %parallel_loop3A_173 : i32
      %parallel_loop3A_175 = arith.index_cast %parallel_loop3A_174 : i32 to index
      %parallel_loop3A_176 = arith.index_cast %parallel_loop3A_151 : i32 to index
      %parallel_loop3A_177 = tpu.vector_load %arg13[%parallel_loop3A_175, %parallel_loop3A_176] {strides = array<i32>} : memref<129x256xf32, #tpu.memory_space<vmem>>, vector<16xf32>,
      tpu.vector_store %arg13[%parallel_loop3A_175, %parallel_loop3A_176], %parallel_loop3A_172 {strides = array<i32>} : memref<129x256xf32, #tpu.memory_space<vmem>>, vector<16xf32>,
      %parallel_loop3A_178 = arith.constant 2 : i32
      %parallel_loop3A_179 = vector.broadcast %parallel_loop3A_178 : i32 to vector<16xi32>
      %parallel_loop3A_180 = arith.addi %parallel_loop3A_159, %parallel_loop3A_179 : vector<16xi32>
      %parallel_loop3A_181 = tpu.vector_load_idx %arg15[%parallel_loop3A_180] : memref<33160xf32, #tpu.memory_space<vmem>>[vector<16xi32>], vector<16xf32>,
      %parallel_loop3A_182 = arith.constant 2 : i32
      %parallel_loop3A_183 = arith.addi %parallel_loop3A_149, %parallel_loop3A_182 : i32
      %parallel_loop3A_184 = arith.index_cast %parallel_loop3A_183 : i32 to index
      %parallel_loop3A_185 = arith.index_cast %parallel_loop3A_151 : i32 to index
      %parallel_loop3A_186 = tpu.vector_load %arg13[%parallel_loop3A_184, %parallel_loop3A_185] {strides = array<i32>} : memref<129x256xf32, #tpu.memory_space<vmem>>, vector<16xf32>,
      tpu.vector_store %arg13[%parallel_loop3A_184, %parallel_loop3A_185], %parallel_loop3A_181 {strides = array<i32>} : memref<129x256xf32, #tpu.memory_space<vmem>>, vector<16xf32>,
      %parallel_loop3A_187 = arith.constant 3 : i32
      %parallel_loop3A_188 = vector.broadcast %parallel_loop3A_187 : i32 to vector<16xi32>
      %parallel_loop3A_189 = arith.addi %parallel_loop3A_159, %parallel_loop3A_188 : vector<16xi32>
      %parallel_loop3A_190 = tpu.vector_load_idx %arg15[%parallel_loop3A_189] : memref<33160xf32, #tpu.memory_space<vmem>>[vector<16xi32>], vector<16xf32>,
      %parallel_loop3A_191 = arith.constant 3 : i32
      %parallel_loop3A_192 = arith.addi %parallel_loop3A_149, %parallel_loop3A_191 : i32
      %parallel_loop3A_193 = arith.index_cast %parallel_loop3A_192 : i32 to index
      %parallel_loop3A_194 = arith.index_cast %parallel_loop3A_151 : i32 to index
      %parallel_loop3A_195 = tpu.vector_load %arg13[%parallel_loop3A_193, %parallel_loop3A_194] {strides = array<i32>} : memref<129x256xf32, #tpu.memory_space<vmem>>, vector<16xf32>,
      tpu.vector_store %arg13[%parallel_loop3A_193, %parallel_loop3A_194], %parallel_loop3A_190 {strides = array<i32>} : memref<129x256xf32, #tpu.memory_space<vmem>>, vector<16xf32>,
      %parallel_loop3A_196 = arith.constant 4 : i32
      %parallel_loop3A_197 = vector.broadcast %parallel_loop3A_196 : i32 to vector<16xi32>
      %parallel_loop3A_198 = arith.addi %parallel_loop3A_159, %parallel_loop3A_197 : vector<16xi32>
      %parallel_loop3A_199 = tpu.vector_load_idx %arg15[%parallel_loop3A_198] : memref<33160xf32, #tpu.memory_space<vmem>>[vector<16xi32>], vector<16xf32>,
      %parallel_loop3A_200 = arith.constant 4 : i32
      %parallel_loop3A_201 = arith.addi %parallel_loop3A_149, %parallel_loop3A_200 : i32
      %parallel_loop3A_202 = arith.index_cast %parallel_loop3A_201 : i32 to index
      %parallel_loop3A_203 = arith.index_cast %parallel_loop3A_151 : i32 to index
      %parallel_loop3A_204 = tpu.vector_load %arg13[%parallel_loop3A_202, %parallel_loop3A_203] {strides = array<i32>} : memref<129x256xf32, #tpu.memory_space<vmem>>, vector<16xf32>,
      tpu.vector_store %arg13[%parallel_loop3A_202, %parallel_loop3A_203], %parallel_loop3A_199 {strides = array<i32>} : memref<129x256xf32, #tpu.memory_space<vmem>>, vector<16xf32>,
      %parallel_loop3A_205 = arith.constant 5 : i32
      %parallel_loop3A_206 = vector.broadcast %parallel_loop3A_205 : i32 to vector<16xi32>
      %parallel_loop3A_207 = arith.addi %parallel_loop3A_159, %parallel_loop3A_206 : vector<16xi32>
      %parallel_loop3A_208 = tpu.vector_load_idx %arg15[%parallel_loop3A_207] : memref<33160xf32, #tpu.memory_space<vmem>>[vector<16xi32>], vector<16xf32>,
      %parallel_loop3A_209 = arith.constant 5 : i32
      %parallel_loop3A_210 = arith.addi %parallel_loop3A_149, %parallel_loop3A_209 : i32
      %parallel_loop3A_211 = arith.index_cast %parallel_loop3A_210 : i32 to index
      %parallel_loop3A_212 = arith.index_cast %parallel_loop3A_151 : i32 to index
      %parallel_loop3A_213 = tpu.vector_load %arg13[%parallel_loop3A_211, %parallel_loop3A_212] {strides = array<i32>} : memref<129x256xf32, #tpu.memory_space<vmem>>, vector<16xf32>,
      tpu.vector_store %arg13[%parallel_loop3A_211, %parallel_loop3A_212], %parallel_loop3A_208 {strides = array<i32>} : memref<129x256xf32, #tpu.memory_space<vmem>>, vector<16xf32>,
      %parallel_loop3A_214 = arith.constant 6 : i32
      %parallel_loop3A_215 = vector.broadcast %parallel_loop3A_214 : i32 to vector<16xi32>
      %parallel_loop3A_216 = arith.addi %parallel_loop3A_159, %parallel_loop3A_215 : vector<16xi32>
      %parallel_loop3A_217 = tpu.vector_load_idx %arg15[%parallel_loop3A_216] : memref<33160xf32, #tpu.memory_space<vmem>>[vector<16xi32>], vector<16xf32>,
      %parallel_loop3A_218 = arith.constant 6 : i32
      %parallel_loop3A_219 = arith.addi %parallel_loop3A_149, %parallel_loop3A_218 : i32
      %parallel_loop3A_220 = arith.index_cast %parallel_loop3A_219 : i32 to index
      %parallel_loop3A_221 = arith.index_cast %parallel_loop3A_151 : i32 to index
      %parallel_loop3A_222 = tpu.vector_load %arg13[%parallel_loop3A_220, %parallel_loop3A_221] {strides = array<i32>} : memref<129x256xf32, #tpu.memory_space<vmem>>, vector<16xf32>,
      tpu.vector_store %arg13[%parallel_loop3A_220, %parallel_loop3A_221], %parallel_loop3A_217 {strides = array<i32>} : memref<129x256xf32, #tpu.memory_space<vmem>>, vector<16xf32>,
      %parallel_loop3A_223 = arith.constant 7 : i32
      %parallel_loop3A_224 = vector.broadcast %parallel_loop3A_223 : i32 to vector<16xi32>
      %parallel_loop3A_225 = arith.addi %parallel_loop3A_159, %parallel_loop3A_224 : vector<16xi32>
      %parallel_loop3A_226 = tpu.vector_load_idx %arg15[%parallel_loop3A_225] : memref<33160xf32, #tpu.memory_space<vmem>>[vector<16xi32>], vector<16xf32>,
      %parallel_loop3A_227 = arith.constant 7 : i32
      %parallel_loop3A_228 = arith.addi %parallel_loop3A_149, %parallel_loop3A_227 : i32
      %parallel_loop3A_229 = arith.index_cast %parallel_loop3A_228 : i32 to index
      %parallel_loop3A_230 = arith.index_cast %parallel_loop3A_151 : i32 to index
      %parallel_loop3A_231 = tpu.vector_load %arg13[%parallel_loop3A_229, %parallel_loop3A_230] {strides = array<i32>} : memref<129x256xf32, #tpu.memory_space<vmem>>, vector<16xf32>,
      tpu.vector_store %arg13[%parallel_loop3A_229, %parallel_loop3A_230], %parallel_loop3A_226 {strides = array<i32>} : memref<129x256xf32, #tpu.memory_space<vmem>>, vector<16xf32>,
    } {sc.loop_unroll_factor = 2 : i64, sc.parallel_access}
    %parallel_loop3A_78 = arith.constant 0 : i32
    %parallel_loop3A_79 = arith.constant 16 : i32
    %parallel_loop3A_80 = arith.constant 1 : i32
    scf.for %parallel_loop3A_143 = %parallel_loop3A_78 to %parallel_loop3A_79 step %parallel_loop3A_80  : i32 {
      %parallel_loop3A_144 = arith.constant 16 : i32
      %parallel_loop3A_145 = arith.muli %parallel_loop3A_143, %parallel_loop3A_144 : i32
      %parallel_loop3A_146 = arith.constant 16 : i32
      %parallel_loop3A_147 = arith.muli %parallel_loop3A_143, %parallel_loop3A_146 : i32
      %parallel_loop3A_148 = arith.constant 1024 : i32
      %parallel_loop3A_149 = arith.addi %parallel_loop3A_148, %parallel_loop3A_147 : i32
      %parallel_loop3A_150 = arith.index_cast %parallel_loop3A_149 : i32 to index
      %parallel_loop3A_151 = tpu.vector_load %arg10[%parallel_loop3A_150] {strides = array<i32>} : memref<2048xf32, #tpu.memory_space<vmem>>, vector<16xf32>,
      %parallel_loop3A_152 = arith.constant 128 : i32
      %parallel_loop3A_153 = arith.index_cast %parallel_loop3A_152 : i32 to index
      %parallel_loop3A_154 = arith.index_cast %parallel_loop3A_145 : i32 to index
      %parallel_loop3A_155 = tpu.vector_load %arg13[%parallel_loop3A_153, %parallel_loop3A_154] {strides = array<i32>} : memref<129x256xf32, #tpu.memory_space<vmem>>, vector<16xf32>,
      tpu.vector_store %arg13[%parallel_loop3A_153, %parallel_loop3A_154], %parallel_loop3A_151 {strides = array<i32>} : memref<129x256xf32, #tpu.memory_space<vmem>>, vector<16xf32>,
    } {sc.loop_unroll_factor = 1 : i64, sc.parallel_access}
    %add3A_81 = arith.constant 1024 : i32
    %add3A_82 = arith.addi %mul3A_2, %add3A_81 : i32
    %dma_start3A_83 = arith.constant 0 : i32
    %dma_start3A_84 = tpu.memref_slice %arg7[%dma_start3A_83, %add3A_82] : memref<129x65536xf32, #tpu.memory_space<hbm>> -> memref<129x256xf32, #tpu.memory_space<hbm>>
    %dma_start3A_85 = arith.constant 0 : i32
    %dma_start3A_86 = tpu.memref_slice %arg7[%dma_start3A_85, %add3A_82] : memref<129x65536xf32, #tpu.memory_space<hbm>> -> memref<129x256xf32, #tpu.memory_space<hbm>>
    tpu.enqueue_dma source(%arg13 : memref<129x256xf32, #tpu.memory_space<vmem>>) target(%dma_start3A_86 : memref<129x256xf32, #tpu.memory_space<hbm>>) target_semaphore(%arg18 : memref<!tpu.dma_semaphore, #tpu.memory_space<semaphore_mem>>)
    %dma_wait3A_87 = arith.constant 0 : i32
    %dma_wait3A_88 = tpu.memref_slice %arg7[%dma_wait3A_87, %add3A_66] : memref<129x65536xf32, #tpu.memory_space<hbm>> -> memref<129x256xf32, #tpu.memory_space<hbm>>
    %dma_wait3A_89 = arith.constant 0 : i32
    %dma_wait3A_90 = tpu.memref_slice %arg7[%dma_wait3A_89, %add3A_66] : memref<129x65536xf32, #tpu.memory_space<hbm>> -> memref<129x256xf32, #tpu.memory_space<hbm>>
    tpu.wait_dma2 semaphore(%arg18 : memref<!tpu.dma_semaphore, #tpu.memory_space<semaphore_mem>>) src(%arg14 : memref<129x256xf32, #tpu.memory_space<vmem>>) dst(%dma_wait3A_90 : memref<129x256xf32, #tpu.memory_space<hbm>>)
    %parallel_loop3A_91 = arith.constant 0 : i32
    %parallel_loop3A_92 = arith.constant 256 : i32
    %parallel_loop3A_93 = arith.constant 1 : i32
    scf.for %parallel_loop3A_143 = %parallel_loop3A_91 to %parallel_loop3A_92 step %parallel_loop3A_93  : i32 {
      %parallel_loop3A_144 = arith.constant 4 : i32
      %parallel_loop3A_145 = arith.shrsi %parallel_loop3A_143, %parallel_loop3A_144 : i32
      %parallel_loop3A_146 = arith.constant 15 : i32
      %parallel_loop3A_147 = arith.andi %parallel_loop3A_143, %parallel_loop3A_146 : i32
      %parallel_loop3A_148 = arith.constant 8 : i32
      %parallel_loop3A_149 = arith.muli %parallel_loop3A_147, %parallel_loop3A_148 : i32
      %parallel_loop3A_150 = arith.constant 16 : i32
      %parallel_loop3A_151 = arith.muli %parallel_loop3A_145, %parallel_loop3A_150 : i32
      %parallel_loop3A_152 = arith.constant 16 : i32
      %parallel_loop3A_153 = arith.muli %parallel_loop3A_145, %parallel_loop3A_152 : i32
      %parallel_loop3A_154 = arith.constant 1280 : i32
      %parallel_loop3A_155 = arith.addi %parallel_loop3A_154, %parallel_loop3A_153 : i32
      %parallel_loop3A_156 = arith.index_cast %parallel_loop3A_155 : i32 to index
      %parallel_loop3A_157 = tpu.vector_load %arg12[%parallel_loop3A_156] {strides = array<i32>} : memref<2048xi32, #tpu.memory_space<vmem>>, vector<16xi32>,
      %parallel_loop3A_158 = vector.broadcast %parallel_loop3A_149 : i32 to vector<16xi32>
      %parallel_loop3A_159 = arith.addi %parallel_loop3A_157, %parallel_loop3A_158 : vector<16xi32>
      %parallel_loop3A_160 = arith.constant 0 : i32
      %parallel_loop3A_161 = vector.broadcast %parallel_loop3A_160 : i32 to vector<16xi32>
      %parallel_loop3A_162 = arith.addi %parallel_loop3A_159, %parallel_loop3A_161 : vector<16xi32>
      %parallel_loop3A_163 = tpu.vector_load_idx %arg15[%parallel_loop3A_162] : memref<33160xf32, #tpu.memory_space<vmem>>[vector<16xi32>], vector<16xf32>,
      %parallel_loop3A_164 = arith.constant 0 : i32
      %parallel_loop3A_165 = arith.addi %parallel_loop3A_149, %parallel_loop3A_164 : i32
      %parallel_loop3A_166 = arith.index_cast %parallel_loop3A_165 : i32 to index
      %parallel_loop3A_167 = arith.index_cast %parallel_loop3A_151 : i32 to index
      %parallel_loop3A_168 = tpu.vector_load %arg14[%parallel_loop3A_166, %parallel_loop3A_167] {strides = array<i32>} : memref<129x256xf32, #tpu.memory_space<vmem>>, vector<16xf32>,
      tpu.vector_store %arg14[%parallel_loop3A_166, %parallel_loop3A_167], %parallel_loop3A_163 {strides = array<i32>} : memref<129x256xf32, #tpu.memory_space<vmem>>, vector<16xf32>,
      %parallel_loop3A_169 = arith.constant 1 : i32
      %parallel_loop3A_170 = vector.broadcast %parallel_loop3A_169 : i32 to vector<16xi32>
      %parallel_loop3A_171 = arith.addi %parallel_loop3A_159, %parallel_loop3A_170 : vector<16xi32>
      %parallel_loop3A_172 = tpu.vector_load_idx %arg15[%parallel_loop3A_171] : memref<33160xf32, #tpu.memory_space<vmem>>[vector<16xi32>], vector<16xf32>,
      %parallel_loop3A_173 = arith.constant 1 : i32
      %parallel_loop3A_174 = arith.addi %parallel_loop3A_149, %parallel_loop3A_173 : i32
      %parallel_loop3A_175 = arith.index_cast %parallel_loop3A_174 : i32 to index
      %parallel_loop3A_176 = arith.index_cast %parallel_loop3A_151 : i32 to index
      %parallel_loop3A_177 = tpu.vector_load %arg14[%parallel_loop3A_175, %parallel_loop3A_176] {strides = array<i32>} : memref<129x256xf32, #tpu.memory_space<vmem>>, vector<16xf32>,
      tpu.vector_store %arg14[%parallel_loop3A_175, %parallel_loop3A_176], %parallel_loop3A_172 {strides = array<i32>} : memref<129x256xf32, #tpu.memory_space<vmem>>, vector<16xf32>,
      %parallel_loop3A_178 = arith.constant 2 : i32
      %parallel_loop3A_179 = vector.broadcast %parallel_loop3A_178 : i32 to vector<16xi32>
      %parallel_loop3A_180 = arith.addi %parallel_loop3A_159, %parallel_loop3A_179 : vector<16xi32>
      %parallel_loop3A_181 = tpu.vector_load_idx %arg15[%parallel_loop3A_180] : memref<33160xf32, #tpu.memory_space<vmem>>[vector<16xi32>], vector<16xf32>,
      %parallel_loop3A_182 = arith.constant 2 : i32
      %parallel_loop3A_183 = arith.addi %parallel_loop3A_149, %parallel_loop3A_182 : i32
      %parallel_loop3A_184 = arith.index_cast %parallel_loop3A_183 : i32 to index
      %parallel_loop3A_185 = arith.index_cast %parallel_loop3A_151 : i32 to index
      %parallel_loop3A_186 = tpu.vector_load %arg14[%parallel_loop3A_184, %parallel_loop3A_185] {strides = array<i32>} : memref<129x256xf32, #tpu.memory_space<vmem>>, vector<16xf32>,
      tpu.vector_store %arg14[%parallel_loop3A_184, %parallel_loop3A_185], %parallel_loop3A_181 {strides = array<i32>} : memref<129x256xf32, #tpu.memory_space<vmem>>, vector<16xf32>,
      %parallel_loop3A_187 = arith.constant 3 : i32
      %parallel_loop3A_188 = vector.broadcast %parallel_loop3A_187 : i32 to vector<16xi32>
      %parallel_loop3A_189 = arith.addi %parallel_loop3A_159, %parallel_loop3A_188 : vector<16xi32>
      %parallel_loop3A_190 = tpu.vector_load_idx %arg15[%parallel_loop3A_189] : memref<33160xf32, #tpu.memory_space<vmem>>[vector<16xi32>], vector<16xf32>,
      %parallel_loop3A_191 = arith.constant 3 : i32
      %parallel_loop3A_192 = arith.addi %parallel_loop3A_149, %parallel_loop3A_191 : i32
      %parallel_loop3A_193 = arith.index_cast %parallel_loop3A_192 : i32 to index
      %parallel_loop3A_194 = arith.index_cast %parallel_loop3A_151 : i32 to index
      %parallel_loop3A_195 = tpu.vector_load %arg14[%parallel_loop3A_193, %parallel_loop3A_194] {strides = array<i32>} : memref<129x256xf32, #tpu.memory_space<vmem>>, vector<16xf32>,
      tpu.vector_store %arg14[%parallel_loop3A_193, %parallel_loop3A_194], %parallel_loop3A_190 {strides = array<i32>} : memref<129x256xf32, #tpu.memory_space<vmem>>, vector<16xf32>,
      %parallel_loop3A_196 = arith.constant 4 : i32
      %parallel_loop3A_197 = vector.broadcast %parallel_loop3A_196 : i32 to vector<16xi32>
      %parallel_loop3A_198 = arith.addi %parallel_loop3A_159, %parallel_loop3A_197 : vector<16xi32>
      %parallel_loop3A_199 = tpu.vector_load_idx %arg15[%parallel_loop3A_198] : memref<33160xf32, #tpu.memory_space<vmem>>[vector<16xi32>], vector<16xf32>,
      %parallel_loop3A_200 = arith.constant 4 : i32
      %parallel_loop3A_201 = arith.addi %parallel_loop3A_149, %parallel_loop3A_200 : i32
      %parallel_loop3A_202 = arith.index_cast %parallel_loop3A_201 : i32 to index
      %parallel_loop3A_203 = arith.index_cast %parallel_loop3A_151 : i32 to index
      %parallel_loop3A_204 = tpu.vector_load %arg14[%parallel_loop3A_202, %parallel_loop3A_203] {strides = array<i32>} : memref<129x256xf32, #tpu.memory_space<vmem>>, vector<16xf32>,
      tpu.vector_store %arg14[%parallel_loop3A_202, %parallel_loop3A_203], %parallel_loop3A_199 {strides = array<i32>} : memref<129x256xf32, #tpu.memory_space<vmem>>, vector<16xf32>,
      %parallel_loop3A_205 = arith.constant 5 : i32
      %parallel_loop3A_206 = vector.broadcast %parallel_loop3A_205 : i32 to vector<16xi32>
      %parallel_loop3A_207 = arith.addi %parallel_loop3A_159, %parallel_loop3A_206 : vector<16xi32>
      %parallel_loop3A_208 = tpu.vector_load_idx %arg15[%parallel_loop3A_207] : memref<33160xf32, #tpu.memory_space<vmem>>[vector<16xi32>], vector<16xf32>,
      %parallel_loop3A_209 = arith.constant 5 : i32
      %parallel_loop3A_210 = arith.addi %parallel_loop3A_149, %parallel_loop3A_209 : i32
      %parallel_loop3A_211 = arith.index_cast %parallel_loop3A_210 : i32 to index
      %parallel_loop3A_212 = arith.index_cast %parallel_loop3A_151 : i32 to index
      %parallel_loop3A_213 = tpu.vector_load %arg14[%parallel_loop3A_211, %parallel_loop3A_212] {strides = array<i32>} : memref<129x256xf32, #tpu.memory_space<vmem>>, vector<16xf32>,
      tpu.vector_store %arg14[%parallel_loop3A_211, %parallel_loop3A_212], %parallel_loop3A_208 {strides = array<i32>} : memref<129x256xf32, #tpu.memory_space<vmem>>, vector<16xf32>,
      %parallel_loop3A_214 = arith.constant 6 : i32
      %parallel_loop3A_215 = vector.broadcast %parallel_loop3A_214 : i32 to vector<16xi32>
      %parallel_loop3A_216 = arith.addi %parallel_loop3A_159, %parallel_loop3A_215 : vector<16xi32>
      %parallel_loop3A_217 = tpu.vector_load_idx %arg15[%parallel_loop3A_216] : memref<33160xf32, #tpu.memory_space<vmem>>[vector<16xi32>], vector<16xf32>,
      %parallel_loop3A_218 = arith.constant 6 : i32
      %parallel_loop3A_219 = arith.addi %parallel_loop3A_149, %parallel_loop3A_218 : i32
      %parallel_loop3A_220 = arith.index_cast %parallel_loop3A_219 : i32 to index
      %parallel_loop3A_221 = arith.index_cast %parallel_loop3A_151 : i32 to index
      %parallel_loop3A_222 = tpu.vector_load %arg14[%parallel_loop3A_220, %parallel_loop3A_221] {strides = array<i32>} : memref<129x256xf32, #tpu.memory_space<vmem>>, vector<16xf32>,
      tpu.vector_store %arg14[%parallel_loop3A_220, %parallel_loop3A_221], %parallel_loop3A_217 {strides = array<i32>} : memref<129x256xf32, #tpu.memory_space<vmem>>, vector<16xf32>,
      %parallel_loop3A_223 = arith.constant 7 : i32
      %parallel_loop3A_224 = vector.broadcast %parallel_loop3A_223 : i32 to vector<16xi32>
      %parallel_loop3A_225 = arith.addi %parallel_loop3A_159, %parallel_loop3A_224 : vector<16xi32>
      %parallel_loop3A_226 = tpu.vector_load_idx %arg15[%parallel_loop3A_225] : memref<33160xf32, #tpu.memory_space<vmem>>[vector<16xi32>], vector<16xf32>,
      %parallel_loop3A_227 = arith.constant 7 : i32
      %parallel_loop3A_228 = arith.addi %parallel_loop3A_149, %parallel_loop3A_227 : i32
      %parallel_loop3A_229 = arith.index_cast %parallel_loop3A_228 : i32 to index
      %parallel_loop3A_230 = arith.index_cast %parallel_loop3A_151 : i32 to index
      %parallel_loop3A_231 = tpu.vector_load %arg14[%parallel_loop3A_229, %parallel_loop3A_230] {strides = array<i32>} : memref<129x256xf32, #tpu.memory_space<vmem>>, vector<16xf32>,
      tpu.vector_store %arg14[%parallel_loop3A_229, %parallel_loop3A_230], %parallel_loop3A_226 {strides = array<i32>} : memref<129x256xf32, #tpu.memory_space<vmem>>, vector<16xf32>,
    } {sc.loop_unroll_factor = 2 : i64, sc.parallel_access}
    %parallel_loop3A_94 = arith.constant 0 : i32
    %parallel_loop3A_95 = arith.constant 16 : i32
    %parallel_loop3A_96 = arith.constant 1 : i32
    scf.for %parallel_loop3A_143 = %parallel_loop3A_94 to %parallel_loop3A_95 step %parallel_loop3A_96  : i32 {
      %parallel_loop3A_144 = arith.constant 16 : i32
      %parallel_loop3A_145 = arith.muli %parallel_loop3A_143, %parallel_loop3A_144 : i32
      %parallel_loop3A_146 = arith.constant 16 : i32
      %parallel_loop3A_147 = arith.muli %parallel_loop3A_143, %parallel_loop3A_146 : i32
      %parallel_loop3A_148 = arith.constant 1280 : i32
      %parallel_loop3A_149 = arith.addi %parallel_loop3A_148, %parallel_loop3A_147 : i32
      %parallel_loop3A_150 = arith.index_cast %parallel_loop3A_149 : i32 to index
      %parallel_loop3A_151 = tpu.vector_load %arg10[%parallel_loop3A_150] {strides = array<i32>} : memref<2048xf32, #tpu.memory_space<vmem>>, vector<16xf32>,
      %parallel_loop3A_152 = arith.constant 128 : i32
      %parallel_loop3A_153 = arith.index_cast %parallel_loop3A_152 : i32 to index
      %parallel_loop3A_154 = arith.index_cast %parallel_loop3A_145 : i32 to index
      %parallel_loop3A_155 = tpu.vector_load %arg14[%parallel_loop3A_153, %parallel_loop3A_154] {strides = array<i32>} : memref<129x256xf32, #tpu.memory_space<vmem>>, vector<16xf32>,
      tpu.vector_store %arg14[%parallel_loop3A_153, %parallel_loop3A_154], %parallel_loop3A_151 {strides = array<i32>} : memref<129x256xf32, #tpu.memory_space<vmem>>, vector<16xf32>,
    } {sc.loop_unroll_factor = 1 : i64, sc.parallel_access}
    %add3A_97 = arith.constant 1280 : i32
    %add3A_98 = arith.addi %mul3A_2, %add3A_97 : i32
    %dma_start3A_99 = arith.constant 0 : i32
    %dma_start3A_100 = tpu.memref_slice %arg7[%dma_start3A_99, %add3A_98] : memref<129x65536xf32, #tpu.memory_space<hbm>> -> memref<129x256xf32, #tpu.memory_space<hbm>>
    %dma_start3A_101 = arith.constant 0 : i32
    %dma_start3A_102 = tpu.memref_slice %arg7[%dma_start3A_101, %add3A_98] : memref<129x65536xf32, #tpu.memory_space<hbm>> -> memref<129x256xf32, #tpu.memory_space<hbm>>
    tpu.enqueue_dma source(%arg14 : memref<129x256xf32, #tpu.memory_space<vmem>>) target(%dma_start3A_102 : memref<129x256xf32, #tpu.memory_space<hbm>>) target_semaphore(%arg18 : memref<!tpu.dma_semaphore, #tpu.memory_space<semaphore_mem>>)
    %dma_wait3A_103 = arith.constant 0 : i32
    %dma_wait3A_104 = tpu.memref_slice %arg7[%dma_wait3A_103, %add3A_82] : memref<129x65536xf32, #tpu.memory_space<hbm>> -> memref<129x256xf32, #tpu.memory_space<hbm>>
    %dma_wait3A_105 = arith.constant 0 : i32
    %dma_wait3A_106 = tpu.memref_slice %arg7[%dma_wait3A_105, %add3A_82] : memref<129x65536xf32, #tpu.memory_space<hbm>> -> memref<129x256xf32, #tpu.memory_space<hbm>>
    tpu.wait_dma2 semaphore(%arg18 : memref<!tpu.dma_semaphore, #tpu.memory_space<semaphore_mem>>) src(%arg13 : memref<129x256xf32, #tpu.memory_space<vmem>>) dst(%dma_wait3A_106 : memref<129x256xf32, #tpu.memory_space<hbm>>)
    %parallel_loop3A_107 = arith.constant 0 : i32
    %parallel_loop3A_108 = arith.constant 256 : i32
    %parallel_loop3A_109 = arith.constant 1 : i32
    scf.for %parallel_loop3A_143 = %parallel_loop3A_107 to %parallel_loop3A_108 step %parallel_loop3A_109  : i32 {
      %parallel_loop3A_144 = arith.constant 4 : i32
      %parallel_loop3A_145 = arith.shrsi %parallel_loop3A_143, %parallel_loop3A_144 : i32
      %parallel_loop3A_146 = arith.constant 15 : i32
      %parallel_loop3A_147 = arith.andi %parallel_loop3A_143, %parallel_loop3A_146 : i32
      %parallel_loop3A_148 = arith.constant 8 : i32
      %parallel_loop3A_149 = arith.muli %parallel_loop3A_147, %parallel_loop3A_148 : i32
      %parallel_loop3A_150 = arith.constant 16 : i32
      %parallel_loop3A_151 = arith.muli %parallel_loop3A_145, %parallel_loop3A_150 : i32
      %parallel_loop3A_152 = arith.constant 16 : i32
      %parallel_loop3A_153 = arith.muli %parallel_loop3A_145, %parallel_loop3A_152 : i32
      %parallel_loop3A_154 = arith.constant 1536 : i32
      %parallel_loop3A_155 = arith.addi %parallel_loop3A_154, %parallel_loop3A_153 : i32
      %parallel_loop3A_156 = arith.index_cast %parallel_loop3A_155 : i32 to index
      %parallel_loop3A_157 = tpu.vector_load %arg12[%parallel_loop3A_156] {strides = array<i32>} : memref<2048xi32, #tpu.memory_space<vmem>>, vector<16xi32>,
      %parallel_loop3A_158 = vector.broadcast %parallel_loop3A_149 : i32 to vector<16xi32>
      %parallel_loop3A_159 = arith.addi %parallel_loop3A_157, %parallel_loop3A_158 : vector<16xi32>
      %parallel_loop3A_160 = arith.constant 0 : i32
      %parallel_loop3A_161 = vector.broadcast %parallel_loop3A_160 : i32 to vector<16xi32>
      %parallel_loop3A_162 = arith.addi %parallel_loop3A_159, %parallel_loop3A_161 : vector<16xi32>
      %parallel_loop3A_163 = tpu.vector_load_idx %arg15[%parallel_loop3A_162] : memref<33160xf32, #tpu.memory_space<vmem>>[vector<16xi32>], vector<16xf32>,
      %parallel_loop3A_164 = arith.constant 0 : i32
      %parallel_loop3A_165 = arith.addi %parallel_loop3A_149, %parallel_loop3A_164 : i32
      %parallel_loop3A_166 = arith.index_cast %parallel_loop3A_165 : i32 to index
      %parallel_loop3A_167 = arith.index_cast %parallel_loop3A_151 : i32 to index
      %parallel_loop3A_168 = tpu.vector_load %arg13[%parallel_loop3A_166, %parallel_loop3A_167] {strides = array<i32>} : memref<129x256xf32, #tpu.memory_space<vmem>>, vector<16xf32>,
      tpu.vector_store %arg13[%parallel_loop3A_166, %parallel_loop3A_167], %parallel_loop3A_163 {strides = array<i32>} : memref<129x256xf32, #tpu.memory_space<vmem>>, vector<16xf32>,
      %parallel_loop3A_169 = arith.constant 1 : i32
      %parallel_loop3A_170 = vector.broadcast %parallel_loop3A_169 : i32 to vector<16xi32>
      %parallel_loop3A_171 = arith.addi %parallel_loop3A_159, %parallel_loop3A_170 : vector<16xi32>
      %parallel_loop3A_172 = tpu.vector_load_idx %arg15[%parallel_loop3A_171] : memref<33160xf32, #tpu.memory_space<vmem>>[vector<16xi32>], vector<16xf32>,
      %parallel_loop3A_173 = arith.constant 1 : i32
      %parallel_loop3A_174 = arith.addi %parallel_loop3A_149, %parallel_loop3A_173 : i32
      %parallel_loop3A_175 = arith.index_cast %parallel_loop3A_174 : i32 to index
      %parallel_loop3A_176 = arith.index_cast %parallel_loop3A_151 : i32 to index
      %parallel_loop3A_177 = tpu.vector_load %arg13[%parallel_loop3A_175, %parallel_loop3A_176] {strides = array<i32>} : memref<129x256xf32, #tpu.memory_space<vmem>>, vector<16xf32>,
      tpu.vector_store %arg13[%parallel_loop3A_175, %parallel_loop3A_176], %parallel_loop3A_172 {strides = array<i32>} : memref<129x256xf32, #tpu.memory_space<vmem>>, vector<16xf32>,
      %parallel_loop3A_178 = arith.constant 2 : i32
      %parallel_loop3A_179 = vector.broadcast %parallel_loop3A_178 : i32 to vector<16xi32>
      %parallel_loop3A_180 = arith.addi %parallel_loop3A_159, %parallel_loop3A_179 : vector<16xi32>
      %parallel_loop3A_181 = tpu.vector_load_idx %arg15[%parallel_loop3A_180] : memref<33160xf32, #tpu.memory_space<vmem>>[vector<16xi32>], vector<16xf32>,
      %parallel_loop3A_182 = arith.constant 2 : i32
      %parallel_loop3A_183 = arith.addi %parallel_loop3A_149, %parallel_loop3A_182 : i32
      %parallel_loop3A_184 = arith.index_cast %parallel_loop3A_183 : i32 to index
      %parallel_loop3A_185 = arith.index_cast %parallel_loop3A_151 : i32 to index
      %parallel_loop3A_186 = tpu.vector_load %arg13[%parallel_loop3A_184, %parallel_loop3A_185] {strides = array<i32>} : memref<129x256xf32, #tpu.memory_space<vmem>>, vector<16xf32>,
      tpu.vector_store %arg13[%parallel_loop3A_184, %parallel_loop3A_185], %parallel_loop3A_181 {strides = array<i32>} : memref<129x256xf32, #tpu.memory_space<vmem>>, vector<16xf32>,
      %parallel_loop3A_187 = arith.constant 3 : i32
      %parallel_loop3A_188 = vector.broadcast %parallel_loop3A_187 : i32 to vector<16xi32>
      %parallel_loop3A_189 = arith.addi %parallel_loop3A_159, %parallel_loop3A_188 : vector<16xi32>
      %parallel_loop3A_190 = tpu.vector_load_idx %arg15[%parallel_loop3A_189] : memref<33160xf32, #tpu.memory_space<vmem>>[vector<16xi32>], vector<16xf32>,
      %parallel_loop3A_191 = arith.constant 3 : i32
      %parallel_loop3A_192 = arith.addi %parallel_loop3A_149, %parallel_loop3A_191 : i32
      %parallel_loop3A_193 = arith.index_cast %parallel_loop3A_192 : i32 to index
      %parallel_loop3A_194 = arith.index_cast %parallel_loop3A_151 : i32 to index
      %parallel_loop3A_195 = tpu.vector_load %arg13[%parallel_loop3A_193, %parallel_loop3A_194] {strides = array<i32>} : memref<129x256xf32, #tpu.memory_space<vmem>>, vector<16xf32>,
      tpu.vector_store %arg13[%parallel_loop3A_193, %parallel_loop3A_194], %parallel_loop3A_190 {strides = array<i32>} : memref<129x256xf32, #tpu.memory_space<vmem>>, vector<16xf32>,
      %parallel_loop3A_196 = arith.constant 4 : i32
      %parallel_loop3A_197 = vector.broadcast %parallel_loop3A_196 : i32 to vector<16xi32>
      %parallel_loop3A_198 = arith.addi %parallel_loop3A_159, %parallel_loop3A_197 : vector<16xi32>
      %parallel_loop3A_199 = tpu.vector_load_idx %arg15[%parallel_loop3A_198] : memref<33160xf32, #tpu.memory_space<vmem>>[vector<16xi32>], vector<16xf32>,
      %parallel_loop3A_200 = arith.constant 4 : i32
      %parallel_loop3A_201 = arith.addi %parallel_loop3A_149, %parallel_loop3A_200 : i32
      %parallel_loop3A_202 = arith.index_cast %parallel_loop3A_201 : i32 to index
      %parallel_loop3A_203 = arith.index_cast %parallel_loop3A_151 : i32 to index
      %parallel_loop3A_204 = tpu.vector_load %arg13[%parallel_loop3A_202, %parallel_loop3A_203] {strides = array<i32>} : memref<129x256xf32, #tpu.memory_space<vmem>>, vector<16xf32>,
      tpu.vector_store %arg13[%parallel_loop3A_202, %parallel_loop3A_203], %parallel_loop3A_199 {strides = array<i32>} : memref<129x256xf32, #tpu.memory_space<vmem>>, vector<16xf32>,
      %parallel_loop3A_205 = arith.constant 5 : i32
      %parallel_loop3A_206 = vector.broadcast %parallel_loop3A_205 : i32 to vector<16xi32>
      %parallel_loop3A_207 = arith.addi %parallel_loop3A_159, %parallel_loop3A_206 : vector<16xi32>
      %parallel_loop3A_208 = tpu.vector_load_idx %arg15[%parallel_loop3A_207] : memref<33160xf32, #tpu.memory_space<vmem>>[vector<16xi32>], vector<16xf32>,
      %parallel_loop3A_209 = arith.constant 5 : i32
      %parallel_loop3A_210 = arith.addi %parallel_loop3A_149, %parallel_loop3A_209 : i32
      %parallel_loop3A_211 = arith.index_cast %parallel_loop3A_210 : i32 to index
      %parallel_loop3A_212 = arith.index_cast %parallel_loop3A_151 : i32 to index
      %parallel_loop3A_213 = tpu.vector_load %arg13[%parallel_loop3A_211, %parallel_loop3A_212] {strides = array<i32>} : memref<129x256xf32, #tpu.memory_space<vmem>>, vector<16xf32>,
      tpu.vector_store %arg13[%parallel_loop3A_211, %parallel_loop3A_212], %parallel_loop3A_208 {strides = array<i32>} : memref<129x256xf32, #tpu.memory_space<vmem>>, vector<16xf32>,
      %parallel_loop3A_214 = arith.constant 6 : i32
      %parallel_loop3A_215 = vector.broadcast %parallel_loop3A_214 : i32 to vector<16xi32>
      %parallel_loop3A_216 = arith.addi %parallel_loop3A_159, %parallel_loop3A_215 : vector<16xi32>
      %parallel_loop3A_217 = tpu.vector_load_idx %arg15[%parallel_loop3A_216] : memref<33160xf32, #tpu.memory_space<vmem>>[vector<16xi32>], vector<16xf32>,
      %parallel_loop3A_218 = arith.constant 6 : i32
      %parallel_loop3A_219 = arith.addi %parallel_loop3A_149, %parallel_loop3A_218 : i32
      %parallel_loop3A_220 = arith.index_cast %parallel_loop3A_219 : i32 to index
      %parallel_loop3A_221 = arith.index_cast %parallel_loop3A_151 : i32 to index
      %parallel_loop3A_222 = tpu.vector_load %arg13[%parallel_loop3A_220, %parallel_loop3A_221] {strides = array<i32>} : memref<129x256xf32, #tpu.memory_space<vmem>>, vector<16xf32>,
      tpu.vector_store %arg13[%parallel_loop3A_220, %parallel_loop3A_221], %parallel_loop3A_217 {strides = array<i32>} : memref<129x256xf32, #tpu.memory_space<vmem>>, vector<16xf32>,
      %parallel_loop3A_223 = arith.constant 7 : i32
      %parallel_loop3A_224 = vector.broadcast %parallel_loop3A_223 : i32 to vector<16xi32>
      %parallel_loop3A_225 = arith.addi %parallel_loop3A_159, %parallel_loop3A_224 : vector<16xi32>
      %parallel_loop3A_226 = tpu.vector_load_idx %arg15[%parallel_loop3A_225] : memref<33160xf32, #tpu.memory_space<vmem>>[vector<16xi32>], vector<16xf32>,
      %parallel_loop3A_227 = arith.constant 7 : i32
      %parallel_loop3A_228 = arith.addi %parallel_loop3A_149, %parallel_loop3A_227 : i32
      %parallel_loop3A_229 = arith.index_cast %parallel_loop3A_228 : i32 to index
      %parallel_loop3A_230 = arith.index_cast %parallel_loop3A_151 : i32 to index
      %parallel_loop3A_231 = tpu.vector_load %arg13[%parallel_loop3A_229, %parallel_loop3A_230] {strides = array<i32>} : memref<129x256xf32, #tpu.memory_space<vmem>>, vector<16xf32>,
      tpu.vector_store %arg13[%parallel_loop3A_229, %parallel_loop3A_230], %parallel_loop3A_226 {strides = array<i32>} : memref<129x256xf32, #tpu.memory_space<vmem>>, vector<16xf32>,
    } {sc.loop_unroll_factor = 2 : i64, sc.parallel_access}
    %parallel_loop3A_110 = arith.constant 0 : i32
    %parallel_loop3A_111 = arith.constant 16 : i32
    %parallel_loop3A_112 = arith.constant 1 : i32
    scf.for %parallel_loop3A_143 = %parallel_loop3A_110 to %parallel_loop3A_111 step %parallel_loop3A_112  : i32 {
      %parallel_loop3A_144 = arith.constant 16 : i32
      %parallel_loop3A_145 = arith.muli %parallel_loop3A_143, %parallel_loop3A_144 : i32
      %parallel_loop3A_146 = arith.constant 16 : i32
      %parallel_loop3A_147 = arith.muli %parallel_loop3A_143, %parallel_loop3A_146 : i32
      %parallel_loop3A_148 = arith.constant 1536 : i32
      %parallel_loop3A_149 = arith.addi %parallel_loop3A_148, %parallel_loop3A_147 : i32
      %parallel_loop3A_150 = arith.index_cast %parallel_loop3A_149 : i32 to index
      %parallel_loop3A_151 = tpu.vector_load %arg10[%parallel_loop3A_150] {strides = array<i32>} : memref<2048xf32, #tpu.memory_space<vmem>>, vector<16xf32>,
      %parallel_loop3A_152 = arith.constant 128 : i32
      %parallel_loop3A_153 = arith.index_cast %parallel_loop3A_152 : i32 to index
      %parallel_loop3A_154 = arith.index_cast %parallel_loop3A_145 : i32 to index
      %parallel_loop3A_155 = tpu.vector_load %arg13[%parallel_loop3A_153, %parallel_loop3A_154] {strides = array<i32>} : memref<129x256xf32, #tpu.memory_space<vmem>>, vector<16xf32>,
      tpu.vector_store %arg13[%parallel_loop3A_153, %parallel_loop3A_154], %parallel_loop3A_151 {strides = array<i32>} : memref<129x256xf32, #tpu.memory_space<vmem>>, vector<16xf32>,
    } {sc.loop_unroll_factor = 1 : i64, sc.parallel_access}
    %add3A_113 = arith.constant 1536 : i32
    %add3A_114 = arith.addi %mul3A_2, %add3A_113 : i32
    %dma_start3A_115 = arith.constant 0 : i32
    %dma_start3A_116 = tpu.memref_slice %arg7[%dma_start3A_115, %add3A_114] : memref<129x65536xf32, #tpu.memory_space<hbm>> -> memref<129x256xf32, #tpu.memory_space<hbm>>
    %dma_start3A_117 = arith.constant 0 : i32
    %dma_start3A_118 = tpu.memref_slice %arg7[%dma_start3A_117, %add3A_114] : memref<129x65536xf32, #tpu.memory_space<hbm>> -> memref<129x256xf32, #tpu.memory_space<hbm>>
    tpu.enqueue_dma source(%arg13 : memref<129x256xf32, #tpu.memory_space<vmem>>) target(%dma_start3A_118 : memref<129x256xf32, #tpu.memory_space<hbm>>) target_semaphore(%arg18 : memref<!tpu.dma_semaphore, #tpu.memory_space<semaphore_mem>>)
    %dma_wait3A_119 = arith.constant 0 : i32
    %dma_wait3A_120 = tpu.memref_slice %arg7[%dma_wait3A_119, %add3A_98] : memref<129x65536xf32, #tpu.memory_space<hbm>> -> memref<129x256xf32, #tpu.memory_space<hbm>>
    %dma_wait3A_121 = arith.constant 0 : i32
    %dma_wait3A_122 = tpu.memref_slice %arg7[%dma_wait3A_121, %add3A_98] : memref<129x65536xf32, #tpu.memory_space<hbm>> -> memref<129x256xf32, #tpu.memory_space<hbm>>
    tpu.wait_dma2 semaphore(%arg18 : memref<!tpu.dma_semaphore, #tpu.memory_space<semaphore_mem>>) src(%arg14 : memref<129x256xf32, #tpu.memory_space<vmem>>) dst(%dma_wait3A_122 : memref<129x256xf32, #tpu.memory_space<hbm>>)
    %parallel_loop3A_123 = arith.constant 0 : i32
    %parallel_loop3A_124 = arith.constant 256 : i32
    %parallel_loop3A_125 = arith.constant 1 : i32
    scf.for %parallel_loop3A_143 = %parallel_loop3A_123 to %parallel_loop3A_124 step %parallel_loop3A_125  : i32 {
      %parallel_loop3A_144 = arith.constant 4 : i32
      %parallel_loop3A_145 = arith.shrsi %parallel_loop3A_143, %parallel_loop3A_144 : i32
      %parallel_loop3A_146 = arith.constant 15 : i32
      %parallel_loop3A_147 = arith.andi %parallel_loop3A_143, %parallel_loop3A_146 : i32
      %parallel_loop3A_148 = arith.constant 8 : i32
      %parallel_loop3A_149 = arith.muli %parallel_loop3A_147, %parallel_loop3A_148 : i32
      %parallel_loop3A_150 = arith.constant 16 : i32
      %parallel_loop3A_151 = arith.muli %parallel_loop3A_145, %parallel_loop3A_150 : i32
      %parallel_loop3A_152 = arith.constant 16 : i32
      %parallel_loop3A_153 = arith.muli %parallel_loop3A_145, %parallel_loop3A_152 : i32
      %parallel_loop3A_154 = arith.constant 1792 : i32
      %parallel_loop3A_155 = arith.addi %parallel_loop3A_154, %parallel_loop3A_153 : i32
      %parallel_loop3A_156 = arith.index_cast %parallel_loop3A_155 : i32 to index
      %parallel_loop3A_157 = tpu.vector_load %arg12[%parallel_loop3A_156] {strides = array<i32>} : memref<2048xi32, #tpu.memory_space<vmem>>, vector<16xi32>,
      %parallel_loop3A_158 = vector.broadcast %parallel_loop3A_149 : i32 to vector<16xi32>
      %parallel_loop3A_159 = arith.addi %parallel_loop3A_157, %parallel_loop3A_158 : vector<16xi32>
      %parallel_loop3A_160 = arith.constant 0 : i32
      %parallel_loop3A_161 = vector.broadcast %parallel_loop3A_160 : i32 to vector<16xi32>
      %parallel_loop3A_162 = arith.addi %parallel_loop3A_159, %parallel_loop3A_161 : vector<16xi32>
      %parallel_loop3A_163 = tpu.vector_load_idx %arg15[%parallel_loop3A_162] : memref<33160xf32, #tpu.memory_space<vmem>>[vector<16xi32>], vector<16xf32>,
      %parallel_loop3A_164 = arith.constant 0 : i32
      %parallel_loop3A_165 = arith.addi %parallel_loop3A_149, %parallel_loop3A_164 : i32
      %parallel_loop3A_166 = arith.index_cast %parallel_loop3A_165 : i32 to index
      %parallel_loop3A_167 = arith.index_cast %parallel_loop3A_151 : i32 to index
      %parallel_loop3A_168 = tpu.vector_load %arg14[%parallel_loop3A_166, %parallel_loop3A_167] {strides = array<i32>} : memref<129x256xf32, #tpu.memory_space<vmem>>, vector<16xf32>,
      tpu.vector_store %arg14[%parallel_loop3A_166, %parallel_loop3A_167], %parallel_loop3A_163 {strides = array<i32>} : memref<129x256xf32, #tpu.memory_space<vmem>>, vector<16xf32>,
      %parallel_loop3A_169 = arith.constant 1 : i32
      %parallel_loop3A_170 = vector.broadcast %parallel_loop3A_169 : i32 to vector<16xi32>
      %parallel_loop3A_171 = arith.addi %parallel_loop3A_159, %parallel_loop3A_170 : vector<16xi32>
      %parallel_loop3A_172 = tpu.vector_load_idx %arg15[%parallel_loop3A_171] : memref<33160xf32, #tpu.memory_space<vmem>>[vector<16xi32>], vector<16xf32>,
      %parallel_loop3A_173 = arith.constant 1 : i32
      %parallel_loop3A_174 = arith.addi %parallel_loop3A_149, %parallel_loop3A_173 : i32
      %parallel_loop3A_175 = arith.index_cast %parallel_loop3A_174 : i32 to index
      %parallel_loop3A_176 = arith.index_cast %parallel_loop3A_151 : i32 to index
      %parallel_loop3A_177 = tpu.vector_load %arg14[%parallel_loop3A_175, %parallel_loop3A_176] {strides = array<i32>} : memref<129x256xf32, #tpu.memory_space<vmem>>, vector<16xf32>,
      tpu.vector_store %arg14[%parallel_loop3A_175, %parallel_loop3A_176], %parallel_loop3A_172 {strides = array<i32>} : memref<129x256xf32, #tpu.memory_space<vmem>>, vector<16xf32>,
      %parallel_loop3A_178 = arith.constant 2 : i32
      %parallel_loop3A_179 = vector.broadcast %parallel_loop3A_178 : i32 to vector<16xi32>
      %parallel_loop3A_180 = arith.addi %parallel_loop3A_159, %parallel_loop3A_179 : vector<16xi32>
      %parallel_loop3A_181 = tpu.vector_load_idx %arg15[%parallel_loop3A_180] : memref<33160xf32, #tpu.memory_space<vmem>>[vector<16xi32>], vector<16xf32>,
      %parallel_loop3A_182 = arith.constant 2 : i32
      %parallel_loop3A_183 = arith.addi %parallel_loop3A_149, %parallel_loop3A_182 : i32
      %parallel_loop3A_184 = arith.index_cast %parallel_loop3A_183 : i32 to index
      %parallel_loop3A_185 = arith.index_cast %parallel_loop3A_151 : i32 to index
      %parallel_loop3A_186 = tpu.vector_load %arg14[%parallel_loop3A_184, %parallel_loop3A_185] {strides = array<i32>} : memref<129x256xf32, #tpu.memory_space<vmem>>, vector<16xf32>,
      tpu.vector_store %arg14[%parallel_loop3A_184, %parallel_loop3A_185], %parallel_loop3A_181 {strides = array<i32>} : memref<129x256xf32, #tpu.memory_space<vmem>>, vector<16xf32>,
      %parallel_loop3A_187 = arith.constant 3 : i32
      %parallel_loop3A_188 = vector.broadcast %parallel_loop3A_187 : i32 to vector<16xi32>
      %parallel_loop3A_189 = arith.addi %parallel_loop3A_159, %parallel_loop3A_188 : vector<16xi32>
      %parallel_loop3A_190 = tpu.vector_load_idx %arg15[%parallel_loop3A_189] : memref<33160xf32, #tpu.memory_space<vmem>>[vector<16xi32>], vector<16xf32>,
      %parallel_loop3A_191 = arith.constant 3 : i32
      %parallel_loop3A_192 = arith.addi %parallel_loop3A_149, %parallel_loop3A_191 : i32
      %parallel_loop3A_193 = arith.index_cast %parallel_loop3A_192 : i32 to index
      %parallel_loop3A_194 = arith.index_cast %parallel_loop3A_151 : i32 to index
      %parallel_loop3A_195 = tpu.vector_load %arg14[%parallel_loop3A_193, %parallel_loop3A_194] {strides = array<i32>} : memref<129x256xf32, #tpu.memory_space<vmem>>, vector<16xf32>,
      tpu.vector_store %arg14[%parallel_loop3A_193, %parallel_loop3A_194], %parallel_loop3A_190 {strides = array<i32>} : memref<129x256xf32, #tpu.memory_space<vmem>>, vector<16xf32>,
      %parallel_loop3A_196 = arith.constant 4 : i32
      %parallel_loop3A_197 = vector.broadcast %parallel_loop3A_196 : i32 to vector<16xi32>
      %parallel_loop3A_198 = arith.addi %parallel_loop3A_159, %parallel_loop3A_197 : vector<16xi32>
      %parallel_loop3A_199 = tpu.vector_load_idx %arg15[%parallel_loop3A_198] : memref<33160xf32, #tpu.memory_space<vmem>>[vector<16xi32>], vector<16xf32>,
      %parallel_loop3A_200 = arith.constant 4 : i32
      %parallel_loop3A_201 = arith.addi %parallel_loop3A_149, %parallel_loop3A_200 : i32
      %parallel_loop3A_202 = arith.index_cast %parallel_loop3A_201 : i32 to index
      %parallel_loop3A_203 = arith.index_cast %parallel_loop3A_151 : i32 to index
      %parallel_loop3A_204 = tpu.vector_load %arg14[%parallel_loop3A_202, %parallel_loop3A_203] {strides = array<i32>} : memref<129x256xf32, #tpu.memory_space<vmem>>, vector<16xf32>,
      tpu.vector_store %arg14[%parallel_loop3A_202, %parallel_loop3A_203], %parallel_loop3A_199 {strides = array<i32>} : memref<129x256xf32, #tpu.memory_space<vmem>>, vector<16xf32>,
      %parallel_loop3A_205 = arith.constant 5 : i32
      %parallel_loop3A_206 = vector.broadcast %parallel_loop3A_205 : i32 to vector<16xi32>
      %parallel_loop3A_207 = arith.addi %parallel_loop3A_159, %parallel_loop3A_206 : vector<16xi32>
      %parallel_loop3A_208 = tpu.vector_load_idx %arg15[%parallel_loop3A_207] : memref<33160xf32, #tpu.memory_space<vmem>>[vector<16xi32>], vector<16xf32>,
      %parallel_loop3A_209 = arith.constant 5 : i32
      %parallel_loop3A_210 = arith.addi %parallel_loop3A_149, %parallel_loop3A_209 : i32
      %parallel_loop3A_211 = arith.index_cast %parallel_loop3A_210 : i32 to index
      %parallel_loop3A_212 = arith.index_cast %parallel_loop3A_151 : i32 to index
      %parallel_loop3A_213 = tpu.vector_load %arg14[%parallel_loop3A_211, %parallel_loop3A_212] {strides = array<i32>} : memref<129x256xf32, #tpu.memory_space<vmem>>, vector<16xf32>,
      tpu.vector_store %arg14[%parallel_loop3A_211, %parallel_loop3A_212], %parallel_loop3A_208 {strides = array<i32>} : memref<129x256xf32, #tpu.memory_space<vmem>>, vector<16xf32>,
      %parallel_loop3A_214 = arith.constant 6 : i32
      %parallel_loop3A_215 = vector.broadcast %parallel_loop3A_214 : i32 to vector<16xi32>
      %parallel_loop3A_216 = arith.addi %parallel_loop3A_159, %parallel_loop3A_215 : vector<16xi32>
      %parallel_loop3A_217 = tpu.vector_load_idx %arg15[%parallel_loop3A_216] : memref<33160xf32, #tpu.memory_space<vmem>>[vector<16xi32>], vector<16xf32>,
      %parallel_loop3A_218 = arith.constant 6 : i32
      %parallel_loop3A_219 = arith.addi %parallel_loop3A_149, %parallel_loop3A_218 : i32
      %parallel_loop3A_220 = arith.index_cast %parallel_loop3A_219 : i32 to index
      %parallel_loop3A_221 = arith.index_cast %parallel_loop3A_151 : i32 to index
      %parallel_loop3A_222 = tpu.vector_load %arg14[%parallel_loop3A_220, %parallel_loop3A_221] {strides = array<i32>} : memref<129x256xf32, #tpu.memory_space<vmem>>, vector<16xf32>,
      tpu.vector_store %arg14[%parallel_loop3A_220, %parallel_loop3A_221], %parallel_loop3A_217 {strides = array<i32>} : memref<129x256xf32, #tpu.memory_space<vmem>>, vector<16xf32>,
      %parallel_loop3A_223 = arith.constant 7 : i32
      %parallel_loop3A_224 = vector.broadcast %parallel_loop3A_223 : i32 to vector<16xi32>
      %parallel_loop3A_225 = arith.addi %parallel_loop3A_159, %parallel_loop3A_224 : vector<16xi32>
      %parallel_loop3A_226 = tpu.vector_load_idx %arg15[%parallel_loop3A_225] : memref<33160xf32, #tpu.memory_space<vmem>>[vector<16xi32>], vector<16xf32>,
      %parallel_loop3A_227 = arith.constant 7 : i32
      %parallel_loop3A_228 = arith.addi %parallel_loop3A_149, %parallel_loop3A_227 : i32
      %parallel_loop3A_229 = arith.index_cast %parallel_loop3A_228 : i32 to index
      %parallel_loop3A_230 = arith.index_cast %parallel_loop3A_151 : i32 to index
      %parallel_loop3A_231 = tpu.vector_load %arg14[%parallel_loop3A_229, %parallel_loop3A_230] {strides = array<i32>} : memref<129x256xf32, #tpu.memory_space<vmem>>, vector<16xf32>,
      tpu.vector_store %arg14[%parallel_loop3A_229, %parallel_loop3A_230], %parallel_loop3A_226 {strides = array<i32>} : memref<129x256xf32, #tpu.memory_space<vmem>>, vector<16xf32>,
    } {sc.loop_unroll_factor = 2 : i64, sc.parallel_access}
    %parallel_loop3A_126 = arith.constant 0 : i32
    %parallel_loop3A_127 = arith.constant 16 : i32
    %parallel_loop3A_128 = arith.constant 1 : i32
    scf.for %parallel_loop3A_143 = %parallel_loop3A_126 to %parallel_loop3A_127 step %parallel_loop3A_128  : i32 {
      %parallel_loop3A_144 = arith.constant 16 : i32
      %parallel_loop3A_145 = arith.muli %parallel_loop3A_143, %parallel_loop3A_144 : i32
      %parallel_loop3A_146 = arith.constant 16 : i32
      %parallel_loop3A_147 = arith.muli %parallel_loop3A_143, %parallel_loop3A_146 : i32
      %parallel_loop3A_148 = arith.constant 1792 : i32
      %parallel_loop3A_149 = arith.addi %parallel_loop3A_148, %parallel_loop3A_147 : i32
      %parallel_loop3A_150 = arith.index_cast %parallel_loop3A_149 : i32 to index
      %parallel_loop3A_151 = tpu.vector_load %arg10[%parallel_loop3A_150] {strides = array<i32>} : memref<2048xf32, #tpu.memory_space<vmem>>, vector<16xf32>,
      %parallel_loop3A_152 = arith.constant 128 : i32
      %parallel_loop3A_153 = arith.index_cast %parallel_loop3A_152 : i32 to index
      %parallel_loop3A_154 = arith.index_cast %parallel_loop3A_145 : i32 to index
      %parallel_loop3A_155 = tpu.vector_load %arg14[%parallel_loop3A_153, %parallel_loop3A_154] {strides = array<i32>} : memref<129x256xf32, #tpu.memory_space<vmem>>, vector<16xf32>,
      tpu.vector_store %arg14[%parallel_loop3A_153, %parallel_loop3A_154], %parallel_loop3A_151 {strides = array<i32>} : memref<129x256xf32, #tpu.memory_space<vmem>>, vector<16xf32>,
    } {sc.loop_unroll_factor = 1 : i64, sc.parallel_access}
    %add3A_129 = arith.constant 1792 : i32
    %add3A_130 = arith.addi %mul3A_2, %add3A_129 : i32
    %dma_start3A_131 = arith.constant 0 : i32
    %dma_start3A_132 = tpu.memref_slice %arg7[%dma_start3A_131, %add3A_130] : memref<129x65536xf32, #tpu.memory_space<hbm>> -> memref<129x256xf32, #tpu.memory_space<hbm>>
    %dma_start3A_133 = arith.constant 0 : i32
    %dma_start3A_134 = tpu.memref_slice %arg7[%dma_start3A_133, %add3A_130] : memref<129x65536xf32, #tpu.memory_space<hbm>> -> memref<129x256xf32, #tpu.memory_space<hbm>>
    tpu.enqueue_dma source(%arg14 : memref<129x256xf32, #tpu.memory_space<vmem>>) target(%dma_start3A_134 : memref<129x256xf32, #tpu.memory_space<hbm>>) target_semaphore(%arg18 : memref<!tpu.dma_semaphore, #tpu.memory_space<semaphore_mem>>)
    %dma_wait3A_135 = arith.constant 0 : i32
    %dma_wait3A_136 = tpu.memref_slice %arg7[%dma_wait3A_135, %add3A_114] : memref<129x65536xf32, #tpu.memory_space<hbm>> -> memref<129x256xf32, #tpu.memory_space<hbm>>
    %dma_wait3A_137 = arith.constant 0 : i32
    %dma_wait3A_138 = tpu.memref_slice %arg7[%dma_wait3A_137, %add3A_114] : memref<129x65536xf32, #tpu.memory_space<hbm>> -> memref<129x256xf32, #tpu.memory_space<hbm>>
    tpu.wait_dma2 semaphore(%arg18 : memref<!tpu.dma_semaphore, #tpu.memory_space<semaphore_mem>>) src(%arg13 : memref<129x256xf32, #tpu.memory_space<vmem>>) dst(%dma_wait3A_138 : memref<129x256xf32, #tpu.memory_space<hbm>>)
    %dma_wait3A_139 = arith.constant 0 : i32
    %dma_wait3A_140 = tpu.memref_slice %arg7[%dma_wait3A_139, %add3A_130] : memref<129x65536xf32, #tpu.memory_space<hbm>> -> memref<129x256xf32, #tpu.memory_space<hbm>>
    %dma_wait3A_141 = arith.constant 0 : i32
    %dma_wait3A_142 = tpu.memref_slice %arg7[%dma_wait3A_141, %add3A_130] : memref<129x65536xf32, #tpu.memory_space<hbm>> -> memref<129x256xf32, #tpu.memory_space<hbm>>
    tpu.wait_dma2 semaphore(%arg18 : memref<!tpu.dma_semaphore, #tpu.memory_space<semaphore_mem>>) src(%arg14 : memref<129x256xf32, #tpu.memory_space<vmem>>) dst(%dma_wait3A_142 : memref<129x256xf32, #tpu.memory_space<hbm>>)
    return
  }
}

</mosaic_0001>

<sc_bundles>
// kernel: kernel.3.cloned.1.call-start
scs
__scs_entry_jumppad:
0x0: {  	(pc) =	sbr.rel $0x88, $3  }
0x1: {  	(tag) =	ssettag $0x0;
	lr =	simm.s32 $0x1  }
0x2: {  	[smem:$0x3F9C] =	sst lr;
	_ =	strace $0xD0000000  }
0x3: {  	_ = 	snop  }
0x4: {  	_ = 	snop  }
0x5: {  	_ = 	snop  }
0x6: {  	_ = 	snop  }
0x7: {  	_ = 	snop  }
__scs_overlays_trampoline_lowered:
0x8: {  	[smem:$0x3FAB] =	sst s0  }
0x9: {  	[smem:$0x3FAC] =	sst s1  }
0xa: {  	[smem:$0x3FAD] =	sst s2  }
0xb: {  	[smem:$0x3FAE] =	sst s3  }
0xc: {  	[smem:$0x3FAF] =	sst s4  }
0xd: {  	[smem:$0x3FB0] =	sst s5  }
0xe: {  	[smem:$0x3FB1] =	sst s6  }
0xf: {  	[smem:$0x3FB2] =	sst s7  }
0x10: {  	[smem:$0x3FB3] =	sst s8  }
0x11: {  	[smem:$0x3FB4] =	sst s9;
	s0 =	simm.s32 @!p0 $0x0  }
0x12: {  	s1 =	sld [smem:$0x3F9A];
	s0 =	simm.s32 @p0 $0x1  }
0x13: {  	[smem:$0x3FB5] =	sst s0;
	s0 =	simm.s32 @!p1 $0x0  }
0x14: {  	s2 =	sld [smem:$0x3F99];
	s0 =	simm.s32 @p1 $0x1  }
0x15: {  	[smem:$0x3FB6] =	sst s0;
	s0 =	simm.s32 @!p2 $0x0  }
0x16: {  	s3 =	sld [smem:$0x3FDB];
	s0 =	simm.s32 @p2 $0x1  }
0x17: {  	s4 =	simm.s32 $0x1BF5;
	[smem:$0x3FB8] =	sst s0  }
0x18: {  	s0 =	sld [smem:$0x3F9B];
	_ =	swait.ge [sflag:s4], $0x0  }
0x19: {  	s7 =	sld [smem:$0x3F9C]  }
0x1a: {  	s8 =	sadd.s32 $0xFFFFE003, lr  }
0x1b: {  	s9 =	sadd.s32 $0xFFFFFEF7, lr;
	s5 =	simm.s32 $0xFFFFFFFF;
	p2 =	slt.u32 s8, $0xFFFFF086  }
0x1c: {  	p1 =	slt.u32 s9, $0xF7A;
	s5 =	simm.s32 @!p2 $0x0  }
0x1d: {  	s5 =	simm.s32 @p1 $0x1;
	p0 =	seq.s32 s7, s2  }
0x1e: {  	s7 =	smul.u32 @!p0 $0xF7A, s2;
	p2 =	seq.s32 @!p0 s5, $0x0  }
0x1f: {  	s9 =	smul.u32 $0xF7A, s1;
	s8 =	simm.s32 @!p0 $0x1BF5;
	p2 =	por !p2, p0  }
0x20: {  	[sflag:s8] =	ssyncset.s32 @!p0 $0xFFFFF086;
	s6 =	sadd.s32 @!p0 s3, s7;
	s7 =	simm.s32 @!p0 $0x108  }
0x21: {  	s3 =	sadd.s32 s3, s9;
	s6 =	sadd.s32 @!p0 $0x88, s6;
	s7 =	simm.s32 @p2 $0x1082  }
0x22: {  	[simem:s7], [sflag:s8] =	dma.local @!p0 [hbm:s6], $0xF7A  }
0x23: {  	s9 =	sor.u32 $0xD0000000, s2;
	s6 =	simm.s32 $0x108;
	_ =	swait.ge @!p0 [sflag:s8], $0x0  }
0x24: {  	s3 =	sadd.s32 $0x88, s3;
	s6 =	simm.s32 @!p1 $0x1082;
	[sflag:s4] =	ssyncset.s32 $0xFFFFF086  }
0x25: {  	[simem:s6], [sflag:s4] =	dma.local [hbm:s3], $0xF7A  }
0x26: {  	[smem:$0x3F9C] =	sst s1;
	(tag) =	ssettag s2;
	_ =	strace s9  }
0x27: {  	s1 =	sld [smem:$0x3FAC]  }
0x28: {  	s2 =	sld [smem:$0x3FAD]  }
0x29: {  	s4 =	sld [smem:$0x3FAF]  }
0x2a: {  	p0 =	seq.s32 s5, $0x0;
	s5 =	sld [smem:$0x3FB0]  }
0x2b: {  	s6 =	sld [smem:$0x3FB1]  }
0x2c: {  	s7 =	sld [smem:$0x3FB2]  }
0x2d: {  	s3 =	simm.s32 $0x108;
	s8 =	sld [smem:$0x3FB3]  }
0x2e: {  	s3 =	simm.s32 @!p0 $0x1082;
	s9 =	sld [smem:$0x3FB4]  }
0x2f: {  	lr =	sadd.s32 s0, s3;
	s0 =	sld [smem:$0x3FAB]  }
0x30: {  	s3 =	sld [smem:$0x3FAE]  }
0x31: {  	[smem:$0x3FB7] =	sst s10  }
0x32: {  	s10 =	sld [smem:$0x3FB5];
	_ =	sdelay $0x3  }
0x33: {  	p0 =	seq.s32 s10, $0x1;
	s10 =	sld [smem:$0x3FB7];
	_ =	sdelay $0x3  }
0x34: {  	[smem:$0x3FB7] =	sst s10  }
0x35: {  	s10 =	sld [smem:$0x3FB6];
	_ =	sdelay $0x3  }
0x36: {  	p1 =	seq.s32 s10, $0x1;
	s10 =	sld [smem:$0x3FB7];
	_ =	sdelay $0x3  }
0x37: {  	[smem:$0x3FB7] =	sst s10  }
0x38: {  	s10 =	sld [smem:$0x3FB8]  }
0x39: {  	_ = 	snop;
	(pc) =	sbr.ind lr, $3  }
0x3a: {  	_ = 	snop  }
0x3b: {  	_ = 	snop  }
0x3c: {  	p2 =	seq.s32 s10, $0x1;
	s10 =	sld [smem:$0x3FB7]  }
0x3d: {  	_ =	shalt  }
0x3e: {  	_ =	shalt  }
0x3f: {  	_ =	shalt  }
0x40: {  	_ =	shalt  }
0x41: {  	_ =	shalt  }
0x42: {  	_ =	shalt  }
0x43: {  	_ =	shalt  }
0x44: {  	_ =	shalt  }
0x45: {  	_ =	shalt  }
0x46: {  	_ =	shalt  }
0x47: {  	_ =	shalt  }
0x48: {  	_ =	shalt  }
0x49: {  	_ =	shalt  }
0x4a: {  	_ =	shalt  }
0x4b: {  	_ =	shalt  }
0x4c: {  	_ =	shalt  }
0x4d: {  	_ =	shalt  }
0x4e: {  	_ =	shalt  }
0x4f: {  	_ =	shalt  }
0x50: {  	_ =	shalt  }
0x51: {  	_ =	shalt  }
0x52: {  	_ =	shalt  }
0x53: {  	_ =	shalt  }
0x54: {  	_ =	shalt  }
0x55: {  	_ =	shalt  }
0x56: {  	_ =	shalt  }
0x57: {  	_ =	shalt  }
0x58: {  	_ =	shalt  }
0x59: {  	_ =	shalt  }
0x5a: {  	_ =	shalt  }
0x5b: {  	_ =	shalt  }
0x5c: {  	_ =	shalt  }
0x5d: {  	_ =	shalt  }
0x5e: {  	_ =	shalt  }
0x5f: {  	_ =	shalt  }
0x60: {  	_ =	shalt  }
0x61: {  	_ =	shalt  }
0x62: {  	_ =	shalt  }
0x63: {  	_ =	shalt  }
0x64: {  	_ =	shalt  }
0x65: {  	_ =	shalt  }
0x66: {  	_ =	shalt  }
0x67: {  	_ =	shalt  }
0x68: {  	_ =	shalt  }
0x69: {  	_ =	shalt  }
0x6a: {  	_ =	shalt  }
0x6b: {  	_ =	shalt  }
0x6c: {  	_ =	shalt  }
0x6d: {  	_ =	shalt  }
0x6e: {  	_ =	shalt  }
0x6f: {  	_ =	shalt  }
0x70: {  	_ =	shalt  }
0x71: {  	_ =	shalt  }
0x72: {  	_ =	shalt  }
0x73: {  	_ =	shalt  }
0x74: {  	_ =	shalt  }
0x75: {  	_ =	shalt  }
0x76: {  	_ =	shalt  }
0x77: {  	_ =	shalt  }
0x78: {  	_ =	shalt  }
0x79: {  	_ =	shalt  }
0x7a: {  	_ =	shalt  }
0x7b: {  	_ =	shalt  }
0x7c: {  	_ =	shalt  }
0x7d: {  	_ =	shalt  }
0x7e: {  	_ =	shalt  }
0x7f: {  	_ =	shalt  }
0x80: {  	_ =	shalt  }
0x81: {  	_ =	shalt  }
0x82: {  	_ =	shalt  }
0x83: {  	_ =	shalt  }
0x84: {  	_ =	shalt  }
0x85: {  	_ =	shalt  }
0x86: {  	_ =	shalt  }
0x87: {  	_ =	shalt  }
.Lfunc_end0:
.L_simem_size_0:
called_computation_lowered:
.L_overlay_start_0:
0x88: {  	s2 =	sld [smem:$0x3FD9]  }
0x89: {  	s3 =	sld [smem:$0x3FFE];
	_ =	sdelay $0x1  }
0x8a: {  	s1 =	srdreg.scid  }
0x8b: {  	s0 =	sand.u32 $0x1, s1  }
0x8c: {  	s17 =	sshll.u32 s0, $0xA;
	s2 =	sadd.s32 s3, s2  }
0x8d: {  	s2 =	sadd.s32 s2, s17  }
0x8e: {  	[smem:$0x3FC3] =	sst s2  }
0x8f: {  	_ = 	snop  }
0x90: {  	s2 =	sld [smem:$0x3FC9]  }
0x91: {  	s18 =	sld [smem:$0x3FC8]  }
0x92: {  	s4 =	sld [smem:$0x3FC6]  }
0x93: {  	s5 =	sld [smem:$0x3FD0];
	(tm) =	ssettm $0x1  }
0x94: {  	s6 =	sld [smem:$0x3FFB];
	_ =	sdelay $0x3  }
0x95: {  	_ =	strace s6  }
0x96: {  	s6 =	sld [smem:$0x3FFC];
	_ =	sdelay $0x3  }
0x97: {  	_ =	strace s6  }
0x98: {  	s6 =	sld [smem:$0x3FFD];
	_ =	sdelay $0x3  }
0x99: {  	_ =	strace s6  }
0x9a: {  	_ =	strace $0x8FFFFFFF  }
0x9b: {  	s19 =	sld [smem:$0x3FDB];
	_ =	sdelay $0x1  }
0x9c: {  	s7 =	simm.s32 $_scs_section_size  }
0x9d: {  	s8 =	simm.s32 $_size__tile_overlayer_lowered;
	s9 =	simm.s32 $_tile_overlayer_lowered  }
0x9e: {  	s22 =	simm.s32 $0x1BFF;
	s21 =	sshll.u32 s9, $0x1;
	s6 =	sadd.s32 s7, s19  }
0x9f: {  	s10 =	simm.s32 $0x0;
	s20 =	sshll.u32 s8, $0x1;
	s8 =	sadd.s32 s21, s6  }
0xa0: {  	[timem:s10], [sflag:s22] =	dma.local [hbm:s8], s20  }
0xa1: {  	_ =	swait.ge [sflag:s22], s20  }
0xa2: {  	s7 =	ssub.s32 $0x0, s20;
	[sflag:s22] =	ssyncset.done $0x0  }
0xa3: {  	[sflag:s22] =	ssyncadd.s32 s7;
	_ =	sdelay $0x1  }
0xa4: {  	s23 =	simm.s32 $0x1B8B  }
0xa5: {  	_ =	swait.ge [sflag:s23], $0x1  }
0xa6: {  	[sflag:s23] =	ssyncset.done $0x0  }
0xa7: {  	s25 =	simm.s32 $0x1B8E;
	s24 =	sld [smem:$0x3FFE];
	[sflag:s23] =	ssyncadd.s32 $0xFFFFFFFF  }
0xa8: {  	s26 =	simm.s32 $execute0_lowered;
	[smem:$0x3FD2] =	sst s25  }
0xa9: {  	s8 =	sshll.u32 s26, $0x1;
	_ =	strace $0x80000046;
	[dreg:$0x1] =	wrdreg $0xFFFFFFFF  }
0xaa: {  	s28 =	simm.s32 $_size_execute0_lowered;
	s6 =	sadd.s32 s6, s8;
	[dreg:$0x0] =	wrdreg $0x0  }
0xab: {  	s8 =	sshll.u32 s28, $0x1;
	[dreg:$0x2] =	wrdreg s6  }
0xac: {  	[dreg:$0x3] =	wrdreg s8  }
0xad: {  	[dreg:$0x4] =	wrdreg $0xC0  }
0xae: {  	_ =	task [dreg:s10], $0x5FFFF  }
0xaf: {  	[dreg:$0x1] =	wrdreg $0xFFFFFFFF  }
0xb0: {  	[dreg:$0x0] =	wrdreg $0x60  }
0xb1: {  	[dreg:$0x2] =	wrdreg s2  }
0xb2: {  	[dreg:$0x3] =	wrdreg s18  }
0xb3: {  	[dreg:$0x4] =	wrdreg s24  }
0xb4: {  	[dreg:$0x5] =	wrdreg s4  }
0xb5: {  	[dreg:$0x6] =	wrdreg s5  }
0xb6: {  	[dreg:$0x7] =	wrdreg $0x9  }
0xb7: {  	_ =	task.clear_ibuf [dreg:s10], $0x8FFFF;
	_ =	strace $0x90000046  }
0xb8: {  	s29 =	simm.s32 $0x9;
	_ =	strace $0x80000048  }
0xb9: {  	_ =	swait.ge [sflag:s29], $0x1  }
0xba: {  	[sflag:s29] =	ssyncadd.s32 $0xFFFFFFFF  }
0xbb: {  	_ =	strace $0x90000048  }
0xbc: {  	_ =	sfence  }
0xbd: {  	s30 =	sld [smem:$0x0];
	_ =	sdelay $0x2  }
0xbe: {  	s31 =	sshll.u32 s1, $0xD;
	s1 =	sshrl.u32 s1, $0x2  }
0xbf: {  	s3 =	sand.u32 $0x4000, s31;
	s1 =	sadd.s32 s1, s30  }
0xc0: {  	s0 =	sor.u32 s3, s0;
	s1 =	sshll.u32 s1, $0x11  }
0xc1: {  	s0 =	sor.u32 s1, s0  }
0xc2: {  	s0 =	sadd.s32 $0x8F2B, s0  }
0xc3: {  	[sflag:s0] =	ssyncadd.remote.s32 $0x1  }
0xc4: {  	_ =	sfence.sel $0xFFFF  }
0xc5: {  	[dreg:$0x0] =	wrdreg $0xFFFFFFFF;
	(pc) =	sbr.abs _section_cstart, $3  }
0xc6: {  	[dreg:$0x1] =	wrdreg $0xFFFFFFFF  }
0xc7: {  	_ =	task.clear_ibuf [dreg:s10], $0x2FFFF;
	_ =	strace $0x9FFFFFFF  }
0xc8: {  	(tm) =	ssettm $0x7FFFFFFF  }
0xc9: {  	_ =	shalt  }
tec
execute0_lowered:
.L_overlay_start_1:
0x0: {  	(tag) =	ssettag $0x1  }
0x1: {  	s0 =	rddreg [dreg:$0x0]  }
0x2: {  	s1 =	rddreg [dreg:$0x1]  }
0x3: {  	s2 =	rddreg [dreg:$0x2]  }
0x4: {  	s4 =	rddreg [dreg:$0x4];
	s3 =	simm.s32 $0x0;
	s5 =	srdreg.scid  }
0x5: {  	s6 =	stileid.u32;
	s17 =	simm.s32 $0x12300;
	s18 =	simm.s32 $0x100  }
0x6: {  	s21 =	simm.s32 $0x4;
	s22 =	simm.s32 $0x2;
	s23 =	simm.s32 $0x1  }
0x7: {  	s28 =	simm.s32 $0x3;
	s29 =	simm.s32 $0x0;
	s5 =	sand.u32 $0x1, s5  }
0x8: {  	[smem:$0x7FF] =	sst s3;
	s6 =	sshll.u32 s6, $0x9;
	s7 =	sshll.u32 s5, $0x8  }
0x9: {  	s5 =	ssub.s32 $0x2, s5;
	_ =	strace $0x80000047;
	s6 =	sor.u32 s7, s6  }
0xa: {  	s24 =	sshrl.u32 s5, $0x1;
	s8 =	sadd.s32 s6, s2;
	s2 =	sadd.s32 $0x2400, s2  }
0xb: {  	s25 =	ssub.s32 s5, s24;
	s0 =	sadd.s32 s0, s6;
	[dreg:$0x6] =	wrdreg s2  }
0xc: {  	s26 =	sadd.s32 s1, s6;
	s7 =	sadd.s32 s4, s6;
	[dreg:$0x7] =	wrdreg s0  }
0xd: {  	s24 =	simm.s32 $0x10000;
	[dreg:$0x8] =	wrdreg s26;
	s30 =	sadd.s32 $0x400, s8  }
0xe: {  	s31 =	sadd.s32 $0x20, s7;
	s10 =	sadd.s32 $0x40, s7;
	s11 =	sadd.s32 $0x60, s7  }
0xf: {  	s12 =	sadd.s32 $0x80, s7;
	s13 =	sadd.s32 $0xA0, s7;
	s14 =	sadd.s32 $0xC0, s7  }
0x10: {  	s15 =	sadd.s32 $0xE0, s7;
	s16 =	smax.u32 s25, $0x1;
	[dreg:$0x9] =	wrdreg s30  }
0x11: {  	v0 =	vimm.s32 $0x0;
	s25 =	simm.s32 $0x2100;
	s26 =	simm.s32 $0xA200;
	[dreg:$0xa] =	wrdreg s31  }
.LBB2_1:
0x12: {  	s0 =	rddreg [dreg:$0x6]  }
0x13: {  	[tilespmem:s17], [sflag:$0x1] =	stream.linear.gather [hbm4b:s0+s3], $0x8188, $0x38;
	[tilespmem:$0x1A488] =	vst v63  }
0x14: {  	s2 =	rddreg [dreg:$0x7]  }
0x15: {  	[tilespmem:s18], [sflag:$0x2] =	stream.linear.gather [hbm4b:s2+s3], $0x800, $0x38;
	[tilespmem:$0x1A488] =	vst v63  }
0x16: {  	s4 =	rddreg [dreg:$0x8];
	s1 =	simm.s32 $0x900  }
0x17: {  	[tilespmem:s1], [sflag:$0x2] =	stream.linear.gather [hbm4b:s4+s3], $0x800, $0x38;
	[tilespmem:$0x1A488] =	vst v63  }
0x18: {  	s5 =	rddreg [dreg:$0x9];
	s6 =	simm.s32 $0x1100  }
0x19: {  	[tilespmem:s6], [sflag:$0x2] =	stream.linear.gather [hbm4b:s5+s3], $0x800, $0x38;
	[tilespmem:$0x1A488] =	vst v63  }
0x1a: {  	s8 =	rddreg [dreg:$0x3]  }
0x1b: {  	[tilespmem:s3], [sflag:$0x4] =	stream.linear.gather [hbm4b:s8+s3], $0xFF, $0x38;
	[tilespmem:$0x1A488] =	vst v63  }
0x1c: {  	_ =	swait.ge [sflag:s21], $0xFF  }
0x1d: {  	[sflag:s21] =	ssyncset.done $0x0  }
0x1e: {  	[sflag:s21] =	ssyncadd.s32 $0xFFFFFF01  }
0x1f: {  	_ =	swait.ge [sflag:s22], $0x800  }
0x20: {  	[sflag:s22] =	ssyncset.done $0x0  }
0x21: {  	[sflag:s22] =	ssyncadd.s32 $0xFFFFF800  }
0x22: {  	_ =	swait.ge [sflag:s22], $0x800  }
0x23: {  	[sflag:s22] =	ssyncset.done $0x0  }
0x24: {  	[sflag:s22] =	ssyncadd.s32 $0xFFFFF800  }
0x25: {  	_ =	swait.ge [sflag:s22], $0x800  }
0x26: {  	[sflag:s22] =	ssyncset.done $0x0  }
0x27: {  	s9 =	simm.s32 $0x110;
	[sflag:s22] =	ssyncadd.s32 $0xFFFFF800  }
0x28: {  	v1 =	vld [tilespmem:s9+$0x0];
	_ =	sdelay $0x4  }
0x29: {  	v3 =	vmul.f32 $2.540000000e+02, v1  }
0x2a: {  	v2 =	vld [tilespmem:s9+$0xFFFFFFF0]  }
0x2b: {  	v3 =	vtrunc.f32 v3  }
0x2c: {  	v3 =	vcvt.f32.s32 v3;
	_ =	sdelay $0x1  }
0x2d: {  	v3 =	vadd.s32 $0xFFFFFFFF, v3  }
0x2e: {  	v4 =	vmul.f32 $2.540000000e+02, v2;
	vm0 =	vgt.s32 v3, $0x0  }
0x2f: {  	s19 =	simm.s32 $0x130;
	v3 =	vnsel vm0, $0x0, v3  }
0x30: {  	v5 =	vld [tilespmem:s19+$0x0];
	v4 =	vtrunc.f32 v4;
	v3 =	vmin.u32 v3, $0xFC  }
0x31: {  	v4 =	vcvt.f32.s32 v4;
	v6 =	vadd.s32 $0x1, v3  }
0x32: {  	v7 =	vld [tilespmem:s19+$0xFFFFFFF0];
	v8 =	vadd.s32 $0x2, v3  }
0x33: {  	v4 =	vadd.s32 $0xFFFFFFFF, v4  }
0x34: {  	vm0 =	vgt.s32 v4, $0x0  }
0x35: {  	v11 =	vmul.f32 $2.540000000e+02, v5;
	v4 =	vnsel vm0, $0x0, v4;
	v10 =	vld.idx.msk [tilespmem:v3+s3+$0x0], $0xffff  }
0x36: {  	v4 =	vmin.u32 v4, $0xFC;
	v6 =	vld.idx.msk [tilespmem:v6+s3+$0x0], $0xffff  }
0x37: {  	v12 =	vmul.f32 $2.540000000e+02, v7;
	v11 =	vtrunc.f32 v11;
	v8 =	vld.idx.msk [tilespmem:v8+s3+$0x0], $0xffff  }
0x38: {  	v11 =	vcvt.f32.s32 v11;
	v9 =	vadd.s32 $0x1, v4  }
0x39: {  	s30 =	simm.s32 $0x150;
	v12 =	vtrunc.f32 v12;
	v13 =	vadd.s32 $0x2, v4  }
0x3a: {  	v15 =	vld [tilespmem:s30+$0x0];
	v12 =	vcvt.f32.s32 v12;
	v11 =	vadd.s32 $0xFFFFFFFF, v11  }
0x3b: {  	s20 =	simm.s32 $0x1110;
	vm0 =	vgt.s32 v11, $0x0;
	v14 =	vld.idx.msk [tilespmem:v4+s3+$0x0], $0xffff;
	vm1 =	vlt.f32 v10, v1;
	vm2 =	vlt.f32 v6, v1  }
0x3c: {  	v6 =	vsel vm1, $0x1, v0;
	vm1 =	vlt.f32 v8, v1;
	v8 =	vld [tilespmem:s20+$0x0];
	v10 =	vsel vm2, $0x1, v0  }
0x3d: {  	v9 =	vld.idx.msk [tilespmem:v9+s3+$0x0], $0xffff;
	v1 =	vnsel vm0, $0x0, v11;
	v6 =	vadd.s32 v6, v10;
	v10 =	vsel vm1, $0x1, v0  }
0x3e: {  	v13 =	vld.idx.msk [tilespmem:v13+s3+$0x0], $0xffff;
	v11 =	vadd.s32 $0xFFFFFFFF, v12;
	v12 =	vmin.u32 v1, $0xFC;
	v6 =	vadd.s32 v10, v6  }
0x3f: {  	v17 =	vmul.f32 $2.540000000e+02, v15;
	v1 =	vld [tilespmem:s30+$0xFFFFFFF0];
	v3 =	vadd.s32 v3, v6  }
0x40: {  	vm0 =	vgt.s32 v11, $0x0;
	v6 =	vadd.s32 $0x1, v12;
	v3 =	vmul.u32 $0x81, v3  }
0x41: {  	v10 =	vnsel vm0, $0x0, v11;
	v11 =	vadd.s32 $0x2, v12;
	vm1 =	veq.s32 v8, $0x0  }
0x42: {  	s4 =	simm.s32 $0x1910;
	vm2 =	vlt.f32 v14, v2;
	vm0 =	vlt.f32 v9, v2;
	v8 =	vld [tilespmem:s20+$0xFFFFFFF0];
	v3 =	vnsel vm1, $0x8100, v3  }
0x43: {  	s0 =	simm.s32 $0x910;
	v10 =	vmin.u32 v10, $0xFC;
	v14 =	vsel vm0, $0x1, v0;
	vm0 =	vlt.f32 v13, v2;
	v16 =	vld.idx.msk [tilespmem:v12+s3+$0x0], $0xffff;
	[tilespmem:s4+$0x0] =	vst v3  }
0x44: {  	v9 =	vadd.s32 $0x1, v10;
	v2 =	vmul.f32 $2.540000000e+02, v1;
	v3 =	vsel vm2, $0x1, v0;
	v13 =	vld [tilespmem:s0+$0x0]  }
0x45: {  	v17 =	vtrunc.f32 v17;
	v6 =	vld.idx.msk [tilespmem:v6+s3+$0x0], $0xffff;
	v3 =	vadd.s32 v3, v14;
	v14 =	vsel vm0, $0x1, v0  }
0x46: {  	v11 =	vld.idx.msk [tilespmem:v11+s3+$0x0], $0xffff;
	v2 =	vtrunc.f32 v2;
	v3 =	vadd.s32 v14, v3;
	v14 =	vcvt.f32.s32 v17  }
0x47: {  	v2 =	vcvt.f32.s32 v2;
	v17 =	vadd.s32 $0x2, v10;
	v3 =	vadd.s32 v4, v3  }
0x48: {  	vm0 =	veq.s32 v8, $0x0;
	v8 =	vmul.u32 $0x81, v3;
	v3 =	vadd.s32 $0xFFFFFFFF, v14  }
0x49: {  	v4 =	vld.idx.msk [tilespmem:v9+s3+$0x0], $0xffff;
	v9 =	vadd.s32 $0xFFFFFFFF, v2;
	vm2 =	vgt.s32 v3, $0x0;
	v13 =	vnsel vm1, $0x0, v13  }
0x4a: {  	s31 =	simm.s32 $0x1130;
	v14 =	vld.idx.msk [tilespmem:v10+s3+$0x0], $0xffff;
	v2 =	vnsel vm2, $0x0, v3;
	vm1 =	vlt.f32 v16, v5;
	vm2 =	vlt.f32 v6, v5  }
0x4b: {  	v3 =	vsel vm1, $0x1, v0;
	v16 =	vsel vm2, $0x1, v0;
	vm1 =	vlt.f32 v11, v5;
	v5 =	vld [tilespmem:s31+$0x0]  }
0x4c: {  	s2 =	simm.s32 $0x170;
	v11 =	vld.idx.msk [tilespmem:v17+s3+$0x0], $0xffff;
	v6 =	vmin.u32 v2, $0xFC;
	v2 =	vadd.s32 v3, v16;
	v16 =	vsel vm1, $0x1, v0  }
0x4d: {  	v3 =	vld [tilespmem:s2+$0x0];
	vm1 =	vgt.s32 v9, $0x0;
	v17 =	vadd.s32 $0x1, v6;
	v16 =	vadd.s32 v16, v2  }
0x4e: {  	v2 =	vld [tilespmem:s2+$0xFFFFFFF0];
	v9 =	vnsel vm1, $0x0, v9;
	vm1 =	vlt.f32 v4, v7;
	v12 =	vadd.s32 v12, v16  }
0x4f: {  	vm3 =	vlt.f32 v14, v7;
	v4 =	vmin.u32 v9, $0xFC;
	v12 =	vmul.u32 $0x81, v12  }
0x50: {  	v9 =	vadd.s32 $0x2, v6;
	v14 =	vsel vm1, $0x1, v0;
	vm2 =	veq.s32 v5, $0x0  }
0x51: {  	s1 =	simm.s32 $0x1930;
	v16 =	vadd.s32 $0x1, v4;
	v18 =	vadd.s32 $0x2, v4;
	v5 =	vld [tilespmem:s31+$0xFFFFFFF0];
	v12 =	vnsel vm2, $0x8100, v12  }
0x52: {  	s2 =	simm.s32 $0x930;
	v19 =	vld.idx.msk [tilespmem:v6+s3+$0x0], $0xffff;
	vm1 =	vlt.f32 v11, v7;
	v11 =	vsel vm3, $0x1, v0;
	v7 =	vmul.f32 $2.540000000e+02, v3;
	[tilespmem:s1+$0x0] =	vst v12  }
0x53: {  	v11 =	vadd.s32 v11, v14;
	v14 =	vsel vm1, $0x1, v0;
	v12 =	vmul.f32 $2.540000000e+02, v2;
	v20 =	vld [tilespmem:s2+$0x0]  }
0x54: {  	vm0 =	vmmov vm0;
	v17 =	vld.idx.msk [tilespmem:v17+s3+$0x0], $0xffff;
	v11 =	vadd.s32 v14, v11;
	v7 =	vtrunc.f32 v7  }
0x55: {  	s5 =	simm.s32 $0x1150;
	v21 =	vld.idx.msk [tilespmem:v9+s3+$0x0], $0xffff;
	v9 =	vtrunc.f32 v12;
	v12 =	vcvt.f32.s32 v7;
	v7 =	vadd.s32 v10, v11  }
0x56: {  	[tilespmem:s0+$0x0] =	vst v13;
	v13 =	vld [tilespmem:s5+$0x0];
	v11 =	vnsel vm0, $0x8100, v8;
	vm1 =	veq.s32 v5, $0x0;
	v5 =	vcvt.f32.s32 v9  }
0x57: {  	v10 =	vld.idx.msk [tilespmem:v16+s3+$0x0], $0xffff;
	vm0 =	vmmov vm0;
	v7 =	vmul.u32 $0x81, v7;
	v12 =	vadd.s32 $0xFFFFFFFF, v12  }
0x58: {  	v8 =	vld.idx.msk [tilespmem:v18+s3+$0x0], $0xffff;
	[tilespmem:s4+$0xFFFFFFF0] =	vst v11;
	v14 =	vadd.s32 $0xFFFFFFFF, v5;
	vm3 =	vgt.s32 v12, $0x0;
	v11 =	vnsel vm2, $0x0, v20  }
0x59: {  	v9 =	vld.idx.msk [tilespmem:v4+s3+$0x0], $0xffff;
	v12 =	vnsel vm3, $0x0, v12;
	vm2 =	vlt.f32 v19, v15;
	vm3 =	vlt.f32 v17, v15  }
0x5a: {  	s6 =	simm.s32 $0x6;
	v5 =	vld [tilespmem:s0+$0xFFFFFFF0];
	v16 =	vsel vm2, $0x1, v0;
	v17 =	vsel vm3, $0x1, v0;
	vm2 =	vlt.f32 v21, v15  }
0x5b: {  	s19 =	simm.s32 $0x930;
	s20 =	simm.s32 $0x190;
	s4 =	simm.s32 $0x1930;
	[tilespmem:s2+$0x0] =	vst v11;
	v11 =	vmin.u32 v12, $0xFC;
	v12 =	vld [tilespmem:s5+$0xFFFFFFF0];
	v15 =	vadd.s32 v16, v17;
	v16 =	vsel vm2, $0x1, v0  }
.LBB2_2:
0x5c: {  	vm3 =	vgt.s32 v14, $0x0  }
0x5d: {  	v17 =	vld [tilespmem:s20+$0x0];
	v18 =	vadd.s32 $0x1, v11;
	v15 =	vadd.s32 v16, v15;
	vm2 =	vmmov vm1  }
0x5e: {  	vm1 =	vlt.f32 v10, v1;
	v16 =	vld [tilespmem:s20+$0xFFFFFFF0];
	v14 =	vnsel vm3, $0x0, v14;
	v10 =	vadd.s32 v6, v15;
	v6 =	vmovc v11  }
0x5f: {  	s6 =	sadd.s32 $0x2, s6;
	v14 =	vmin.u32 v14, $0xFC;
	v15 =	vadd.s32 $0x2, v6;
	v10 =	vmul.u32 $0x81, v10  }
0x60: {  	p0 =	slt.u32 s6, $0x7E;
	v19 =	vadd.s32 $0x1, v14;
	v20 =	vadd.s32 $0x2, v14;
	vm3 =	veq.s32 v13, $0x0  }
0x61: {  	vm4 =	vlt.f32 v9, v1;
	s1 =	sadd.s32 $0x20, s1;
	v9 =	vsel vm1, $0x1, v0;
	v11 =	vld.idx.msk [tilespmem:v11+s3+$0x0], $0xffff;
	v10 =	vnsel vm3, $0x8100, v10  }
0x62: {  	s2 =	sadd.s32 $0x20, s2;
	v21 =	vsel vm4, $0x1, v0;
	vm1 =	vlt.f32 v8, v1;
	v1 =	vmovc v2;
	v13 =	vmul.f32 $2.540000000e+02, v17;
	v18 =	vld.idx.msk [tilespmem:v18+s3+$0x0], $0xffff;
	[tilespmem:s1+$0x0] =	vst v10  }
0x63: {  	v9 =	vadd.s32 v21, v9;
	v10 =	vsel vm1, $0x1, v0;
	v8 =	vmul.f32 $2.540000000e+02, v16;
	v21 =	vld [tilespmem:s2+$0x0];
	v2 =	vmovc v16  }
0x64: {  	vm1 =	veq.s32 v12, $0x0;
	v9 =	vadd.s32 v10, v9;
	v13 =	vtrunc.f32 v13;
	v15 =	vld.idx.msk [tilespmem:v15+s3+$0x0], $0xffff  }
0x65: {  	v8 =	vtrunc.f32 v8;
	v12 =	vcvt.f32.s32 v13;
	v10 =	vld.idx.msk [tilespmem:v19+s3+$0x0], $0xffff;
	v13 =	vadd.s32 v4, v9;
	v4 =	vmovc v14  }
0x66: {  	v16 =	vcvt.f32.s32 v8;
	v9 =	vld.idx.msk [tilespmem:v14+s3+$0x0], $0xffff;
	v14 =	vnsel vm2, $0x8100, v7;
	v7 =	vmul.u32 $0x81, v13  }
.Ltmp0:
0x67: {  	v13 =	vnsel vm0, $0x0, v5;
	vm0 =	vmmov vm2;
	v12 =	vadd.s32 $0xFFFFFFFF, v12;
	v8 =	vld.idx.msk [tilespmem:v20+s3+$0x0], $0xffff;
	[tilespmem:s4+$0xFFFFFFF0] =	vst v14;
	s4 =	smov.u32 s1;
	(pc) =	sbr.rel @p0 .LBB2_2-.Ltmp0, $4  }
0x68: {  	v14 =	vadd.s32 $0xFFFFFFFF, v16;
	vm2 =	vgt.s32 v12, $0x0;
	v16 =	vnsel vm3, $0x0, v21;
	v5 =	vld [tilespmem:s19+$0xFFFFFFF0];
	[tilespmem:s0+$0xFFFFFFF0] =	vst v13;
	s0 =	smov.u32 s19;
	s19 =	smov.u32 s2  }
0x69: {  	s5 =	sadd.s32 $0x20, s5;
	vm3 =	vlt.f32 v18, v3;
	v12 =	vnsel vm2, $0x0, v12;
	vm2 =	vlt.f32 v11, v3;
	[tilespmem:s2+$0x0] =	vst v16  }
0x6a: {  	v18 =	vsel vm3, $0x1, v0;
	v16 =	vsel vm2, $0x1, v0;
	vm2 =	vlt.f32 v15, v3;
	v13 =	vld [tilespmem:s5+$0x0];
	v3 =	vmovc v17  }
0x6b: {  	s20 =	sadd.s32 $0x20, s20;
	v11 =	vmin.u32 v12, $0xFC;
	v12 =	vld [tilespmem:s5+$0xFFFFFFF0];
	v15 =	vadd.s32 v16, v18;
	v16 =	vsel vm2, $0x1, v0  }
0x6c: {  	vm2 =	vgt.s32 v14, $0x0;
	v17 =	vadd.s32 $0x1, v11  }
0x6d: {  	v18 =	vadd.s32 $0x2, v11;
	v14 =	vnsel vm2, $0x0, v14  }
0x6e: {  	v14 =	vmin.u32 v14, $0xFC  }
0x6f: {  	v19 =	vadd.s32 $0x1, v14  }
0x70: {  	v15 =	vadd.s32 v16, v15;
	v20 =	vld.idx.msk [tilespmem:v11+s3+$0x0], $0xffff;
	v16 =	vadd.s32 $0x2, v14  }
0x71: {  	vm12 =	vlt.f32 v10, v1;
	v6 =	vadd.s32 v6, v15;
	v15 =	vld.idx.msk [tilespmem:v17+s3+$0x0], $0xffff  }
0x72: {  	vm3 =	vlt.f32 v9, v1;
	vm13 =	vlt.f32 v8, v1;
	v10 =	vsel vm12, $0x1, v0;
	v9 =	vld.idx.msk [tilespmem:v18+s3+$0x0], $0xffff  }
0x73: {  	v6 =	vmul.u32 $0x81, v6;
	vm2 =	veq.s32 v13, $0x0;
	v17 =	vsel vm3, $0x1, v0;
	v13 =	vld.idx.msk [tilespmem:v14+s3+$0x0], $0xffff  }
0x74: {  	vm1 =	vmmov vm1;
	v8 =	vadd.s32 v17, v10;
	v10 =	vsel vm13, $0x1, v0;
	v1 =	vld.idx.msk [tilespmem:v19+s3+$0x0], $0xffff  }
0x75: {  	v6 =	vnsel vm2, $0x8100, v6;
	vm14 =	veq.s32 v12, $0x0;
	v8 =	vadd.s32 v10, v8;
	v10 =	vld.idx.msk [tilespmem:v16+s3+$0x0], $0xffff  }
0x76: {  	vm4 =	vlt.f32 v20, v3;
	v4 =	vadd.s32 v4, v8;
	vm5 =	vlt.f32 v15, v3  }
0x77: {  	s5 =	sadd.s32 $0x20, s5;
	v8 =	vsel vm4, $0x1, v0;
	vm15 =	vlt.f32 v9, v3;
	v12 =	vsel vm5, $0x1, v0  }
0x78: {  	v3 =	vmul.u32 $0x81, v4;
	v4 =	vld [tilespmem:s5+$0x0];
	v9 =	vsel vm15, $0x1, v0;
	v8 =	vadd.s32 v8, v12  }
0x79: {  	v12 =	vld [tilespmem:s5+$0xFFFFFFF0];
	vm9 =	vlt.f32 v13, v2;
	v8 =	vadd.s32 v9, v8;
	vm8 =	vlt.f32 v1, v2  }
0x7a: {  	v9 =	vsel vm9, $0x1, v0;
	vm10 =	vlt.f32 v10, v2;
	v1 =	vsel vm8, $0x1, v0  }
0x7b: {  	s1 =	sadd.s32 $0x20, s1;
	v2 =	vadd.s32 v11, v8;
	v8 =	vsel vm10, $0x1, v0;
	v1 =	vadd.s32 v9, v1  }
0x7c: {  	s2 =	sadd.s32 $0x20, s2;
	v7 =	vnsel vm1, $0x8100, v7;
	[tilespmem:s1+$0x0] =	vst v6;
	v2 =	vmul.u32 $0x81, v2;
	v1 =	vadd.s32 v8, v1  }
0x7d: {  	vm3 =	vmmov vm14;
	vm11 =	veq.s32 v4, $0x0;
	v4 =	vld [tilespmem:s2+$0x0];
	v1 =	vadd.s32 v14, v1  }
0x7e: {  	s9 =	sadd.s32 $0x20, s1;
	[tilespmem:s4+$0xFFFFFFF0] =	vst v7;
	v2 =	vnsel vm11, $0x8100, v2;
	vm12 =	veq.s32 v12, $0x0;
	v1 =	vmul.u32 $0x81, v1  }
0x7f: {  	s20 =	sadd.s32 $0x20, s2;
	v6 =	vld [tilespmem:s19+$0xFFFFFFF0];
	[tilespmem:s9+$0x0] =	vst v2;
	v2 =	vnsel vm3, $0x8100, v3;
	vm5 =	vmmov vm12  }
0x80: {  	v3 =	vld [tilespmem:s20+$0x0];
	[tilespmem:s1+$0xFFFFFFF0] =	vst v2;
	v1 =	vnsel vm5, $0x8100, v1  }
0x81: {  	v2 =	vld [tilespmem:s2+$0xFFFFFFF0];
	[tilespmem:s9+$0xFFFFFFF0] =	vst v1  }
0x82: {  	v4 =	vnsel vm2, $0x0, v4;
	v1 =	vnsel vm0, $0x0, v5;
	v5 =	vld [tilespmem:s20+$0xFFFFFFF0]  }
0x83: {  	vm13 =	vmmov vm1;
	[tilespmem:s2+$0x0] =	vst v4  }
0x84: {  	[tilespmem:s0+$0xFFFFFFF0] =	vst v1;
	v1 =	vnsel vm13, $0x0, v6  }
0x85: {  	vm14 =	vmmov vm3;
	[tilespmem:s19+$0xFFFFFFF0] =	vst v1;
	v3 =	vnsel vm11, $0x0, v3  }
0x86: {  	vm15 =	vmmov vm5;
	[tilespmem:s20+$0x0] =	vst v3;
	v1 =	vnsel vm14, $0x0, v2  }
0x87: {  	[tilespmem:s2+$0xFFFFFFF0] =	vst v1;
	v1 =	vnsel vm15, $0x0, v5  }
0x88: {  	[tilespmem:s20+$0xFFFFFFF0] =	vst v1  }
0x89: {  	_ =	swait.ge [sflag:s23], $0x8188  }
0x8a: {  	s2 =	simm.s32 $0x0;
	[sflag:s23] =	ssyncset.done $0x0  }
0x8b: {  	s0 =	sand.u32 $0xF0, s2;
	[sflag:s23] =	ssyncadd.s32 $0xFFFF7E78  }
0x8c: {  	v1 =	vld [tilespmem:s0+$0x1900];
	_ =	sdelay $0x1  }
0x8d: {  	s4 =	simm.s32 $0x0  }
0x8e: {  	s1 =	sand.u32 $0x70, s4  }
0x8f: {  	s5 =	sor.u32 $0x8, s1  }
0x90: {  	v2 =	vadd.s32 s5, v1;
	_ =	sdelay $0x4  }
0x91: {  	v3 =	vld.idx.msk [tilespmem:v2+s17+$0x0], $0xffff  }
0x92: {  	v4 =	vadd.s32 $0x1, v2  }
0x93: {  	s6 =	simm.s32 $0x2  }
0x94: {  	s4 =	sand.u32 $0xF0, s6;
	s2 =	sshll.u32 s5, $0x8  }
0x95: {  	s2 =	sor.u32 s0, s2;
	v5 =	vld [tilespmem:s4+$0x1900]  }
0x96: {  	[tilespmem:s2+$0x2100] =	vst v3  }
0x97: {  	s8 =	simm.s32 $0x10;
	v3 =	vadd.s32 s1, v1;
	v4 =	vld.idx.msk [tilespmem:v4+s17+$0x0], $0xffff  }
0x98: {  	v6 =	vadd.s32 $0x2, v2;
	s2 =	sand.u32 $0x70, s8  }
0x99: {  	s9 =	sor.u32 $0x8, s2  }
0x9a: {  	s6 =	sshll.u32 s1, $0x8;
	v8 =	vadd.s32 s9, v5  }
0x9b: {  	s31 =	sor.u32 s0, s6  }
0x9c: {  	v9 =	vld.idx.msk [tilespmem:v3+s17+$0x0], $0xffff;
	[tilespmem:s31+$0x2A00] =	vst v4  }
0x9d: {  	v10 =	vadd.s32 $0x1, v3;
	v1 =	vld.idx.msk [tilespmem:v6+s17+$0x0], $0xffff  }
0x9e: {  	v4 =	vadd.s32 $0x3, v2  }
0x9f: {  	s19 =	simm.s32 $0x4;
	v6 =	vld.idx.msk [tilespmem:v8+s17+$0x0], $0xffff  }
0xa0: {  	s0 =	sand.u32 $0xF0, s19;
	v7 =	vadd.s32 $0x1, v8  }
0xa1: {  	v11 =	vld [tilespmem:s0+$0x1900];
	[tilespmem:s31+$0x2100] =	vst v9  }
0xa2: {  	s20 =	sshll.u32 s9, $0x8;
	v10 =	vld.idx.msk [tilespmem:v10+s17+$0x0], $0xffff;
	[tilespmem:s31+$0x2B00] =	vst v1  }
0xa3: {  	v12 =	vadd.s32 $0x2, v3;
	s1 =	sor.u32 s4, s20;
	v1 =	vld.idx.msk [tilespmem:v4+s17+$0x0], $0xffff  }
0xa4: {  	[tilespmem:s1+$0x2100] =	vst v6;
	v6 =	vadd.s32 $0x4, v2  }
0xa5: {  	s5 =	simm.s32 $0x20;
	v4 =	vadd.s32 s2, v5;
	v7 =	vld.idx.msk [tilespmem:v7+s17+$0x0], $0xffff  }
0xa6: {  	v9 =	vadd.s32 $0x2, v8;
	s1 =	sand.u32 $0x70, s5  }
0xa7: {  	s6 =	sor.u32 $0x8, s1;
	[tilespmem:s31+$0x2200] =	vst v10  }
0xa8: {  	s2 =	sshll.u32 s2, $0x8;
	v5 =	vadd.s32 s6, v11;
	v12 =	vld.idx.msk [tilespmem:v12+s17+$0x0], $0xffff;
	[tilespmem:s31+$0x2C00] =	vst v1  }
0xa9: {  	s30 =	sor.u32 s4, s2;
	v1 =	vld.idx.msk [tilespmem:v6+s17+$0x0], $0xffff  }
0xaa: {  	[tilespmem:s30+$0x2A00] =	vst v7;
	v6 =	vld.idx.msk [tilespmem:v4+s17+$0x0], $0xffff  }
0xab: {  	v7 =	vadd.s32 $0x5, v2;
	v9 =	vld.idx.msk [tilespmem:v9+s17+$0x0], $0xffff  }
0xac: {  	v10 =	vadd.s32 $0x3, v8  }
0xad: {  	s8 =	simm.s32 $0x6;
	v13 =	vadd.s32 $0x1, v4;
	v15 =	vld.idx.msk [tilespmem:v5+s17+$0x0], $0xffff;
	[tilespmem:s31+$0x2300] =	vst v12  }
0xae: {  	v14 =	vadd.s32 $0x3, v3;
	s2 =	sand.u32 $0xF0, s8;
	[tilespmem:s31+$0x2D00] =	vst v1  }
0xaf: {  	v12 =	vld [tilespmem:s2+$0x1900];
	[tilespmem:s30+$0x2100] =	vst v6;
	v6 =	vadd.s32 $0x1, v5  }
0xb0: {  	s9 =	sshll.u32 s6, $0x8;
	[tilespmem:s30+$0x2B00] =	vst v9;
	v1 =	vld.idx.msk [tilespmem:v7+s17+$0x0], $0xffff;
	v7 =	vadd.s32 s1, v11  }
0xb1: {  	s4 =	sor.u32 s0, s9;
	v9 =	vadd.s32 $0x6, v2;
	v10 =	vld.idx.msk [tilespmem:v10+s17+$0x0], $0xffff  }
0xb2: {  	[tilespmem:s4+$0x2100] =	vst v15;
	v15 =	vadd.s32 $0x4, v8;
	v13 =	vld.idx.msk [tilespmem:v13+s17+$0x0], $0xffff  }
0xb3: {  	v14 =	vld.idx.msk [tilespmem:v14+s17+$0x0], $0xffff;
	v11 =	vadd.s32 $0x2, v4  }
0xb4: {  	s19 =	simm.s32 $0x30;
	v16 =	vadd.s32 $0x4, v3;
	v6 =	vld.idx.msk [tilespmem:v6+s17+$0x0], $0xffff  }
0xb5: {  	s4 =	sand.u32 $0x70, s19;
	[tilespmem:s31+$0x2E00] =	vst v1;
	v19 =	vld.idx.msk [tilespmem:v7+s17+$0x0], $0xffff  }
0xb6: {  	v18 =	vadd.s32 $0x2, v5;
	s20 =	sor.u32 $0x8, s4;
	[tilespmem:s30+$0x2C00] =	vst v10;
	v17 =	vld.idx.msk [tilespmem:v9+s17+$0x0], $0xffff  }
0xb7: {  	s1 =	sshll.u32 s1, $0x8;
	[tilespmem:s30+$0x2200] =	vst v13;
	v1 =	vadd.s32 s20, v12;
	v10 =	vld.idx.msk [tilespmem:v15+s17+$0x0], $0xffff  }
0xb8: {  	s0 =	sor.u32 s0, s1;
	[tilespmem:s31+$0x2400] =	vst v14;
	v13 =	vadd.s32 $0x1, v7;
	v11 =	vld.idx.msk [tilespmem:v11+s17+$0x0], $0xffff  }
0xb9: {  	v9 =	vadd.s32 s4, v12;
	v12 =	vld.idx.msk [tilespmem:v16+s17+$0x0], $0xffff;
	[tilespmem:s0+$0x2A00] =	vst v6  }
0xba: {  	v2 =	vadd.s32 $0x7, v2;
	[tilespmem:s0+$0x2100] =	vst v19  }
0xbb: {  	v6 =	vadd.s32 $0x5, v8;
	v14 =	vld.idx.msk [tilespmem:v18+s17+$0x0], $0xffff;
	[tilespmem:s31+$0x2F00] =	vst v17  }
0xbc: {  	s6 =	simm.s32 $0x8;
	v15 =	vadd.s32 $0x3, v4;
	v18 =	vld.idx.msk [tilespmem:v1+s17+$0x0], $0xffff;
	[tilespmem:s30+$0x2D00] =	vst v10  }
0xbd: {  	s1 =	sand.u32 $0xF0, s6;
	v10 =	vadd.s32 $0x5, v3;
	[tilespmem:s30+$0x2300] =	vst v11;
	v13 =	vld.idx.msk [tilespmem:v13+s17+$0x0], $0xffff  }
0xbe: {  	v11 =	vadd.s32 $0x1, v1;
	[tilespmem:s31+$0x2500] =	vst v12;
	v12 =	vld [tilespmem:s1+$0x1900]  }
0xbf: {  	v16 =	vld.idx.msk [tilespmem:v2+s17+$0x0], $0xffff;
	v2 =	vadd.s32 $0x3, v5  }
0xc0: {  	s5 =	sshll.u32 s20, $0x8;
	v6 =	vld.idx.msk [tilespmem:v6+s17+$0x0], $0xffff  }
0xc1: {  	s5 =	sor.u32 s2, s5;
	[tilespmem:s0+$0x2B00] =	vst v14;
	v14 =	vld.idx.msk [tilespmem:v15+s17+$0x0], $0xffff;
	v15 =	vadd.s32 $0x6, v8  }
0xc2: {  	v19 =	vadd.s32 $0x2, v7;
	[tilespmem:s5+$0x2100] =	vst v18;
	v10 =	vld.idx.msk [tilespmem:v10+s17+$0x0], $0xffff  }
0xc3: {  	v20 =	vadd.s32 $0x4, v4;
	v11 =	vld.idx.msk [tilespmem:v11+s17+$0x0], $0xffff  }
0xc4: {  	[tilespmem:s0+$0x2200] =	vst v13;
	v13 =	vadd.s32 $0x2, v1;
	v2 =	vld.idx.msk [tilespmem:v2+s17+$0x0], $0xffff  }
0xc5: {  	v21 =	vadd.s32 $0x6, v3;
	[tilespmem:s30+$0x2E00] =	vst v6  }
0xc6: {  	s8 =	simm.s32 $0x40;
	s4 =	sshll.u32 s4, $0x8;
	v18 =	vadd.s32 $0x4, v5;
	v6 =	vld.idx.msk [tilespmem:v15+s17+$0x0], $0xffff;
	[tilespmem:s30+$0x2400] =	vst v14  }
0xc7: {  	s8 =	sand.u32 $0x70, s8;
	s2 =	sor.u32 s2, s4;
	v15 =	vld.idx.msk [tilespmem:v19+s17+$0x0], $0xffff;
	[tilespmem:s31+$0x2600] =	vst v10  }
0xc8: {  	v8 =	vadd.s32 $0x7, v8;
	s5 =	sor.u32 $0x8, s8;
	v14 =	vld.idx.msk [tilespmem:v20+s17+$0x0], $0xffff;
	[tilespmem:s2+$0x2A00] =	vst v11  }
0xc9: {  	[tilespmem:s0+$0x2C00] =	vst v2;
	v2 =	vadd.s32 s5, v12;
	v13 =	vld.idx.msk [tilespmem:v13+s17+$0x0], $0xffff  }
0xca: {  	[tilespmem:s31+$0x3000] =	vst v16;
	v20 =	vadd.s32 $0x5, v4;
	v10 =	vld.idx.msk [tilespmem:v21+s17+$0x0], $0xffff  }
0xcb: {  	v16 =	vadd.s32 $0x3, v1;
	v18 =	vld.idx.msk [tilespmem:v18+s17+$0x0], $0xffff;
	[tilespmem:s30+$0x2F00] =	vst v6  }
0xcc: {  	v17 =	vld.idx.msk [tilespmem:v9+s17+$0x0], $0xffff;
	v11 =	vadd.s32 $0x5, v5;
	[tilespmem:s0+$0x2300] =	vst v15  }
0xcd: {  	v19 =	vadd.s32 s8, v12;
	v12 =	vadd.s32 $0x1, v9;
	v8 =	vld.idx.msk [tilespmem:v8+s17+$0x0], $0xffff;
	[tilespmem:s30+$0x2500] =	vst v14  }
0xce: {  	v22 =	vld.idx.msk [tilespmem:v2+s17+$0x0], $0xffff;
	[tilespmem:s2+$0x2B00] =	vst v13  }
0xcf: {  	v6 =	vadd.s32 $0x3, v7;
	[tilespmem:s31+$0x2700] =	vst v10;
	v10 =	vld.idx.msk [tilespmem:v20+s17+$0x0], $0xffff  }
0xd0: {  	v15 =	vadd.s32 $0x1, v2;
	[tilespmem:s0+$0x2D00] =	vst v18;
	v14 =	vld.idx.msk [tilespmem:v16+s17+$0x0], $0xffff  }
0xd1: {  	s19 =	simm.s32 $0xA;
	[tilespmem:s2+$0x2100] =	vst v17;
	v20 =	vadd.s32 $0x4, v1;
	v11 =	vld.idx.msk [tilespmem:v11+s17+$0x0], $0xffff  }
0xd2: {  	s20 =	sand.u32 $0xF0, s19;
	s9 =	sshll.u32 s5, $0x8;
	v12 =	vld.idx.msk [tilespmem:v12+s17+$0x0], $0xffff;
	v13 =	vadd.s32 $0x6, v5  }
0xd3: {  	s4 =	sor.u32 s1, s9;
	v18 =	vld [tilespmem:s20+$0x1900]  }
0xd4: {  	v17 =	vadd.s32 $0x2, v9;
	v6 =	vld.idx.msk [tilespmem:v6+s17+$0x0], $0xffff;
	[tilespmem:s4+$0x2100] =	vst v22  }
0xd5: {  	v16 =	vadd.s32 $0x4, v7;
	v15 =	vld.idx.msk [tilespmem:v15+s17+$0x0], $0xffff;
	[tilespmem:s2+$0x2C00] =	vst v14  }
0xd6: {  	v22 =	vadd.s32 $0x6, v4;
	[tilespmem:s0+$0x2E00] =	vst v11;
	v27 =	vld.idx.msk [tilespmem:v20+s17+$0x0], $0xffff  }
0xd7: {  	[tilespmem:s2+$0x2200] =	vst v12;
	v12 =	vld.idx.msk [tilespmem:v13+s17+$0x0], $0xffff;
	v13 =	vadd.s32 $0x2, v2  }
0xd8: {  	v31 =	vadd.s32 $0x5, v1;
	v21 =	vld.idx.msk [tilespmem:v19+s17+$0x0], $0xffff;
	[tilespmem:s30+$0x3000] =	vst v8  }
0xd9: {  	s8 =	sshll.u32 s8, $0x8;
	v33 =	vadd.s32 $0x1, v19;
	s4 =	simm.s32 $0x50;
	v24 =	vld.idx.msk [tilespmem:v17+s17+$0x0], $0xffff;
	[tilespmem:s0+$0x2400] =	vst v6  }
0xda: {  	v23 =	vadd.s32 $0x7, v3;
	v25 =	vadd.s32 $0x7, v5;
	s1 =	sor.u32 s1, s8;
	[tilespmem:s30+$0x2600] =	vst v10;
	s5 =	sand.u32 $0x70, s4;
	v14 =	vld.idx.msk [tilespmem:v16+s17+$0x0], $0xffff  }
0xdb: {  	v35 =	vadd.s32 $0x3, v9;
	v3 =	vadd.s32 $0x7, v4;
	v5 =	vadd.s32 $0x7, v9;
	s6 =	sor.u32 $0x8, s5;
	v30 =	vld.idx.msk [tilespmem:v22+s17+$0x0], $0xffff;
	[tilespmem:s1+$0x2A00] =	vst v15  }
0xdc: {  	v8 =	vadd.s32 $0x6, v9;
	v4 =	vadd.s32 $0x7, v7;
	v6 =	vadd.s32 s6, v18;
	[tilespmem:s2+$0x2D00] =	vst v27;
	v36 =	vld.idx.msk [tilespmem:v13+s17+$0x0], $0xffff  }
0xdd: {  	[tilespmem:s1+$0x2100] =	vst v21;
	v10 =	vadd.s32 $0x5, v9;
	v17 =	vadd.s32 $0x5, v7;
	v29 =	vadd.s32 s5, v18;
	v27 =	vld.idx.msk [tilespmem:v31+s17+$0x0], $0xffff  }
0xde: {  	v11 =	vadd.s32 $0x6, v7;
	v20 =	vadd.s32 $0x2, v19;
	v7 =	vadd.s32 $0x7, v19;
	[tilespmem:s0+$0x2F00] =	vst v12;
	v31 =	vld.idx.msk [tilespmem:v33+s17+$0x0], $0xffff  }
0xdf: {  	v18 =	vadd.s32 $0x3, v19;
	v21 =	vadd.s32 $0x4, v29;
	v33 =	vadd.s32 $0x3, v2;
	v28 =	vld.idx.msk [tilespmem:v25+s17+$0x0], $0xffff  }
0xe0: {  	v26 =	vld.idx.msk [tilespmem:v23+s17+$0x0], $0xffff;
	v16 =	vadd.s32 $0x4, v9;
	v9 =	vadd.s32 $0x7, v29;
	v34 =	vadd.s32 $0x1, v6;
	[tilespmem:s2+$0x2300] =	vst v24  }
0xe1: {  	v22 =	vadd.s32 $0x1, v29;
	v15 =	vadd.s32 $0x4, v19;
	v24 =	vadd.s32 $0x5, v29;
	v32 =	vld.idx.msk [tilespmem:v6+s17+$0x0], $0xffff;
	[tilespmem:s0+$0x2500] =	vst v14  }
0xe2: {  	v23 =	vld.idx.msk [tilespmem:v29+s17+$0x0], $0xffff;
	v13 =	vadd.s32 $0x5, v19;
	v12 =	vadd.s32 $0x6, v19;
	v19 =	vadd.s32 $0x3, v29;
	[tilespmem:s30+$0x2700] =	vst v30  }
0xe3: {  	v25 =	vadd.s32 $0x2, v29;
	v14 =	vadd.s32 $0x6, v29;
	v29 =	vld.idx.msk [tilespmem:v35+s17+$0x0], $0xffff;
	v30 =	vadd.s32 $0x6, v1;
	[tilespmem:s1+$0x2B00] =	vst v36  }
.LBB2_4:
0xe4: {  	s19 =	sadd.s32 $0x2, s19;
	s6 =	sshll.u32 s6, $0x8;
	v33 =	vld.idx.msk [tilespmem:v33+s17+$0x0], $0xffff;
	[tilespmem:s0+$0x3000] =	vst v28  }
0xe5: {  	s8 =	sand.u32 $0xF0, s19;
	p0 =	slt.u32 s19, $0xFE;
	s6 =	sor.u32 s20, s6;
	v28 =	vld.idx.msk [tilespmem:v17+s17+$0x0], $0xffff;
	[tilespmem:s31+$0x2800] =	vst v26;
	v17 =	vmov v10;
	v10 =	vmov v13;
	v13 =	vmov v24  }
0xe6: {  	v26 =	vadd.s32 $0x4, v2;
	s31 =	smov.u32 s30;
	s30 =	smov.u32 s0;
	s0 =	smov.u32 s2;
	v24 =	vld [tilespmem:s8+$0x1900];
	[tilespmem:s6+$0x2100] =	vst v32  }
0xe7: {  	s2 =	smov.u32 s1;
	v32 =	vld.idx.msk [tilespmem:v34+s17+$0x0], $0xffff;
	[tilespmem:s0+$0x2E00] =	vst v27  }
0xe8: {  	[tilespmem:s2+$0x2200] =	vst v31;
	v27 =	vld.idx.msk [tilespmem:v30+s17+$0x0], $0xffff  }
0xe9: {  	s4 =	sadd.s32 $0x10, s4;
	v30 =	vadd.s32 $0x2, v6;
	v31 =	vld.idx.msk [tilespmem:v20+s17+$0x0], $0xffff;
	[tilespmem:s0+$0x2400] =	vst v29;
	v20 =	vmov v25  }
0xea: {  	s1 =	sand.u32 $0x70, s4;
	[tilespmem:s2+$0x2C00] =	vst v33;
	v29 =	vld.idx.msk [tilespmem:v16+s17+$0x0], $0xffff;
	v33 =	vadd.s32 $0x7, v1;
	v1 =	vmovc v2;
	v2 =	vmovc v6;
	v16 =	vmov v15;
	v15 =	vmov v21  }
0xeb: {  	s9 =	sshll.u32 s5, $0x8;
	s6 =	sor.u32 $0x8, s1;
	s5 =	smov.u32 s1;
	v34 =	vadd.s32 s1, v24;
	v35 =	vld.idx.msk [tilespmem:v26+s17+$0x0], $0xffff;
	[tilespmem:s30+$0x2600] =	vst v28  }
0xec: {  	v6 =	vadd.s32 s6, v24;
	s1 =	sor.u32 s20, s9;
	s20 =	smov.u32 s8;
	v36 =	vadd.s32 $0x1, v34;
	v25 =	vadd.s32 $0x2, v34;
	v37 =	vld.idx.msk [tilespmem:v11+s17+$0x0], $0xffff;
	v11 =	vmovc v8;
	v8 =	vmovc v12  }
0xed: {  	v39 =	vadd.s32 $0x5, v1;
	v38 =	vadd.s32 $0x3, v34;
	v21 =	vadd.s32 $0x4, v34;
	v12 =	vmovc v14;
	[tilespmem:s1+$0x2A00] =	vst v32;
	v26 =	vld.idx.msk [tilespmem:v3+s17+$0x0], $0xffff;
	v3 =	vmovc v4  }
0xee: {  	v24 =	vadd.s32 $0x5, v34;
	v14 =	vadd.s32 $0x6, v34;
	v32 =	vadd.s32 $0x7, v34;
	v4 =	vmovc v5;
	v5 =	vmovc v7;
	v30 =	vld.idx.msk [tilespmem:v30+s17+$0x0], $0xffff;
	[tilespmem:s0+$0x2F00] =	vst v27  }
0xef: {  	v7 =	vmov v9;
	v9 =	vmov v32;
	[tilespmem:s1+$0x2100] =	vst v23;
	v28 =	vld.idx.msk [tilespmem:v33+s17+$0x0], $0xffff  }
.Ltmp1:
0xf0: {  	v33 =	vadd.s32 $0x3, v2;
	v23 =	vld.idx.msk [tilespmem:v34+s17+$0x0], $0xffff;
	[tilespmem:s2+$0x2300] =	vst v31;
	(pc) =	sbr.rel @p0 .LBB2_4-.Ltmp1, $4  }
0xf1: {  	v32 =	vld.idx.msk [tilespmem:v6+s17+$0x0], $0xffff;
	[tilespmem:s2+$0x2D00] =	vst v35  }
0xf2: {  	v27 =	vld.idx.msk [tilespmem:v39+s17+$0x0], $0xffff;
	[tilespmem:s0+$0x2500] =	vst v29  }
0xf3: {  	v34 =	vadd.s32 $0x1, v6;
	v31 =	vld.idx.msk [tilespmem:v22+s17+$0x0], $0xffff;
	[tilespmem:s30+$0x2700] =	vst v37;
	v22 =	vmov v36  }
0xf4: {  	[tilespmem:s1+$0x2B00] =	vst v30;
	v29 =	vld.idx.msk [tilespmem:v18+s17+$0x0], $0xffff;
	v30 =	vadd.s32 $0x6, v1;
	v18 =	vmov v19;
	v19 =	vmov v38  }
0xf5: {  	_ = 	snop  }
0xf6: {  	s4 =	sshll.u32 s6, $0x8  }
0xf7: {  	s19 =	sshll.u32 s5, $0x8;
	s4 =	sor.u32 s20, s4  }
0xf8: {  	[tilespmem:s4+$0x2100] =	vst v32;
	s4 =	sor.u32 s20, s19  }
0xf9: {  	v32 =	vld.idx.msk [tilespmem:v34+s17+$0x0], $0xffff;
	[tilespmem:s4+$0x2100] =	vst v23  }
0xfa: {  	v46 =	vadd.s32 $0x2, v6;
	v22 =	vld.idx.msk [tilespmem:v22+s17+$0x0], $0xffff;
	_ =	sdelay $0x1  }
0xfb: {  	[tilespmem:s0+$0x3000] =	vst v28  }
0xfc: {  	v49 =	vld.idx.msk [tilespmem:v33+s17+$0x0], $0xffff;
	[tilespmem:s1+$0x2200] =	vst v31  }
0xfd: {  	v20 =	vld.idx.msk [tilespmem:v20+s17+$0x0], $0xffff;
	[tilespmem:s4+$0x2A00] =	vst v32  }
0xfe: {  	v47 =	vld.idx.msk [tilespmem:v46+s17+$0x0], $0xffff;
	[tilespmem:s4+$0x2200] =	vst v22  }
0xff: {  	v48 =	vadd.s32 $0x3, v6;
	[tilespmem:s2+$0x2E00] =	vst v27;
	v22 =	vld.idx.msk [tilespmem:v25+s17+$0x0], $0xffff  }
0x100: {  	v17 =	vld.idx.msk [tilespmem:v17+s17+$0x0], $0xffff;
	[tilespmem:s2+$0x2400] =	vst v29  }
0x101: {  	v50 =	vadd.s32 $0x4, v2;
	v3 =	vld.idx.msk [tilespmem:v3+s17+$0x0], $0xffff;
	[tilespmem:s1+$0x2C00] =	vst v49  }
0x102: {  	v27 =	vld.idx.msk [tilespmem:v30+s17+$0x0], $0xffff;
	[tilespmem:s1+$0x2300] =	vst v20  }
0x103: {  	v1 =	vadd.s32 $0x7, v1;
	v18 =	vld.idx.msk [tilespmem:v18+s17+$0x0], $0xffff;
	[tilespmem:s4+$0x2B00] =	vst v47  }
0x104: {  	v23 =	vld.idx.msk [tilespmem:v48+s17+$0x0], $0xffff;
	[tilespmem:s4+$0x2300] =	vst v22  }
0x105: {  	v51 =	vadd.s32 $0x4, v6;
	[tilespmem:s0+$0x2600] =	vst v17;
	v19 =	vld.idx.msk [tilespmem:v19+s17+$0x0], $0xffff  }
0x106: {  	[tilespmem:s30+$0x2800] =	vst v3;
	v52 =	vld.idx.msk [tilespmem:v50+s17+$0x0], $0xffff  }
0x107: {  	v53 =	vadd.s32 $0x5, v2;
	v16 =	vld.idx.msk [tilespmem:v16+s17+$0x0], $0xffff;
	[tilespmem:s2+$0x2F00] =	vst v27  }
0x108: {  	v1 =	vld.idx.msk [tilespmem:v1+s17+$0x0], $0xffff;
	[tilespmem:s1+$0x2400] =	vst v18  }
0x109: {  	v15 =	vld.idx.msk [tilespmem:v15+s17+$0x0], $0xffff;
	[tilespmem:s4+$0x2C00] =	vst v23  }
0x10a: {  	v20 =	vld.idx.msk [tilespmem:v51+s17+$0x0], $0xffff;
	[tilespmem:s4+$0x2400] =	vst v19  }
0x10b: {  	v54 =	vadd.s32 $0x5, v6;
	[tilespmem:s1+$0x2D00] =	vst v52;
	v19 =	vld.idx.msk [tilespmem:v21+s17+$0x0], $0xffff  }
0x10c: {  	[tilespmem:s2+$0x2500] =	vst v16;
	v17 =	vld.idx.msk [tilespmem:v53+s17+$0x0], $0xffff  }
0x10d: {  	v55 =	vadd.s32 $0x6, v2;
	v10 =	vld.idx.msk [tilespmem:v10+s17+$0x0], $0xffff;
	[tilespmem:s2+$0x3000] =	vst v1  }
0x10e: {  	v11 =	vld.idx.msk [tilespmem:v11+s17+$0x0], $0xffff;
	[tilespmem:s1+$0x2500] =	vst v15  }
0x10f: {  	v13 =	vld.idx.msk [tilespmem:v13+s17+$0x0], $0xffff;
	[tilespmem:s4+$0x2D00] =	vst v20  }
0x110: {  	v56 =	vld.idx.msk [tilespmem:v54+s17+$0x0], $0xffff;
	[tilespmem:s4+$0x2500] =	vst v19  }
0x111: {  	v57 =	vadd.s32 $0x6, v6;
	[tilespmem:s1+$0x2E00] =	vst v17;
	v58 =	vld.idx.msk [tilespmem:v24+s17+$0x0], $0xffff  }
0x112: {  	[tilespmem:s2+$0x2600] =	vst v10;
	v1 =	vld.idx.msk [tilespmem:v55+s17+$0x0], $0xffff  }
0x113: {  	[tilespmem:s0+$0x2700] =	vst v11;
	v8 =	vld.idx.msk [tilespmem:v8+s17+$0x0], $0xffff  }
0x114: {  	[tilespmem:s1+$0x2600] =	vst v13  }
0x115: {  	v2 =	vadd.s32 $0x7, v2;
	v61 =	vld.idx.msk [tilespmem:v12+s17+$0x0], $0xffff;
	[tilespmem:s4+$0x2E00] =	vst v56  }
0x116: {  	v59 =	vld.idx.msk [tilespmem:v57+s17+$0x0], $0xffff;
	[tilespmem:s4+$0x2600] =	vst v58  }
0x117: {  	v60 =	vadd.s32 $0x7, v6;
	[tilespmem:s1+$0x2F00] =	vst v1;
	v1 =	vld.idx.msk [tilespmem:v14+s17+$0x0], $0xffff  }
0x118: {  	v3 =	vld.idx.msk [tilespmem:v4+s17+$0x0], $0xffff;
	[tilespmem:s2+$0x2700] =	vst v8  }
0x119: {  	[tilespmem:s31+$0x2800] =	vst v26;
	v5 =	vld.idx.msk [tilespmem:v5+s17+$0x0], $0xffff  }
0x11a: {  	v2 =	vld.idx.msk [tilespmem:v2+s17+$0x0], $0xffff;
	[tilespmem:s1+$0x2700] =	vst v61  }
0x11b: {  	v63 =	vld.idx.msk [tilespmem:v7+s17+$0x0], $0xffff;
	[tilespmem:s4+$0x2F00] =	vst v59  }
0x11c: {  	v62 =	vld.idx.msk [tilespmem:v60+s17+$0x0], $0xffff;
	[tilespmem:s4+$0x2700] =	vst v1  }
0x11d: {  	[tilespmem:s0+$0x2800] =	vst v3;
	v1 =	vld.idx.msk [tilespmem:v9+s17+$0x0], $0xffff  }
0x11e: {  	[tilespmem:s2+$0x2800] =	vst v5  }
0x11f: {  	[tilespmem:s1+$0x3000] =	vst v2  }
0x120: {  	[tilespmem:s1+$0x2800] =	vst v63  }
0x121: {  	[tilespmem:s4+$0x3000] =	vst v62  }
0x122: {  	s0 =	simm.s32 $0x0;
	[tilespmem:s4+$0x2800] =	vst v1  }
0x123: {  	s1 =	simm.s32 $0x40;
	v1 =	vld [tilespmem:s0+$0x900]  }
.LBB2_6:
0x124: {  	p0 =	sne.s32 s1, $0x3C0  }
.Ltmp2:
0x125: {  	_ = 	snop;
	(pc) =	sbr.rel @p0 .LBB2_6-.Ltmp2, $3  }
0x126: {  	_ =	sdelay $0x1  }
0x127: {  	[tilespmem:s0+$0xA100] =	vst v1;
	s0 =	sshra.s32 s1, $0x2;
	s1 =	sadd.s32 $0x40, s1  }
0x128: {  	v1 =	vld [tilespmem:s0+$0x900]  }
0x129: {  	_ =	sdelay $0x2  }
0x12a: {  	s8 =	simm.s32 $0x0  }
0x12b: {  	[tilespmem:s0+$0xA100] =	vst v1;
	s0 =	sand.u32 $0xF0, s8  }
0x12c: {  	[hbm4b:s7+s18] =	stream.strided.scatter [tilespmem:s25], [sflag:$0x3], $0x8100, s24, s18, $0x38;
	[tilespmem:$0x1A488] =	vst v63  }
0x12d: {  	v1 =	vld [tilespmem:s0+$0x1A00];
	_ =	sdelay $0x1  }
0x12e: {  	s1 =	simm.s32 $0x0  }
0x12f: {  	s1 =	sand.u32 $0x70, s1  }
0x130: {  	s2 =	sor.u32 $0x8, s1  }
0x131: {  	v2 =	vadd.s32 s2, v1;
	_ =	sdelay $0x4  }
0x132: {  	v3 =	vld.idx.msk [tilespmem:v2+s17+$0x0], $0xffff  }
0x133: {  	v4 =	vadd.s32 $0x1, v2  }
0x134: {  	s4 =	simm.s32 $0x2  }
0x135: {  	s4 =	sand.u32 $0xF0, s4;
	s2 =	sshll.u32 s2, $0x8  }
0x136: {  	v5 =	vld [tilespmem:s4+$0x1A00];
	s2 =	sor.u32 s0, s2  }
0x137: {  	[tilespmem:s2+$0xA200] =	vst v3  }
0x138: {  	s9 =	simm.s32 $0x10;
	v3 =	vadd.s32 s1, v1;
	v4 =	vld.idx.msk [tilespmem:v4+s17+$0x0], $0xffff  }
0x139: {  	v6 =	vadd.s32 $0x2, v2;
	s2 =	sand.u32 $0x70, s9  }
0x13a: {  	s5 =	sor.u32 $0x8, s2  }
0x13b: {  	s6 =	sshll.u32 s1, $0x8;
	v8 =	vadd.s32 s5, v5  }
0x13c: {  	s31 =	sor.u32 s0, s6  }
0x13d: {  	v9 =	vld.idx.msk [tilespmem:v3+s17+$0x0], $0xffff;
	[tilespmem:s31+$0xAB00] =	vst v4  }
0x13e: {  	v10 =	vadd.s32 $0x1, v3;
	v1 =	vld.idx.msk [tilespmem:v6+s17+$0x0], $0xffff  }
0x13f: {  	v4 =	vadd.s32 $0x3, v2  }
0x140: {  	s19 =	simm.s32 $0x4;
	v6 =	vld.idx.msk [tilespmem:v8+s17+$0x0], $0xffff  }
0x141: {  	s0 =	sand.u32 $0xF0, s19;
	v7 =	vadd.s32 $0x1, v8  }
0x142: {  	v11 =	vld [tilespmem:s0+$0x1A00];
	[tilespmem:s31+$0xA200] =	vst v9  }
0x143: {  	s20 =	sshll.u32 s5, $0x8;
	v10 =	vld.idx.msk [tilespmem:v10+s17+$0x0], $0xffff;
	[tilespmem:s31+$0xAC00] =	vst v1  }
0x144: {  	v12 =	vadd.s32 $0x2, v3;
	s1 =	sor.u32 s4, s20;
	v1 =	vld.idx.msk [tilespmem:v4+s17+$0x0], $0xffff  }
0x145: {  	[tilespmem:s1+$0xA200] =	vst v6;
	v6 =	vadd.s32 $0x4, v2  }
0x146: {  	s5 =	simm.s32 $0x20;
	v4 =	vadd.s32 s2, v5;
	v7 =	vld.idx.msk [tilespmem:v7+s17+$0x0], $0xffff  }
0x147: {  	v9 =	vadd.s32 $0x2, v8;
	s1 =	sand.u32 $0x70, s5  }
0x148: {  	s6 =	sor.u32 $0x8, s1;
	[tilespmem:s31+$0xA300] =	vst v10  }
0x149: {  	s2 =	sshll.u32 s2, $0x8;
	v5 =	vadd.s32 s6, v11;
	v12 =	vld.idx.msk [tilespmem:v12+s17+$0x0], $0xffff;
	[tilespmem:s31+$0xAD00] =	vst v1  }
0x14a: {  	s30 =	sor.u32 s4, s2;
	v1 =	vld.idx.msk [tilespmem:v6+s17+$0x0], $0xffff  }
0x14b: {  	[tilespmem:s30+$0xAB00] =	vst v7;
	v6 =	vld.idx.msk [tilespmem:v4+s17+$0x0], $0xffff  }
0x14c: {  	v7 =	vadd.s32 $0x5, v2;
	v9 =	vld.idx.msk [tilespmem:v9+s17+$0x0], $0xffff  }
0x14d: {  	v10 =	vadd.s32 $0x3, v8  }
0x14e: {  	s8 =	simm.s32 $0x6;
	v13 =	vadd.s32 $0x1, v4;
	v15 =	vld.idx.msk [tilespmem:v5+s17+$0x0], $0xffff;
	[tilespmem:s31+$0xA400] =	vst v12  }
0x14f: {  	v14 =	vadd.s32 $0x3, v3;
	s2 =	sand.u32 $0xF0, s8;
	[tilespmem:s31+$0xAE00] =	vst v1  }
0x150: {  	v12 =	vld [tilespmem:s2+$0x1A00];
	[tilespmem:s30+$0xA200] =	vst v6;
	v6 =	vadd.s32 $0x1, v5  }
0x151: {  	s9 =	sshll.u32 s6, $0x8;
	[tilespmem:s30+$0xAC00] =	vst v9;
	v1 =	vld.idx.msk [tilespmem:v7+s17+$0x0], $0xffff;
	v7 =	vadd.s32 s1, v11  }
0x152: {  	s4 =	sor.u32 s0, s9;
	v9 =	vadd.s32 $0x6, v2;
	v10 =	vld.idx.msk [tilespmem:v10+s17+$0x0], $0xffff  }
0x153: {  	[tilespmem:s4+$0xA200] =	vst v15;
	v15 =	vadd.s32 $0x4, v8;
	v13 =	vld.idx.msk [tilespmem:v13+s17+$0x0], $0xffff  }
0x154: {  	v14 =	vld.idx.msk [tilespmem:v14+s17+$0x0], $0xffff;
	v11 =	vadd.s32 $0x2, v4  }
0x155: {  	s19 =	simm.s32 $0x30;
	v16 =	vadd.s32 $0x4, v3;
	v6 =	vld.idx.msk [tilespmem:v6+s17+$0x0], $0xffff  }
0x156: {  	s4 =	sand.u32 $0x70, s19;
	[tilespmem:s31+$0xAF00] =	vst v1;
	v19 =	vld.idx.msk [tilespmem:v7+s17+$0x0], $0xffff  }
0x157: {  	v18 =	vadd.s32 $0x2, v5;
	s20 =	sor.u32 $0x8, s4;
	[tilespmem:s30+$0xAD00] =	vst v10;
	v17 =	vld.idx.msk [tilespmem:v9+s17+$0x0], $0xffff  }
0x158: {  	s1 =	sshll.u32 s1, $0x8;
	[tilespmem:s30+$0xA300] =	vst v13;
	v1 =	vadd.s32 s20, v12;
	v10 =	vld.idx.msk [tilespmem:v15+s17+$0x0], $0xffff  }
0x159: {  	s0 =	sor.u32 s0, s1;
	[tilespmem:s31+$0xA500] =	vst v14;
	v13 =	vadd.s32 $0x1, v7;
	v11 =	vld.idx.msk [tilespmem:v11+s17+$0x0], $0xffff  }
0x15a: {  	v9 =	vadd.s32 s4, v12;
	v12 =	vld.idx.msk [tilespmem:v16+s17+$0x0], $0xffff;
	[tilespmem:s0+$0xAB00] =	vst v6  }
0x15b: {  	v2 =	vadd.s32 $0x7, v2;
	[tilespmem:s0+$0xA200] =	vst v19  }
0x15c: {  	v6 =	vadd.s32 $0x5, v8;
	v14 =	vld.idx.msk [tilespmem:v18+s17+$0x0], $0xffff;
	[tilespmem:s31+$0xB000] =	vst v17  }
0x15d: {  	s6 =	simm.s32 $0x8;
	v15 =	vadd.s32 $0x3, v4;
	v18 =	vld.idx.msk [tilespmem:v1+s17+$0x0], $0xffff;
	[tilespmem:s30+$0xAE00] =	vst v10  }
0x15e: {  	s1 =	sand.u32 $0xF0, s6;
	v10 =	vadd.s32 $0x5, v3;
	[tilespmem:s30+$0xA400] =	vst v11;
	v13 =	vld.idx.msk [tilespmem:v13+s17+$0x0], $0xffff  }
0x15f: {  	v11 =	vadd.s32 $0x1, v1;
	[tilespmem:s31+$0xA600] =	vst v12;
	v12 =	vld [tilespmem:s1+$0x1A00]  }
0x160: {  	v16 =	vld.idx.msk [tilespmem:v2+s17+$0x0], $0xffff;
	v2 =	vadd.s32 $0x3, v5  }
0x161: {  	s5 =	sshll.u32 s20, $0x8;
	v6 =	vld.idx.msk [tilespmem:v6+s17+$0x0], $0xffff  }
0x162: {  	s5 =	sor.u32 s2, s5;
	[tilespmem:s0+$0xAC00] =	vst v14;
	v14 =	vld.idx.msk [tilespmem:v15+s17+$0x0], $0xffff;
	v15 =	vadd.s32 $0x6, v8  }
0x163: {  	v19 =	vadd.s32 $0x2, v7;
	[tilespmem:s5+$0xA200] =	vst v18;
	v10 =	vld.idx.msk [tilespmem:v10+s17+$0x0], $0xffff  }
0x164: {  	v20 =	vadd.s32 $0x4, v4;
	v11 =	vld.idx.msk [tilespmem:v11+s17+$0x0], $0xffff  }
0x165: {  	[tilespmem:s0+$0xA300] =	vst v13;
	v13 =	vadd.s32 $0x2, v1;
	v2 =	vld.idx.msk [tilespmem:v2+s17+$0x0], $0xffff  }
0x166: {  	v21 =	vadd.s32 $0x6, v3;
	[tilespmem:s30+$0xAF00] =	vst v6  }
0x167: {  	s8 =	simm.s32 $0x40;
	s4 =	sshll.u32 s4, $0x8;
	v18 =	vadd.s32 $0x4, v5;
	v6 =	vld.idx.msk [tilespmem:v15+s17+$0x0], $0xffff;
	[tilespmem:s30+$0xA500] =	vst v14  }
0x168: {  	s8 =	sand.u32 $0x70, s8;
	s2 =	sor.u32 s2, s4;
	v15 =	vld.idx.msk [tilespmem:v19+s17+$0x0], $0xffff;
	[tilespmem:s31+$0xA700] =	vst v10  }
0x169: {  	v8 =	vadd.s32 $0x7, v8;
	s5 =	sor.u32 $0x8, s8;
	v14 =	vld.idx.msk [tilespmem:v20+s17+$0x0], $0xffff;
	[tilespmem:s2+$0xAB00] =	vst v11  }
0x16a: {  	[tilespmem:s0+$0xAD00] =	vst v2;
	v2 =	vadd.s32 s5, v12;
	v13 =	vld.idx.msk [tilespmem:v13+s17+$0x0], $0xffff  }
0x16b: {  	[tilespmem:s31+$0xB100] =	vst v16;
	v20 =	vadd.s32 $0x5, v4;
	v10 =	vld.idx.msk [tilespmem:v21+s17+$0x0], $0xffff  }
0x16c: {  	v16 =	vadd.s32 $0x3, v1;
	v18 =	vld.idx.msk [tilespmem:v18+s17+$0x0], $0xffff;
	[tilespmem:s30+$0xB000] =	vst v6  }
0x16d: {  	v17 =	vld.idx.msk [tilespmem:v9+s17+$0x0], $0xffff;
	v11 =	vadd.s32 $0x5, v5;
	[tilespmem:s0+$0xA400] =	vst v15  }
0x16e: {  	v19 =	vadd.s32 s8, v12;
	v12 =	vadd.s32 $0x1, v9;
	v8 =	vld.idx.msk [tilespmem:v8+s17+$0x0], $0xffff;
	[tilespmem:s30+$0xA600] =	vst v14  }
0x16f: {  	v22 =	vld.idx.msk [tilespmem:v2+s17+$0x0], $0xffff;
	[tilespmem:s2+$0xAC00] =	vst v13  }
0x170: {  	v6 =	vadd.s32 $0x3, v7;
	[tilespmem:s31+$0xA800] =	vst v10;
	v10 =	vld.idx.msk [tilespmem:v20+s17+$0x0], $0xffff  }
0x171: {  	v15 =	vadd.s32 $0x1, v2;
	[tilespmem:s0+$0xAE00] =	vst v18;
	v14 =	vld.idx.msk [tilespmem:v16+s17+$0x0], $0xffff  }
0x172: {  	s19 =	simm.s32 $0xA;
	[tilespmem:s2+$0xA200] =	vst v17;
	v20 =	vadd.s32 $0x4, v1;
	v11 =	vld.idx.msk [tilespmem:v11+s17+$0x0], $0xffff  }
0x173: {  	s20 =	sand.u32 $0xF0, s19;
	s9 =	sshll.u32 s5, $0x8;
	v12 =	vld.idx.msk [tilespmem:v12+s17+$0x0], $0xffff;
	v13 =	vadd.s32 $0x6, v5  }
0x174: {  	s4 =	sor.u32 s1, s9;
	v18 =	vld [tilespmem:s20+$0x1A00]  }
0x175: {  	v17 =	vadd.s32 $0x2, v9;
	v6 =	vld.idx.msk [tilespmem:v6+s17+$0x0], $0xffff;
	[tilespmem:s4+$0xA200] =	vst v22  }
0x176: {  	v16 =	vadd.s32 $0x4, v7;
	v15 =	vld.idx.msk [tilespmem:v15+s17+$0x0], $0xffff;
	[tilespmem:s2+$0xAD00] =	vst v14  }
0x177: {  	v22 =	vadd.s32 $0x6, v4;
	[tilespmem:s0+$0xAF00] =	vst v11;
	v27 =	vld.idx.msk [tilespmem:v20+s17+$0x0], $0xffff  }
0x178: {  	[tilespmem:s2+$0xA300] =	vst v12;
	v12 =	vld.idx.msk [tilespmem:v13+s17+$0x0], $0xffff;
	v13 =	vadd.s32 $0x2, v2  }
0x179: {  	v31 =	vadd.s32 $0x5, v1;
	v21 =	vld.idx.msk [tilespmem:v19+s17+$0x0], $0xffff;
	[tilespmem:s30+$0xB100] =	vst v8  }
0x17a: {  	s8 =	sshll.u32 s8, $0x8;
	v33 =	vadd.s32 $0x1, v19;
	s4 =	simm.s32 $0x50;
	v24 =	vld.idx.msk [tilespmem:v17+s17+$0x0], $0xffff;
	[tilespmem:s0+$0xA500] =	vst v6  }
0x17b: {  	v23 =	vadd.s32 $0x7, v3;
	v25 =	vadd.s32 $0x7, v5;
	s1 =	sor.u32 s1, s8;
	[tilespmem:s30+$0xA700] =	vst v10;
	s5 =	sand.u32 $0x70, s4;
	v14 =	vld.idx.msk [tilespmem:v16+s17+$0x0], $0xffff  }
0x17c: {  	v35 =	vadd.s32 $0x3, v9;
	v3 =	vadd.s32 $0x7, v4;
	v5 =	vadd.s32 $0x7, v9;
	s6 =	sor.u32 $0x8, s5;
	v30 =	vld.idx.msk [tilespmem:v22+s17+$0x0], $0xffff;
	[tilespmem:s1+$0xAB00] =	vst v15  }
0x17d: {  	v8 =	vadd.s32 $0x6, v9;
	v4 =	vadd.s32 $0x7, v7;
	v6 =	vadd.s32 s6, v18;
	[tilespmem:s2+$0xAE00] =	vst v27;
	v36 =	vld.idx.msk [tilespmem:v13+s17+$0x0], $0xffff  }
0x17e: {  	[tilespmem:s1+$0xA200] =	vst v21;
	v10 =	vadd.s32 $0x5, v9;
	v17 =	vadd.s32 $0x5, v7;
	v29 =	vadd.s32 s5, v18;
	v27 =	vld.idx.msk [tilespmem:v31+s17+$0x0], $0xffff  }
0x17f: {  	v11 =	vadd.s32 $0x6, v7;
	v20 =	vadd.s32 $0x2, v19;
	v7 =	vadd.s32 $0x7, v19;
	[tilespmem:s0+$0xB000] =	vst v12;
	v31 =	vld.idx.msk [tilespmem:v33+s17+$0x0], $0xffff  }
0x180: {  	v18 =	vadd.s32 $0x3, v19;
	v21 =	vadd.s32 $0x4, v29;
	v33 =	vadd.s32 $0x3, v2;
	v28 =	vld.idx.msk [tilespmem:v25+s17+$0x0], $0xffff  }
0x181: {  	v26 =	vld.idx.msk [tilespmem:v23+s17+$0x0], $0xffff;
	v16 =	vadd.s32 $0x4, v9;
	v9 =	vadd.s32 $0x7, v29;
	v34 =	vadd.s32 $0x1, v6;
	[tilespmem:s2+$0xA400] =	vst v24  }
0x182: {  	v22 =	vadd.s32 $0x1, v29;
	v15 =	vadd.s32 $0x4, v19;
	v24 =	vadd.s32 $0x5, v29;
	v32 =	vld.idx.msk [tilespmem:v6+s17+$0x0], $0xffff;
	[tilespmem:s0+$0xA600] =	vst v14  }
0x183: {  	v23 =	vld.idx.msk [tilespmem:v29+s17+$0x0], $0xffff;
	v13 =	vadd.s32 $0x5, v19;
	v12 =	vadd.s32 $0x6, v19;
	v19 =	vadd.s32 $0x3, v29;
	[tilespmem:s30+$0xA800] =	vst v30  }
0x184: {  	v25 =	vadd.s32 $0x2, v29;
	v14 =	vadd.s32 $0x6, v29;
	v29 =	vld.idx.msk [tilespmem:v35+s17+$0x0], $0xffff;
	v30 =	vadd.s32 $0x6, v1;
	[tilespmem:s1+$0xAC00] =	vst v36  }
.LBB2_8:
0x185: {  	s19 =	sadd.s32 $0x2, s19;
	s6 =	sshll.u32 s6, $0x8;
	v33 =	vld.idx.msk [tilespmem:v33+s17+$0x0], $0xffff;
	[tilespmem:s0+$0xB100] =	vst v28  }
0x186: {  	s8 =	sand.u32 $0xF0, s19;
	p0 =	slt.u32 s19, $0xFE;
	s6 =	sor.u32 s20, s6;
	v28 =	vld.idx.msk [tilespmem:v17+s17+$0x0], $0xffff;
	[tilespmem:s31+$0xA900] =	vst v26;
	v17 =	vmov v10;
	v10 =	vmov v13;
	v13 =	vmov v24  }
0x187: {  	v26 =	vadd.s32 $0x4, v2;
	s31 =	smov.u32 s30;
	s30 =	smov.u32 s0;
	s0 =	smov.u32 s2;
	v24 =	vld [tilespmem:s8+$0x1A00];
	[tilespmem:s6+$0xA200] =	vst v32  }
0x188: {  	s2 =	smov.u32 s1;
	v32 =	vld.idx.msk [tilespmem:v34+s17+$0x0], $0xffff;
	[tilespmem:s0+$0xAF00] =	vst v27  }
0x189: {  	[tilespmem:s2+$0xA300] =	vst v31;
	v27 =	vld.idx.msk [tilespmem:v30+s17+$0x0], $0xffff  }
0x18a: {  	s4 =	sadd.s32 $0x10, s4;
	v30 =	vadd.s32 $0x2, v6;
	v31 =	vld.idx.msk [tilespmem:v20+s17+$0x0], $0xffff;
	[tilespmem:s0+$0xA500] =	vst v29;
	v20 =	vmov v25  }
0x18b: {  	s1 =	sand.u32 $0x70, s4;
	[tilespmem:s2+$0xAD00] =	vst v33;
	v29 =	vld.idx.msk [tilespmem:v16+s17+$0x0], $0xffff;
	v33 =	vadd.s32 $0x7, v1;
	v1 =	vmovc v2;
	v2 =	vmovc v6;
	v16 =	vmov v15;
	v15 =	vmov v21  }
0x18c: {  	s9 =	sshll.u32 s5, $0x8;
	s6 =	sor.u32 $0x8, s1;
	s5 =	smov.u32 s1;
	v34 =	vadd.s32 s1, v24;
	v35 =	vld.idx.msk [tilespmem:v26+s17+$0x0], $0xffff;
	[tilespmem:s30+$0xA700] =	vst v28  }
0x18d: {  	v6 =	vadd.s32 s6, v24;
	s1 =	sor.u32 s20, s9;
	s20 =	smov.u32 s8;
	v36 =	vadd.s32 $0x1, v34;
	v25 =	vadd.s32 $0x2, v34;
	v37 =	vld.idx.msk [tilespmem:v11+s17+$0x0], $0xffff;
	v11 =	vmovc v8;
	v8 =	vmovc v12  }
0x18e: {  	v39 =	vadd.s32 $0x5, v1;
	v38 =	vadd.s32 $0x3, v34;
	v21 =	vadd.s32 $0x4, v34;
	v12 =	vmovc v14;
	[tilespmem:s1+$0xAB00] =	vst v32;
	v26 =	vld.idx.msk [tilespmem:v3+s17+$0x0], $0xffff;
	v3 =	vmovc v4  }
0x18f: {  	v24 =	vadd.s32 $0x5, v34;
	v14 =	vadd.s32 $0x6, v34;
	v32 =	vadd.s32 $0x7, v34;
	v4 =	vmovc v5;
	v5 =	vmovc v7;
	v30 =	vld.idx.msk [tilespmem:v30+s17+$0x0], $0xffff;
	[tilespmem:s0+$0xB000] =	vst v27  }
0x190: {  	v7 =	vmov v9;
	v9 =	vmov v32;
	[tilespmem:s1+$0xA200] =	vst v23;
	v28 =	vld.idx.msk [tilespmem:v33+s17+$0x0], $0xffff  }
.Ltmp3:
0x191: {  	v33 =	vadd.s32 $0x3, v2;
	v23 =	vld.idx.msk [tilespmem:v34+s17+$0x0], $0xffff;
	[tilespmem:s2+$0xA400] =	vst v31;
	(pc) =	sbr.rel @p0 .LBB2_8-.Ltmp3, $4  }
0x192: {  	v32 =	vld.idx.msk [tilespmem:v6+s17+$0x0], $0xffff;
	[tilespmem:s2+$0xAE00] =	vst v35  }
0x193: {  	v27 =	vld.idx.msk [tilespmem:v39+s17+$0x0], $0xffff;
	[tilespmem:s0+$0xA600] =	vst v29  }
0x194: {  	v34 =	vadd.s32 $0x1, v6;
	v31 =	vld.idx.msk [tilespmem:v22+s17+$0x0], $0xffff;
	[tilespmem:s30+$0xA800] =	vst v37;
	v22 =	vmov v36  }
0x195: {  	[tilespmem:s1+$0xAC00] =	vst v30;
	v29 =	vld.idx.msk [tilespmem:v18+s17+$0x0], $0xffff;
	v30 =	vadd.s32 $0x6, v1;
	v18 =	vmov v19;
	v19 =	vmov v38  }
0x196: {  	_ = 	snop  }
0x197: {  	s4 =	sshll.u32 s6, $0x8  }
0x198: {  	s19 =	sshll.u32 s5, $0x8;
	s4 =	sor.u32 s20, s4  }
0x199: {  	[tilespmem:s4+$0xA200] =	vst v32;
	s4 =	sor.u32 s20, s19  }
0x19a: {  	v32 =	vld.idx.msk [tilespmem:v34+s17+$0x0], $0xffff;
	[tilespmem:s4+$0xA200] =	vst v23  }
0x19b: {  	v46 =	vadd.s32 $0x2, v6;
	v22 =	vld.idx.msk [tilespmem:v22+s17+$0x0], $0xffff;
	_ =	sdelay $0x1  }
0x19c: {  	[tilespmem:s0+$0xB100] =	vst v28  }
0x19d: {  	v49 =	vld.idx.msk [tilespmem:v33+s17+$0x0], $0xffff;
	[tilespmem:s1+$0xA300] =	vst v31  }
0x19e: {  	v20 =	vld.idx.msk [tilespmem:v20+s17+$0x0], $0xffff;
	[tilespmem:s4+$0xAB00] =	vst v32  }
0x19f: {  	v47 =	vld.idx.msk [tilespmem:v46+s17+$0x0], $0xffff;
	[tilespmem:s4+$0xA300] =	vst v22  }
0x1a0: {  	v48 =	vadd.s32 $0x3, v6;
	[tilespmem:s2+$0xAF00] =	vst v27;
	v22 =	vld.idx.msk [tilespmem:v25+s17+$0x0], $0xffff  }
0x1a1: {  	v17 =	vld.idx.msk [tilespmem:v17+s17+$0x0], $0xffff;
	[tilespmem:s2+$0xA500] =	vst v29  }
0x1a2: {  	v50 =	vadd.s32 $0x4, v2;
	v3 =	vld.idx.msk [tilespmem:v3+s17+$0x0], $0xffff;
	[tilespmem:s1+$0xAD00] =	vst v49  }
0x1a3: {  	v27 =	vld.idx.msk [tilespmem:v30+s17+$0x0], $0xffff;
	[tilespmem:s1+$0xA400] =	vst v20  }
0x1a4: {  	v1 =	vadd.s32 $0x7, v1;
	v18 =	vld.idx.msk [tilespmem:v18+s17+$0x0], $0xffff;
	[tilespmem:s4+$0xAC00] =	vst v47  }
0x1a5: {  	v23 =	vld.idx.msk [tilespmem:v48+s17+$0x0], $0xffff;
	[tilespmem:s4+$0xA400] =	vst v22  }
0x1a6: {  	v51 =	vadd.s32 $0x4, v6;
	[tilespmem:s0+$0xA700] =	vst v17;
	v19 =	vld.idx.msk [tilespmem:v19+s17+$0x0], $0xffff  }
0x1a7: {  	[tilespmem:s30+$0xA900] =	vst v3;
	v52 =	vld.idx.msk [tilespmem:v50+s17+$0x0], $0xffff  }
0x1a8: {  	v53 =	vadd.s32 $0x5, v2;
	v16 =	vld.idx.msk [tilespmem:v16+s17+$0x0], $0xffff;
	[tilespmem:s2+$0xB000] =	vst v27  }
0x1a9: {  	v1 =	vld.idx.msk [tilespmem:v1+s17+$0x0], $0xffff;
	[tilespmem:s1+$0xA500] =	vst v18  }
0x1aa: {  	v15 =	vld.idx.msk [tilespmem:v15+s17+$0x0], $0xffff;
	[tilespmem:s4+$0xAD00] =	vst v23  }
0x1ab: {  	v20 =	vld.idx.msk [tilespmem:v51+s17+$0x0], $0xffff;
	[tilespmem:s4+$0xA500] =	vst v19  }
0x1ac: {  	v54 =	vadd.s32 $0x5, v6;
	[tilespmem:s1+$0xAE00] =	vst v52;
	v19 =	vld.idx.msk [tilespmem:v21+s17+$0x0], $0xffff  }
0x1ad: {  	[tilespmem:s2+$0xA600] =	vst v16;
	v17 =	vld.idx.msk [tilespmem:v53+s17+$0x0], $0xffff  }
0x1ae: {  	v55 =	vadd.s32 $0x6, v2;
	v10 =	vld.idx.msk [tilespmem:v10+s17+$0x0], $0xffff;
	[tilespmem:s2+$0xB100] =	vst v1  }
0x1af: {  	v11 =	vld.idx.msk [tilespmem:v11+s17+$0x0], $0xffff;
	[tilespmem:s1+$0xA600] =	vst v15  }
0x1b0: {  	v13 =	vld.idx.msk [tilespmem:v13+s17+$0x0], $0xffff;
	[tilespmem:s4+$0xAE00] =	vst v20  }
0x1b1: {  	v56 =	vld.idx.msk [tilespmem:v54+s17+$0x0], $0xffff;
	[tilespmem:s4+$0xA600] =	vst v19  }
0x1b2: {  	v57 =	vadd.s32 $0x6, v6;
	[tilespmem:s1+$0xAF00] =	vst v17;
	v58 =	vld.idx.msk [tilespmem:v24+s17+$0x0], $0xffff  }
0x1b3: {  	[tilespmem:s2+$0xA700] =	vst v10;
	v1 =	vld.idx.msk [tilespmem:v55+s17+$0x0], $0xffff  }
0x1b4: {  	[tilespmem:s0+$0xA800] =	vst v11;
	v8 =	vld.idx.msk [tilespmem:v8+s17+$0x0], $0xffff  }
0x1b5: {  	[tilespmem:s1+$0xA700] =	vst v13  }
0x1b6: {  	v2 =	vadd.s32 $0x7, v2;
	v61 =	vld.idx.msk [tilespmem:v12+s17+$0x0], $0xffff;
	[tilespmem:s4+$0xAF00] =	vst v56  }
0x1b7: {  	v59 =	vld.idx.msk [tilespmem:v57+s17+$0x0], $0xffff;
	[tilespmem:s4+$0xA700] =	vst v58  }
0x1b8: {  	v60 =	vadd.s32 $0x7, v6;
	[tilespmem:s1+$0xB000] =	vst v1;
	v1 =	vld.idx.msk [tilespmem:v14+s17+$0x0], $0xffff  }
0x1b9: {  	v3 =	vld.idx.msk [tilespmem:v4+s17+$0x0], $0xffff;
	[tilespmem:s2+$0xA800] =	vst v8  }
0x1ba: {  	[tilespmem:s31+$0xA900] =	vst v26;
	v5 =	vld.idx.msk [tilespmem:v5+s17+$0x0], $0xffff  }
0x1bb: {  	v2 =	vld.idx.msk [tilespmem:v2+s17+$0x0], $0xffff;
	[tilespmem:s1+$0xA800] =	vst v61  }
0x1bc: {  	v63 =	vld.idx.msk [tilespmem:v7+s17+$0x0], $0xffff;
	[tilespmem:s4+$0xB000] =	vst v59  }
0x1bd: {  	v62 =	vld.idx.msk [tilespmem:v60+s17+$0x0], $0xffff;
	[tilespmem:s4+$0xA800] =	vst v1  }
0x1be: {  	[tilespmem:s0+$0xA900] =	vst v3;
	v1 =	vld.idx.msk [tilespmem:v9+s17+$0x0], $0xffff  }
0x1bf: {  	[tilespmem:s2+$0xA900] =	vst v5  }
0x1c0: {  	[tilespmem:s1+$0xB100] =	vst v2  }
0x1c1: {  	[tilespmem:s1+$0xA900] =	vst v63  }
0x1c2: {  	[tilespmem:s4+$0xB100] =	vst v62  }
0x1c3: {  	s0 =	simm.s32 $0x0;
	[tilespmem:s4+$0xA900] =	vst v1  }
0x1c4: {  	s1 =	simm.s32 $0x40;
	v1 =	vld [tilespmem:s0+$0xA00]  }
.LBB2_10:
0x1c5: {  	p0 =	sne.s32 s1, $0x3C0  }
.Ltmp4:
0x1c6: {  	_ = 	snop;
	(pc) =	sbr.rel @p0 .LBB2_10-.Ltmp4, $3  }
0x1c7: {  	_ =	sdelay $0x1  }
0x1c8: {  	[tilespmem:s0+$0x12200] =	vst v1;
	s0 =	sshra.s32 s1, $0x2;
	s1 =	sadd.s32 $0x40, s1  }
0x1c9: {  	v1 =	vld [tilespmem:s0+$0xA00]  }
0x1ca: {  	_ =	sdelay $0x3  }
0x1cb: {  	[tilespmem:s0+$0x12200] =	vst v1  }
0x1cc: {  	s0 =	rddreg [dreg:$0xa]  }
0x1cd: {  	[hbm4b:s0+s18] =	stream.strided.scatter [tilespmem:s26], [sflag:$0x3], $0x8100, s24, s18, $0x38;
	[tilespmem:$0x1A488] =	vst v63  }
0x1ce: {  	_ =	swait.ge [sflag:s28], $0x8100  }
0x1cf: {  	s8 =	simm.s32 $0x0;
	[sflag:s28] =	ssyncset.done $0x0  }
0x1d0: {  	s0 =	sand.u32 $0xF0, s8;
	[sflag:s28] =	ssyncadd.s32 $0xFFFF7F00  }
0x1d1: {  	v1 =	vld [tilespmem:s0+$0x1B00];
	_ =	sdelay $0x1  }
0x1d2: {  	s1 =	simm.s32 $0x0  }
0x1d3: {  	s1 =	sand.u32 $0x70, s1  }
0x1d4: {  	s2 =	sor.u32 $0x8, s1  }
0x1d5: {  	v2 =	vadd.s32 s2, v1;
	_ =	sdelay $0x4  }
0x1d6: {  	v3 =	vld.idx.msk [tilespmem:v2+s17+$0x0], $0xffff  }
0x1d7: {  	v4 =	vadd.s32 $0x1, v2  }
0x1d8: {  	s4 =	simm.s32 $0x2  }
0x1d9: {  	s4 =	sand.u32 $0xF0, s4;
	s2 =	sshll.u32 s2, $0x8  }
0x1da: {  	v5 =	vld [tilespmem:s4+$0x1B00];
	s2 =	sor.u32 s0, s2  }
0x1db: {  	[tilespmem:s2+$0x2100] =	vst v3  }
0x1dc: {  	s9 =	simm.s32 $0x10;
	v3 =	vadd.s32 s1, v1;
	v4 =	vld.idx.msk [tilespmem:v4+s17+$0x0], $0xffff  }
0x1dd: {  	v6 =	vadd.s32 $0x2, v2;
	s2 =	sand.u32 $0x70, s9  }
0x1de: {  	s5 =	sor.u32 $0x8, s2  }
0x1df: {  	s6 =	sshll.u32 s1, $0x8;
	v8 =	vadd.s32 s5, v5  }
0x1e0: {  	s31 =	sor.u32 s0, s6  }
0x1e1: {  	v9 =	vld.idx.msk [tilespmem:v3+s17+$0x0], $0xffff;
	[tilespmem:s31+$0x2A00] =	vst v4  }
0x1e2: {  	v10 =	vadd.s32 $0x1, v3;
	v1 =	vld.idx.msk [tilespmem:v6+s17+$0x0], $0xffff  }
0x1e3: {  	v4 =	vadd.s32 $0x3, v2  }
0x1e4: {  	s19 =	simm.s32 $0x4;
	v6 =	vld.idx.msk [tilespmem:v8+s17+$0x0], $0xffff  }
0x1e5: {  	s0 =	sand.u32 $0xF0, s19;
	v7 =	vadd.s32 $0x1, v8  }
0x1e6: {  	v11 =	vld [tilespmem:s0+$0x1B00];
	[tilespmem:s31+$0x2100] =	vst v9  }
0x1e7: {  	s20 =	sshll.u32 s5, $0x8;
	v10 =	vld.idx.msk [tilespmem:v10+s17+$0x0], $0xffff;
	[tilespmem:s31+$0x2B00] =	vst v1  }
0x1e8: {  	v12 =	vadd.s32 $0x2, v3;
	s1 =	sor.u32 s4, s20;
	v1 =	vld.idx.msk [tilespmem:v4+s17+$0x0], $0xffff  }
0x1e9: {  	[tilespmem:s1+$0x2100] =	vst v6;
	v6 =	vadd.s32 $0x4, v2  }
0x1ea: {  	s5 =	simm.s32 $0x20;
	v4 =	vadd.s32 s2, v5;
	v7 =	vld.idx.msk [tilespmem:v7+s17+$0x0], $0xffff  }
0x1eb: {  	v9 =	vadd.s32 $0x2, v8;
	s1 =	sand.u32 $0x70, s5  }
0x1ec: {  	s6 =	sor.u32 $0x8, s1;
	[tilespmem:s31+$0x2200] =	vst v10  }
0x1ed: {  	s2 =	sshll.u32 s2, $0x8;
	v5 =	vadd.s32 s6, v11;
	v12 =	vld.idx.msk [tilespmem:v12+s17+$0x0], $0xffff;
	[tilespmem:s31+$0x2C00] =	vst v1  }
0x1ee: {  	s30 =	sor.u32 s4, s2;
	v1 =	vld.idx.msk [tilespmem:v6+s17+$0x0], $0xffff  }
0x1ef: {  	[tilespmem:s30+$0x2A00] =	vst v7;
	v6 =	vld.idx.msk [tilespmem:v4+s17+$0x0], $0xffff  }
0x1f0: {  	v7 =	vadd.s32 $0x5, v2;
	v9 =	vld.idx.msk [tilespmem:v9+s17+$0x0], $0xffff  }
0x1f1: {  	v10 =	vadd.s32 $0x3, v8  }
0x1f2: {  	s8 =	simm.s32 $0x6;
	v13 =	vadd.s32 $0x1, v4;
	v15 =	vld.idx.msk [tilespmem:v5+s17+$0x0], $0xffff;
	[tilespmem:s31+$0x2300] =	vst v12  }
0x1f3: {  	v14 =	vadd.s32 $0x3, v3;
	s2 =	sand.u32 $0xF0, s8;
	[tilespmem:s31+$0x2D00] =	vst v1  }
0x1f4: {  	v12 =	vld [tilespmem:s2+$0x1B00];
	[tilespmem:s30+$0x2100] =	vst v6;
	v6 =	vadd.s32 $0x1, v5  }
0x1f5: {  	s9 =	sshll.u32 s6, $0x8;
	[tilespmem:s30+$0x2B00] =	vst v9;
	v1 =	vld.idx.msk [tilespmem:v7+s17+$0x0], $0xffff;
	v7 =	vadd.s32 s1, v11  }
0x1f6: {  	s4 =	sor.u32 s0, s9;
	v9 =	vadd.s32 $0x6, v2;
	v10 =	vld.idx.msk [tilespmem:v10+s17+$0x0], $0xffff  }
0x1f7: {  	[tilespmem:s4+$0x2100] =	vst v15;
	v15 =	vadd.s32 $0x4, v8;
	v13 =	vld.idx.msk [tilespmem:v13+s17+$0x0], $0xffff  }
0x1f8: {  	v14 =	vld.idx.msk [tilespmem:v14+s17+$0x0], $0xffff;
	v11 =	vadd.s32 $0x2, v4  }
0x1f9: {  	s19 =	simm.s32 $0x30;
	v16 =	vadd.s32 $0x4, v3;
	v6 =	vld.idx.msk [tilespmem:v6+s17+$0x0], $0xffff  }
0x1fa: {  	s4 =	sand.u32 $0x70, s19;
	[tilespmem:s31+$0x2E00] =	vst v1;
	v19 =	vld.idx.msk [tilespmem:v7+s17+$0x0], $0xffff  }
0x1fb: {  	v18 =	vadd.s32 $0x2, v5;
	s20 =	sor.u32 $0x8, s4;
	[tilespmem:s30+$0x2C00] =	vst v10;
	v17 =	vld.idx.msk [tilespmem:v9+s17+$0x0], $0xffff  }
0x1fc: {  	s1 =	sshll.u32 s1, $0x8;
	[tilespmem:s30+$0x2200] =	vst v13;
	v1 =	vadd.s32 s20, v12;
	v10 =	vld.idx.msk [tilespmem:v15+s17+$0x0], $0xffff  }
0x1fd: {  	s0 =	sor.u32 s0, s1;
	[tilespmem:s31+$0x2400] =	vst v14;
	v13 =	vadd.s32 $0x1, v7;
	v11 =	vld.idx.msk [tilespmem:v11+s17+$0x0], $0xffff  }
0x1fe: {  	v9 =	vadd.s32 s4, v12;
	v12 =	vld.idx.msk [tilespmem:v16+s17+$0x0], $0xffff;
	[tilespmem:s0+$0x2A00] =	vst v6  }
0x1ff: {  	v2 =	vadd.s32 $0x7, v2;
	[tilespmem:s0+$0x2100] =	vst v19  }
0x200: {  	v6 =	vadd.s32 $0x5, v8;
	v14 =	vld.idx.msk [tilespmem:v18+s17+$0x0], $0xffff;
	[tilespmem:s31+$0x2F00] =	vst v17  }
0x201: {  	s6 =	simm.s32 $0x8;
	v15 =	vadd.s32 $0x3, v4;
	v18 =	vld.idx.msk [tilespmem:v1+s17+$0x0], $0xffff;
	[tilespmem:s30+$0x2D00] =	vst v10  }
0x202: {  	s1 =	sand.u32 $0xF0, s6;
	v10 =	vadd.s32 $0x5, v3;
	[tilespmem:s30+$0x2300] =	vst v11;
	v13 =	vld.idx.msk [tilespmem:v13+s17+$0x0], $0xffff  }
0x203: {  	v11 =	vadd.s32 $0x1, v1;
	[tilespmem:s31+$0x2500] =	vst v12;
	v12 =	vld [tilespmem:s1+$0x1B00]  }
0x204: {  	v16 =	vld.idx.msk [tilespmem:v2+s17+$0x0], $0xffff;
	v2 =	vadd.s32 $0x3, v5  }
0x205: {  	s5 =	sshll.u32 s20, $0x8;
	v6 =	vld.idx.msk [tilespmem:v6+s17+$0x0], $0xffff  }
0x206: {  	s5 =	sor.u32 s2, s5;
	[tilespmem:s0+$0x2B00] =	vst v14;
	v14 =	vld.idx.msk [tilespmem:v15+s17+$0x0], $0xffff;
	v15 =	vadd.s32 $0x6, v8  }
0x207: {  	v19 =	vadd.s32 $0x2, v7;
	[tilespmem:s5+$0x2100] =	vst v18;
	v10 =	vld.idx.msk [tilespmem:v10+s17+$0x0], $0xffff  }
0x208: {  	v20 =	vadd.s32 $0x4, v4;
	v11 =	vld.idx.msk [tilespmem:v11+s17+$0x0], $0xffff  }
0x209: {  	[tilespmem:s0+$0x2200] =	vst v13;
	v13 =	vadd.s32 $0x2, v1;
	v2 =	vld.idx.msk [tilespmem:v2+s17+$0x0], $0xffff  }
0x20a: {  	v21 =	vadd.s32 $0x6, v3;
	[tilespmem:s30+$0x2E00] =	vst v6  }
0x20b: {  	s8 =	simm.s32 $0x40;
	s4 =	sshll.u32 s4, $0x8;
	v18 =	vadd.s32 $0x4, v5;
	v6 =	vld.idx.msk [tilespmem:v15+s17+$0x0], $0xffff;
	[tilespmem:s30+$0x2400] =	vst v14  }
0x20c: {  	s8 =	sand.u32 $0x70, s8;
	s2 =	sor.u32 s2, s4;
	v15 =	vld.idx.msk [tilespmem:v19+s17+$0x0], $0xffff;
	[tilespmem:s31+$0x2600] =	vst v10  }
0x20d: {  	v8 =	vadd.s32 $0x7, v8;
	s5 =	sor.u32 $0x8, s8;
	v14 =	vld.idx.msk [tilespmem:v20+s17+$0x0], $0xffff;
	[tilespmem:s2+$0x2A00] =	vst v11  }
0x20e: {  	[tilespmem:s0+$0x2C00] =	vst v2;
	v2 =	vadd.s32 s5, v12;
	v13 =	vld.idx.msk [tilespmem:v13+s17+$0x0], $0xffff  }
0x20f: {  	[tilespmem:s31+$0x3000] =	vst v16;
	v20 =	vadd.s32 $0x5, v4;
	v10 =	vld.idx.msk [tilespmem:v21+s17+$0x0], $0xffff  }
0x210: {  	v16 =	vadd.s32 $0x3, v1;
	v18 =	vld.idx.msk [tilespmem:v18+s17+$0x0], $0xffff;
	[tilespmem:s30+$0x2F00] =	vst v6  }
0x211: {  	v17 =	vld.idx.msk [tilespmem:v9+s17+$0x0], $0xffff;
	v11 =	vadd.s32 $0x5, v5;
	[tilespmem:s0+$0x2300] =	vst v15  }
0x212: {  	v19 =	vadd.s32 s8, v12;
	v12 =	vadd.s32 $0x1, v9;
	v8 =	vld.idx.msk [tilespmem:v8+s17+$0x0], $0xffff;
	[tilespmem:s30+$0x2500] =	vst v14  }
0x213: {  	v22 =	vld.idx.msk [tilespmem:v2+s17+$0x0], $0xffff;
	[tilespmem:s2+$0x2B00] =	vst v13  }
0x214: {  	v6 =	vadd.s32 $0x3, v7;
	[tilespmem:s31+$0x2700] =	vst v10;
	v10 =	vld.idx.msk [tilespmem:v20+s17+$0x0], $0xffff  }
0x215: {  	v15 =	vadd.s32 $0x1, v2;
	[tilespmem:s0+$0x2D00] =	vst v18;
	v14 =	vld.idx.msk [tilespmem:v16+s17+$0x0], $0xffff  }
0x216: {  	s19 =	simm.s32 $0xA;
	[tilespmem:s2+$0x2100] =	vst v17;
	v20 =	vadd.s32 $0x4, v1;
	v11 =	vld.idx.msk [tilespmem:v11+s17+$0x0], $0xffff  }
0x217: {  	s20 =	sand.u32 $0xF0, s19;
	s9 =	sshll.u32 s5, $0x8;
	v12 =	vld.idx.msk [tilespmem:v12+s17+$0x0], $0xffff;
	v13 =	vadd.s32 $0x6, v5  }
0x218: {  	s4 =	sor.u32 s1, s9;
	v18 =	vld [tilespmem:s20+$0x1B00]  }
0x219: {  	v17 =	vadd.s32 $0x2, v9;
	v6 =	vld.idx.msk [tilespmem:v6+s17+$0x0], $0xffff;
	[tilespmem:s4+$0x2100] =	vst v22  }
0x21a: {  	v16 =	vadd.s32 $0x4, v7;
	v15 =	vld.idx.msk [tilespmem:v15+s17+$0x0], $0xffff;
	[tilespmem:s2+$0x2C00] =	vst v14  }
0x21b: {  	v22 =	vadd.s32 $0x6, v4;
	[tilespmem:s0+$0x2E00] =	vst v11;
	v27 =	vld.idx.msk [tilespmem:v20+s17+$0x0], $0xffff  }
0x21c: {  	[tilespmem:s2+$0x2200] =	vst v12;
	v12 =	vld.idx.msk [tilespmem:v13+s17+$0x0], $0xffff;
	v13 =	vadd.s32 $0x2, v2  }
0x21d: {  	v31 =	vadd.s32 $0x5, v1;
	v21 =	vld.idx.msk [tilespmem:v19+s17+$0x0], $0xffff;
	[tilespmem:s30+$0x3000] =	vst v8  }
0x21e: {  	s8 =	sshll.u32 s8, $0x8;
	v33 =	vadd.s32 $0x1, v19;
	s4 =	simm.s32 $0x50;
	v24 =	vld.idx.msk [tilespmem:v17+s17+$0x0], $0xffff;
	[tilespmem:s0+$0x2400] =	vst v6  }
0x21f: {  	v23 =	vadd.s32 $0x7, v3;
	v25 =	vadd.s32 $0x7, v5;
	s1 =	sor.u32 s1, s8;
	[tilespmem:s30+$0x2600] =	vst v10;
	s5 =	sand.u32 $0x70, s4;
	v14 =	vld.idx.msk [tilespmem:v16+s17+$0x0], $0xffff  }
0x220: {  	v35 =	vadd.s32 $0x3, v9;
	v3 =	vadd.s32 $0x7, v4;
	v5 =	vadd.s32 $0x7, v9;
	s6 =	sor.u32 $0x8, s5;
	v30 =	vld.idx.msk [tilespmem:v22+s17+$0x0], $0xffff;
	[tilespmem:s1+$0x2A00] =	vst v15  }
0x221: {  	v8 =	vadd.s32 $0x6, v9;
	v4 =	vadd.s32 $0x7, v7;
	v6 =	vadd.s32 s6, v18;
	[tilespmem:s2+$0x2D00] =	vst v27;
	v36 =	vld.idx.msk [tilespmem:v13+s17+$0x0], $0xffff  }
0x222: {  	[tilespmem:s1+$0x2100] =	vst v21;
	v10 =	vadd.s32 $0x5, v9;
	v17 =	vadd.s32 $0x5, v7;
	v29 =	vadd.s32 s5, v18;
	v27 =	vld.idx.msk [tilespmem:v31+s17+$0x0], $0xffff  }
0x223: {  	v11 =	vadd.s32 $0x6, v7;
	v20 =	vadd.s32 $0x2, v19;
	v7 =	vadd.s32 $0x7, v19;
	[tilespmem:s0+$0x2F00] =	vst v12;
	v31 =	vld.idx.msk [tilespmem:v33+s17+$0x0], $0xffff  }
0x224: {  	v18 =	vadd.s32 $0x3, v19;
	v21 =	vadd.s32 $0x4, v29;
	v33 =	vadd.s32 $0x3, v2;
	v28 =	vld.idx.msk [tilespmem:v25+s17+$0x0], $0xffff  }
0x225: {  	v26 =	vld.idx.msk [tilespmem:v23+s17+$0x0], $0xffff;
	v16 =	vadd.s32 $0x4, v9;
	v9 =	vadd.s32 $0x7, v29;
	v34 =	vadd.s32 $0x1, v6;
	[tilespmem:s2+$0x2300] =	vst v24  }
0x226: {  	v22 =	vadd.s32 $0x1, v29;
	v15 =	vadd.s32 $0x4, v19;
	v24 =	vadd.s32 $0x5, v29;
	v32 =	vld.idx.msk [tilespmem:v6+s17+$0x0], $0xffff;
	[tilespmem:s0+$0x2500] =	vst v14  }
0x227: {  	v23 =	vld.idx.msk [tilespmem:v29+s17+$0x0], $0xffff;
	v13 =	vadd.s32 $0x5, v19;
	v12 =	vadd.s32 $0x6, v19;
	v19 =	vadd.s32 $0x3, v29;
	[tilespmem:s30+$0x2700] =	vst v30  }
0x228: {  	v25 =	vadd.s32 $0x2, v29;
	v14 =	vadd.s32 $0x6, v29;
	v29 =	vld.idx.msk [tilespmem:v35+s17+$0x0], $0xffff;
	v30 =	vadd.s32 $0x6, v1;
	[tilespmem:s1+$0x2B00] =	vst v36  }
.LBB2_12:
0x229: {  	s19 =	sadd.s32 $0x2, s19;
	s6 =	sshll.u32 s6, $0x8;
	v33 =	vld.idx.msk [tilespmem:v33+s17+$0x0], $0xffff;
	[tilespmem:s0+$0x3000] =	vst v28  }
0x22a: {  	s8 =	sand.u32 $0xF0, s19;
	p0 =	slt.u32 s19, $0xFE;
	s6 =	sor.u32 s20, s6;
	v28 =	vld.idx.msk [tilespmem:v17+s17+$0x0], $0xffff;
	[tilespmem:s31+$0x2800] =	vst v26;
	v17 =	vmov v10;
	v10 =	vmov v13;
	v13 =	vmov v24  }
0x22b: {  	v26 =	vadd.s32 $0x4, v2;
	s31 =	smov.u32 s30;
	s30 =	smov.u32 s0;
	s0 =	smov.u32 s2;
	v24 =	vld [tilespmem:s8+$0x1B00];
	[tilespmem:s6+$0x2100] =	vst v32  }
0x22c: {  	s2 =	smov.u32 s1;
	v32 =	vld.idx.msk [tilespmem:v34+s17+$0x0], $0xffff;
	[tilespmem:s0+$0x2E00] =	vst v27  }
0x22d: {  	[tilespmem:s2+$0x2200] =	vst v31;
	v27 =	vld.idx.msk [tilespmem:v30+s17+$0x0], $0xffff  }
0x22e: {  	s4 =	sadd.s32 $0x10, s4;
	v30 =	vadd.s32 $0x2, v6;
	v31 =	vld.idx.msk [tilespmem:v20+s17+$0x0], $0xffff;
	[tilespmem:s0+$0x2400] =	vst v29;
	v20 =	vmov v25  }
0x22f: {  	s1 =	sand.u32 $0x70, s4;
	[tilespmem:s2+$0x2C00] =	vst v33;
	v29 =	vld.idx.msk [tilespmem:v16+s17+$0x0], $0xffff;
	v33 =	vadd.s32 $0x7, v1;
	v1 =	vmovc v2;
	v2 =	vmovc v6;
	v16 =	vmov v15;
	v15 =	vmov v21  }
0x230: {  	s9 =	sshll.u32 s5, $0x8;
	s6 =	sor.u32 $0x8, s1;
	s5 =	smov.u32 s1;
	v34 =	vadd.s32 s1, v24;
	v35 =	vld.idx.msk [tilespmem:v26+s17+$0x0], $0xffff;
	[tilespmem:s30+$0x2600] =	vst v28  }
0x231: {  	v6 =	vadd.s32 s6, v24;
	s1 =	sor.u32 s20, s9;
	s20 =	smov.u32 s8;
	v36 =	vadd.s32 $0x1, v34;
	v25 =	vadd.s32 $0x2, v34;
	v37 =	vld.idx.msk [tilespmem:v11+s17+$0x0], $0xffff;
	v11 =	vmovc v8;
	v8 =	vmovc v12  }
0x232: {  	v39 =	vadd.s32 $0x5, v1;
	v38 =	vadd.s32 $0x3, v34;
	v21 =	vadd.s32 $0x4, v34;
	v12 =	vmovc v14;
	[tilespmem:s1+$0x2A00] =	vst v32;
	v26 =	vld.idx.msk [tilespmem:v3+s17+$0x0], $0xffff;
	v3 =	vmovc v4  }
0x233: {  	v24 =	vadd.s32 $0x5, v34;
	v14 =	vadd.s32 $0x6, v34;
	v32 =	vadd.s32 $0x7, v34;
	v4 =	vmovc v5;
	v5 =	vmovc v7;
	v30 =	vld.idx.msk [tilespmem:v30+s17+$0x0], $0xffff;
	[tilespmem:s0+$0x2F00] =	vst v27  }
0x234: {  	v7 =	vmov v9;
	v9 =	vmov v32;
	[tilespmem:s1+$0x2100] =	vst v23;
	v28 =	vld.idx.msk [tilespmem:v33+s17+$0x0], $0xffff  }
.Ltmp5:
0x235: {  	v33 =	vadd.s32 $0x3, v2;
	v23 =	vld.idx.msk [tilespmem:v34+s17+$0x0], $0xffff;
	[tilespmem:s2+$0x2300] =	vst v31;
	(pc) =	sbr.rel @p0 .LBB2_12-.Ltmp5, $4  }
0x236: {  	v32 =	vld.idx.msk [tilespmem:v6+s17+$0x0], $0xffff;
	[tilespmem:s2+$0x2D00] =	vst v35  }
0x237: {  	v27 =	vld.idx.msk [tilespmem:v39+s17+$0x0], $0xffff;
	[tilespmem:s0+$0x2500] =	vst v29  }
0x238: {  	v34 =	vadd.s32 $0x1, v6;
	v31 =	vld.idx.msk [tilespmem:v22+s17+$0x0], $0xffff;
	[tilespmem:s30+$0x2700] =	vst v37;
	v22 =	vmov v36  }
0x239: {  	[tilespmem:s1+$0x2B00] =	vst v30;
	v29 =	vld.idx.msk [tilespmem:v18+s17+$0x0], $0xffff;
	v30 =	vadd.s32 $0x6, v1;
	v18 =	vmov v19;
	v19 =	vmov v38  }
0x23a: {  	_ = 	snop  }
0x23b: {  	s4 =	sshll.u32 s6, $0x8  }
0x23c: {  	s19 =	sshll.u32 s5, $0x8;
	s4 =	sor.u32 s20, s4  }
0x23d: {  	[tilespmem:s4+$0x2100] =	vst v32;
	s4 =	sor.u32 s20, s19  }
0x23e: {  	v32 =	vld.idx.msk [tilespmem:v34+s17+$0x0], $0xffff;
	[tilespmem:s4+$0x2100] =	vst v23  }
0x23f: {  	v46 =	vadd.s32 $0x2, v6;
	v22 =	vld.idx.msk [tilespmem:v22+s17+$0x0], $0xffff;
	_ =	sdelay $0x1  }
0x240: {  	[tilespmem:s0+$0x3000] =	vst v28  }
0x241: {  	v49 =	vld.idx.msk [tilespmem:v33+s17+$0x0], $0xffff;
	[tilespmem:s1+$0x2200] =	vst v31  }
0x242: {  	v20 =	vld.idx.msk [tilespmem:v20+s17+$0x0], $0xffff;
	[tilespmem:s4+$0x2A00] =	vst v32  }
0x243: {  	v47 =	vld.idx.msk [tilespmem:v46+s17+$0x0], $0xffff;
	[tilespmem:s4+$0x2200] =	vst v22  }
0x244: {  	v48 =	vadd.s32 $0x3, v6;
	[tilespmem:s2+$0x2E00] =	vst v27;
	v22 =	vld.idx.msk [tilespmem:v25+s17+$0x0], $0xffff  }
0x245: {  	v17 =	vld.idx.msk [tilespmem:v17+s17+$0x0], $0xffff;
	[tilespmem:s2+$0x2400] =	vst v29  }
0x246: {  	v50 =	vadd.s32 $0x4, v2;
	v3 =	vld.idx.msk [tilespmem:v3+s17+$0x0], $0xffff;
	[tilespmem:s1+$0x2C00] =	vst v49  }
0x247: {  	v27 =	vld.idx.msk [tilespmem:v30+s17+$0x0], $0xffff;
	[tilespmem:s1+$0x2300] =	vst v20  }
0x248: {  	v1 =	vadd.s32 $0x7, v1;
	v18 =	vld.idx.msk [tilespmem:v18+s17+$0x0], $0xffff;
	[tilespmem:s4+$0x2B00] =	vst v47  }
0x249: {  	v23 =	vld.idx.msk [tilespmem:v48+s17+$0x0], $0xffff;
	[tilespmem:s4+$0x2300] =	vst v22  }
0x24a: {  	v51 =	vadd.s32 $0x4, v6;
	[tilespmem:s0+$0x2600] =	vst v17;
	v19 =	vld.idx.msk [tilespmem:v19+s17+$0x0], $0xffff  }
0x24b: {  	[tilespmem:s30+$0x2800] =	vst v3;
	v52 =	vld.idx.msk [tilespmem:v50+s17+$0x0], $0xffff  }
0x24c: {  	v53 =	vadd.s32 $0x5, v2;
	v16 =	vld.idx.msk [tilespmem:v16+s17+$0x0], $0xffff;
	[tilespmem:s2+$0x2F00] =	vst v27  }
0x24d: {  	v1 =	vld.idx.msk [tilespmem:v1+s17+$0x0], $0xffff;
	[tilespmem:s1+$0x2400] =	vst v18  }
0x24e: {  	v15 =	vld.idx.msk [tilespmem:v15+s17+$0x0], $0xffff;
	[tilespmem:s4+$0x2C00] =	vst v23  }
0x24f: {  	v20 =	vld.idx.msk [tilespmem:v51+s17+$0x0], $0xffff;
	[tilespmem:s4+$0x2400] =	vst v19  }
0x250: {  	v54 =	vadd.s32 $0x5, v6;
	[tilespmem:s1+$0x2D00] =	vst v52;
	v19 =	vld.idx.msk [tilespmem:v21+s17+$0x0], $0xffff  }
0x251: {  	[tilespmem:s2+$0x2500] =	vst v16;
	v17 =	vld.idx.msk [tilespmem:v53+s17+$0x0], $0xffff  }
0x252: {  	v55 =	vadd.s32 $0x6, v2;
	v10 =	vld.idx.msk [tilespmem:v10+s17+$0x0], $0xffff;
	[tilespmem:s2+$0x3000] =	vst v1  }
0x253: {  	v11 =	vld.idx.msk [tilespmem:v11+s17+$0x0], $0xffff;
	[tilespmem:s1+$0x2500] =	vst v15  }
0x254: {  	v13 =	vld.idx.msk [tilespmem:v13+s17+$0x0], $0xffff;
	[tilespmem:s4+$0x2D00] =	vst v20  }
0x255: {  	v56 =	vld.idx.msk [tilespmem:v54+s17+$0x0], $0xffff;
	[tilespmem:s4+$0x2500] =	vst v19  }
0x256: {  	v57 =	vadd.s32 $0x6, v6;
	[tilespmem:s1+$0x2E00] =	vst v17;
	v58 =	vld.idx.msk [tilespmem:v24+s17+$0x0], $0xffff  }
0x257: {  	[tilespmem:s2+$0x2600] =	vst v10;
	v1 =	vld.idx.msk [tilespmem:v55+s17+$0x0], $0xffff  }
0x258: {  	[tilespmem:s0+$0x2700] =	vst v11;
	v8 =	vld.idx.msk [tilespmem:v8+s17+$0x0], $0xffff  }
0x259: {  	[tilespmem:s1+$0x2600] =	vst v13  }
0x25a: {  	v2 =	vadd.s32 $0x7, v2;
	v61 =	vld.idx.msk [tilespmem:v12+s17+$0x0], $0xffff;
	[tilespmem:s4+$0x2E00] =	vst v56  }
0x25b: {  	v59 =	vld.idx.msk [tilespmem:v57+s17+$0x0], $0xffff;
	[tilespmem:s4+$0x2600] =	vst v58  }
0x25c: {  	v60 =	vadd.s32 $0x7, v6;
	[tilespmem:s1+$0x2F00] =	vst v1;
	v1 =	vld.idx.msk [tilespmem:v14+s17+$0x0], $0xffff  }
0x25d: {  	v3 =	vld.idx.msk [tilespmem:v4+s17+$0x0], $0xffff;
	[tilespmem:s2+$0x2700] =	vst v8  }
0x25e: {  	[tilespmem:s31+$0x2800] =	vst v26;
	v5 =	vld.idx.msk [tilespmem:v5+s17+$0x0], $0xffff  }
0x25f: {  	v2 =	vld.idx.msk [tilespmem:v2+s17+$0x0], $0xffff;
	[tilespmem:s1+$0x2700] =	vst v61  }
0x260: {  	v63 =	vld.idx.msk [tilespmem:v7+s17+$0x0], $0xffff;
	[tilespmem:s4+$0x2F00] =	vst v59  }
0x261: {  	v62 =	vld.idx.msk [tilespmem:v60+s17+$0x0], $0xffff;
	[tilespmem:s4+$0x2700] =	vst v1  }
0x262: {  	[tilespmem:s0+$0x2800] =	vst v3;
	v1 =	vld.idx.msk [tilespmem:v9+s17+$0x0], $0xffff  }
0x263: {  	[tilespmem:s2+$0x2800] =	vst v5  }
0x264: {  	[tilespmem:s1+$0x3000] =	vst v2  }
0x265: {  	[tilespmem:s1+$0x2800] =	vst v63  }
0x266: {  	[tilespmem:s4+$0x3000] =	vst v62  }
0x267: {  	s0 =	simm.s32 $0x0;
	[tilespmem:s4+$0x2800] =	vst v1  }
0x268: {  	s1 =	simm.s32 $0x40;
	v1 =	vld [tilespmem:s0+$0xB00]  }
.LBB2_14:
0x269: {  	p0 =	sne.s32 s1, $0x3C0  }
.Ltmp6:
0x26a: {  	_ = 	snop;
	(pc) =	sbr.rel @p0 .LBB2_14-.Ltmp6, $3  }
0x26b: {  	_ =	sdelay $0x1  }
0x26c: {  	[tilespmem:s0+$0xA100] =	vst v1;
	s0 =	sshra.s32 s1, $0x2;
	s1 =	sadd.s32 $0x40, s1  }
0x26d: {  	v1 =	vld [tilespmem:s0+$0xB00]  }
0x26e: {  	_ =	sdelay $0x3  }
0x26f: {  	[tilespmem:s0+$0xA100] =	vst v1  }
0x270: {  	[hbm4b:s10+s18] =	stream.strided.scatter [tilespmem:s25], [sflag:$0x3], $0x8100, s24, s18, $0x38;
	[tilespmem:$0x1A488] =	vst v63  }
0x271: {  	_ =	swait.ge [sflag:s28], $0x8100  }
0x272: {  	s8 =	simm.s32 $0x0;
	[sflag:s28] =	ssyncset.done $0x0  }
0x273: {  	s0 =	sand.u32 $0xF0, s8;
	[sflag:s28] =	ssyncadd.s32 $0xFFFF7F00  }
0x274: {  	v1 =	vld [tilespmem:s0+$0x1C00];
	_ =	sdelay $0x1  }
0x275: {  	s1 =	simm.s32 $0x0  }
0x276: {  	s1 =	sand.u32 $0x70, s1  }
0x277: {  	s2 =	sor.u32 $0x8, s1  }
0x278: {  	v2 =	vadd.s32 s2, v1;
	_ =	sdelay $0x4  }
0x279: {  	v3 =	vld.idx.msk [tilespmem:v2+s17+$0x0], $0xffff  }
0x27a: {  	v4 =	vadd.s32 $0x1, v2  }
0x27b: {  	s4 =	simm.s32 $0x2  }
0x27c: {  	s4 =	sand.u32 $0xF0, s4;
	s2 =	sshll.u32 s2, $0x8  }
0x27d: {  	v5 =	vld [tilespmem:s4+$0x1C00];
	s2 =	sor.u32 s0, s2  }
0x27e: {  	[tilespmem:s2+$0xA200] =	vst v3  }
0x27f: {  	s9 =	simm.s32 $0x10;
	v3 =	vadd.s32 s1, v1;
	v4 =	vld.idx.msk [tilespmem:v4+s17+$0x0], $0xffff  }
0x280: {  	v6 =	vadd.s32 $0x2, v2;
	s2 =	sand.u32 $0x70, s9  }
0x281: {  	s5 =	sor.u32 $0x8, s2  }
0x282: {  	s6 =	sshll.u32 s1, $0x8;
	v8 =	vadd.s32 s5, v5  }
0x283: {  	s31 =	sor.u32 s0, s6  }
0x284: {  	v9 =	vld.idx.msk [tilespmem:v3+s17+$0x0], $0xffff;
	[tilespmem:s31+$0xAB00] =	vst v4  }
0x285: {  	v10 =	vadd.s32 $0x1, v3;
	v1 =	vld.idx.msk [tilespmem:v6+s17+$0x0], $0xffff  }
0x286: {  	v4 =	vadd.s32 $0x3, v2  }
0x287: {  	s19 =	simm.s32 $0x4;
	v6 =	vld.idx.msk [tilespmem:v8+s17+$0x0], $0xffff  }
0x288: {  	s0 =	sand.u32 $0xF0, s19;
	v7 =	vadd.s32 $0x1, v8  }
0x289: {  	v11 =	vld [tilespmem:s0+$0x1C00];
	[tilespmem:s31+$0xA200] =	vst v9  }
0x28a: {  	s20 =	sshll.u32 s5, $0x8;
	v10 =	vld.idx.msk [tilespmem:v10+s17+$0x0], $0xffff;
	[tilespmem:s31+$0xAC00] =	vst v1  }
0x28b: {  	v12 =	vadd.s32 $0x2, v3;
	s1 =	sor.u32 s4, s20;
	v1 =	vld.idx.msk [tilespmem:v4+s17+$0x0], $0xffff  }
0x28c: {  	[tilespmem:s1+$0xA200] =	vst v6;
	v6 =	vadd.s32 $0x4, v2  }
0x28d: {  	s5 =	simm.s32 $0x20;
	v4 =	vadd.s32 s2, v5;
	v7 =	vld.idx.msk [tilespmem:v7+s17+$0x0], $0xffff  }
0x28e: {  	v9 =	vadd.s32 $0x2, v8;
	s1 =	sand.u32 $0x70, s5  }
0x28f: {  	s6 =	sor.u32 $0x8, s1;
	[tilespmem:s31+$0xA300] =	vst v10  }
0x290: {  	s2 =	sshll.u32 s2, $0x8;
	v5 =	vadd.s32 s6, v11;
	v12 =	vld.idx.msk [tilespmem:v12+s17+$0x0], $0xffff;
	[tilespmem:s31+$0xAD00] =	vst v1  }
0x291: {  	s30 =	sor.u32 s4, s2;
	v1 =	vld.idx.msk [tilespmem:v6+s17+$0x0], $0xffff  }
0x292: {  	[tilespmem:s30+$0xAB00] =	vst v7;
	v6 =	vld.idx.msk [tilespmem:v4+s17+$0x0], $0xffff  }
0x293: {  	v7 =	vadd.s32 $0x5, v2;
	v9 =	vld.idx.msk [tilespmem:v9+s17+$0x0], $0xffff  }
0x294: {  	v10 =	vadd.s32 $0x3, v8  }
0x295: {  	s8 =	simm.s32 $0x6;
	v13 =	vadd.s32 $0x1, v4;
	v15 =	vld.idx.msk [tilespmem:v5+s17+$0x0], $0xffff;
	[tilespmem:s31+$0xA400] =	vst v12  }
0x296: {  	v14 =	vadd.s32 $0x3, v3;
	s2 =	sand.u32 $0xF0, s8;
	[tilespmem:s31+$0xAE00] =	vst v1  }
0x297: {  	v12 =	vld [tilespmem:s2+$0x1C00];
	[tilespmem:s30+$0xA200] =	vst v6;
	v6 =	vadd.s32 $0x1, v5  }
0x298: {  	s9 =	sshll.u32 s6, $0x8;
	[tilespmem:s30+$0xAC00] =	vst v9;
	v1 =	vld.idx.msk [tilespmem:v7+s17+$0x0], $0xffff;
	v7 =	vadd.s32 s1, v11  }
0x299: {  	s4 =	sor.u32 s0, s9;
	v9 =	vadd.s32 $0x6, v2;
	v10 =	vld.idx.msk [tilespmem:v10+s17+$0x0], $0xffff  }
0x29a: {  	[tilespmem:s4+$0xA200] =	vst v15;
	v15 =	vadd.s32 $0x4, v8;
	v13 =	vld.idx.msk [tilespmem:v13+s17+$0x0], $0xffff  }
0x29b: {  	v14 =	vld.idx.msk [tilespmem:v14+s17+$0x0], $0xffff;
	v11 =	vadd.s32 $0x2, v4  }
0x29c: {  	s19 =	simm.s32 $0x30;
	v16 =	vadd.s32 $0x4, v3;
	v6 =	vld.idx.msk [tilespmem:v6+s17+$0x0], $0xffff  }
0x29d: {  	s4 =	sand.u32 $0x70, s19;
	[tilespmem:s31+$0xAF00] =	vst v1;
	v19 =	vld.idx.msk [tilespmem:v7+s17+$0x0], $0xffff  }
0x29e: {  	v18 =	vadd.s32 $0x2, v5;
	s20 =	sor.u32 $0x8, s4;
	[tilespmem:s30+$0xAD00] =	vst v10;
	v17 =	vld.idx.msk [tilespmem:v9+s17+$0x0], $0xffff  }
0x29f: {  	s1 =	sshll.u32 s1, $0x8;
	[tilespmem:s30+$0xA300] =	vst v13;
	v1 =	vadd.s32 s20, v12;
	v10 =	vld.idx.msk [tilespmem:v15+s17+$0x0], $0xffff  }
0x2a0: {  	s0 =	sor.u32 s0, s1;
	[tilespmem:s31+$0xA500] =	vst v14;
	v13 =	vadd.s32 $0x1, v7;
	v11 =	vld.idx.msk [tilespmem:v11+s17+$0x0], $0xffff  }
0x2a1: {  	v9 =	vadd.s32 s4, v12;
	v12 =	vld.idx.msk [tilespmem:v16+s17+$0x0], $0xffff;
	[tilespmem:s0+$0xAB00] =	vst v6  }
0x2a2: {  	v2 =	vadd.s32 $0x7, v2;
	[tilespmem:s0+$0xA200] =	vst v19  }
0x2a3: {  	v6 =	vadd.s32 $0x5, v8;
	v14 =	vld.idx.msk [tilespmem:v18+s17+$0x0], $0xffff;
	[tilespmem:s31+$0xB000] =	vst v17  }
0x2a4: {  	s6 =	simm.s32 $0x8;
	v15 =	vadd.s32 $0x3, v4;
	v18 =	vld.idx.msk [tilespmem:v1+s17+$0x0], $0xffff;
	[tilespmem:s30+$0xAE00] =	vst v10  }
0x2a5: {  	s1 =	sand.u32 $0xF0, s6;
	v10 =	vadd.s32 $0x5, v3;
	[tilespmem:s30+$0xA400] =	vst v11;
	v13 =	vld.idx.msk [tilespmem:v13+s17+$0x0], $0xffff  }
0x2a6: {  	v11 =	vadd.s32 $0x1, v1;
	[tilespmem:s31+$0xA600] =	vst v12;
	v12 =	vld [tilespmem:s1+$0x1C00]  }
0x2a7: {  	v16 =	vld.idx.msk [tilespmem:v2+s17+$0x0], $0xffff;
	v2 =	vadd.s32 $0x3, v5  }
0x2a8: {  	s5 =	sshll.u32 s20, $0x8;
	v6 =	vld.idx.msk [tilespmem:v6+s17+$0x0], $0xffff  }
0x2a9: {  	s5 =	sor.u32 s2, s5;
	[tilespmem:s0+$0xAC00] =	vst v14;
	v14 =	vld.idx.msk [tilespmem:v15+s17+$0x0], $0xffff;
	v15 =	vadd.s32 $0x6, v8  }
0x2aa: {  	v19 =	vadd.s32 $0x2, v7;
	[tilespmem:s5+$0xA200] =	vst v18;
	v10 =	vld.idx.msk [tilespmem:v10+s17+$0x0], $0xffff  }
0x2ab: {  	v20 =	vadd.s32 $0x4, v4;
	v11 =	vld.idx.msk [tilespmem:v11+s17+$0x0], $0xffff  }
0x2ac: {  	[tilespmem:s0+$0xA300] =	vst v13;
	v13 =	vadd.s32 $0x2, v1;
	v2 =	vld.idx.msk [tilespmem:v2+s17+$0x0], $0xffff  }
0x2ad: {  	v21 =	vadd.s32 $0x6, v3;
	[tilespmem:s30+$0xAF00] =	vst v6  }
0x2ae: {  	s8 =	simm.s32 $0x40;
	s4 =	sshll.u32 s4, $0x8;
	v18 =	vadd.s32 $0x4, v5;
	v6 =	vld.idx.msk [tilespmem:v15+s17+$0x0], $0xffff;
	[tilespmem:s30+$0xA500] =	vst v14  }
0x2af: {  	s8 =	sand.u32 $0x70, s8;
	s2 =	sor.u32 s2, s4;
	v15 =	vld.idx.msk [tilespmem:v19+s17+$0x0], $0xffff;
	[tilespmem:s31+$0xA700] =	vst v10  }
0x2b0: {  	v8 =	vadd.s32 $0x7, v8;
	s5 =	sor.u32 $0x8, s8;
	v14 =	vld.idx.msk [tilespmem:v20+s17+$0x0], $0xffff;
	[tilespmem:s2+$0xAB00] =	vst v11  }
0x2b1: {  	[tilespmem:s0+$0xAD00] =	vst v2;
	v2 =	vadd.s32 s5, v12;
	v13 =	vld.idx.msk [tilespmem:v13+s17+$0x0], $0xffff  }
0x2b2: {  	[tilespmem:s31+$0xB100] =	vst v16;
	v20 =	vadd.s32 $0x5, v4;
	v10 =	vld.idx.msk [tilespmem:v21+s17+$0x0], $0xffff  }
0x2b3: {  	v16 =	vadd.s32 $0x3, v1;
	v18 =	vld.idx.msk [tilespmem:v18+s17+$0x0], $0xffff;
	[tilespmem:s30+$0xB000] =	vst v6  }
0x2b4: {  	v17 =	vld.idx.msk [tilespmem:v9+s17+$0x0], $0xffff;
	v11 =	vadd.s32 $0x5, v5;
	[tilespmem:s0+$0xA400] =	vst v15  }
0x2b5: {  	v19 =	vadd.s32 s8, v12;
	v12 =	vadd.s32 $0x1, v9;
	v8 =	vld.idx.msk [tilespmem:v8+s17+$0x0], $0xffff;
	[tilespmem:s30+$0xA600] =	vst v14  }
0x2b6: {  	v22 =	vld.idx.msk [tilespmem:v2+s17+$0x0], $0xffff;
	[tilespmem:s2+$0xAC00] =	vst v13  }
0x2b7: {  	v6 =	vadd.s32 $0x3, v7;
	[tilespmem:s31+$0xA800] =	vst v10;
	v10 =	vld.idx.msk [tilespmem:v20+s17+$0x0], $0xffff  }
0x2b8: {  	v15 =	vadd.s32 $0x1, v2;
	[tilespmem:s0+$0xAE00] =	vst v18;
	v14 =	vld.idx.msk [tilespmem:v16+s17+$0x0], $0xffff  }
0x2b9: {  	s19 =	simm.s32 $0xA;
	[tilespmem:s2+$0xA200] =	vst v17;
	v20 =	vadd.s32 $0x4, v1;
	v11 =	vld.idx.msk [tilespmem:v11+s17+$0x0], $0xffff  }
0x2ba: {  	s20 =	sand.u32 $0xF0, s19;
	s9 =	sshll.u32 s5, $0x8;
	v12 =	vld.idx.msk [tilespmem:v12+s17+$0x0], $0xffff;
	v13 =	vadd.s32 $0x6, v5  }
0x2bb: {  	s4 =	sor.u32 s1, s9;
	v18 =	vld [tilespmem:s20+$0x1C00]  }
0x2bc: {  	v17 =	vadd.s32 $0x2, v9;
	v6 =	vld.idx.msk [tilespmem:v6+s17+$0x0], $0xffff;
	[tilespmem:s4+$0xA200] =	vst v22  }
0x2bd: {  	v16 =	vadd.s32 $0x4, v7;
	v15 =	vld.idx.msk [tilespmem:v15+s17+$0x0], $0xffff;
	[tilespmem:s2+$0xAD00] =	vst v14  }
0x2be: {  	v22 =	vadd.s32 $0x6, v4;
	[tilespmem:s0+$0xAF00] =	vst v11;
	v27 =	vld.idx.msk [tilespmem:v20+s17+$0x0], $0xffff  }
0x2bf: {  	[tilespmem:s2+$0xA300] =	vst v12;
	v12 =	vld.idx.msk [tilespmem:v13+s17+$0x0], $0xffff;
	v13 =	vadd.s32 $0x2, v2  }
0x2c0: {  	v31 =	vadd.s32 $0x5, v1;
	v21 =	vld.idx.msk [tilespmem:v19+s17+$0x0], $0xffff;
	[tilespmem:s30+$0xB100] =	vst v8  }
0x2c1: {  	s8 =	sshll.u32 s8, $0x8;
	v33 =	vadd.s32 $0x1, v19;
	s4 =	simm.s32 $0x50;
	v24 =	vld.idx.msk [tilespmem:v17+s17+$0x0], $0xffff;
	[tilespmem:s0+$0xA500] =	vst v6  }
0x2c2: {  	v23 =	vadd.s32 $0x7, v3;
	v25 =	vadd.s32 $0x7, v5;
	s1 =	sor.u32 s1, s8;
	[tilespmem:s30+$0xA700] =	vst v10;
	s5 =	sand.u32 $0x70, s4;
	v14 =	vld.idx.msk [tilespmem:v16+s17+$0x0], $0xffff  }
0x2c3: {  	v35 =	vadd.s32 $0x3, v9;
	v3 =	vadd.s32 $0x7, v4;
	v5 =	vadd.s32 $0x7, v9;
	s6 =	sor.u32 $0x8, s5;
	v30 =	vld.idx.msk [tilespmem:v22+s17+$0x0], $0xffff;
	[tilespmem:s1+$0xAB00] =	vst v15  }
0x2c4: {  	v8 =	vadd.s32 $0x6, v9;
	v4 =	vadd.s32 $0x7, v7;
	v6 =	vadd.s32 s6, v18;
	[tilespmem:s2+$0xAE00] =	vst v27;
	v36 =	vld.idx.msk [tilespmem:v13+s17+$0x0], $0xffff  }
0x2c5: {  	[tilespmem:s1+$0xA200] =	vst v21;
	v10 =	vadd.s32 $0x5, v9;
	v17 =	vadd.s32 $0x5, v7;
	v29 =	vadd.s32 s5, v18;
	v27 =	vld.idx.msk [tilespmem:v31+s17+$0x0], $0xffff  }
0x2c6: {  	v11 =	vadd.s32 $0x6, v7;
	v20 =	vadd.s32 $0x2, v19;
	v7 =	vadd.s32 $0x7, v19;
	[tilespmem:s0+$0xB000] =	vst v12;
	v31 =	vld.idx.msk [tilespmem:v33+s17+$0x0], $0xffff  }
0x2c7: {  	v18 =	vadd.s32 $0x3, v19;
	v21 =	vadd.s32 $0x4, v29;
	v33 =	vadd.s32 $0x3, v2;
	v28 =	vld.idx.msk [tilespmem:v25+s17+$0x0], $0xffff  }
0x2c8: {  	v26 =	vld.idx.msk [tilespmem:v23+s17+$0x0], $0xffff;
	v16 =	vadd.s32 $0x4, v9;
	v9 =	vadd.s32 $0x7, v29;
	v34 =	vadd.s32 $0x1, v6;
	[tilespmem:s2+$0xA400] =	vst v24  }
0x2c9: {  	v22 =	vadd.s32 $0x1, v29;
	v15 =	vadd.s32 $0x4, v19;
	v24 =	vadd.s32 $0x5, v29;
	v32 =	vld.idx.msk [tilespmem:v6+s17+$0x0], $0xffff;
	[tilespmem:s0+$0xA600] =	vst v14  }
0x2ca: {  	v23 =	vld.idx.msk [tilespmem:v29+s17+$0x0], $0xffff;
	v13 =	vadd.s32 $0x5, v19;
	v12 =	vadd.s32 $0x6, v19;
	v19 =	vadd.s32 $0x3, v29;
	[tilespmem:s30+$0xA800] =	vst v30  }
0x2cb: {  	v25 =	vadd.s32 $0x2, v29;
	v14 =	vadd.s32 $0x6, v29;
	v29 =	vld.idx.msk [tilespmem:v35+s17+$0x0], $0xffff;
	v30 =	vadd.s32 $0x6, v1;
	[tilespmem:s1+$0xAC00] =	vst v36  }
.LBB2_16:
0x2cc: {  	s19 =	sadd.s32 $0x2, s19;
	s6 =	sshll.u32 s6, $0x8;
	v33 =	vld.idx.msk [tilespmem:v33+s17+$0x0], $0xffff;
	[tilespmem:s0+$0xB100] =	vst v28  }
0x2cd: {  	s8 =	sand.u32 $0xF0, s19;
	p0 =	slt.u32 s19, $0xFE;
	s6 =	sor.u32 s20, s6;
	v28 =	vld.idx.msk [tilespmem:v17+s17+$0x0], $0xffff;
	[tilespmem:s31+$0xA900] =	vst v26;
	v17 =	vmov v10;
	v10 =	vmov v13;
	v13 =	vmov v24  }
0x2ce: {  	v26 =	vadd.s32 $0x4, v2;
	s31 =	smov.u32 s30;
	s30 =	smov.u32 s0;
	s0 =	smov.u32 s2;
	v24 =	vld [tilespmem:s8+$0x1C00];
	[tilespmem:s6+$0xA200] =	vst v32  }
0x2cf: {  	s2 =	smov.u32 s1;
	v32 =	vld.idx.msk [tilespmem:v34+s17+$0x0], $0xffff;
	[tilespmem:s0+$0xAF00] =	vst v27  }
0x2d0: {  	[tilespmem:s2+$0xA300] =	vst v31;
	v27 =	vld.idx.msk [tilespmem:v30+s17+$0x0], $0xffff  }
0x2d1: {  	s4 =	sadd.s32 $0x10, s4;
	v30 =	vadd.s32 $0x2, v6;
	v31 =	vld.idx.msk [tilespmem:v20+s17+$0x0], $0xffff;
	[tilespmem:s0+$0xA500] =	vst v29;
	v20 =	vmov v25  }
0x2d2: {  	s1 =	sand.u32 $0x70, s4;
	[tilespmem:s2+$0xAD00] =	vst v33;
	v29 =	vld.idx.msk [tilespmem:v16+s17+$0x0], $0xffff;
	v33 =	vadd.s32 $0x7, v1;
	v1 =	vmovc v2;
	v2 =	vmovc v6;
	v16 =	vmov v15;
	v15 =	vmov v21  }
0x2d3: {  	s9 =	sshll.u32 s5, $0x8;
	s6 =	sor.u32 $0x8, s1;
	s5 =	smov.u32 s1;
	v34 =	vadd.s32 s1, v24;
	v35 =	vld.idx.msk [tilespmem:v26+s17+$0x0], $0xffff;
	[tilespmem:s30+$0xA700] =	vst v28  }
0x2d4: {  	v6 =	vadd.s32 s6, v24;
	s1 =	sor.u32 s20, s9;
	s20 =	smov.u32 s8;
	v36 =	vadd.s32 $0x1, v34;
	v25 =	vadd.s32 $0x2, v34;
	v37 =	vld.idx.msk [tilespmem:v11+s17+$0x0], $0xffff;
	v11 =	vmovc v8;
	v8 =	vmovc v12  }
0x2d5: {  	v39 =	vadd.s32 $0x5, v1;
	v38 =	vadd.s32 $0x3, v34;
	v21 =	vadd.s32 $0x4, v34;
	v12 =	vmovc v14;
	[tilespmem:s1+$0xAB00] =	vst v32;
	v26 =	vld.idx.msk [tilespmem:v3+s17+$0x0], $0xffff;
	v3 =	vmovc v4  }
0x2d6: {  	v24 =	vadd.s32 $0x5, v34;
	v14 =	vadd.s32 $0x6, v34;
	v32 =	vadd.s32 $0x7, v34;
	v4 =	vmovc v5;
	v5 =	vmovc v7;
	v30 =	vld.idx.msk [tilespmem:v30+s17+$0x0], $0xffff;
	[tilespmem:s0+$0xB000] =	vst v27  }
0x2d7: {  	v7 =	vmov v9;
	v9 =	vmov v32;
	[tilespmem:s1+$0xA200] =	vst v23;
	v28 =	vld.idx.msk [tilespmem:v33+s17+$0x0], $0xffff  }
.Ltmp7:
0x2d8: {  	v33 =	vadd.s32 $0x3, v2;
	v23 =	vld.idx.msk [tilespmem:v34+s17+$0x0], $0xffff;
	[tilespmem:s2+$0xA400] =	vst v31;
	(pc) =	sbr.rel @p0 .LBB2_16-.Ltmp7, $4  }
0x2d9: {  	v32 =	vld.idx.msk [tilespmem:v6+s17+$0x0], $0xffff;
	[tilespmem:s2+$0xAE00] =	vst v35  }
0x2da: {  	v27 =	vld.idx.msk [tilespmem:v39+s17+$0x0], $0xffff;
	[tilespmem:s0+$0xA600] =	vst v29  }
0x2db: {  	v34 =	vadd.s32 $0x1, v6;
	v31 =	vld.idx.msk [tilespmem:v22+s17+$0x0], $0xffff;
	[tilespmem:s30+$0xA800] =	vst v37;
	v22 =	vmov v36  }
0x2dc: {  	[tilespmem:s1+$0xAC00] =	vst v30;
	v29 =	vld.idx.msk [tilespmem:v18+s17+$0x0], $0xffff;
	v30 =	vadd.s32 $0x6, v1;
	v18 =	vmov v19;
	v19 =	vmov v38  }
0x2dd: {  	_ = 	snop  }
0x2de: {  	s4 =	sshll.u32 s6, $0x8  }
0x2df: {  	s19 =	sshll.u32 s5, $0x8;
	s4 =	sor.u32 s20, s4  }
0x2e0: {  	[tilespmem:s4+$0xA200] =	vst v32;
	s4 =	sor.u32 s20, s19  }
0x2e1: {  	v32 =	vld.idx.msk [tilespmem:v34+s17+$0x0], $0xffff;
	[tilespmem:s4+$0xA200] =	vst v23  }
0x2e2: {  	v46 =	vadd.s32 $0x2, v6;
	v22 =	vld.idx.msk [tilespmem:v22+s17+$0x0], $0xffff;
	_ =	sdelay $0x1  }
0x2e3: {  	[tilespmem:s0+$0xB100] =	vst v28  }
0x2e4: {  	v49 =	vld.idx.msk [tilespmem:v33+s17+$0x0], $0xffff;
	[tilespmem:s1+$0xA300] =	vst v31  }
0x2e5: {  	v20 =	vld.idx.msk [tilespmem:v20+s17+$0x0], $0xffff;
	[tilespmem:s4+$0xAB00] =	vst v32  }
0x2e6: {  	v47 =	vld.idx.msk [tilespmem:v46+s17+$0x0], $0xffff;
	[tilespmem:s4+$0xA300] =	vst v22  }
0x2e7: {  	v48 =	vadd.s32 $0x3, v6;
	[tilespmem:s2+$0xAF00] =	vst v27;
	v22 =	vld.idx.msk [tilespmem:v25+s17+$0x0], $0xffff  }
0x2e8: {  	v17 =	vld.idx.msk [tilespmem:v17+s17+$0x0], $0xffff;
	[tilespmem:s2+$0xA500] =	vst v29  }
0x2e9: {  	v50 =	vadd.s32 $0x4, v2;
	v3 =	vld.idx.msk [tilespmem:v3+s17+$0x0], $0xffff;
	[tilespmem:s1+$0xAD00] =	vst v49  }
0x2ea: {  	v27 =	vld.idx.msk [tilespmem:v30+s17+$0x0], $0xffff;
	[tilespmem:s1+$0xA400] =	vst v20  }
0x2eb: {  	v1 =	vadd.s32 $0x7, v1;
	v18 =	vld.idx.msk [tilespmem:v18+s17+$0x0], $0xffff;
	[tilespmem:s4+$0xAC00] =	vst v47  }
0x2ec: {  	v23 =	vld.idx.msk [tilespmem:v48+s17+$0x0], $0xffff;
	[tilespmem:s4+$0xA400] =	vst v22  }
0x2ed: {  	v51 =	vadd.s32 $0x4, v6;
	[tilespmem:s0+$0xA700] =	vst v17;
	v19 =	vld.idx.msk [tilespmem:v19+s17+$0x0], $0xffff  }
0x2ee: {  	[tilespmem:s30+$0xA900] =	vst v3;
	v52 =	vld.idx.msk [tilespmem:v50+s17+$0x0], $0xffff  }
0x2ef: {  	v53 =	vadd.s32 $0x5, v2;
	v16 =	vld.idx.msk [tilespmem:v16+s17+$0x0], $0xffff;
	[tilespmem:s2+$0xB000] =	vst v27  }
0x2f0: {  	v1 =	vld.idx.msk [tilespmem:v1+s17+$0x0], $0xffff;
	[tilespmem:s1+$0xA500] =	vst v18  }
0x2f1: {  	v15 =	vld.idx.msk [tilespmem:v15+s17+$0x0], $0xffff;
	[tilespmem:s4+$0xAD00] =	vst v23  }
0x2f2: {  	v20 =	vld.idx.msk [tilespmem:v51+s17+$0x0], $0xffff;
	[tilespmem:s4+$0xA500] =	vst v19  }
0x2f3: {  	v54 =	vadd.s32 $0x5, v6;
	[tilespmem:s1+$0xAE00] =	vst v52;
	v19 =	vld.idx.msk [tilespmem:v21+s17+$0x0], $0xffff  }
0x2f4: {  	[tilespmem:s2+$0xA600] =	vst v16;
	v17 =	vld.idx.msk [tilespmem:v53+s17+$0x0], $0xffff  }
0x2f5: {  	v55 =	vadd.s32 $0x6, v2;
	v10 =	vld.idx.msk [tilespmem:v10+s17+$0x0], $0xffff;
	[tilespmem:s2+$0xB100] =	vst v1  }
0x2f6: {  	v11 =	vld.idx.msk [tilespmem:v11+s17+$0x0], $0xffff;
	[tilespmem:s1+$0xA600] =	vst v15  }
0x2f7: {  	v13 =	vld.idx.msk [tilespmem:v13+s17+$0x0], $0xffff;
	[tilespmem:s4+$0xAE00] =	vst v20  }
0x2f8: {  	v56 =	vld.idx.msk [tilespmem:v54+s17+$0x0], $0xffff;
	[tilespmem:s4+$0xA600] =	vst v19  }
0x2f9: {  	v57 =	vadd.s32 $0x6, v6;
	[tilespmem:s1+$0xAF00] =	vst v17;
	v58 =	vld.idx.msk [tilespmem:v24+s17+$0x0], $0xffff  }
0x2fa: {  	[tilespmem:s2+$0xA700] =	vst v10;
	v1 =	vld.idx.msk [tilespmem:v55+s17+$0x0], $0xffff  }
0x2fb: {  	[tilespmem:s0+$0xA800] =	vst v11;
	v8 =	vld.idx.msk [tilespmem:v8+s17+$0x0], $0xffff  }
0x2fc: {  	[tilespmem:s1+$0xA700] =	vst v13  }
0x2fd: {  	v2 =	vadd.s32 $0x7, v2;
	v61 =	vld.idx.msk [tilespmem:v12+s17+$0x0], $0xffff;
	[tilespmem:s4+$0xAF00] =	vst v56  }
0x2fe: {  	v59 =	vld.idx.msk [tilespmem:v57+s17+$0x0], $0xffff;
	[tilespmem:s4+$0xA700] =	vst v58  }
0x2ff: {  	v60 =	vadd.s32 $0x7, v6;
	[tilespmem:s1+$0xB000] =	vst v1;
	v1 =	vld.idx.msk [tilespmem:v14+s17+$0x0], $0xffff  }
0x300: {  	v3 =	vld.idx.msk [tilespmem:v4+s17+$0x0], $0xffff;
	[tilespmem:s2+$0xA800] =	vst v8  }
0x301: {  	[tilespmem:s31+$0xA900] =	vst v26;
	v5 =	vld.idx.msk [tilespmem:v5+s17+$0x0], $0xffff  }
0x302: {  	v2 =	vld.idx.msk [tilespmem:v2+s17+$0x0], $0xffff;
	[tilespmem:s1+$0xA800] =	vst v61  }
0x303: {  	v63 =	vld.idx.msk [tilespmem:v7+s17+$0x0], $0xffff;
	[tilespmem:s4+$0xB000] =	vst v59  }
0x304: {  	v62 =	vld.idx.msk [tilespmem:v60+s17+$0x0], $0xffff;
	[tilespmem:s4+$0xA800] =	vst v1  }
0x305: {  	[tilespmem:s0+$0xA900] =	vst v3;
	v1 =	vld.idx.msk [tilespmem:v9+s17+$0x0], $0xffff  }
0x306: {  	[tilespmem:s2+$0xA900] =	vst v5  }
0x307: {  	[tilespmem:s1+$0xB100] =	vst v2  }
0x308: {  	[tilespmem:s1+$0xA900] =	vst v63  }
0x309: {  	[tilespmem:s4+$0xB100] =	vst v62  }
0x30a: {  	s0 =	simm.s32 $0x0;
	[tilespmem:s4+$0xA900] =	vst v1  }
0x30b: {  	s1 =	simm.s32 $0x40;
	v1 =	vld [tilespmem:s0+$0xC00]  }
.LBB2_18:
0x30c: {  	p0 =	sne.s32 s1, $0x3C0  }
.Ltmp8:
0x30d: {  	_ = 	snop;
	(pc) =	sbr.rel @p0 .LBB2_18-.Ltmp8, $3  }
0x30e: {  	_ =	sdelay $0x1  }
0x30f: {  	[tilespmem:s0+$0x12200] =	vst v1;
	s0 =	sshra.s32 s1, $0x2;
	s1 =	sadd.s32 $0x40, s1  }
0x310: {  	v1 =	vld [tilespmem:s0+$0xC00]  }
0x311: {  	_ =	sdelay $0x3  }
0x312: {  	[tilespmem:s0+$0x12200] =	vst v1  }
0x313: {  	[hbm4b:s11+s18] =	stream.strided.scatter [tilespmem:s26], [sflag:$0x3], $0x8100, s24, s18, $0x38;
	[tilespmem:$0x1A488] =	vst v63  }
0x314: {  	_ =	swait.ge [sflag:s28], $0x8100  }
0x315: {  	s8 =	simm.s32 $0x0;
	[sflag:s28] =	ssyncset.done $0x0  }
0x316: {  	s0 =	sand.u32 $0xF0, s8;
	[sflag:s28] =	ssyncadd.s32 $0xFFFF7F00  }
0x317: {  	v1 =	vld [tilespmem:s0+$0x1D00];
	_ =	sdelay $0x1  }
0x318: {  	s1 =	simm.s32 $0x0  }
0x319: {  	s1 =	sand.u32 $0x70, s1  }
0x31a: {  	s2 =	sor.u32 $0x8, s1  }
0x31b: {  	v2 =	vadd.s32 s2, v1;
	_ =	sdelay $0x4  }
0x31c: {  	v3 =	vld.idx.msk [tilespmem:v2+s17+$0x0], $0xffff  }
0x31d: {  	v4 =	vadd.s32 $0x1, v2  }
0x31e: {  	s4 =	simm.s32 $0x2  }
0x31f: {  	s4 =	sand.u32 $0xF0, s4;
	s2 =	sshll.u32 s2, $0x8  }
0x320: {  	v5 =	vld [tilespmem:s4+$0x1D00];
	s2 =	sor.u32 s0, s2  }
0x321: {  	[tilespmem:s2+$0x2100] =	vst v3  }
0x322: {  	s9 =	simm.s32 $0x10;
	v3 =	vadd.s32 s1, v1;
	v4 =	vld.idx.msk [tilespmem:v4+s17+$0x0], $0xffff  }
0x323: {  	v6 =	vadd.s32 $0x2, v2;
	s2 =	sand.u32 $0x70, s9  }
0x324: {  	s5 =	sor.u32 $0x8, s2  }
0x325: {  	s6 =	sshll.u32 s1, $0x8;
	v8 =	vadd.s32 s5, v5  }
0x326: {  	s31 =	sor.u32 s0, s6  }
0x327: {  	v9 =	vld.idx.msk [tilespmem:v3+s17+$0x0], $0xffff;
	[tilespmem:s31+$0x2A00] =	vst v4  }
0x328: {  	v10 =	vadd.s32 $0x1, v3;
	v1 =	vld.idx.msk [tilespmem:v6+s17+$0x0], $0xffff  }
0x329: {  	v4 =	vadd.s32 $0x3, v2  }
0x32a: {  	s19 =	simm.s32 $0x4;
	v6 =	vld.idx.msk [tilespmem:v8+s17+$0x0], $0xffff  }
0x32b: {  	s0 =	sand.u32 $0xF0, s19;
	v7 =	vadd.s32 $0x1, v8  }
0x32c: {  	v11 =	vld [tilespmem:s0+$0x1D00];
	[tilespmem:s31+$0x2100] =	vst v9  }
0x32d: {  	s20 =	sshll.u32 s5, $0x8;
	v10 =	vld.idx.msk [tilespmem:v10+s17+$0x0], $0xffff;
	[tilespmem:s31+$0x2B00] =	vst v1  }
0x32e: {  	v12 =	vadd.s32 $0x2, v3;
	s1 =	sor.u32 s4, s20;
	v1 =	vld.idx.msk [tilespmem:v4+s17+$0x0], $0xffff  }
0x32f: {  	[tilespmem:s1+$0x2100] =	vst v6;
	v6 =	vadd.s32 $0x4, v2  }
0x330: {  	s5 =	simm.s32 $0x20;
	v4 =	vadd.s32 s2, v5;
	v7 =	vld.idx.msk [tilespmem:v7+s17+$0x0], $0xffff  }
0x331: {  	v9 =	vadd.s32 $0x2, v8;
	s1 =	sand.u32 $0x70, s5  }
0x332: {  	s6 =	sor.u32 $0x8, s1;
	[tilespmem:s31+$0x2200] =	vst v10  }
0x333: {  	s2 =	sshll.u32 s2, $0x8;
	v5 =	vadd.s32 s6, v11;
	v12 =	vld.idx.msk [tilespmem:v12+s17+$0x0], $0xffff;
	[tilespmem:s31+$0x2C00] =	vst v1  }
0x334: {  	s30 =	sor.u32 s4, s2;
	v1 =	vld.idx.msk [tilespmem:v6+s17+$0x0], $0xffff  }
0x335: {  	[tilespmem:s30+$0x2A00] =	vst v7;
	v6 =	vld.idx.msk [tilespmem:v4+s17+$0x0], $0xffff  }
0x336: {  	v7 =	vadd.s32 $0x5, v2;
	v9 =	vld.idx.msk [tilespmem:v9+s17+$0x0], $0xffff  }
0x337: {  	v10 =	vadd.s32 $0x3, v8  }
0x338: {  	s8 =	simm.s32 $0x6;
	v13 =	vadd.s32 $0x1, v4;
	v15 =	vld.idx.msk [tilespmem:v5+s17+$0x0], $0xffff;
	[tilespmem:s31+$0x2300] =	vst v12  }
0x339: {  	v14 =	vadd.s32 $0x3, v3;
	s2 =	sand.u32 $0xF0, s8;
	[tilespmem:s31+$0x2D00] =	vst v1  }
0x33a: {  	v12 =	vld [tilespmem:s2+$0x1D00];
	[tilespmem:s30+$0x2100] =	vst v6;
	v6 =	vadd.s32 $0x1, v5  }
0x33b: {  	s9 =	sshll.u32 s6, $0x8;
	[tilespmem:s30+$0x2B00] =	vst v9;
	v1 =	vld.idx.msk [tilespmem:v7+s17+$0x0], $0xffff;
	v7 =	vadd.s32 s1, v11  }
0x33c: {  	s4 =	sor.u32 s0, s9;
	v9 =	vadd.s32 $0x6, v2;
	v10 =	vld.idx.msk [tilespmem:v10+s17+$0x0], $0xffff  }
0x33d: {  	[tilespmem:s4+$0x2100] =	vst v15;
	v15 =	vadd.s32 $0x4, v8;
	v13 =	vld.idx.msk [tilespmem:v13+s17+$0x0], $0xffff  }
0x33e: {  	v14 =	vld.idx.msk [tilespmem:v14+s17+$0x0], $0xffff;
	v11 =	vadd.s32 $0x2, v4  }
0x33f: {  	s19 =	simm.s32 $0x30;
	v16 =	vadd.s32 $0x4, v3;
	v6 =	vld.idx.msk [tilespmem:v6+s17+$0x0], $0xffff  }
0x340: {  	s4 =	sand.u32 $0x70, s19;
	[tilespmem:s31+$0x2E00] =	vst v1;
	v19 =	vld.idx.msk [tilespmem:v7+s17+$0x0], $0xffff  }
0x341: {  	v18 =	vadd.s32 $0x2, v5;
	s20 =	sor.u32 $0x8, s4;
	[tilespmem:s30+$0x2C00] =	vst v10;
	v17 =	vld.idx.msk [tilespmem:v9+s17+$0x0], $0xffff  }
0x342: {  	s1 =	sshll.u32 s1, $0x8;
	[tilespmem:s30+$0x2200] =	vst v13;
	v1 =	vadd.s32 s20, v12;
	v10 =	vld.idx.msk [tilespmem:v15+s17+$0x0], $0xffff  }
0x343: {  	s0 =	sor.u32 s0, s1;
	[tilespmem:s31+$0x2400] =	vst v14;
	v13 =	vadd.s32 $0x1, v7;
	v11 =	vld.idx.msk [tilespmem:v11+s17+$0x0], $0xffff  }
0x344: {  	v9 =	vadd.s32 s4, v12;
	v12 =	vld.idx.msk [tilespmem:v16+s17+$0x0], $0xffff;
	[tilespmem:s0+$0x2A00] =	vst v6  }
0x345: {  	v2 =	vadd.s32 $0x7, v2;
	[tilespmem:s0+$0x2100] =	vst v19  }
0x346: {  	v6 =	vadd.s32 $0x5, v8;
	v14 =	vld.idx.msk [tilespmem:v18+s17+$0x0], $0xffff;
	[tilespmem:s31+$0x2F00] =	vst v17  }
0x347: {  	s6 =	simm.s32 $0x8;
	v15 =	vadd.s32 $0x3, v4;
	v18 =	vld.idx.msk [tilespmem:v1+s17+$0x0], $0xffff;
	[tilespmem:s30+$0x2D00] =	vst v10  }
0x348: {  	s1 =	sand.u32 $0xF0, s6;
	v10 =	vadd.s32 $0x5, v3;
	[tilespmem:s30+$0x2300] =	vst v11;
	v13 =	vld.idx.msk [tilespmem:v13+s17+$0x0], $0xffff  }
0x349: {  	v11 =	vadd.s32 $0x1, v1;
	[tilespmem:s31+$0x2500] =	vst v12;
	v12 =	vld [tilespmem:s1+$0x1D00]  }
0x34a: {  	v16 =	vld.idx.msk [tilespmem:v2+s17+$0x0], $0xffff;
	v2 =	vadd.s32 $0x3, v5  }
0x34b: {  	s5 =	sshll.u32 s20, $0x8;
	v6 =	vld.idx.msk [tilespmem:v6+s17+$0x0], $0xffff  }
0x34c: {  	s5 =	sor.u32 s2, s5;
	[tilespmem:s0+$0x2B00] =	vst v14;
	v14 =	vld.idx.msk [tilespmem:v15+s17+$0x0], $0xffff;
	v15 =	vadd.s32 $0x6, v8  }
0x34d: {  	v19 =	vadd.s32 $0x2, v7;
	[tilespmem:s5+$0x2100] =	vst v18;
	v10 =	vld.idx.msk [tilespmem:v10+s17+$0x0], $0xffff  }
0x34e: {  	v20 =	vadd.s32 $0x4, v4;
	v11 =	vld.idx.msk [tilespmem:v11+s17+$0x0], $0xffff  }
0x34f: {  	[tilespmem:s0+$0x2200] =	vst v13;
	v13 =	vadd.s32 $0x2, v1;
	v2 =	vld.idx.msk [tilespmem:v2+s17+$0x0], $0xffff  }
0x350: {  	v21 =	vadd.s32 $0x6, v3;
	[tilespmem:s30+$0x2E00] =	vst v6  }
0x351: {  	s8 =	simm.s32 $0x40;
	s4 =	sshll.u32 s4, $0x8;
	v18 =	vadd.s32 $0x4, v5;
	v6 =	vld.idx.msk [tilespmem:v15+s17+$0x0], $0xffff;
	[tilespmem:s30+$0x2400] =	vst v14  }
0x352: {  	s8 =	sand.u32 $0x70, s8;
	s2 =	sor.u32 s2, s4;
	v15 =	vld.idx.msk [tilespmem:v19+s17+$0x0], $0xffff;
	[tilespmem:s31+$0x2600] =	vst v10  }
0x353: {  	v8 =	vadd.s32 $0x7, v8;
	s5 =	sor.u32 $0x8, s8;
	v14 =	vld.idx.msk [tilespmem:v20+s17+$0x0], $0xffff;
	[tilespmem:s2+$0x2A00] =	vst v11  }
0x354: {  	[tilespmem:s0+$0x2C00] =	vst v2;
	v2 =	vadd.s32 s5, v12;
	v13 =	vld.idx.msk [tilespmem:v13+s17+$0x0], $0xffff  }
0x355: {  	[tilespmem:s31+$0x3000] =	vst v16;
	v20 =	vadd.s32 $0x5, v4;
	v10 =	vld.idx.msk [tilespmem:v21+s17+$0x0], $0xffff  }
0x356: {  	v16 =	vadd.s32 $0x3, v1;
	v18 =	vld.idx.msk [tilespmem:v18+s17+$0x0], $0xffff;
	[tilespmem:s30+$0x2F00] =	vst v6  }
0x357: {  	v17 =	vld.idx.msk [tilespmem:v9+s17+$0x0], $0xffff;
	v11 =	vadd.s32 $0x5, v5;
	[tilespmem:s0+$0x2300] =	vst v15  }
0x358: {  	v19 =	vadd.s32 s8, v12;
	v12 =	vadd.s32 $0x1, v9;
	v8 =	vld.idx.msk [tilespmem:v8+s17+$0x0], $0xffff;
	[tilespmem:s30+$0x2500] =	vst v14  }
0x359: {  	v22 =	vld.idx.msk [tilespmem:v2+s17+$0x0], $0xffff;
	[tilespmem:s2+$0x2B00] =	vst v13  }
0x35a: {  	v6 =	vadd.s32 $0x3, v7;
	[tilespmem:s31+$0x2700] =	vst v10;
	v10 =	vld.idx.msk [tilespmem:v20+s17+$0x0], $0xffff  }
0x35b: {  	v15 =	vadd.s32 $0x1, v2;
	[tilespmem:s0+$0x2D00] =	vst v18;
	v14 =	vld.idx.msk [tilespmem:v16+s17+$0x0], $0xffff  }
0x35c: {  	s19 =	simm.s32 $0xA;
	[tilespmem:s2+$0x2100] =	vst v17;
	v20 =	vadd.s32 $0x4, v1;
	v11 =	vld.idx.msk [tilespmem:v11+s17+$0x0], $0xffff  }
0x35d: {  	s20 =	sand.u32 $0xF0, s19;
	s9 =	sshll.u32 s5, $0x8;
	v12 =	vld.idx.msk [tilespmem:v12+s17+$0x0], $0xffff;
	v13 =	vadd.s32 $0x6, v5  }
0x35e: {  	s4 =	sor.u32 s1, s9;
	v18 =	vld [tilespmem:s20+$0x1D00]  }
0x35f: {  	v17 =	vadd.s32 $0x2, v9;
	v6 =	vld.idx.msk [tilespmem:v6+s17+$0x0], $0xffff;
	[tilespmem:s4+$0x2100] =	vst v22  }
0x360: {  	v16 =	vadd.s32 $0x4, v7;
	v15 =	vld.idx.msk [tilespmem:v15+s17+$0x0], $0xffff;
	[tilespmem:s2+$0x2C00] =	vst v14  }
0x361: {  	v22 =	vadd.s32 $0x6, v4;
	[tilespmem:s0+$0x2E00] =	vst v11;
	v27 =	vld.idx.msk [tilespmem:v20+s17+$0x0], $0xffff  }
0x362: {  	[tilespmem:s2+$0x2200] =	vst v12;
	v12 =	vld.idx.msk [tilespmem:v13+s17+$0x0], $0xffff;
	v13 =	vadd.s32 $0x2, v2  }
0x363: {  	v31 =	vadd.s32 $0x5, v1;
	v21 =	vld.idx.msk [tilespmem:v19+s17+$0x0], $0xffff;
	[tilespmem:s30+$0x3000] =	vst v8  }
0x364: {  	s8 =	sshll.u32 s8, $0x8;
	v33 =	vadd.s32 $0x1, v19;
	s4 =	simm.s32 $0x50;
	v24 =	vld.idx.msk [tilespmem:v17+s17+$0x0], $0xffff;
	[tilespmem:s0+$0x2400] =	vst v6  }
0x365: {  	v23 =	vadd.s32 $0x7, v3;
	v25 =	vadd.s32 $0x7, v5;
	s1 =	sor.u32 s1, s8;
	[tilespmem:s30+$0x2600] =	vst v10;
	s5 =	sand.u32 $0x70, s4;
	v14 =	vld.idx.msk [tilespmem:v16+s17+$0x0], $0xffff  }
0x366: {  	v35 =	vadd.s32 $0x3, v9;
	v3 =	vadd.s32 $0x7, v4;
	v5 =	vadd.s32 $0x7, v9;
	s6 =	sor.u32 $0x8, s5;
	v30 =	vld.idx.msk [tilespmem:v22+s17+$0x0], $0xffff;
	[tilespmem:s1+$0x2A00] =	vst v15  }
0x367: {  	v8 =	vadd.s32 $0x6, v9;
	v4 =	vadd.s32 $0x7, v7;
	v6 =	vadd.s32 s6, v18;
	[tilespmem:s2+$0x2D00] =	vst v27;
	v36 =	vld.idx.msk [tilespmem:v13+s17+$0x0], $0xffff  }
0x368: {  	[tilespmem:s1+$0x2100] =	vst v21;
	v10 =	vadd.s32 $0x5, v9;
	v17 =	vadd.s32 $0x5, v7;
	v29 =	vadd.s32 s5, v18;
	v27 =	vld.idx.msk [tilespmem:v31+s17+$0x0], $0xffff  }
0x369: {  	v11 =	vadd.s32 $0x6, v7;
	v20 =	vadd.s32 $0x2, v19;
	v7 =	vadd.s32 $0x7, v19;
	[tilespmem:s0+$0x2F00] =	vst v12;
	v31 =	vld.idx.msk [tilespmem:v33+s17+$0x0], $0xffff  }
0x36a: {  	v18 =	vadd.s32 $0x3, v19;
	v21 =	vadd.s32 $0x4, v29;
	v33 =	vadd.s32 $0x3, v2;
	v28 =	vld.idx.msk [tilespmem:v25+s17+$0x0], $0xffff  }
0x36b: {  	v26 =	vld.idx.msk [tilespmem:v23+s17+$0x0], $0xffff;
	v16 =	vadd.s32 $0x4, v9;
	v9 =	vadd.s32 $0x7, v29;
	v34 =	vadd.s32 $0x1, v6;
	[tilespmem:s2+$0x2300] =	vst v24  }
0x36c: {  	v22 =	vadd.s32 $0x1, v29;
	v15 =	vadd.s32 $0x4, v19;
	v24 =	vadd.s32 $0x5, v29;
	v32 =	vld.idx.msk [tilespmem:v6+s17+$0x0], $0xffff;
	[tilespmem:s0+$0x2500] =	vst v14  }
0x36d: {  	v23 =	vld.idx.msk [tilespmem:v29+s17+$0x0], $0xffff;
	v13 =	vadd.s32 $0x5, v19;
	v12 =	vadd.s32 $0x6, v19;
	v19 =	vadd.s32 $0x3, v29;
	[tilespmem:s30+$0x2700] =	vst v30  }
0x36e: {  	v25 =	vadd.s32 $0x2, v29;
	v14 =	vadd.s32 $0x6, v29;
	v29 =	vld.idx.msk [tilespmem:v35+s17+$0x0], $0xffff;
	v30 =	vadd.s32 $0x6, v1;
	[tilespmem:s1+$0x2B00] =	vst v36  }
.LBB2_20:
0x36f: {  	s19 =	sadd.s32 $0x2, s19;
	s6 =	sshll.u32 s6, $0x8;
	v33 =	vld.idx.msk [tilespmem:v33+s17+$0x0], $0xffff;
	[tilespmem:s0+$0x3000] =	vst v28  }
0x370: {  	s8 =	sand.u32 $0xF0, s19;
	p0 =	slt.u32 s19, $0xFE;
	s6 =	sor.u32 s20, s6;
	v28 =	vld.idx.msk [tilespmem:v17+s17+$0x0], $0xffff;
	[tilespmem:s31+$0x2800] =	vst v26;
	v17 =	vmov v10;
	v10 =	vmov v13;
	v13 =	vmov v24  }
0x371: {  	v26 =	vadd.s32 $0x4, v2;
	s31 =	smov.u32 s30;
	s30 =	smov.u32 s0;
	s0 =	smov.u32 s2;
	v24 =	vld [tilespmem:s8+$0x1D00];
	[tilespmem:s6+$0x2100] =	vst v32  }
0x372: {  	s2 =	smov.u32 s1;
	v32 =	vld.idx.msk [tilespmem:v34+s17+$0x0], $0xffff;
	[tilespmem:s0+$0x2E00] =	vst v27  }
0x373: {  	[tilespmem:s2+$0x2200] =	vst v31;
	v27 =	vld.idx.msk [tilespmem:v30+s17+$0x0], $0xffff  }
0x374: {  	s4 =	sadd.s32 $0x10, s4;
	v30 =	vadd.s32 $0x2, v6;
	v31 =	vld.idx.msk [tilespmem:v20+s17+$0x0], $0xffff;
	[tilespmem:s0+$0x2400] =	vst v29;
	v20 =	vmov v25  }
0x375: {  	s1 =	sand.u32 $0x70, s4;
	[tilespmem:s2+$0x2C00] =	vst v33;
	v29 =	vld.idx.msk [tilespmem:v16+s17+$0x0], $0xffff;
	v33 =	vadd.s32 $0x7, v1;
	v1 =	vmovc v2;
	v2 =	vmovc v6;
	v16 =	vmov v15;
	v15 =	vmov v21  }
0x376: {  	s9 =	sshll.u32 s5, $0x8;
	s6 =	sor.u32 $0x8, s1;
	s5 =	smov.u32 s1;
	v34 =	vadd.s32 s1, v24;
	v35 =	vld.idx.msk [tilespmem:v26+s17+$0x0], $0xffff;
	[tilespmem:s30+$0x2600] =	vst v28  }
0x377: {  	v6 =	vadd.s32 s6, v24;
	s1 =	sor.u32 s20, s9;
	s20 =	smov.u32 s8;
	v36 =	vadd.s32 $0x1, v34;
	v25 =	vadd.s32 $0x2, v34;
	v37 =	vld.idx.msk [tilespmem:v11+s17+$0x0], $0xffff;
	v11 =	vmovc v8;
	v8 =	vmovc v12  }
0x378: {  	v39 =	vadd.s32 $0x5, v1;
	v38 =	vadd.s32 $0x3, v34;
	v21 =	vadd.s32 $0x4, v34;
	v12 =	vmovc v14;
	[tilespmem:s1+$0x2A00] =	vst v32;
	v26 =	vld.idx.msk [tilespmem:v3+s17+$0x0], $0xffff;
	v3 =	vmovc v4  }
0x379: {  	v24 =	vadd.s32 $0x5, v34;
	v14 =	vadd.s32 $0x6, v34;
	v32 =	vadd.s32 $0x7, v34;
	v4 =	vmovc v5;
	v5 =	vmovc v7;
	v30 =	vld.idx.msk [tilespmem:v30+s17+$0x0], $0xffff;
	[tilespmem:s0+$0x2F00] =	vst v27  }
0x37a: {  	v7 =	vmov v9;
	v9 =	vmov v32;
	[tilespmem:s1+$0x2100] =	vst v23;
	v28 =	vld.idx.msk [tilespmem:v33+s17+$0x0], $0xffff  }
.Ltmp9:
0x37b: {  	v33 =	vadd.s32 $0x3, v2;
	v23 =	vld.idx.msk [tilespmem:v34+s17+$0x0], $0xffff;
	[tilespmem:s2+$0x2300] =	vst v31;
	(pc) =	sbr.rel @p0 .LBB2_20-.Ltmp9, $4  }
0x37c: {  	v32 =	vld.idx.msk [tilespmem:v6+s17+$0x0], $0xffff;
	[tilespmem:s2+$0x2D00] =	vst v35  }
0x37d: {  	v27 =	vld.idx.msk [tilespmem:v39+s17+$0x0], $0xffff;
	[tilespmem:s0+$0x2500] =	vst v29  }
0x37e: {  	v34 =	vadd.s32 $0x1, v6;
	v31 =	vld.idx.msk [tilespmem:v22+s17+$0x0], $0xffff;
	[tilespmem:s30+$0x2700] =	vst v37;
	v22 =	vmov v36  }
0x37f: {  	[tilespmem:s1+$0x2B00] =	vst v30;
	v29 =	vld.idx.msk [tilespmem:v18+s17+$0x0], $0xffff;
	v30 =	vadd.s32 $0x6, v1;
	v18 =	vmov v19;
	v19 =	vmov v38  }
0x380: {  	_ = 	snop  }
0x381: {  	s4 =	sshll.u32 s6, $0x8  }
0x382: {  	s19 =	sshll.u32 s5, $0x8;
	s4 =	sor.u32 s20, s4  }
0x383: {  	[tilespmem:s4+$0x2100] =	vst v32;
	s4 =	sor.u32 s20, s19  }
0x384: {  	v32 =	vld.idx.msk [tilespmem:v34+s17+$0x0], $0xffff;
	[tilespmem:s4+$0x2100] =	vst v23  }
0x385: {  	v46 =	vadd.s32 $0x2, v6;
	v22 =	vld.idx.msk [tilespmem:v22+s17+$0x0], $0xffff;
	_ =	sdelay $0x1  }
0x386: {  	[tilespmem:s0+$0x3000] =	vst v28  }
0x387: {  	v49 =	vld.idx.msk [tilespmem:v33+s17+$0x0], $0xffff;
	[tilespmem:s1+$0x2200] =	vst v31  }
0x388: {  	v20 =	vld.idx.msk [tilespmem:v20+s17+$0x0], $0xffff;
	[tilespmem:s4+$0x2A00] =	vst v32  }
0x389: {  	v47 =	vld.idx.msk [tilespmem:v46+s17+$0x0], $0xffff;
	[tilespmem:s4+$0x2200] =	vst v22  }
0x38a: {  	v48 =	vadd.s32 $0x3, v6;
	[tilespmem:s2+$0x2E00] =	vst v27;
	v22 =	vld.idx.msk [tilespmem:v25+s17+$0x0], $0xffff  }
0x38b: {  	v17 =	vld.idx.msk [tilespmem:v17+s17+$0x0], $0xffff;
	[tilespmem:s2+$0x2400] =	vst v29  }
0x38c: {  	v50 =	vadd.s32 $0x4, v2;
	v3 =	vld.idx.msk [tilespmem:v3+s17+$0x0], $0xffff;
	[tilespmem:s1+$0x2C00] =	vst v49  }
0x38d: {  	v27 =	vld.idx.msk [tilespmem:v30+s17+$0x0], $0xffff;
	[tilespmem:s1+$0x2300] =	vst v20  }
0x38e: {  	v1 =	vadd.s32 $0x7, v1;
	v18 =	vld.idx.msk [tilespmem:v18+s17+$0x0], $0xffff;
	[tilespmem:s4+$0x2B00] =	vst v47  }
0x38f: {  	v23 =	vld.idx.msk [tilespmem:v48+s17+$0x0], $0xffff;
	[tilespmem:s4+$0x2300] =	vst v22  }
0x390: {  	v51 =	vadd.s32 $0x4, v6;
	[tilespmem:s0+$0x2600] =	vst v17;
	v19 =	vld.idx.msk [tilespmem:v19+s17+$0x0], $0xffff  }
0x391: {  	[tilespmem:s30+$0x2800] =	vst v3;
	v52 =	vld.idx.msk [tilespmem:v50+s17+$0x0], $0xffff  }
0x392: {  	v53 =	vadd.s32 $0x5, v2;
	v16 =	vld.idx.msk [tilespmem:v16+s17+$0x0], $0xffff;
	[tilespmem:s2+$0x2F00] =	vst v27  }
0x393: {  	v1 =	vld.idx.msk [tilespmem:v1+s17+$0x0], $0xffff;
	[tilespmem:s1+$0x2400] =	vst v18  }
0x394: {  	v15 =	vld.idx.msk [tilespmem:v15+s17+$0x0], $0xffff;
	[tilespmem:s4+$0x2C00] =	vst v23  }
0x395: {  	v20 =	vld.idx.msk [tilespmem:v51+s17+$0x0], $0xffff;
	[tilespmem:s4+$0x2400] =	vst v19  }
0x396: {  	v54 =	vadd.s32 $0x5, v6;
	[tilespmem:s1+$0x2D00] =	vst v52;
	v19 =	vld.idx.msk [tilespmem:v21+s17+$0x0], $0xffff  }
0x397: {  	[tilespmem:s2+$0x2500] =	vst v16;
	v17 =	vld.idx.msk [tilespmem:v53+s17+$0x0], $0xffff  }
0x398: {  	v55 =	vadd.s32 $0x6, v2;
	v10 =	vld.idx.msk [tilespmem:v10+s17+$0x0], $0xffff;
	[tilespmem:s2+$0x3000] =	vst v1  }
0x399: {  	v11 =	vld.idx.msk [tilespmem:v11+s17+$0x0], $0xffff;
	[tilespmem:s1+$0x2500] =	vst v15  }
0x39a: {  	v13 =	vld.idx.msk [tilespmem:v13+s17+$0x0], $0xffff;
	[tilespmem:s4+$0x2D00] =	vst v20  }
0x39b: {  	v56 =	vld.idx.msk [tilespmem:v54+s17+$0x0], $0xffff;
	[tilespmem:s4+$0x2500] =	vst v19  }
0x39c: {  	v57 =	vadd.s32 $0x6, v6;
	[tilespmem:s1+$0x2E00] =	vst v17;
	v58 =	vld.idx.msk [tilespmem:v24+s17+$0x0], $0xffff  }
0x39d: {  	[tilespmem:s2+$0x2600] =	vst v10;
	v1 =	vld.idx.msk [tilespmem:v55+s17+$0x0], $0xffff  }
0x39e: {  	[tilespmem:s0+$0x2700] =	vst v11;
	v8 =	vld.idx.msk [tilespmem:v8+s17+$0x0], $0xffff  }
0x39f: {  	[tilespmem:s1+$0x2600] =	vst v13  }
0x3a0: {  	v2 =	vadd.s32 $0x7, v2;
	v61 =	vld.idx.msk [tilespmem:v12+s17+$0x0], $0xffff;
	[tilespmem:s4+$0x2E00] =	vst v56  }
0x3a1: {  	v59 =	vld.idx.msk [tilespmem:v57+s17+$0x0], $0xffff;
	[tilespmem:s4+$0x2600] =	vst v58  }
0x3a2: {  	v60 =	vadd.s32 $0x7, v6;
	[tilespmem:s1+$0x2F00] =	vst v1;
	v1 =	vld.idx.msk [tilespmem:v14+s17+$0x0], $0xffff  }
0x3a3: {  	v3 =	vld.idx.msk [tilespmem:v4+s17+$0x0], $0xffff;
	[tilespmem:s2+$0x2700] =	vst v8  }
0x3a4: {  	[tilespmem:s31+$0x2800] =	vst v26;
	v5 =	vld.idx.msk [tilespmem:v5+s17+$0x0], $0xffff  }
0x3a5: {  	v2 =	vld.idx.msk [tilespmem:v2+s17+$0x0], $0xffff;
	[tilespmem:s1+$0x2700] =	vst v61  }
0x3a6: {  	v63 =	vld.idx.msk [tilespmem:v7+s17+$0x0], $0xffff;
	[tilespmem:s4+$0x2F00] =	vst v59  }
0x3a7: {  	v62 =	vld.idx.msk [tilespmem:v60+s17+$0x0], $0xffff;
	[tilespmem:s4+$0x2700] =	vst v1  }
0x3a8: {  	[tilespmem:s0+$0x2800] =	vst v3;
	v1 =	vld.idx.msk [tilespmem:v9+s17+$0x0], $0xffff  }
0x3a9: {  	[tilespmem:s2+$0x2800] =	vst v5  }
0x3aa: {  	[tilespmem:s1+$0x3000] =	vst v2  }
0x3ab: {  	[tilespmem:s1+$0x2800] =	vst v63  }
0x3ac: {  	[tilespmem:s4+$0x3000] =	vst v62  }
0x3ad: {  	s0 =	simm.s32 $0x0;
	[tilespmem:s4+$0x2800] =	vst v1  }
0x3ae: {  	s1 =	simm.s32 $0x40;
	v1 =	vld [tilespmem:s0+$0xD00]  }
.LBB2_22:
0x3af: {  	p0 =	sne.s32 s1, $0x3C0  }
.Ltmp10:
0x3b0: {  	_ = 	snop;
	(pc) =	sbr.rel @p0 .LBB2_22-.Ltmp10, $3  }
0x3b1: {  	_ =	sdelay $0x1  }
0x3b2: {  	[tilespmem:s0+$0xA100] =	vst v1;
	s0 =	sshra.s32 s1, $0x2;
	s1 =	sadd.s32 $0x40, s1  }
0x3b3: {  	v1 =	vld [tilespmem:s0+$0xD00]  }
0x3b4: {  	_ =	sdelay $0x3  }
0x3b5: {  	[tilespmem:s0+$0xA100] =	vst v1  }
0x3b6: {  	[hbm4b:s12+s18] =	stream.strided.scatter [tilespmem:s25], [sflag:$0x3], $0x8100, s24, s18, $0x38;
	[tilespmem:$0x1A488] =	vst v63  }
0x3b7: {  	_ =	swait.ge [sflag:s28], $0x8100  }
0x3b8: {  	s8 =	simm.s32 $0x0;
	[sflag:s28] =	ssyncset.done $0x0  }
0x3b9: {  	s0 =	sand.u32 $0xF0, s8;
	[sflag:s28] =	ssyncadd.s32 $0xFFFF7F00  }
0x3ba: {  	v1 =	vld [tilespmem:s0+$0x1E00];
	_ =	sdelay $0x1  }
0x3bb: {  	s1 =	simm.s32 $0x0  }
0x3bc: {  	s1 =	sand.u32 $0x70, s1  }
0x3bd: {  	s2 =	sor.u32 $0x8, s1  }
0x3be: {  	v2 =	vadd.s32 s2, v1;
	_ =	sdelay $0x4  }
0x3bf: {  	v3 =	vld.idx.msk [tilespmem:v2+s17+$0x0], $0xffff  }
0x3c0: {  	v4 =	vadd.s32 $0x1, v2  }
0x3c1: {  	s4 =	simm.s32 $0x2  }
0x3c2: {  	s4 =	sand.u32 $0xF0, s4;
	s2 =	sshll.u32 s2, $0x8  }
0x3c3: {  	v5 =	vld [tilespmem:s4+$0x1E00];
	s2 =	sor.u32 s0, s2  }
0x3c4: {  	[tilespmem:s2+$0xA200] =	vst v3  }
0x3c5: {  	s9 =	simm.s32 $0x10;
	v3 =	vadd.s32 s1, v1;
	v4 =	vld.idx.msk [tilespmem:v4+s17+$0x0], $0xffff  }
0x3c6: {  	v6 =	vadd.s32 $0x2, v2;
	s2 =	sand.u32 $0x70, s9  }
0x3c7: {  	s5 =	sor.u32 $0x8, s2  }
0x3c8: {  	s6 =	sshll.u32 s1, $0x8;
	v8 =	vadd.s32 s5, v5  }
0x3c9: {  	s31 =	sor.u32 s0, s6  }
0x3ca: {  	v9 =	vld.idx.msk [tilespmem:v3+s17+$0x0], $0xffff;
	[tilespmem:s31+$0xAB00] =	vst v4  }
0x3cb: {  	v10 =	vadd.s32 $0x1, v3;
	v1 =	vld.idx.msk [tilespmem:v6+s17+$0x0], $0xffff  }
0x3cc: {  	v4 =	vadd.s32 $0x3, v2  }
0x3cd: {  	s19 =	simm.s32 $0x4;
	v6 =	vld.idx.msk [tilespmem:v8+s17+$0x0], $0xffff  }
0x3ce: {  	s0 =	sand.u32 $0xF0, s19;
	v7 =	vadd.s32 $0x1, v8  }
0x3cf: {  	v11 =	vld [tilespmem:s0+$0x1E00];
	[tilespmem:s31+$0xA200] =	vst v9  }
0x3d0: {  	s20 =	sshll.u32 s5, $0x8;
	v10 =	vld.idx.msk [tilespmem:v10+s17+$0x0], $0xffff;
	[tilespmem:s31+$0xAC00] =	vst v1  }
0x3d1: {  	v12 =	vadd.s32 $0x2, v3;
	s1 =	sor.u32 s4, s20;
	v1 =	vld.idx.msk [tilespmem:v4+s17+$0x0], $0xffff  }
0x3d2: {  	[tilespmem:s1+$0xA200] =	vst v6;
	v6 =	vadd.s32 $0x4, v2  }
0x3d3: {  	s5 =	simm.s32 $0x20;
	v4 =	vadd.s32 s2, v5;
	v7 =	vld.idx.msk [tilespmem:v7+s17+$0x0], $0xffff  }
0x3d4: {  	v9 =	vadd.s32 $0x2, v8;
	s1 =	sand.u32 $0x70, s5  }
0x3d5: {  	s6 =	sor.u32 $0x8, s1;
	[tilespmem:s31+$0xA300] =	vst v10  }
0x3d6: {  	s2 =	sshll.u32 s2, $0x8;
	v5 =	vadd.s32 s6, v11;
	v12 =	vld.idx.msk [tilespmem:v12+s17+$0x0], $0xffff;
	[tilespmem:s31+$0xAD00] =	vst v1  }
0x3d7: {  	s30 =	sor.u32 s4, s2;
	v1 =	vld.idx.msk [tilespmem:v6+s17+$0x0], $0xffff  }
0x3d8: {  	[tilespmem:s30+$0xAB00] =	vst v7;
	v6 =	vld.idx.msk [tilespmem:v4+s17+$0x0], $0xffff  }
0x3d9: {  	v7 =	vadd.s32 $0x5, v2;
	v9 =	vld.idx.msk [tilespmem:v9+s17+$0x0], $0xffff  }
0x3da: {  	v10 =	vadd.s32 $0x3, v8  }
0x3db: {  	s8 =	simm.s32 $0x6;
	v13 =	vadd.s32 $0x1, v4;
	v15 =	vld.idx.msk [tilespmem:v5+s17+$0x0], $0xffff;
	[tilespmem:s31+$0xA400] =	vst v12  }
0x3dc: {  	v14 =	vadd.s32 $0x3, v3;
	s2 =	sand.u32 $0xF0, s8;
	[tilespmem:s31+$0xAE00] =	vst v1  }
0x3dd: {  	v12 =	vld [tilespmem:s2+$0x1E00];
	[tilespmem:s30+$0xA200] =	vst v6;
	v6 =	vadd.s32 $0x1, v5  }
0x3de: {  	s9 =	sshll.u32 s6, $0x8;
	[tilespmem:s30+$0xAC00] =	vst v9;
	v1 =	vld.idx.msk [tilespmem:v7+s17+$0x0], $0xffff;
	v7 =	vadd.s32 s1, v11  }
0x3df: {  	s4 =	sor.u32 s0, s9;
	v9 =	vadd.s32 $0x6, v2;
	v10 =	vld.idx.msk [tilespmem:v10+s17+$0x0], $0xffff  }
0x3e0: {  	[tilespmem:s4+$0xA200] =	vst v15;
	v15 =	vadd.s32 $0x4, v8;
	v13 =	vld.idx.msk [tilespmem:v13+s17+$0x0], $0xffff  }
0x3e1: {  	v14 =	vld.idx.msk [tilespmem:v14+s17+$0x0], $0xffff;
	v11 =	vadd.s32 $0x2, v4  }
0x3e2: {  	s19 =	simm.s32 $0x30;
	v16 =	vadd.s32 $0x4, v3;
	v6 =	vld.idx.msk [tilespmem:v6+s17+$0x0], $0xffff  }
0x3e3: {  	s4 =	sand.u32 $0x70, s19;
	[tilespmem:s31+$0xAF00] =	vst v1;
	v19 =	vld.idx.msk [tilespmem:v7+s17+$0x0], $0xffff  }
0x3e4: {  	v18 =	vadd.s32 $0x2, v5;
	s20 =	sor.u32 $0x8, s4;
	[tilespmem:s30+$0xAD00] =	vst v10;
	v17 =	vld.idx.msk [tilespmem:v9+s17+$0x0], $0xffff  }
0x3e5: {  	s1 =	sshll.u32 s1, $0x8;
	[tilespmem:s30+$0xA300] =	vst v13;
	v1 =	vadd.s32 s20, v12;
	v10 =	vld.idx.msk [tilespmem:v15+s17+$0x0], $0xffff  }
0x3e6: {  	s0 =	sor.u32 s0, s1;
	[tilespmem:s31+$0xA500] =	vst v14;
	v13 =	vadd.s32 $0x1, v7;
	v11 =	vld.idx.msk [tilespmem:v11+s17+$0x0], $0xffff  }
0x3e7: {  	v9 =	vadd.s32 s4, v12;
	v12 =	vld.idx.msk [tilespmem:v16+s17+$0x0], $0xffff;
	[tilespmem:s0+$0xAB00] =	vst v6  }
0x3e8: {  	v2 =	vadd.s32 $0x7, v2;
	[tilespmem:s0+$0xA200] =	vst v19  }
0x3e9: {  	v6 =	vadd.s32 $0x5, v8;
	v14 =	vld.idx.msk [tilespmem:v18+s17+$0x0], $0xffff;
	[tilespmem:s31+$0xB000] =	vst v17  }
0x3ea: {  	s6 =	simm.s32 $0x8;
	v15 =	vadd.s32 $0x3, v4;
	v18 =	vld.idx.msk [tilespmem:v1+s17+$0x0], $0xffff;
	[tilespmem:s30+$0xAE00] =	vst v10  }
0x3eb: {  	s1 =	sand.u32 $0xF0, s6;
	v10 =	vadd.s32 $0x5, v3;
	[tilespmem:s30+$0xA400] =	vst v11;
	v13 =	vld.idx.msk [tilespmem:v13+s17+$0x0], $0xffff  }
0x3ec: {  	v11 =	vadd.s32 $0x1, v1;
	[tilespmem:s31+$0xA600] =	vst v12;
	v12 =	vld [tilespmem:s1+$0x1E00]  }
0x3ed: {  	v16 =	vld.idx.msk [tilespmem:v2+s17+$0x0], $0xffff;
	v2 =	vadd.s32 $0x3, v5  }
0x3ee: {  	s5 =	sshll.u32 s20, $0x8;
	v6 =	vld.idx.msk [tilespmem:v6+s17+$0x0], $0xffff  }
0x3ef: {  	s5 =	sor.u32 s2, s5;
	[tilespmem:s0+$0xAC00] =	vst v14;
	v14 =	vld.idx.msk [tilespmem:v15+s17+$0x0], $0xffff;
	v15 =	vadd.s32 $0x6, v8  }
0x3f0: {  	v19 =	vadd.s32 $0x2, v7;
	[tilespmem:s5+$0xA200] =	vst v18;
	v10 =	vld.idx.msk [tilespmem:v10+s17+$0x0], $0xffff  }
0x3f1: {  	v20 =	vadd.s32 $0x4, v4;
	v11 =	vld.idx.msk [tilespmem:v11+s17+$0x0], $0xffff  }
0x3f2: {  	[tilespmem:s0+$0xA300] =	vst v13;
	v13 =	vadd.s32 $0x2, v1;
	v2 =	vld.idx.msk [tilespmem:v2+s17+$0x0], $0xffff  }
0x3f3: {  	v21 =	vadd.s32 $0x6, v3;
	[tilespmem:s30+$0xAF00] =	vst v6  }
0x3f4: {  	s8 =	simm.s32 $0x40;
	s4 =	sshll.u32 s4, $0x8;
	v18 =	vadd.s32 $0x4, v5;
	v6 =	vld.idx.msk [tilespmem:v15+s17+$0x0], $0xffff;
	[tilespmem:s30+$0xA500] =	vst v14  }
0x3f5: {  	s8 =	sand.u32 $0x70, s8;
	s2 =	sor.u32 s2, s4;
	v15 =	vld.idx.msk [tilespmem:v19+s17+$0x0], $0xffff;
	[tilespmem:s31+$0xA700] =	vst v10  }
0x3f6: {  	v8 =	vadd.s32 $0x7, v8;
	s5 =	sor.u32 $0x8, s8;
	v14 =	vld.idx.msk [tilespmem:v20+s17+$0x0], $0xffff;
	[tilespmem:s2+$0xAB00] =	vst v11  }
0x3f7: {  	[tilespmem:s0+$0xAD00] =	vst v2;
	v2 =	vadd.s32 s5, v12;
	v13 =	vld.idx.msk [tilespmem:v13+s17+$0x0], $0xffff  }
0x3f8: {  	[tilespmem:s31+$0xB100] =	vst v16;
	v20 =	vadd.s32 $0x5, v4;
	v10 =	vld.idx.msk [tilespmem:v21+s17+$0x0], $0xffff  }
0x3f9: {  	v16 =	vadd.s32 $0x3, v1;
	v18 =	vld.idx.msk [tilespmem:v18+s17+$0x0], $0xffff;
	[tilespmem:s30+$0xB000] =	vst v6  }
0x3fa: {  	v17 =	vld.idx.msk [tilespmem:v9+s17+$0x0], $0xffff;
	v11 =	vadd.s32 $0x5, v5;
	[tilespmem:s0+$0xA400] =	vst v15  }
0x3fb: {  	v19 =	vadd.s32 s8, v12;
	v12 =	vadd.s32 $0x1, v9;
	v8 =	vld.idx.msk [tilespmem:v8+s17+$0x0], $0xffff;
	[tilespmem:s30+$0xA600] =	vst v14  }
0x3fc: {  	v22 =	vld.idx.msk [tilespmem:v2+s17+$0x0], $0xffff;
	[tilespmem:s2+$0xAC00] =	vst v13  }
0x3fd: {  	v6 =	vadd.s32 $0x3, v7;
	[tilespmem:s31+$0xA800] =	vst v10;
	v10 =	vld.idx.msk [tilespmem:v20+s17+$0x0], $0xffff  }
0x3fe: {  	v15 =	vadd.s32 $0x1, v2;
	[tilespmem:s0+$0xAE00] =	vst v18;
	v14 =	vld.idx.msk [tilespmem:v16+s17+$0x0], $0xffff  }
0x3ff: {  	s19 =	simm.s32 $0xA;
	[tilespmem:s2+$0xA200] =	vst v17;
	v20 =	vadd.s32 $0x4, v1;
	v11 =	vld.idx.msk [tilespmem:v11+s17+$0x0], $0xffff  }
0x400: {  	s20 =	sand.u32 $0xF0, s19;
	s9 =	sshll.u32 s5, $0x8;
	v12 =	vld.idx.msk [tilespmem:v12+s17+$0x0], $0xffff;
	v13 =	vadd.s32 $0x6, v5  }
0x401: {  	s4 =	sor.u32 s1, s9;
	v18 =	vld [tilespmem:s20+$0x1E00]  }
0x402: {  	v17 =	vadd.s32 $0x2, v9;
	v6 =	vld.idx.msk [tilespmem:v6+s17+$0x0], $0xffff;
	[tilespmem:s4+$0xA200] =	vst v22  }
0x403: {  	v16 =	vadd.s32 $0x4, v7;
	v15 =	vld.idx.msk [tilespmem:v15+s17+$0x0], $0xffff;
	[tilespmem:s2+$0xAD00] =	vst v14  }
0x404: {  	v22 =	vadd.s32 $0x6, v4;
	[tilespmem:s0+$0xAF00] =	vst v11;
	v27 =	vld.idx.msk [tilespmem:v20+s17+$0x0], $0xffff  }
0x405: {  	[tilespmem:s2+$0xA300] =	vst v12;
	v12 =	vld.idx.msk [tilespmem:v13+s17+$0x0], $0xffff;
	v13 =	vadd.s32 $0x2, v2  }
0x406: {  	v31 =	vadd.s32 $0x5, v1;
	v21 =	vld.idx.msk [tilespmem:v19+s17+$0x0], $0xffff;
	[tilespmem:s30+$0xB100] =	vst v8  }
0x407: {  	s8 =	sshll.u32 s8, $0x8;
	v33 =	vadd.s32 $0x1, v19;
	s4 =	simm.s32 $0x50;
	v24 =	vld.idx.msk [tilespmem:v17+s17+$0x0], $0xffff;
	[tilespmem:s0+$0xA500] =	vst v6  }
0x408: {  	v23 =	vadd.s32 $0x7, v3;
	v25 =	vadd.s32 $0x7, v5;
	s1 =	sor.u32 s1, s8;
	[tilespmem:s30+$0xA700] =	vst v10;
	s5 =	sand.u32 $0x70, s4;
	v14 =	vld.idx.msk [tilespmem:v16+s17+$0x0], $0xffff  }
0x409: {  	v35 =	vadd.s32 $0x3, v9;
	v3 =	vadd.s32 $0x7, v4;
	v5 =	vadd.s32 $0x7, v9;
	s6 =	sor.u32 $0x8, s5;
	v30 =	vld.idx.msk [tilespmem:v22+s17+$0x0], $0xffff;
	[tilespmem:s1+$0xAB00] =	vst v15  }
0x40a: {  	v8 =	vadd.s32 $0x6, v9;
	v4 =	vadd.s32 $0x7, v7;
	v6 =	vadd.s32 s6, v18;
	[tilespmem:s2+$0xAE00] =	vst v27;
	v36 =	vld.idx.msk [tilespmem:v13+s17+$0x0], $0xffff  }
0x40b: {  	[tilespmem:s1+$0xA200] =	vst v21;
	v10 =	vadd.s32 $0x5, v9;
	v17 =	vadd.s32 $0x5, v7;
	v29 =	vadd.s32 s5, v18;
	v27 =	vld.idx.msk [tilespmem:v31+s17+$0x0], $0xffff  }
0x40c: {  	v11 =	vadd.s32 $0x6, v7;
	v20 =	vadd.s32 $0x2, v19;
	v7 =	vadd.s32 $0x7, v19;
	[tilespmem:s0+$0xB000] =	vst v12;
	v31 =	vld.idx.msk [tilespmem:v33+s17+$0x0], $0xffff  }
0x40d: {  	v18 =	vadd.s32 $0x3, v19;
	v21 =	vadd.s32 $0x4, v29;
	v33 =	vadd.s32 $0x3, v2;
	v28 =	vld.idx.msk [tilespmem:v25+s17+$0x0], $0xffff  }
0x40e: {  	v26 =	vld.idx.msk [tilespmem:v23+s17+$0x0], $0xffff;
	v16 =	vadd.s32 $0x4, v9;
	v9 =	vadd.s32 $0x7, v29;
	v34 =	vadd.s32 $0x1, v6;
	[tilespmem:s2+$0xA400] =	vst v24  }
0x40f: {  	v22 =	vadd.s32 $0x1, v29;
	v15 =	vadd.s32 $0x4, v19;
	v24 =	vadd.s32 $0x5, v29;
	v32 =	vld.idx.msk [tilespmem:v6+s17+$0x0], $0xffff;
	[tilespmem:s0+$0xA600] =	vst v14  }
0x410: {  	v23 =	vld.idx.msk [tilespmem:v29+s17+$0x0], $0xffff;
	v13 =	vadd.s32 $0x5, v19;
	v12 =	vadd.s32 $0x6, v19;
	v19 =	vadd.s32 $0x3, v29;
	[tilespmem:s30+$0xA800] =	vst v30  }
0x411: {  	v25 =	vadd.s32 $0x2, v29;
	v14 =	vadd.s32 $0x6, v29;
	v29 =	vld.idx.msk [tilespmem:v35+s17+$0x0], $0xffff;
	v30 =	vadd.s32 $0x6, v1;
	[tilespmem:s1+$0xAC00] =	vst v36  }
.LBB2_24:
0x412: {  	s19 =	sadd.s32 $0x2, s19;
	s6 =	sshll.u32 s6, $0x8;
	v33 =	vld.idx.msk [tilespmem:v33+s17+$0x0], $0xffff;
	[tilespmem:s0+$0xB100] =	vst v28  }
0x413: {  	s8 =	sand.u32 $0xF0, s19;
	p0 =	slt.u32 s19, $0xFE;
	s6 =	sor.u32 s20, s6;
	v28 =	vld.idx.msk [tilespmem:v17+s17+$0x0], $0xffff;
	[tilespmem:s31+$0xA900] =	vst v26;
	v17 =	vmov v10;
	v10 =	vmov v13;
	v13 =	vmov v24  }
0x414: {  	v26 =	vadd.s32 $0x4, v2;
	s31 =	smov.u32 s30;
	s30 =	smov.u32 s0;
	s0 =	smov.u32 s2;
	v24 =	vld [tilespmem:s8+$0x1E00];
	[tilespmem:s6+$0xA200] =	vst v32  }
0x415: {  	s2 =	smov.u32 s1;
	v32 =	vld.idx.msk [tilespmem:v34+s17+$0x0], $0xffff;
	[tilespmem:s0+$0xAF00] =	vst v27  }
0x416: {  	[tilespmem:s2+$0xA300] =	vst v31;
	v27 =	vld.idx.msk [tilespmem:v30+s17+$0x0], $0xffff  }
0x417: {  	s4 =	sadd.s32 $0x10, s4;
	v30 =	vadd.s32 $0x2, v6;
	v31 =	vld.idx.msk [tilespmem:v20+s17+$0x0], $0xffff;
	[tilespmem:s0+$0xA500] =	vst v29;
	v20 =	vmov v25  }
0x418: {  	s1 =	sand.u32 $0x70, s4;
	[tilespmem:s2+$0xAD00] =	vst v33;
	v29 =	vld.idx.msk [tilespmem:v16+s17+$0x0], $0xffff;
	v33 =	vadd.s32 $0x7, v1;
	v1 =	vmovc v2;
	v2 =	vmovc v6;
	v16 =	vmov v15;
	v15 =	vmov v21  }
0x419: {  	s9 =	sshll.u32 s5, $0x8;
	s6 =	sor.u32 $0x8, s1;
	s5 =	smov.u32 s1;
	v34 =	vadd.s32 s1, v24;
	v35 =	vld.idx.msk [tilespmem:v26+s17+$0x0], $0xffff;
	[tilespmem:s30+$0xA700] =	vst v28  }
0x41a: {  	v6 =	vadd.s32 s6, v24;
	s1 =	sor.u32 s20, s9;
	s20 =	smov.u32 s8;
	v36 =	vadd.s32 $0x1, v34;
	v25 =	vadd.s32 $0x2, v34;
	v37 =	vld.idx.msk [tilespmem:v11+s17+$0x0], $0xffff;
	v11 =	vmovc v8;
	v8 =	vmovc v12  }
0x41b: {  	v39 =	vadd.s32 $0x5, v1;
	v38 =	vadd.s32 $0x3, v34;
	v21 =	vadd.s32 $0x4, v34;
	v12 =	vmovc v14;
	[tilespmem:s1+$0xAB00] =	vst v32;
	v26 =	vld.idx.msk [tilespmem:v3+s17+$0x0], $0xffff;
	v3 =	vmovc v4  }
0x41c: {  	v24 =	vadd.s32 $0x5, v34;
	v14 =	vadd.s32 $0x6, v34;
	v32 =	vadd.s32 $0x7, v34;
	v4 =	vmovc v5;
	v5 =	vmovc v7;
	v30 =	vld.idx.msk [tilespmem:v30+s17+$0x0], $0xffff;
	[tilespmem:s0+$0xB000] =	vst v27  }
0x41d: {  	v7 =	vmov v9;
	v9 =	vmov v32;
	[tilespmem:s1+$0xA200] =	vst v23;
	v28 =	vld.idx.msk [tilespmem:v33+s17+$0x0], $0xffff  }
.Ltmp11:
0x41e: {  	v33 =	vadd.s32 $0x3, v2;
	v23 =	vld.idx.msk [tilespmem:v34+s17+$0x0], $0xffff;
	[tilespmem:s2+$0xA400] =	vst v31;
	(pc) =	sbr.rel @p0 .LBB2_24-.Ltmp11, $4  }
0x41f: {  	v32 =	vld.idx.msk [tilespmem:v6+s17+$0x0], $0xffff;
	[tilespmem:s2+$0xAE00] =	vst v35  }
0x420: {  	v27 =	vld.idx.msk [tilespmem:v39+s17+$0x0], $0xffff;
	[tilespmem:s0+$0xA600] =	vst v29  }
0x421: {  	v34 =	vadd.s32 $0x1, v6;
	v31 =	vld.idx.msk [tilespmem:v22+s17+$0x0], $0xffff;
	[tilespmem:s30+$0xA800] =	vst v37;
	v22 =	vmov v36  }
0x422: {  	[tilespmem:s1+$0xAC00] =	vst v30;
	v29 =	vld.idx.msk [tilespmem:v18+s17+$0x0], $0xffff;
	v30 =	vadd.s32 $0x6, v1;
	v18 =	vmov v19;
	v19 =	vmov v38  }
0x423: {  	_ = 	snop  }
0x424: {  	s4 =	sshll.u32 s6, $0x8  }
0x425: {  	s19 =	sshll.u32 s5, $0x8;
	s4 =	sor.u32 s20, s4  }
0x426: {  	[tilespmem:s4+$0xA200] =	vst v32;
	s4 =	sor.u32 s20, s19  }
0x427: {  	v32 =	vld.idx.msk [tilespmem:v34+s17+$0x0], $0xffff;
	[tilespmem:s4+$0xA200] =	vst v23  }
0x428: {  	v46 =	vadd.s32 $0x2, v6;
	v22 =	vld.idx.msk [tilespmem:v22+s17+$0x0], $0xffff;
	_ =	sdelay $0x1  }
0x429: {  	[tilespmem:s0+$0xB100] =	vst v28  }
0x42a: {  	v49 =	vld.idx.msk [tilespmem:v33+s17+$0x0], $0xffff;
	[tilespmem:s1+$0xA300] =	vst v31  }
0x42b: {  	v20 =	vld.idx.msk [tilespmem:v20+s17+$0x0], $0xffff;
	[tilespmem:s4+$0xAB00] =	vst v32  }
0x42c: {  	v47 =	vld.idx.msk [tilespmem:v46+s17+$0x0], $0xffff;
	[tilespmem:s4+$0xA300] =	vst v22  }
0x42d: {  	v48 =	vadd.s32 $0x3, v6;
	[tilespmem:s2+$0xAF00] =	vst v27;
	v22 =	vld.idx.msk [tilespmem:v25+s17+$0x0], $0xffff  }
0x42e: {  	v17 =	vld.idx.msk [tilespmem:v17+s17+$0x0], $0xffff;
	[tilespmem:s2+$0xA500] =	vst v29  }
0x42f: {  	v50 =	vadd.s32 $0x4, v2;
	v3 =	vld.idx.msk [tilespmem:v3+s17+$0x0], $0xffff;
	[tilespmem:s1+$0xAD00] =	vst v49  }
0x430: {  	v27 =	vld.idx.msk [tilespmem:v30+s17+$0x0], $0xffff;
	[tilespmem:s1+$0xA400] =	vst v20  }
0x431: {  	v1 =	vadd.s32 $0x7, v1;
	v18 =	vld.idx.msk [tilespmem:v18+s17+$0x0], $0xffff;
	[tilespmem:s4+$0xAC00] =	vst v47  }
0x432: {  	v23 =	vld.idx.msk [tilespmem:v48+s17+$0x0], $0xffff;
	[tilespmem:s4+$0xA400] =	vst v22  }
0x433: {  	v51 =	vadd.s32 $0x4, v6;
	[tilespmem:s0+$0xA700] =	vst v17;
	v19 =	vld.idx.msk [tilespmem:v19+s17+$0x0], $0xffff  }
0x434: {  	[tilespmem:s30+$0xA900] =	vst v3;
	v52 =	vld.idx.msk [tilespmem:v50+s17+$0x0], $0xffff  }
0x435: {  	v53 =	vadd.s32 $0x5, v2;
	v16 =	vld.idx.msk [tilespmem:v16+s17+$0x0], $0xffff;
	[tilespmem:s2+$0xB000] =	vst v27  }
0x436: {  	v1 =	vld.idx.msk [tilespmem:v1+s17+$0x0], $0xffff;
	[tilespmem:s1+$0xA500] =	vst v18  }
0x437: {  	v15 =	vld.idx.msk [tilespmem:v15+s17+$0x0], $0xffff;
	[tilespmem:s4+$0xAD00] =	vst v23  }
0x438: {  	v20 =	vld.idx.msk [tilespmem:v51+s17+$0x0], $0xffff;
	[tilespmem:s4+$0xA500] =	vst v19  }
0x439: {  	v54 =	vadd.s32 $0x5, v6;
	[tilespmem:s1+$0xAE00] =	vst v52;
	v19 =	vld.idx.msk [tilespmem:v21+s17+$0x0], $0xffff  }
0x43a: {  	[tilespmem:s2+$0xA600] =	vst v16;
	v17 =	vld.idx.msk [tilespmem:v53+s17+$0x0], $0xffff  }
0x43b: {  	v55 =	vadd.s32 $0x6, v2;
	v10 =	vld.idx.msk [tilespmem:v10+s17+$0x0], $0xffff;
	[tilespmem:s2+$0xB100] =	vst v1  }
0x43c: {  	v11 =	vld.idx.msk [tilespmem:v11+s17+$0x0], $0xffff;
	[tilespmem:s1+$0xA600] =	vst v15  }
0x43d: {  	v13 =	vld.idx.msk [tilespmem:v13+s17+$0x0], $0xffff;
	[tilespmem:s4+$0xAE00] =	vst v20  }
0x43e: {  	v56 =	vld.idx.msk [tilespmem:v54+s17+$0x0], $0xffff;
	[tilespmem:s4+$0xA600] =	vst v19  }
0x43f: {  	v57 =	vadd.s32 $0x6, v6;
	[tilespmem:s1+$0xAF00] =	vst v17;
	v58 =	vld.idx.msk [tilespmem:v24+s17+$0x0], $0xffff  }
0x440: {  	[tilespmem:s2+$0xA700] =	vst v10;
	v1 =	vld.idx.msk [tilespmem:v55+s17+$0x0], $0xffff  }
0x441: {  	[tilespmem:s0+$0xA800] =	vst v11;
	v8 =	vld.idx.msk [tilespmem:v8+s17+$0x0], $0xffff  }
0x442: {  	[tilespmem:s1+$0xA700] =	vst v13  }
0x443: {  	v2 =	vadd.s32 $0x7, v2;
	v61 =	vld.idx.msk [tilespmem:v12+s17+$0x0], $0xffff;
	[tilespmem:s4+$0xAF00] =	vst v56  }
0x444: {  	v59 =	vld.idx.msk [tilespmem:v57+s17+$0x0], $0xffff;
	[tilespmem:s4+$0xA700] =	vst v58  }
0x445: {  	v60 =	vadd.s32 $0x7, v6;
	[tilespmem:s1+$0xB000] =	vst v1;
	v1 =	vld.idx.msk [tilespmem:v14+s17+$0x0], $0xffff  }
0x446: {  	v3 =	vld.idx.msk [tilespmem:v4+s17+$0x0], $0xffff;
	[tilespmem:s2+$0xA800] =	vst v8  }
0x447: {  	[tilespmem:s31+$0xA900] =	vst v26;
	v5 =	vld.idx.msk [tilespmem:v5+s17+$0x0], $0xffff  }
0x448: {  	v2 =	vld.idx.msk [tilespmem:v2+s17+$0x0], $0xffff;
	[tilespmem:s1+$0xA800] =	vst v61  }
0x449: {  	v63 =	vld.idx.msk [tilespmem:v7+s17+$0x0], $0xffff;
	[tilespmem:s4+$0xB000] =	vst v59  }
0x44a: {  	v62 =	vld.idx.msk [tilespmem:v60+s17+$0x0], $0xffff;
	[tilespmem:s4+$0xA800] =	vst v1  }
0x44b: {  	[tilespmem:s0+$0xA900] =	vst v3;
	v1 =	vld.idx.msk [tilespmem:v9+s17+$0x0], $0xffff  }
0x44c: {  	[tilespmem:s2+$0xA900] =	vst v5  }
0x44d: {  	[tilespmem:s1+$0xB100] =	vst v2  }
0x44e: {  	[tilespmem:s1+$0xA900] =	vst v63  }
0x44f: {  	[tilespmem:s4+$0xB100] =	vst v62  }
0x450: {  	s0 =	simm.s32 $0x0;
	[tilespmem:s4+$0xA900] =	vst v1  }
0x451: {  	s1 =	simm.s32 $0x40;
	v1 =	vld [tilespmem:s0+$0xE00]  }
.LBB2_26:
0x452: {  	p0 =	sne.s32 s1, $0x3C0  }
.Ltmp12:
0x453: {  	_ = 	snop;
	(pc) =	sbr.rel @p0 .LBB2_26-.Ltmp12, $3  }
0x454: {  	_ =	sdelay $0x1  }
0x455: {  	[tilespmem:s0+$0x12200] =	vst v1;
	s0 =	sshra.s32 s1, $0x2;
	s1 =	sadd.s32 $0x40, s1  }
0x456: {  	v1 =	vld [tilespmem:s0+$0xE00]  }
0x457: {  	_ =	sdelay $0x3  }
0x458: {  	[tilespmem:s0+$0x12200] =	vst v1  }
0x459: {  	[hbm4b:s13+s18] =	stream.strided.scatter [tilespmem:s26], [sflag:$0x3], $0x8100, s24, s18, $0x38;
	[tilespmem:$0x1A488] =	vst v63  }
0x45a: {  	_ =	swait.ge [sflag:s28], $0x8100  }
0x45b: {  	s8 =	simm.s32 $0x0;
	[sflag:s28] =	ssyncset.done $0x0  }
0x45c: {  	s0 =	sand.u32 $0xF0, s8;
	[sflag:s28] =	ssyncadd.s32 $0xFFFF7F00  }
0x45d: {  	v1 =	vld [tilespmem:s0+$0x1F00];
	_ =	sdelay $0x1  }
0x45e: {  	s1 =	simm.s32 $0x0  }
0x45f: {  	s1 =	sand.u32 $0x70, s1  }
0x460: {  	s2 =	sor.u32 $0x8, s1  }
0x461: {  	v2 =	vadd.s32 s2, v1;
	_ =	sdelay $0x4  }
0x462: {  	v3 =	vld.idx.msk [tilespmem:v2+s17+$0x0], $0xffff  }
0x463: {  	v4 =	vadd.s32 $0x1, v2  }
0x464: {  	s4 =	simm.s32 $0x2  }
0x465: {  	s4 =	sand.u32 $0xF0, s4;
	s2 =	sshll.u32 s2, $0x8  }
0x466: {  	v5 =	vld [tilespmem:s4+$0x1F00];
	s2 =	sor.u32 s0, s2  }
0x467: {  	[tilespmem:s2+$0x2100] =	vst v3  }
0x468: {  	s9 =	simm.s32 $0x10;
	v3 =	vadd.s32 s1, v1;
	v4 =	vld.idx.msk [tilespmem:v4+s17+$0x0], $0xffff  }
0x469: {  	v6 =	vadd.s32 $0x2, v2;
	s2 =	sand.u32 $0x70, s9  }
0x46a: {  	s5 =	sor.u32 $0x8, s2  }
0x46b: {  	s6 =	sshll.u32 s1, $0x8;
	v8 =	vadd.s32 s5, v5  }
0x46c: {  	s31 =	sor.u32 s0, s6  }
0x46d: {  	v9 =	vld.idx.msk [tilespmem:v3+s17+$0x0], $0xffff;
	[tilespmem:s31+$0x2A00] =	vst v4  }
0x46e: {  	v10 =	vadd.s32 $0x1, v3;
	v1 =	vld.idx.msk [tilespmem:v6+s17+$0x0], $0xffff  }
0x46f: {  	v4 =	vadd.s32 $0x3, v2  }
0x470: {  	s19 =	simm.s32 $0x4;
	v6 =	vld.idx.msk [tilespmem:v8+s17+$0x0], $0xffff  }
0x471: {  	s0 =	sand.u32 $0xF0, s19;
	v7 =	vadd.s32 $0x1, v8  }
0x472: {  	v11 =	vld [tilespmem:s0+$0x1F00];
	[tilespmem:s31+$0x2100] =	vst v9  }
0x473: {  	s20 =	sshll.u32 s5, $0x8;
	v10 =	vld.idx.msk [tilespmem:v10+s17+$0x0], $0xffff;
	[tilespmem:s31+$0x2B00] =	vst v1  }
0x474: {  	v12 =	vadd.s32 $0x2, v3;
	s1 =	sor.u32 s4, s20;
	v1 =	vld.idx.msk [tilespmem:v4+s17+$0x0], $0xffff  }
0x475: {  	[tilespmem:s1+$0x2100] =	vst v6;
	v6 =	vadd.s32 $0x4, v2  }
0x476: {  	s5 =	simm.s32 $0x20;
	v4 =	vadd.s32 s2, v5;
	v7 =	vld.idx.msk [tilespmem:v7+s17+$0x0], $0xffff  }
0x477: {  	v9 =	vadd.s32 $0x2, v8;
	s1 =	sand.u32 $0x70, s5  }
0x478: {  	s6 =	sor.u32 $0x8, s1;
	[tilespmem:s31+$0x2200] =	vst v10  }
0x479: {  	s2 =	sshll.u32 s2, $0x8;
	v5 =	vadd.s32 s6, v11;
	v12 =	vld.idx.msk [tilespmem:v12+s17+$0x0], $0xffff;
	[tilespmem:s31+$0x2C00] =	vst v1  }
0x47a: {  	s30 =	sor.u32 s4, s2;
	v1 =	vld.idx.msk [tilespmem:v6+s17+$0x0], $0xffff  }
0x47b: {  	[tilespmem:s30+$0x2A00] =	vst v7;
	v6 =	vld.idx.msk [tilespmem:v4+s17+$0x0], $0xffff  }
0x47c: {  	v7 =	vadd.s32 $0x5, v2;
	v9 =	vld.idx.msk [tilespmem:v9+s17+$0x0], $0xffff  }
0x47d: {  	v10 =	vadd.s32 $0x3, v8  }
0x47e: {  	s8 =	simm.s32 $0x6;
	v13 =	vadd.s32 $0x1, v4;
	v15 =	vld.idx.msk [tilespmem:v5+s17+$0x0], $0xffff;
	[tilespmem:s31+$0x2300] =	vst v12  }
0x47f: {  	v14 =	vadd.s32 $0x3, v3;
	s2 =	sand.u32 $0xF0, s8;
	[tilespmem:s31+$0x2D00] =	vst v1  }
0x480: {  	v12 =	vld [tilespmem:s2+$0x1F00];
	[tilespmem:s30+$0x2100] =	vst v6;
	v6 =	vadd.s32 $0x1, v5  }
0x481: {  	s9 =	sshll.u32 s6, $0x8;
	[tilespmem:s30+$0x2B00] =	vst v9;
	v1 =	vld.idx.msk [tilespmem:v7+s17+$0x0], $0xffff;
	v7 =	vadd.s32 s1, v11  }
0x482: {  	s4 =	sor.u32 s0, s9;
	v9 =	vadd.s32 $0x6, v2;
	v10 =	vld.idx.msk [tilespmem:v10+s17+$0x0], $0xffff  }
0x483: {  	[tilespmem:s4+$0x2100] =	vst v15;
	v15 =	vadd.s32 $0x4, v8;
	v13 =	vld.idx.msk [tilespmem:v13+s17+$0x0], $0xffff  }
0x484: {  	v14 =	vld.idx.msk [tilespmem:v14+s17+$0x0], $0xffff;
	v11 =	vadd.s32 $0x2, v4  }
0x485: {  	s19 =	simm.s32 $0x30;
	v16 =	vadd.s32 $0x4, v3;
	v6 =	vld.idx.msk [tilespmem:v6+s17+$0x0], $0xffff  }
0x486: {  	s4 =	sand.u32 $0x70, s19;
	[tilespmem:s31+$0x2E00] =	vst v1;
	v19 =	vld.idx.msk [tilespmem:v7+s17+$0x0], $0xffff  }
0x487: {  	v18 =	vadd.s32 $0x2, v5;
	s20 =	sor.u32 $0x8, s4;
	[tilespmem:s30+$0x2C00] =	vst v10;
	v17 =	vld.idx.msk [tilespmem:v9+s17+$0x0], $0xffff  }
0x488: {  	s1 =	sshll.u32 s1, $0x8;
	[tilespmem:s30+$0x2200] =	vst v13;
	v1 =	vadd.s32 s20, v12;
	v10 =	vld.idx.msk [tilespmem:v15+s17+$0x0], $0xffff  }
0x489: {  	s0 =	sor.u32 s0, s1;
	[tilespmem:s31+$0x2400] =	vst v14;
	v13 =	vadd.s32 $0x1, v7;
	v11 =	vld.idx.msk [tilespmem:v11+s17+$0x0], $0xffff  }
0x48a: {  	v9 =	vadd.s32 s4, v12;
	v12 =	vld.idx.msk [tilespmem:v16+s17+$0x0], $0xffff;
	[tilespmem:s0+$0x2A00] =	vst v6  }
0x48b: {  	v2 =	vadd.s32 $0x7, v2;
	[tilespmem:s0+$0x2100] =	vst v19  }
0x48c: {  	v6 =	vadd.s32 $0x5, v8;
	v14 =	vld.idx.msk [tilespmem:v18+s17+$0x0], $0xffff;
	[tilespmem:s31+$0x2F00] =	vst v17  }
0x48d: {  	s6 =	simm.s32 $0x8;
	v15 =	vadd.s32 $0x3, v4;
	v18 =	vld.idx.msk [tilespmem:v1+s17+$0x0], $0xffff;
	[tilespmem:s30+$0x2D00] =	vst v10  }
0x48e: {  	s1 =	sand.u32 $0xF0, s6;
	v10 =	vadd.s32 $0x5, v3;
	[tilespmem:s30+$0x2300] =	vst v11;
	v13 =	vld.idx.msk [tilespmem:v13+s17+$0x0], $0xffff  }
0x48f: {  	v11 =	vadd.s32 $0x1, v1;
	[tilespmem:s31+$0x2500] =	vst v12;
	v12 =	vld [tilespmem:s1+$0x1F00]  }
0x490: {  	v16 =	vld.idx.msk [tilespmem:v2+s17+$0x0], $0xffff;
	v2 =	vadd.s32 $0x3, v5  }
0x491: {  	s5 =	sshll.u32 s20, $0x8;
	v6 =	vld.idx.msk [tilespmem:v6+s17+$0x0], $0xffff  }
0x492: {  	s5 =	sor.u32 s2, s5;
	[tilespmem:s0+$0x2B00] =	vst v14;
	v14 =	vld.idx.msk [tilespmem:v15+s17+$0x0], $0xffff;
	v15 =	vadd.s32 $0x6, v8  }
0x493: {  	v19 =	vadd.s32 $0x2, v7;
	[tilespmem:s5+$0x2100] =	vst v18;
	v10 =	vld.idx.msk [tilespmem:v10+s17+$0x0], $0xffff  }
0x494: {  	v20 =	vadd.s32 $0x4, v4;
	v11 =	vld.idx.msk [tilespmem:v11+s17+$0x0], $0xffff  }
0x495: {  	[tilespmem:s0+$0x2200] =	vst v13;
	v13 =	vadd.s32 $0x2, v1;
	v2 =	vld.idx.msk [tilespmem:v2+s17+$0x0], $0xffff  }
0x496: {  	v21 =	vadd.s32 $0x6, v3;
	[tilespmem:s30+$0x2E00] =	vst v6  }
0x497: {  	s8 =	simm.s32 $0x40;
	s4 =	sshll.u32 s4, $0x8;
	v18 =	vadd.s32 $0x4, v5;
	v6 =	vld.idx.msk [tilespmem:v15+s17+$0x0], $0xffff;
	[tilespmem:s30+$0x2400] =	vst v14  }
0x498: {  	s8 =	sand.u32 $0x70, s8;
	s2 =	sor.u32 s2, s4;
	v15 =	vld.idx.msk [tilespmem:v19+s17+$0x0], $0xffff;
	[tilespmem:s31+$0x2600] =	vst v10  }
0x499: {  	v8 =	vadd.s32 $0x7, v8;
	s5 =	sor.u32 $0x8, s8;
	v14 =	vld.idx.msk [tilespmem:v20+s17+$0x0], $0xffff;
	[tilespmem:s2+$0x2A00] =	vst v11  }
0x49a: {  	[tilespmem:s0+$0x2C00] =	vst v2;
	v2 =	vadd.s32 s5, v12;
	v13 =	vld.idx.msk [tilespmem:v13+s17+$0x0], $0xffff  }
0x49b: {  	[tilespmem:s31+$0x3000] =	vst v16;
	v20 =	vadd.s32 $0x5, v4;
	v10 =	vld.idx.msk [tilespmem:v21+s17+$0x0], $0xffff  }
0x49c: {  	v16 =	vadd.s32 $0x3, v1;
	v18 =	vld.idx.msk [tilespmem:v18+s17+$0x0], $0xffff;
	[tilespmem:s30+$0x2F00] =	vst v6  }
0x49d: {  	v17 =	vld.idx.msk [tilespmem:v9+s17+$0x0], $0xffff;
	v11 =	vadd.s32 $0x5, v5;
	[tilespmem:s0+$0x2300] =	vst v15  }
0x49e: {  	v19 =	vadd.s32 s8, v12;
	v12 =	vadd.s32 $0x1, v9;
	v8 =	vld.idx.msk [tilespmem:v8+s17+$0x0], $0xffff;
	[tilespmem:s30+$0x2500] =	vst v14  }
0x49f: {  	v22 =	vld.idx.msk [tilespmem:v2+s17+$0x0], $0xffff;
	[tilespmem:s2+$0x2B00] =	vst v13  }
0x4a0: {  	v6 =	vadd.s32 $0x3, v7;
	[tilespmem:s31+$0x2700] =	vst v10;
	v10 =	vld.idx.msk [tilespmem:v20+s17+$0x0], $0xffff  }
0x4a1: {  	v15 =	vadd.s32 $0x1, v2;
	[tilespmem:s0+$0x2D00] =	vst v18;
	v14 =	vld.idx.msk [tilespmem:v16+s17+$0x0], $0xffff  }
0x4a2: {  	s19 =	simm.s32 $0xA;
	[tilespmem:s2+$0x2100] =	vst v17;
	v20 =	vadd.s32 $0x4, v1;
	v11 =	vld.idx.msk [tilespmem:v11+s17+$0x0], $0xffff  }
0x4a3: {  	s20 =	sand.u32 $0xF0, s19;
	s9 =	sshll.u32 s5, $0x8;
	v12 =	vld.idx.msk [tilespmem:v12+s17+$0x0], $0xffff;
	v13 =	vadd.s32 $0x6, v5  }
0x4a4: {  	s4 =	sor.u32 s1, s9;
	v18 =	vld [tilespmem:s20+$0x1F00]  }
0x4a5: {  	v17 =	vadd.s32 $0x2, v9;
	v6 =	vld.idx.msk [tilespmem:v6+s17+$0x0], $0xffff;
	[tilespmem:s4+$0x2100] =	vst v22  }
0x4a6: {  	v16 =	vadd.s32 $0x4, v7;
	v15 =	vld.idx.msk [tilespmem:v15+s17+$0x0], $0xffff;
	[tilespmem:s2+$0x2C00] =	vst v14  }
0x4a7: {  	v22 =	vadd.s32 $0x6, v4;
	[tilespmem:s0+$0x2E00] =	vst v11;
	v27 =	vld.idx.msk [tilespmem:v20+s17+$0x0], $0xffff  }
0x4a8: {  	[tilespmem:s2+$0x2200] =	vst v12;
	v12 =	vld.idx.msk [tilespmem:v13+s17+$0x0], $0xffff;
	v13 =	vadd.s32 $0x2, v2  }
0x4a9: {  	v31 =	vadd.s32 $0x5, v1;
	v21 =	vld.idx.msk [tilespmem:v19+s17+$0x0], $0xffff;
	[tilespmem:s30+$0x3000] =	vst v8  }
0x4aa: {  	s8 =	sshll.u32 s8, $0x8;
	v33 =	vadd.s32 $0x1, v19;
	s4 =	simm.s32 $0x50;
	v24 =	vld.idx.msk [tilespmem:v17+s17+$0x0], $0xffff;
	[tilespmem:s0+$0x2400] =	vst v6  }
0x4ab: {  	v23 =	vadd.s32 $0x7, v3;
	v25 =	vadd.s32 $0x7, v5;
	s1 =	sor.u32 s1, s8;
	[tilespmem:s30+$0x2600] =	vst v10;
	s5 =	sand.u32 $0x70, s4;
	v14 =	vld.idx.msk [tilespmem:v16+s17+$0x0], $0xffff  }
0x4ac: {  	v35 =	vadd.s32 $0x3, v9;
	v3 =	vadd.s32 $0x7, v4;
	v5 =	vadd.s32 $0x7, v9;
	s6 =	sor.u32 $0x8, s5;
	v30 =	vld.idx.msk [tilespmem:v22+s17+$0x0], $0xffff;
	[tilespmem:s1+$0x2A00] =	vst v15  }
0x4ad: {  	v8 =	vadd.s32 $0x6, v9;
	v4 =	vadd.s32 $0x7, v7;
	v6 =	vadd.s32 s6, v18;
	[tilespmem:s2+$0x2D00] =	vst v27;
	v36 =	vld.idx.msk [tilespmem:v13+s17+$0x0], $0xffff  }
0x4ae: {  	[tilespmem:s1+$0x2100] =	vst v21;
	v10 =	vadd.s32 $0x5, v9;
	v17 =	vadd.s32 $0x5, v7;
	v29 =	vadd.s32 s5, v18;
	v27 =	vld.idx.msk [tilespmem:v31+s17+$0x0], $0xffff  }
0x4af: {  	v11 =	vadd.s32 $0x6, v7;
	v20 =	vadd.s32 $0x2, v19;
	v7 =	vadd.s32 $0x7, v19;
	[tilespmem:s0+$0x2F00] =	vst v12;
	v31 =	vld.idx.msk [tilespmem:v33+s17+$0x0], $0xffff  }
0x4b0: {  	v18 =	vadd.s32 $0x3, v19;
	v21 =	vadd.s32 $0x4, v29;
	v33 =	vadd.s32 $0x3, v2;
	v28 =	vld.idx.msk [tilespmem:v25+s17+$0x0], $0xffff  }
0x4b1: {  	v26 =	vld.idx.msk [tilespmem:v23+s17+$0x0], $0xffff;
	v16 =	vadd.s32 $0x4, v9;
	v9 =	vadd.s32 $0x7, v29;
	v34 =	vadd.s32 $0x1, v6;
	[tilespmem:s2+$0x2300] =	vst v24  }
0x4b2: {  	v22 =	vadd.s32 $0x1, v29;
	v15 =	vadd.s32 $0x4, v19;
	v24 =	vadd.s32 $0x5, v29;
	v32 =	vld.idx.msk [tilespmem:v6+s17+$0x0], $0xffff;
	[tilespmem:s0+$0x2500] =	vst v14  }
0x4b3: {  	v23 =	vld.idx.msk [tilespmem:v29+s17+$0x0], $0xffff;
	v13 =	vadd.s32 $0x5, v19;
	v12 =	vadd.s32 $0x6, v19;
	v19 =	vadd.s32 $0x3, v29;
	[tilespmem:s30+$0x2700] =	vst v30  }
0x4b4: {  	v25 =	vadd.s32 $0x2, v29;
	v14 =	vadd.s32 $0x6, v29;
	v29 =	vld.idx.msk [tilespmem:v35+s17+$0x0], $0xffff;
	v30 =	vadd.s32 $0x6, v1;
	[tilespmem:s1+$0x2B00] =	vst v36  }
.LBB2_28:
0x4b5: {  	s19 =	sadd.s32 $0x2, s19;
	s6 =	sshll.u32 s6, $0x8;
	v33 =	vld.idx.msk [tilespmem:v33+s17+$0x0], $0xffff;
	[tilespmem:s0+$0x3000] =	vst v28  }
0x4b6: {  	s8 =	sand.u32 $0xF0, s19;
	p0 =	slt.u32 s19, $0xFE;
	s6 =	sor.u32 s20, s6;
	v28 =	vld.idx.msk [tilespmem:v17+s17+$0x0], $0xffff;
	[tilespmem:s31+$0x2800] =	vst v26;
	v17 =	vmov v10;
	v10 =	vmov v13;
	v13 =	vmov v24  }
0x4b7: {  	v26 =	vadd.s32 $0x4, v2;
	s31 =	smov.u32 s30;
	s30 =	smov.u32 s0;
	s0 =	smov.u32 s2;
	v24 =	vld [tilespmem:s8+$0x1F00];
	[tilespmem:s6+$0x2100] =	vst v32  }
0x4b8: {  	s2 =	smov.u32 s1;
	v32 =	vld.idx.msk [tilespmem:v34+s17+$0x0], $0xffff;
	[tilespmem:s0+$0x2E00] =	vst v27  }
0x4b9: {  	[tilespmem:s2+$0x2200] =	vst v31;
	v27 =	vld.idx.msk [tilespmem:v30+s17+$0x0], $0xffff  }
0x4ba: {  	s4 =	sadd.s32 $0x10, s4;
	v30 =	vadd.s32 $0x2, v6;
	v31 =	vld.idx.msk [tilespmem:v20+s17+$0x0], $0xffff;
	[tilespmem:s0+$0x2400] =	vst v29;
	v20 =	vmov v25  }
0x4bb: {  	s1 =	sand.u32 $0x70, s4;
	[tilespmem:s2+$0x2C00] =	vst v33;
	v29 =	vld.idx.msk [tilespmem:v16+s17+$0x0], $0xffff;
	v33 =	vadd.s32 $0x7, v1;
	v1 =	vmovc v2;
	v2 =	vmovc v6;
	v16 =	vmov v15;
	v15 =	vmov v21  }
0x4bc: {  	s9 =	sshll.u32 s5, $0x8;
	s6 =	sor.u32 $0x8, s1;
	s5 =	smov.u32 s1;
	v34 =	vadd.s32 s1, v24;
	v35 =	vld.idx.msk [tilespmem:v26+s17+$0x0], $0xffff;
	[tilespmem:s30+$0x2600] =	vst v28  }
0x4bd: {  	v6 =	vadd.s32 s6, v24;
	s1 =	sor.u32 s20, s9;
	s20 =	smov.u32 s8;
	v36 =	vadd.s32 $0x1, v34;
	v25 =	vadd.s32 $0x2, v34;
	v37 =	vld.idx.msk [tilespmem:v11+s17+$0x0], $0xffff;
	v11 =	vmovc v8;
	v8 =	vmovc v12  }
0x4be: {  	v39 =	vadd.s32 $0x5, v1;
	v38 =	vadd.s32 $0x3, v34;
	v21 =	vadd.s32 $0x4, v34;
	v12 =	vmovc v14;
	[tilespmem:s1+$0x2A00] =	vst v32;
	v26 =	vld.idx.msk [tilespmem:v3+s17+$0x0], $0xffff;
	v3 =	vmovc v4  }
0x4bf: {  	v24 =	vadd.s32 $0x5, v34;
	v14 =	vadd.s32 $0x6, v34;
	v32 =	vadd.s32 $0x7, v34;
	v4 =	vmovc v5;
	v5 =	vmovc v7;
	v30 =	vld.idx.msk [tilespmem:v30+s17+$0x0], $0xffff;
	[tilespmem:s0+$0x2F00] =	vst v27  }
0x4c0: {  	v7 =	vmov v9;
	v9 =	vmov v32;
	[tilespmem:s1+$0x2100] =	vst v23;
	v28 =	vld.idx.msk [tilespmem:v33+s17+$0x0], $0xffff  }
.Ltmp13:
0x4c1: {  	v33 =	vadd.s32 $0x3, v2;
	v23 =	vld.idx.msk [tilespmem:v34+s17+$0x0], $0xffff;
	[tilespmem:s2+$0x2300] =	vst v31;
	(pc) =	sbr.rel @p0 .LBB2_28-.Ltmp13, $4  }
0x4c2: {  	v32 =	vld.idx.msk [tilespmem:v6+s17+$0x0], $0xffff;
	[tilespmem:s2+$0x2D00] =	vst v35  }
0x4c3: {  	v27 =	vld.idx.msk [tilespmem:v39+s17+$0x0], $0xffff;
	[tilespmem:s0+$0x2500] =	vst v29  }
0x4c4: {  	v34 =	vadd.s32 $0x1, v6;
	v31 =	vld.idx.msk [tilespmem:v22+s17+$0x0], $0xffff;
	[tilespmem:s30+$0x2700] =	vst v37;
	v22 =	vmov v36  }
0x4c5: {  	[tilespmem:s1+$0x2B00] =	vst v30;
	v29 =	vld.idx.msk [tilespmem:v18+s17+$0x0], $0xffff;
	v30 =	vadd.s32 $0x6, v1;
	v18 =	vmov v19;
	v19 =	vmov v38  }
0x4c6: {  	_ = 	snop  }
0x4c7: {  	s4 =	sshll.u32 s6, $0x8  }
0x4c8: {  	s19 =	sshll.u32 s5, $0x8;
	s4 =	sor.u32 s20, s4  }
0x4c9: {  	[tilespmem:s4+$0x2100] =	vst v32;
	s4 =	sor.u32 s20, s19  }
0x4ca: {  	v32 =	vld.idx.msk [tilespmem:v34+s17+$0x0], $0xffff;
	[tilespmem:s4+$0x2100] =	vst v23  }
0x4cb: {  	v46 =	vadd.s32 $0x2, v6;
	v22 =	vld.idx.msk [tilespmem:v22+s17+$0x0], $0xffff;
	_ =	sdelay $0x1  }
0x4cc: {  	[tilespmem:s0+$0x3000] =	vst v28  }
0x4cd: {  	v49 =	vld.idx.msk [tilespmem:v33+s17+$0x0], $0xffff;
	[tilespmem:s1+$0x2200] =	vst v31  }
0x4ce: {  	v20 =	vld.idx.msk [tilespmem:v20+s17+$0x0], $0xffff;
	[tilespmem:s4+$0x2A00] =	vst v32  }
0x4cf: {  	v47 =	vld.idx.msk [tilespmem:v46+s17+$0x0], $0xffff;
	[tilespmem:s4+$0x2200] =	vst v22  }
0x4d0: {  	v48 =	vadd.s32 $0x3, v6;
	[tilespmem:s2+$0x2E00] =	vst v27;
	v22 =	vld.idx.msk [tilespmem:v25+s17+$0x0], $0xffff  }
0x4d1: {  	v17 =	vld.idx.msk [tilespmem:v17+s17+$0x0], $0xffff;
	[tilespmem:s2+$0x2400] =	vst v29  }
0x4d2: {  	v50 =	vadd.s32 $0x4, v2;
	v3 =	vld.idx.msk [tilespmem:v3+s17+$0x0], $0xffff;
	[tilespmem:s1+$0x2C00] =	vst v49  }
0x4d3: {  	v27 =	vld.idx.msk [tilespmem:v30+s17+$0x0], $0xffff;
	[tilespmem:s1+$0x2300] =	vst v20  }
0x4d4: {  	v1 =	vadd.s32 $0x7, v1;
	v18 =	vld.idx.msk [tilespmem:v18+s17+$0x0], $0xffff;
	[tilespmem:s4+$0x2B00] =	vst v47  }
0x4d5: {  	v23 =	vld.idx.msk [tilespmem:v48+s17+$0x0], $0xffff;
	[tilespmem:s4+$0x2300] =	vst v22  }
0x4d6: {  	v51 =	vadd.s32 $0x4, v6;
	[tilespmem:s0+$0x2600] =	vst v17;
	v19 =	vld.idx.msk [tilespmem:v19+s17+$0x0], $0xffff  }
0x4d7: {  	[tilespmem:s30+$0x2800] =	vst v3;
	v52 =	vld.idx.msk [tilespmem:v50+s17+$0x0], $0xffff  }
0x4d8: {  	v53 =	vadd.s32 $0x5, v2;
	v16 =	vld.idx.msk [tilespmem:v16+s17+$0x0], $0xffff;
	[tilespmem:s2+$0x2F00] =	vst v27  }
0x4d9: {  	v1 =	vld.idx.msk [tilespmem:v1+s17+$0x0], $0xffff;
	[tilespmem:s1+$0x2400] =	vst v18  }
0x4da: {  	v15 =	vld.idx.msk [tilespmem:v15+s17+$0x0], $0xffff;
	[tilespmem:s4+$0x2C00] =	vst v23  }
0x4db: {  	v20 =	vld.idx.msk [tilespmem:v51+s17+$0x0], $0xffff;
	[tilespmem:s4+$0x2400] =	vst v19  }
0x4dc: {  	v54 =	vadd.s32 $0x5, v6;
	[tilespmem:s1+$0x2D00] =	vst v52;
	v19 =	vld.idx.msk [tilespmem:v21+s17+$0x0], $0xffff  }
0x4dd: {  	[tilespmem:s2+$0x2500] =	vst v16;
	v17 =	vld.idx.msk [tilespmem:v53+s17+$0x0], $0xffff  }
0x4de: {  	v55 =	vadd.s32 $0x6, v2;
	v10 =	vld.idx.msk [tilespmem:v10+s17+$0x0], $0xffff;
	[tilespmem:s2+$0x3000] =	vst v1  }
0x4df: {  	v11 =	vld.idx.msk [tilespmem:v11+s17+$0x0], $0xffff;
	[tilespmem:s1+$0x2500] =	vst v15  }
0x4e0: {  	v13 =	vld.idx.msk [tilespmem:v13+s17+$0x0], $0xffff;
	[tilespmem:s4+$0x2D00] =	vst v20  }
0x4e1: {  	v56 =	vld.idx.msk [tilespmem:v54+s17+$0x0], $0xffff;
	[tilespmem:s4+$0x2500] =	vst v19  }
0x4e2: {  	v57 =	vadd.s32 $0x6, v6;
	[tilespmem:s1+$0x2E00] =	vst v17;
	v58 =	vld.idx.msk [tilespmem:v24+s17+$0x0], $0xffff  }
0x4e3: {  	[tilespmem:s2+$0x2600] =	vst v10;
	v1 =	vld.idx.msk [tilespmem:v55+s17+$0x0], $0xffff  }
0x4e4: {  	[tilespmem:s0+$0x2700] =	vst v11;
	v8 =	vld.idx.msk [tilespmem:v8+s17+$0x0], $0xffff  }
0x4e5: {  	[tilespmem:s1+$0x2600] =	vst v13  }
0x4e6: {  	v2 =	vadd.s32 $0x7, v2;
	v61 =	vld.idx.msk [tilespmem:v12+s17+$0x0], $0xffff;
	[tilespmem:s4+$0x2E00] =	vst v56  }
0x4e7: {  	v59 =	vld.idx.msk [tilespmem:v57+s17+$0x0], $0xffff;
	[tilespmem:s4+$0x2600] =	vst v58  }
0x4e8: {  	v60 =	vadd.s32 $0x7, v6;
	[tilespmem:s1+$0x2F00] =	vst v1;
	v1 =	vld.idx.msk [tilespmem:v14+s17+$0x0], $0xffff  }
0x4e9: {  	v3 =	vld.idx.msk [tilespmem:v4+s17+$0x0], $0xffff;
	[tilespmem:s2+$0x2700] =	vst v8  }
0x4ea: {  	[tilespmem:s31+$0x2800] =	vst v26;
	v5 =	vld.idx.msk [tilespmem:v5+s17+$0x0], $0xffff  }
0x4eb: {  	v2 =	vld.idx.msk [tilespmem:v2+s17+$0x0], $0xffff;
	[tilespmem:s1+$0x2700] =	vst v61  }
0x4ec: {  	v63 =	vld.idx.msk [tilespmem:v7+s17+$0x0], $0xffff;
	[tilespmem:s4+$0x2F00] =	vst v59  }
0x4ed: {  	v62 =	vld.idx.msk [tilespmem:v60+s17+$0x0], $0xffff;
	[tilespmem:s4+$0x2700] =	vst v1  }
0x4ee: {  	[tilespmem:s0+$0x2800] =	vst v3;
	v1 =	vld.idx.msk [tilespmem:v9+s17+$0x0], $0xffff  }
0x4ef: {  	[tilespmem:s2+$0x2800] =	vst v5  }
0x4f0: {  	[tilespmem:s1+$0x3000] =	vst v2  }
0x4f1: {  	[tilespmem:s1+$0x2800] =	vst v63  }
0x4f2: {  	[tilespmem:s4+$0x3000] =	vst v62  }
0x4f3: {  	s0 =	simm.s32 $0x0;
	[tilespmem:s4+$0x2800] =	vst v1  }
0x4f4: {  	s1 =	simm.s32 $0x40;
	v1 =	vld [tilespmem:s0+$0xF00]  }
.LBB2_30:
0x4f5: {  	p0 =	sne.s32 s1, $0x3C0  }
.Ltmp14:
0x4f6: {  	_ = 	snop;
	(pc) =	sbr.rel @p0 .LBB2_30-.Ltmp14, $3  }
0x4f7: {  	_ =	sdelay $0x1  }
0x4f8: {  	[tilespmem:s0+$0xA100] =	vst v1;
	s0 =	sshra.s32 s1, $0x2;
	s1 =	sadd.s32 $0x40, s1  }
0x4f9: {  	v1 =	vld [tilespmem:s0+$0xF00]  }
0x4fa: {  	_ =	sdelay $0x3  }
0x4fb: {  	[tilespmem:s0+$0xA100] =	vst v1  }
0x4fc: {  	[hbm4b:s14+s18] =	stream.strided.scatter [tilespmem:s25], [sflag:$0x3], $0x8100, s24, s18, $0x38;
	[tilespmem:$0x1A488] =	vst v63  }
0x4fd: {  	_ =	swait.ge [sflag:s28], $0x8100  }
0x4fe: {  	s8 =	simm.s32 $0x0;
	[sflag:s28] =	ssyncset.done $0x0  }
0x4ff: {  	s0 =	sand.u32 $0xF0, s8;
	[sflag:s28] =	ssyncadd.s32 $0xFFFF7F00  }
0x500: {  	v1 =	vld [tilespmem:s0+$0x2000];
	_ =	sdelay $0x1  }
0x501: {  	s1 =	simm.s32 $0x0  }
0x502: {  	s1 =	sand.u32 $0x70, s1  }
0x503: {  	s2 =	sor.u32 $0x8, s1  }
0x504: {  	v2 =	vadd.s32 s2, v1;
	_ =	sdelay $0x4  }
0x505: {  	v3 =	vld.idx.msk [tilespmem:v2+s17+$0x0], $0xffff  }
0x506: {  	v4 =	vadd.s32 $0x1, v2  }
0x507: {  	s4 =	simm.s32 $0x2  }
0x508: {  	s4 =	sand.u32 $0xF0, s4;
	s2 =	sshll.u32 s2, $0x8  }
0x509: {  	v5 =	vld [tilespmem:s4+$0x2000];
	s2 =	sor.u32 s0, s2  }
0x50a: {  	[tilespmem:s2+$0xA200] =	vst v3  }
0x50b: {  	s9 =	simm.s32 $0x10;
	v3 =	vadd.s32 s1, v1;
	v4 =	vld.idx.msk [tilespmem:v4+s17+$0x0], $0xffff  }
0x50c: {  	v6 =	vadd.s32 $0x2, v2;
	s2 =	sand.u32 $0x70, s9  }
0x50d: {  	s5 =	sor.u32 $0x8, s2  }
0x50e: {  	s6 =	sshll.u32 s1, $0x8;
	v8 =	vadd.s32 s5, v5  }
0x50f: {  	s31 =	sor.u32 s0, s6  }
0x510: {  	v9 =	vld.idx.msk [tilespmem:v3+s17+$0x0], $0xffff;
	[tilespmem:s31+$0xAB00] =	vst v4  }
0x511: {  	v10 =	vadd.s32 $0x1, v3;
	v1 =	vld.idx.msk [tilespmem:v6+s17+$0x0], $0xffff  }
0x512: {  	v4 =	vadd.s32 $0x3, v2  }
0x513: {  	s19 =	simm.s32 $0x4;
	v6 =	vld.idx.msk [tilespmem:v8+s17+$0x0], $0xffff  }
0x514: {  	s0 =	sand.u32 $0xF0, s19;
	v7 =	vadd.s32 $0x1, v8  }
0x515: {  	v11 =	vld [tilespmem:s0+$0x2000];
	[tilespmem:s31+$0xA200] =	vst v9  }
0x516: {  	s20 =	sshll.u32 s5, $0x8;
	v10 =	vld.idx.msk [tilespmem:v10+s17+$0x0], $0xffff;
	[tilespmem:s31+$0xAC00] =	vst v1  }
0x517: {  	v12 =	vadd.s32 $0x2, v3;
	s1 =	sor.u32 s4, s20;
	v1 =	vld.idx.msk [tilespmem:v4+s17+$0x0], $0xffff  }
0x518: {  	[tilespmem:s1+$0xA200] =	vst v6;
	v6 =	vadd.s32 $0x4, v2  }
0x519: {  	s5 =	simm.s32 $0x20;
	v4 =	vadd.s32 s2, v5;
	v7 =	vld.idx.msk [tilespmem:v7+s17+$0x0], $0xffff  }
0x51a: {  	v9 =	vadd.s32 $0x2, v8;
	s1 =	sand.u32 $0x70, s5  }
0x51b: {  	s6 =	sor.u32 $0x8, s1;
	[tilespmem:s31+$0xA300] =	vst v10  }
0x51c: {  	s2 =	sshll.u32 s2, $0x8;
	v5 =	vadd.s32 s6, v11;
	v12 =	vld.idx.msk [tilespmem:v12+s17+$0x0], $0xffff;
	[tilespmem:s31+$0xAD00] =	vst v1  }
0x51d: {  	s30 =	sor.u32 s4, s2;
	v1 =	vld.idx.msk [tilespmem:v6+s17+$0x0], $0xffff  }
0x51e: {  	[tilespmem:s30+$0xAB00] =	vst v7;
	v6 =	vld.idx.msk [tilespmem:v4+s17+$0x0], $0xffff  }
0x51f: {  	v7 =	vadd.s32 $0x5, v2;
	v9 =	vld.idx.msk [tilespmem:v9+s17+$0x0], $0xffff  }
0x520: {  	v10 =	vadd.s32 $0x3, v8  }
0x521: {  	s8 =	simm.s32 $0x6;
	v13 =	vadd.s32 $0x1, v4;
	v15 =	vld.idx.msk [tilespmem:v5+s17+$0x0], $0xffff;
	[tilespmem:s31+$0xA400] =	vst v12  }
0x522: {  	v14 =	vadd.s32 $0x3, v3;
	s2 =	sand.u32 $0xF0, s8;
	[tilespmem:s31+$0xAE00] =	vst v1  }
0x523: {  	v12 =	vld [tilespmem:s2+$0x2000];
	[tilespmem:s30+$0xA200] =	vst v6;
	v6 =	vadd.s32 $0x1, v5  }
0x524: {  	s9 =	sshll.u32 s6, $0x8;
	[tilespmem:s30+$0xAC00] =	vst v9;
	v1 =	vld.idx.msk [tilespmem:v7+s17+$0x0], $0xffff;
	v7 =	vadd.s32 s1, v11  }
0x525: {  	s4 =	sor.u32 s0, s9;
	v9 =	vadd.s32 $0x6, v2;
	v10 =	vld.idx.msk [tilespmem:v10+s17+$0x0], $0xffff  }
0x526: {  	[tilespmem:s4+$0xA200] =	vst v15;
	v15 =	vadd.s32 $0x4, v8;
	v13 =	vld.idx.msk [tilespmem:v13+s17+$0x0], $0xffff  }
0x527: {  	v14 =	vld.idx.msk [tilespmem:v14+s17+$0x0], $0xffff;
	v11 =	vadd.s32 $0x2, v4  }
0x528: {  	s19 =	simm.s32 $0x30;
	v16 =	vadd.s32 $0x4, v3;
	v6 =	vld.idx.msk [tilespmem:v6+s17+$0x0], $0xffff  }
0x529: {  	s4 =	sand.u32 $0x70, s19;
	[tilespmem:s31+$0xAF00] =	vst v1;
	v19 =	vld.idx.msk [tilespmem:v7+s17+$0x0], $0xffff  }
0x52a: {  	v18 =	vadd.s32 $0x2, v5;
	s20 =	sor.u32 $0x8, s4;
	[tilespmem:s30+$0xAD00] =	vst v10;
	v17 =	vld.idx.msk [tilespmem:v9+s17+$0x0], $0xffff  }
0x52b: {  	s1 =	sshll.u32 s1, $0x8;
	[tilespmem:s30+$0xA300] =	vst v13;
	v1 =	vadd.s32 s20, v12;
	v10 =	vld.idx.msk [tilespmem:v15+s17+$0x0], $0xffff  }
0x52c: {  	s0 =	sor.u32 s0, s1;
	[tilespmem:s31+$0xA500] =	vst v14;
	v13 =	vadd.s32 $0x1, v7;
	v11 =	vld.idx.msk [tilespmem:v11+s17+$0x0], $0xffff  }
0x52d: {  	v9 =	vadd.s32 s4, v12;
	v12 =	vld.idx.msk [tilespmem:v16+s17+$0x0], $0xffff;
	[tilespmem:s0+$0xAB00] =	vst v6  }
0x52e: {  	v2 =	vadd.s32 $0x7, v2;
	[tilespmem:s0+$0xA200] =	vst v19  }
0x52f: {  	v6 =	vadd.s32 $0x5, v8;
	v14 =	vld.idx.msk [tilespmem:v18+s17+$0x0], $0xffff;
	[tilespmem:s31+$0xB000] =	vst v17  }
0x530: {  	s6 =	simm.s32 $0x8;
	v15 =	vadd.s32 $0x3, v4;
	v18 =	vld.idx.msk [tilespmem:v1+s17+$0x0], $0xffff;
	[tilespmem:s30+$0xAE00] =	vst v10  }
0x531: {  	s1 =	sand.u32 $0xF0, s6;
	v10 =	vadd.s32 $0x5, v3;
	[tilespmem:s30+$0xA400] =	vst v11;
	v13 =	vld.idx.msk [tilespmem:v13+s17+$0x0], $0xffff  }
0x532: {  	v11 =	vadd.s32 $0x1, v1;
	[tilespmem:s31+$0xA600] =	vst v12;
	v12 =	vld [tilespmem:s1+$0x2000]  }
0x533: {  	v16 =	vld.idx.msk [tilespmem:v2+s17+$0x0], $0xffff;
	v2 =	vadd.s32 $0x3, v5  }
0x534: {  	s5 =	sshll.u32 s20, $0x8;
	v6 =	vld.idx.msk [tilespmem:v6+s17+$0x0], $0xffff  }
0x535: {  	s5 =	sor.u32 s2, s5;
	[tilespmem:s0+$0xAC00] =	vst v14;
	v14 =	vld.idx.msk [tilespmem:v15+s17+$0x0], $0xffff;
	v15 =	vadd.s32 $0x6, v8  }
0x536: {  	v19 =	vadd.s32 $0x2, v7;
	[tilespmem:s5+$0xA200] =	vst v18;
	v10 =	vld.idx.msk [tilespmem:v10+s17+$0x0], $0xffff  }
0x537: {  	v20 =	vadd.s32 $0x4, v4;
	v11 =	vld.idx.msk [tilespmem:v11+s17+$0x0], $0xffff  }
0x538: {  	[tilespmem:s0+$0xA300] =	vst v13;
	v13 =	vadd.s32 $0x2, v1;
	v2 =	vld.idx.msk [tilespmem:v2+s17+$0x0], $0xffff  }
0x539: {  	v21 =	vadd.s32 $0x6, v3;
	[tilespmem:s30+$0xAF00] =	vst v6  }
0x53a: {  	s8 =	simm.s32 $0x40;
	s4 =	sshll.u32 s4, $0x8;
	v18 =	vadd.s32 $0x4, v5;
	v6 =	vld.idx.msk [tilespmem:v15+s17+$0x0], $0xffff;
	[tilespmem:s30+$0xA500] =	vst v14  }
0x53b: {  	s8 =	sand.u32 $0x70, s8;
	s2 =	sor.u32 s2, s4;
	v15 =	vld.idx.msk [tilespmem:v19+s17+$0x0], $0xffff;
	[tilespmem:s31+$0xA700] =	vst v10  }
0x53c: {  	v8 =	vadd.s32 $0x7, v8;
	s5 =	sor.u32 $0x8, s8;
	v14 =	vld.idx.msk [tilespmem:v20+s17+$0x0], $0xffff;
	[tilespmem:s2+$0xAB00] =	vst v11  }
0x53d: {  	[tilespmem:s0+$0xAD00] =	vst v2;
	v2 =	vadd.s32 s5, v12;
	v13 =	vld.idx.msk [tilespmem:v13+s17+$0x0], $0xffff  }
0x53e: {  	[tilespmem:s31+$0xB100] =	vst v16;
	v20 =	vadd.s32 $0x5, v4;
	v10 =	vld.idx.msk [tilespmem:v21+s17+$0x0], $0xffff  }
0x53f: {  	v16 =	vadd.s32 $0x3, v1;
	v18 =	vld.idx.msk [tilespmem:v18+s17+$0x0], $0xffff;
	[tilespmem:s30+$0xB000] =	vst v6  }
0x540: {  	v17 =	vld.idx.msk [tilespmem:v9+s17+$0x0], $0xffff;
	v11 =	vadd.s32 $0x5, v5;
	[tilespmem:s0+$0xA400] =	vst v15  }
0x541: {  	v19 =	vadd.s32 s8, v12;
	v12 =	vadd.s32 $0x1, v9;
	v8 =	vld.idx.msk [tilespmem:v8+s17+$0x0], $0xffff;
	[tilespmem:s30+$0xA600] =	vst v14  }
0x542: {  	v22 =	vld.idx.msk [tilespmem:v2+s17+$0x0], $0xffff;
	[tilespmem:s2+$0xAC00] =	vst v13  }
0x543: {  	v6 =	vadd.s32 $0x3, v7;
	[tilespmem:s31+$0xA800] =	vst v10;
	v10 =	vld.idx.msk [tilespmem:v20+s17+$0x0], $0xffff  }
0x544: {  	v15 =	vadd.s32 $0x1, v2;
	[tilespmem:s0+$0xAE00] =	vst v18;
	v14 =	vld.idx.msk [tilespmem:v16+s17+$0x0], $0xffff  }
0x545: {  	s19 =	simm.s32 $0xA;
	[tilespmem:s2+$0xA200] =	vst v17;
	v20 =	vadd.s32 $0x4, v1;
	v11 =	vld.idx.msk [tilespmem:v11+s17+$0x0], $0xffff  }
0x546: {  	s20 =	sand.u32 $0xF0, s19;
	s9 =	sshll.u32 s5, $0x8;
	v12 =	vld.idx.msk [tilespmem:v12+s17+$0x0], $0xffff;
	v13 =	vadd.s32 $0x6, v5  }
0x547: {  	s4 =	sor.u32 s1, s9;
	v18 =	vld [tilespmem:s20+$0x2000]  }
0x548: {  	v17 =	vadd.s32 $0x2, v9;
	v6 =	vld.idx.msk [tilespmem:v6+s17+$0x0], $0xffff;
	[tilespmem:s4+$0xA200] =	vst v22  }
0x549: {  	v16 =	vadd.s32 $0x4, v7;
	v15 =	vld.idx.msk [tilespmem:v15+s17+$0x0], $0xffff;
	[tilespmem:s2+$0xAD00] =	vst v14  }
0x54a: {  	v22 =	vadd.s32 $0x6, v4;
	[tilespmem:s0+$0xAF00] =	vst v11;
	v27 =	vld.idx.msk [tilespmem:v20+s17+$0x0], $0xffff  }
0x54b: {  	[tilespmem:s2+$0xA300] =	vst v12;
	v12 =	vld.idx.msk [tilespmem:v13+s17+$0x0], $0xffff;
	v13 =	vadd.s32 $0x2, v2  }
0x54c: {  	v31 =	vadd.s32 $0x5, v1;
	v21 =	vld.idx.msk [tilespmem:v19+s17+$0x0], $0xffff;
	[tilespmem:s30+$0xB100] =	vst v8  }
0x54d: {  	s8 =	sshll.u32 s8, $0x8;
	v33 =	vadd.s32 $0x1, v19;
	s4 =	simm.s32 $0x50;
	v24 =	vld.idx.msk [tilespmem:v17+s17+$0x0], $0xffff;
	[tilespmem:s0+$0xA500] =	vst v6  }
0x54e: {  	v23 =	vadd.s32 $0x7, v3;
	v25 =	vadd.s32 $0x7, v5;
	s1 =	sor.u32 s1, s8;
	[tilespmem:s30+$0xA700] =	vst v10;
	s5 =	sand.u32 $0x70, s4;
	v14 =	vld.idx.msk [tilespmem:v16+s17+$0x0], $0xffff  }
0x54f: {  	v35 =	vadd.s32 $0x3, v9;
	v3 =	vadd.s32 $0x7, v4;
	v5 =	vadd.s32 $0x7, v9;
	s6 =	sor.u32 $0x8, s5;
	v30 =	vld.idx.msk [tilespmem:v22+s17+$0x0], $0xffff;
	[tilespmem:s1+$0xAB00] =	vst v15  }
0x550: {  	v8 =	vadd.s32 $0x6, v9;
	v4 =	vadd.s32 $0x7, v7;
	v6 =	vadd.s32 s6, v18;
	[tilespmem:s2+$0xAE00] =	vst v27;
	v36 =	vld.idx.msk [tilespmem:v13+s17+$0x0], $0xffff  }
0x551: {  	[tilespmem:s1+$0xA200] =	vst v21;
	v10 =	vadd.s32 $0x5, v9;
	v17 =	vadd.s32 $0x5, v7;
	v29 =	vadd.s32 s5, v18;
	v27 =	vld.idx.msk [tilespmem:v31+s17+$0x0], $0xffff  }
0x552: {  	v11 =	vadd.s32 $0x6, v7;
	v20 =	vadd.s32 $0x2, v19;
	v7 =	vadd.s32 $0x7, v19;
	[tilespmem:s0+$0xB000] =	vst v12;
	v31 =	vld.idx.msk [tilespmem:v33+s17+$0x0], $0xffff  }
0x553: {  	v18 =	vadd.s32 $0x3, v19;
	v21 =	vadd.s32 $0x4, v29;
	v33 =	vadd.s32 $0x3, v2;
	v28 =	vld.idx.msk [tilespmem:v25+s17+$0x0], $0xffff  }
0x554: {  	v26 =	vld.idx.msk [tilespmem:v23+s17+$0x0], $0xffff;
	v16 =	vadd.s32 $0x4, v9;
	v9 =	vadd.s32 $0x7, v29;
	v34 =	vadd.s32 $0x1, v6;
	[tilespmem:s2+$0xA400] =	vst v24  }
0x555: {  	v22 =	vadd.s32 $0x1, v29;
	v15 =	vadd.s32 $0x4, v19;
	v24 =	vadd.s32 $0x5, v29;
	v32 =	vld.idx.msk [tilespmem:v6+s17+$0x0], $0xffff;
	[tilespmem:s0+$0xA600] =	vst v14  }
0x556: {  	v23 =	vld.idx.msk [tilespmem:v29+s17+$0x0], $0xffff;
	v13 =	vadd.s32 $0x5, v19;
	v12 =	vadd.s32 $0x6, v19;
	v19 =	vadd.s32 $0x3, v29;
	[tilespmem:s30+$0xA800] =	vst v30  }
0x557: {  	v25 =	vadd.s32 $0x2, v29;
	v14 =	vadd.s32 $0x6, v29;
	v29 =	vld.idx.msk [tilespmem:v35+s17+$0x0], $0xffff;
	v30 =	vadd.s32 $0x6, v1;
	[tilespmem:s1+$0xAC00] =	vst v36  }
.LBB2_32:
0x558: {  	s19 =	sadd.s32 $0x2, s19;
	s6 =	sshll.u32 s6, $0x8;
	v33 =	vld.idx.msk [tilespmem:v33+s17+$0x0], $0xffff;
	[tilespmem:s0+$0xB100] =	vst v28  }
0x559: {  	s8 =	sand.u32 $0xF0, s19;
	p0 =	slt.u32 s19, $0xFE;
	s6 =	sor.u32 s20, s6;
	v28 =	vld.idx.msk [tilespmem:v17+s17+$0x0], $0xffff;
	[tilespmem:s31+$0xA900] =	vst v26;
	v17 =	vmov v10;
	v10 =	vmov v13;
	v13 =	vmov v24  }
0x55a: {  	v26 =	vadd.s32 $0x4, v2;
	s31 =	smov.u32 s30;
	s30 =	smov.u32 s0;
	s0 =	smov.u32 s2;
	v24 =	vld [tilespmem:s8+$0x2000];
	[tilespmem:s6+$0xA200] =	vst v32  }
0x55b: {  	s2 =	smov.u32 s1;
	v32 =	vld.idx.msk [tilespmem:v34+s17+$0x0], $0xffff;
	[tilespmem:s0+$0xAF00] =	vst v27  }
0x55c: {  	[tilespmem:s2+$0xA300] =	vst v31;
	v27 =	vld.idx.msk [tilespmem:v30+s17+$0x0], $0xffff  }
0x55d: {  	s4 =	sadd.s32 $0x10, s4;
	v30 =	vadd.s32 $0x2, v6;
	v31 =	vld.idx.msk [tilespmem:v20+s17+$0x0], $0xffff;
	[tilespmem:s0+$0xA500] =	vst v29;
	v20 =	vmov v25  }
0x55e: {  	s1 =	sand.u32 $0x70, s4;
	[tilespmem:s2+$0xAD00] =	vst v33;
	v29 =	vld.idx.msk [tilespmem:v16+s17+$0x0], $0xffff;
	v33 =	vadd.s32 $0x7, v1;
	v1 =	vmovc v2;
	v2 =	vmovc v6;
	v16 =	vmov v15;
	v15 =	vmov v21  }
0x55f: {  	s9 =	sshll.u32 s5, $0x8;
	s6 =	sor.u32 $0x8, s1;
	s5 =	smov.u32 s1;
	v34 =	vadd.s32 s1, v24;
	v35 =	vld.idx.msk [tilespmem:v26+s17+$0x0], $0xffff;
	[tilespmem:s30+$0xA700] =	vst v28  }
0x560: {  	v6 =	vadd.s32 s6, v24;
	s1 =	sor.u32 s20, s9;
	s20 =	smov.u32 s8;
	v36 =	vadd.s32 $0x1, v34;
	v25 =	vadd.s32 $0x2, v34;
	v37 =	vld.idx.msk [tilespmem:v11+s17+$0x0], $0xffff;
	v11 =	vmovc v8;
	v8 =	vmovc v12  }
0x561: {  	v39 =	vadd.s32 $0x5, v1;
	v38 =	vadd.s32 $0x3, v34;
	v21 =	vadd.s32 $0x4, v34;
	v12 =	vmovc v14;
	[tilespmem:s1+$0xAB00] =	vst v32;
	v26 =	vld.idx.msk [tilespmem:v3+s17+$0x0], $0xffff;
	v3 =	vmovc v4  }
0x562: {  	v24 =	vadd.s32 $0x5, v34;
	v14 =	vadd.s32 $0x6, v34;
	v32 =	vadd.s32 $0x7, v34;
	v4 =	vmovc v5;
	v5 =	vmovc v7;
	v30 =	vld.idx.msk [tilespmem:v30+s17+$0x0], $0xffff;
	[tilespmem:s0+$0xB000] =	vst v27  }
0x563: {  	v7 =	vmov v9;
	v9 =	vmov v32;
	[tilespmem:s1+$0xA200] =	vst v23;
	v28 =	vld.idx.msk [tilespmem:v33+s17+$0x0], $0xffff  }
.Ltmp15:
0x564: {  	v33 =	vadd.s32 $0x3, v2;
	v23 =	vld.idx.msk [tilespmem:v34+s17+$0x0], $0xffff;
	[tilespmem:s2+$0xA400] =	vst v31;
	(pc) =	sbr.rel @p0 .LBB2_32-.Ltmp15, $4  }
0x565: {  	v32 =	vld.idx.msk [tilespmem:v6+s17+$0x0], $0xffff;
	[tilespmem:s2+$0xAE00] =	vst v35  }
0x566: {  	v27 =	vld.idx.msk [tilespmem:v39+s17+$0x0], $0xffff;
	[tilespmem:s0+$0xA600] =	vst v29  }
0x567: {  	v34 =	vadd.s32 $0x1, v6;
	v31 =	vld.idx.msk [tilespmem:v22+s17+$0x0], $0xffff;
	[tilespmem:s30+$0xA800] =	vst v37;
	v22 =	vmov v36  }
0x568: {  	[tilespmem:s1+$0xAC00] =	vst v30;
	v29 =	vld.idx.msk [tilespmem:v18+s17+$0x0], $0xffff;
	v30 =	vadd.s32 $0x6, v1;
	v18 =	vmov v19;
	v19 =	vmov v38  }
0x569: {  	_ = 	snop  }
0x56a: {  	s4 =	sshll.u32 s6, $0x8  }
0x56b: {  	s19 =	sshll.u32 s5, $0x8;
	s4 =	sor.u32 s20, s4  }
0x56c: {  	[tilespmem:s4+$0xA200] =	vst v32;
	s4 =	sor.u32 s20, s19  }
0x56d: {  	v32 =	vld.idx.msk [tilespmem:v34+s17+$0x0], $0xffff;
	[tilespmem:s4+$0xA200] =	vst v23  }
0x56e: {  	v46 =	vadd.s32 $0x2, v6;
	v22 =	vld.idx.msk [tilespmem:v22+s17+$0x0], $0xffff;
	_ =	sdelay $0x1  }
0x56f: {  	[tilespmem:s0+$0xB100] =	vst v28  }
0x570: {  	v49 =	vld.idx.msk [tilespmem:v33+s17+$0x0], $0xffff;
	[tilespmem:s1+$0xA300] =	vst v31  }
0x571: {  	v20 =	vld.idx.msk [tilespmem:v20+s17+$0x0], $0xffff;
	[tilespmem:s4+$0xAB00] =	vst v32  }
0x572: {  	v47 =	vld.idx.msk [tilespmem:v46+s17+$0x0], $0xffff;
	[tilespmem:s4+$0xA300] =	vst v22  }
0x573: {  	v48 =	vadd.s32 $0x3, v6;
	[tilespmem:s2+$0xAF00] =	vst v27;
	v22 =	vld.idx.msk [tilespmem:v25+s17+$0x0], $0xffff  }
0x574: {  	v17 =	vld.idx.msk [tilespmem:v17+s17+$0x0], $0xffff;
	[tilespmem:s2+$0xA500] =	vst v29  }
0x575: {  	v50 =	vadd.s32 $0x4, v2;
	v3 =	vld.idx.msk [tilespmem:v3+s17+$0x0], $0xffff;
	[tilespmem:s1+$0xAD00] =	vst v49  }
0x576: {  	v27 =	vld.idx.msk [tilespmem:v30+s17+$0x0], $0xffff;
	[tilespmem:s1+$0xA400] =	vst v20  }
0x577: {  	v1 =	vadd.s32 $0x7, v1;
	v18 =	vld.idx.msk [tilespmem:v18+s17+$0x0], $0xffff;
	[tilespmem:s4+$0xAC00] =	vst v47  }
0x578: {  	v23 =	vld.idx.msk [tilespmem:v48+s17+$0x0], $0xffff;
	[tilespmem:s4+$0xA400] =	vst v22  }
0x579: {  	v51 =	vadd.s32 $0x4, v6;
	[tilespmem:s0+$0xA700] =	vst v17;
	v19 =	vld.idx.msk [tilespmem:v19+s17+$0x0], $0xffff  }
0x57a: {  	[tilespmem:s30+$0xA900] =	vst v3;
	v52 =	vld.idx.msk [tilespmem:v50+s17+$0x0], $0xffff  }
0x57b: {  	v53 =	vadd.s32 $0x5, v2;
	v16 =	vld.idx.msk [tilespmem:v16+s17+$0x0], $0xffff;
	[tilespmem:s2+$0xB000] =	vst v27  }
0x57c: {  	v1 =	vld.idx.msk [tilespmem:v1+s17+$0x0], $0xffff;
	[tilespmem:s1+$0xA500] =	vst v18  }
0x57d: {  	v15 =	vld.idx.msk [tilespmem:v15+s17+$0x0], $0xffff;
	[tilespmem:s4+$0xAD00] =	vst v23  }
0x57e: {  	v20 =	vld.idx.msk [tilespmem:v51+s17+$0x0], $0xffff;
	[tilespmem:s4+$0xA500] =	vst v19  }
0x57f: {  	v54 =	vadd.s32 $0x5, v6;
	[tilespmem:s1+$0xAE00] =	vst v52;
	v19 =	vld.idx.msk [tilespmem:v21+s17+$0x0], $0xffff  }
0x580: {  	[tilespmem:s2+$0xA600] =	vst v16;
	v17 =	vld.idx.msk [tilespmem:v53+s17+$0x0], $0xffff  }
0x581: {  	v55 =	vadd.s32 $0x6, v2;
	v10 =	vld.idx.msk [tilespmem:v10+s17+$0x0], $0xffff;
	[tilespmem:s2+$0xB100] =	vst v1  }
0x582: {  	v11 =	vld.idx.msk [tilespmem:v11+s17+$0x0], $0xffff;
	[tilespmem:s1+$0xA600] =	vst v15  }
0x583: {  	v13 =	vld.idx.msk [tilespmem:v13+s17+$0x0], $0xffff;
	[tilespmem:s4+$0xAE00] =	vst v20  }
0x584: {  	v56 =	vld.idx.msk [tilespmem:v54+s17+$0x0], $0xffff;
	[tilespmem:s4+$0xA600] =	vst v19  }
0x585: {  	v57 =	vadd.s32 $0x6, v6;
	[tilespmem:s1+$0xAF00] =	vst v17;
	v58 =	vld.idx.msk [tilespmem:v24+s17+$0x0], $0xffff  }
0x586: {  	[tilespmem:s2+$0xA700] =	vst v10;
	v1 =	vld.idx.msk [tilespmem:v55+s17+$0x0], $0xffff  }
0x587: {  	[tilespmem:s0+$0xA800] =	vst v11;
	v8 =	vld.idx.msk [tilespmem:v8+s17+$0x0], $0xffff  }
0x588: {  	[tilespmem:s1+$0xA700] =	vst v13  }
0x589: {  	v2 =	vadd.s32 $0x7, v2;
	v61 =	vld.idx.msk [tilespmem:v12+s17+$0x0], $0xffff;
	[tilespmem:s4+$0xAF00] =	vst v56  }
0x58a: {  	v59 =	vld.idx.msk [tilespmem:v57+s17+$0x0], $0xffff;
	[tilespmem:s4+$0xA700] =	vst v58  }
0x58b: {  	v60 =	vadd.s32 $0x7, v6;
	[tilespmem:s1+$0xB000] =	vst v1;
	v1 =	vld.idx.msk [tilespmem:v14+s17+$0x0], $0xffff  }
0x58c: {  	v3 =	vld.idx.msk [tilespmem:v4+s17+$0x0], $0xffff;
	[tilespmem:s2+$0xA800] =	vst v8  }
0x58d: {  	[tilespmem:s31+$0xA900] =	vst v26;
	v5 =	vld.idx.msk [tilespmem:v5+s17+$0x0], $0xffff  }
0x58e: {  	v2 =	vld.idx.msk [tilespmem:v2+s17+$0x0], $0xffff;
	[tilespmem:s1+$0xA800] =	vst v61  }
0x58f: {  	v63 =	vld.idx.msk [tilespmem:v7+s17+$0x0], $0xffff;
	[tilespmem:s4+$0xB000] =	vst v59  }
0x590: {  	v62 =	vld.idx.msk [tilespmem:v60+s17+$0x0], $0xffff;
	[tilespmem:s4+$0xA800] =	vst v1  }
0x591: {  	[tilespmem:s0+$0xA900] =	vst v3;
	v1 =	vld.idx.msk [tilespmem:v9+s17+$0x0], $0xffff  }
0x592: {  	[tilespmem:s2+$0xA900] =	vst v5  }
0x593: {  	[tilespmem:s1+$0xB100] =	vst v2  }
0x594: {  	[tilespmem:s1+$0xA900] =	vst v63  }
0x595: {  	[tilespmem:s4+$0xB100] =	vst v62  }
0x596: {  	s0 =	simm.s32 $0x0;
	[tilespmem:s4+$0xA900] =	vst v1  }
0x597: {  	s1 =	simm.s32 $0x40;
	v1 =	vld [tilespmem:s0+$0x1000]  }
.LBB2_34:
0x598: {  	p0 =	sne.s32 s1, $0x3C0  }
.Ltmp16:
0x599: {  	_ = 	snop;
	(pc) =	sbr.rel @p0 .LBB2_34-.Ltmp16, $3  }
0x59a: {  	_ =	sdelay $0x1  }
0x59b: {  	[tilespmem:s0+$0x12200] =	vst v1;
	s0 =	sshra.s32 s1, $0x2;
	s1 =	sadd.s32 $0x40, s1  }
0x59c: {  	v1 =	vld [tilespmem:s0+$0x1000]  }
0x59d: {  	_ =	sdelay $0x3  }
0x59e: {  	s29 =	sadd.s32 $0x1, s29;
	[tilespmem:s0+$0x12200] =	vst v1  }
0x59f: {  	[hbm4b:s15+s18] =	stream.strided.scatter [tilespmem:s26], [sflag:$0x3], $0x8100, s24, s18, $0x38;
	[tilespmem:$0x1A488] =	vst v63  }
0x5a0: {  	p0 =	sne.s32 s29, s16;
	_ =	swait.ge [sflag:s28], $0x8100  }
.Ltmp17:
0x5a1: {  	[sflag:s28] =	ssyncset.done $0x0;
	(pc) =	sbr.rel @p0 .LBB2_1-.Ltmp17, $4  }
0x5a2: {  	[sflag:s28] =	ssyncadd.s32 $0xFFFF7F00  }
0x5a3: {  	_ =	swait.ge [sflag:s28], $0x8100  }
0x5a4: {  	[sflag:s28] =	ssyncset.done $0x0  }
0x5a5: {  	[sflag:s28] =	ssyncadd.s32 $0xFFFF7F00  }
0x5a6: {  	_ =	sfence.sel $0x180000  }
0x5a7: {  	[bflag:$0x0] =	sbarrier.arrive $0xFFFF  }
0x5a8: {  	_ =	strace $0x90000047  }
0x5a9: {  	s0 =	stileid.u32;
	[bflag:$0x2] =	sbarrier.arrive $0xFFFF  }
0x5aa: {  	p0 =	sne.s32 s0, $0x0;
	s0 =	rddreg [dreg:$0x5]  }
0x5ab: {  	s0 =	sadd.s32 @!p0 $0x100000, s0  }
0x5ac: {  	[sflag:s0] =	ssyncadd.tile.s32 @!p0 $0x1;
	_ =	shalt  }
.Lfunc_end2:
_tile_overlayer_lowered:
.L_overlay_start_2:
0x5ad: {  	(tag) =	ssettag $0x2  }
0x5ae: {  	s0 =	rddreg [dreg:$0x0];
	s2 =	stileid.u32  }
0x5af: {  	s1 =	rddreg [dreg:$0x1];
	p0 =	sne.s32 s2, $0x0  }
0x5b0: {  	s3 =	rddreg [dreg:$0x2];
	[bflag:$0x3] =	sbarrier.arrive $0xFFFF;
	s2 =	simm.s32 @!p0 $0x1C04  }
0x5b1: {  	[timem:s3], [sflag:s2] =	dma.local @!p0 [hbm:s0], s1  }
0x5b2: {  	s0 =	simm.s32 @!p0 $0x4  }
0x5b3: {  	_ =	swait.ge @!p0 [sflag:s0], s1  }
0x5b4: {  	s1 =	ssub.s32 @!p0 $0x0, s1;
	[sflag:s0] =	ssyncset.done @!p0 $0x0  }
0x5b5: {  	[sflag:s0] =	ssyncadd.s32 @!p0 s1  }
0x5b6: {  	[bflag:$0x3] =	sbarrier.arrive $0xFFFF  }
0x5b7: {  	_ =	shalt  }

</sc_bundles>
